<compile_context>
chip_gen: v7x
topology: tpu7x:2x2x1
jax: 0.10.2.dev20260603
libtpu: 0.0.44.dev20260713+nightly
codegen_flags: <defaults>
</compile_context>

<pallas_src>
import functools

import jax
import jax.numpy as jnp
from jax import lax
from jax.experimental import pallas as pl
from jax.experimental.pallas import tpu as pltpu
from jax.experimental.pallas import tpu_sc as plsc

_B = 16384
_SUB = 256
_NCHUNK = _B // _SUB
_GRP = _SUB // 16
_SUBB = 128
_NCHUNKB = _B // _SUBB
_GRPB = _SUBB // 16
_L = 50
_DIXP = 15
_DFAC = 20
_FPAD = 21
_BLK = 2048

_CAT_OFFS = [0, 8, 16, 32, 40, 48, 52, 56, 60]

_SC_PARAMS = pltpu.CompilerParams(
    needs_layout_passes=False, use_tc_tiling_on_sc=False)


def _colv(j):
    return jnp.full((16,), j, dtype=jnp.int32)


def _sc_a_body(emb_u, emb_i, uidx2, iidx2, t1x, t2x, ix1, ix2,
               u_out, v_out, s1_out, s2_out,
               tix_v, idx_v, rows_v, it_v, sout_v, sem):
    wid = lax.axis_index("s") * 2 + lax.axis_index("c")

    for (emb, midx2, tixp, ixraw, mout, sout) in (
            (emb_u, uidx2, t1x, ix1, u_out, s1_out),
            (emb_i, iidx2, t2x, ix2, v_out, s2_out)):
        pltpu.sync_copy(tixp, tix_v)
        pltpu.sync_copy(midx2.at[pl.ds(wid * 4, 4)], idx_v)
        cps = [pltpu.async_copy(emb.at[idx_v.at[mc]],
                                rows_v.at[pl.ds(mc * 128, 128)], sem)
               for mc in range(4)]

        for sub in range(2):
            chunk = wid * 2 + sub
            pltpu.sync_copy(ixraw.at[chunk], it_v)

            def group(g, carry):
                o = g * 16

                def kstep(k2, accs):
                    accs = list(accs)
                    for dk in range(2):
                        k = k2 * 2 + dk
                        rbase = it_v[k, pl.ds(o, 16)] * _DIXP
                        for j in range(_DIXP):
                            accs[j] = accs[j] + plsc.load_gather(
                                tix_v, [rbase + j])
                    return tuple(accs)

                accs = lax.fori_loop(
                    0, _L // 2, kstep,
                    tuple(jnp.zeros((16,), jnp.float32)
                          for _ in range(_DIXP)))
                for j in range(_DIXP):
                    sout_v[j, pl.ds(o, 16)] = accs[j]
                sout_v[_DIXP, pl.ds(o, 16)] = jnp.zeros((16,), jnp.float32)
                return carry

            lax.fori_loop(0, _GRP, group, 0)
            pltpu.sync_copy(sout_v, sout.at[chunk])

        for cp in cps:
            cp.wait()
        pltpu.sync_copy(rows_v, mout.at[pl.ds(wid * 512, 512)])


def _sc_a(emb_u, emb_i, uidx2, iidx2, t1x, t2x, ix1, ix2):
    mesh = plsc.VectorSubcoreMesh(core_axis_name="c", subcore_axis_name="s")
    f = functools.partial(
        pl.kernel, mesh=mesh, compiler_params=_SC_PARAMS,
        out_type=(
            jax.ShapeDtypeStruct((_B, 64), jnp.float32),
            jax.ShapeDtypeStruct((_B, 64), jnp.float32),
            jax.ShapeDtypeStruct((_NCHUNK, _DIXP + 1, _SUB), jnp.float32),
            jax.ShapeDtypeStruct((_NCHUNK, _DIXP + 1, _SUB), jnp.float32),
        ),
        scratch_types=(
            pltpu.VMEM((1000 * _DIXP,), jnp.float32),
            pltpu.VMEM((4, 128), jnp.int32),
            pltpu.VMEM((512, 64), jnp.float32),
            pltpu.VMEM((_L, _SUB), jnp.int32),
            pltpu.VMEM((_DIXP + 1, _SUB), jnp.float32),
            pltpu.SemaphoreType.DMA,
        ),
    )(_sc_a_body)
    return f(emb_u, emb_i, uidx2, iidx2, t1x, t2x, ix1, ix2)


def _sc_b_body(t1f, t2f, if1, if2, s1_out, s2_out,
               tfac_v, it_v, sout_v):
    c = lax.axis_index("c")
    s = lax.axis_index("s")

    def one_side(tfac, ifraw, sout):
        pltpu.sync_copy(tfac, tfac_v)

        def do_sub(sub, carry0):
            chunk = s * 8 + sub
            pltpu.sync_copy(ifraw.at[chunk], it_v)

            def group(g, carry):
                o = g * 16

                def kstep(k2, accs):
                    accs = list(accs)
                    for dk in range(2):
                        k = k2 * 2 + dk
                        rbase = it_v[k, pl.ds(o, 16)] * _FPAD
                        for j in range(_DFAC):
                            accs[j] = accs[j] + plsc.load_gather(
                                tfac_v, [rbase + j])
                    return tuple(accs)

                accs = lax.fori_loop(
                    0, _L // 2, kstep,
                    tuple(jnp.zeros((16,), jnp.float32)
                          for _ in range(_DFAC)))
                for j in range(_DFAC):
                    sout_v[j, pl.ds(o, 16)] = accs[j]
                for j in range(_DFAC, 24):
                    sout_v[j, pl.ds(o, 16)] = jnp.zeros((16,), jnp.float32)
                return carry

            lax.fori_loop(0, _GRPB, group, 0)
            pltpu.sync_copy(sout_v, sout.at[chunk])
            return carry0

        lax.fori_loop(0, 8, do_sub, 0)

    @pl.when(c == 0)
    def _():
        one_side(t1f, if1, s1_out)

    @pl.when(c == 1)
    def _():
        one_side(t2f, if2, s2_out)


def _sc_b(t1f, t2f, if1, if2):
    mesh = plsc.VectorSubcoreMesh(core_axis_name="c", subcore_axis_name="s")
    f = functools.partial(
        pl.kernel, mesh=mesh, compiler_params=_SC_PARAMS,
        out_type=(
            jax.ShapeDtypeStruct((_NCHUNKB, 24, _SUBB), jnp.float32),
            jax.ShapeDtypeStruct((_NCHUNKB, 24, _SUBB), jnp.float32),
        ),
        scratch_types=(
            pltpu.VMEM((5000 * _FPAD,), jnp.float32),
            pltpu.VMEM((_L, _SUBB), jnp.int32),
            pltpu.VMEM((24, _SUBB), jnp.float32),
        ),
    )(_sc_b_body)
    return f(t1f, t2f, if1, if2)


def _tc_body(u_ref, v_ref, s1x_ref, s2x_ref, s1f_ref, s2f_ref,
             c1_ref, c2_ref, t1b_ref, t2b_ref,
             wmain_ref, wcat_ref, wixp_ref, wfac_ref, b_ref, out_ref):
    u = u_ref[...]
    v = v_ref[...]
    mterm = jnp.sum(u * v * wmain_ref[0, :][None, :], axis=1)

    lane = lax.broadcasted_iota(jnp.int32, (_BLK, 64), 1)
    oh1 = jnp.zeros((_BLK, 64), jnp.float32)
    oh2 = jnp.zeros((_BLK, 64), jnp.float32)
    for ci in range(9):
        off = _CAT_OFFS[ci]
        oh1 = oh1 + (lane == (c1_ref[:, ci][:, None] + off)).astype(jnp.float32)
        oh2 = oh2 + (lane == (c2_ref[:, ci][:, None] + off)).astype(jnp.float32)
    ucat = jnp.dot(oh1, t1b_ref[...], preferred_element_type=jnp.float32)
    vcat = jnp.dot(oh2, t2b_ref[...], preferred_element_type=jnp.float32)
    cterm = jnp.sum(ucat * vcat * wcat_ref[0, :][None, :], axis=1)

    s1x = s1x_ref[...]
    s2x = s2x_ref[...]
    xterm = jnp.sum(s1x * s2x * wixp_ref[...], axis=0) * (1.0 / 2500.0)
    s1f = s1f_ref[...]
    s2f = s2f_ref[...]
    fterm = jnp.sum(s1f * s2f * wfac_ref[...], axis=0) * (1.0 / 2500.0)

    out_ref[...] = mterm + cterm + xterm + fterm + b_ref[0, 0]


def _tc(u_main, v_main, s1x, s2x, s1f, s2f, c1, c2, t1b, t2b,
        wmain, wcat, wixp, wfac, b):
    grid = (_B // _BLK,)
    return pl.pallas_call(
        _tc_body,
        grid=grid,
        in_specs=[
            pl.BlockSpec((_BLK, 64), lambda i: (i, 0)),
            pl.BlockSpec((_BLK, 64), lambda i: (i, 0)),
            pl.BlockSpec((_DIXP + 1, _BLK), lambda i: (0, i)),
            pl.BlockSpec((_DIXP + 1, _BLK), lambda i: (0, i)),
            pl.BlockSpec((24, _BLK), lambda i: (0, i)),
            pl.BlockSpec((24, _BLK), lambda i: (0, i)),
            pl.BlockSpec((_BLK, 16), lambda i: (i, 0)),
            pl.BlockSpec((_BLK, 16), lambda i: (i, 0)),
            pl.BlockSpec((64, 64), lambda i: (0, 0)),
            pl.BlockSpec((64, 64), lambda i: (0, 0)),
            pl.BlockSpec((1, 64), lambda i: (0, 0)),
            pl.BlockSpec((1, 64), lambda i: (0, 0)),
            pl.BlockSpec((_DIXP + 1, 1), lambda i: (0, 0)),
            pl.BlockSpec((24, 1), lambda i: (0, 0)),
            pl.BlockSpec((1, 1), lambda i: (0, 0)),
        ],
        out_specs=pl.BlockSpec((_BLK,), lambda i: (i,)),
        out_shape=jax.ShapeDtypeStruct((_B,), jnp.float32),
    )(u_main, v_main, s1x, s2x, s1f, s2f, c1, c2, t1b, t2b,
      wmain, wcat, wixp, wfac, b)


def _untranspose(s3, rows):
    return jnp.transpose(s3, (1, 0, 2)).reshape(rows, _B)


def _chunked(idx2d, sub):
    t = jnp.transpose(idx2d.astype(jnp.int32), (1, 0))
    t = t.reshape(_L, _B // sub, sub)
    return jnp.transpose(t, (1, 0, 2))


def kernel(user_indices, item_indices, ASnode1_info_type, ASnode1_AS_tier, ASnode1_info_traffic, ASnode1_info_ratio, ASnode1_info_scope, ASnode1_policy_general, ASnode1_policy_locations, ASnode1_policy_ratio, ASnode1_policy_contracts, ASnode1_appearIXP, ASnode1_appearFac, ASnode2_info_type, ASnode2_AS_tier, ASnode2_info_traffic, ASnode2_info_ratio, ASnode2_info_scope, ASnode2_policy_general, ASnode2_policy_locations, ASnode2_policy_ratio, ASnode2_policy_contracts, ASnode2_appearIXP, ASnode2_appearFac, emb_user, emb_item, t1_info_type, t1_AS_tier, t1_info_traffic, t1_info_ratio, t1_info_scope, t1_policy_general, t1_policy_locations, t1_policy_ratio, t1_policy_contracts, t1_appearIXP, t1_appearFac, t2_info_type, t2_AS_tier, t2_info_traffic, t2_info_ratio, t2_info_scope, t2_policy_general, t2_policy_locations, t2_policy_ratio, t2_policy_contracts, t2_appearIXP, t2_appearFac, W, b):
    uidx2 = user_indices.astype(jnp.int32).reshape(_B // 128, 128)
    iidx2 = item_indices.astype(jnp.int32).reshape(_B // 128, 128)
    ix1 = _chunked(ASnode1_appearIXP, _SUB)
    ix2 = _chunked(ASnode2_appearIXP, _SUB)
    if1 = _chunked(ASnode1_appearFac, _SUBB)
    if2 = _chunked(ASnode2_appearFac, _SUBB)
    t1x = t1_appearIXP.reshape(-1)
    t2x = t2_appearIXP.reshape(-1)
    t1f = jnp.pad(t1_appearFac, ((0, 0), (0, _FPAD - _DFAC))).reshape(-1)
    t2f = jnp.pad(t2_appearFac, ((0, 0), (0, _FPAD - _DFAC))).reshape(-1)

    u_main, v_main, s1x3, s2x3 = _sc_a(
        emb_user, emb_item, uidx2, iidx2, t1x, t2x, ix1, ix2)
    s1f3, s2f3 = _sc_b(t1f, t2f, if1, if2)
    s1x = _untranspose(s1x3, _DIXP + 1)
    s2x = _untranspose(s2x3, _DIXP + 1)
    s1f = _untranspose(s1f3, 24)
    s2f = _untranspose(s2f3, 24)

    cats1 = [ASnode1_info_type, ASnode1_AS_tier, ASnode1_info_traffic, ASnode1_info_ratio, ASnode1_info_scope, ASnode1_policy_general, ASnode1_policy_locations, ASnode1_policy_ratio, ASnode1_policy_contracts]
    cats2 = [ASnode2_info_type, ASnode2_AS_tier, ASnode2_info_traffic, ASnode2_info_ratio, ASnode2_info_scope, ASnode2_policy_general, ASnode2_policy_locations, ASnode2_policy_ratio, ASnode2_policy_contracts]
    c1 = jnp.pad(jnp.stack([c.astype(jnp.int32) for c in cats1], axis=1),
                 ((0, 0), (0, 16 - 9)))
    c2 = jnp.pad(jnp.stack([c.astype(jnp.int32) for c in cats2], axis=1),
                 ((0, 0), (0, 16 - 9)))

    tabs1 = [t1_info_type, t1_AS_tier, t1_info_traffic, t1_info_ratio, t1_info_scope, t1_policy_general, t1_policy_locations, t1_policy_ratio, t1_policy_contracts]
    tabs2 = [t2_info_type, t2_AS_tier, t2_info_traffic, t2_info_ratio, t2_info_scope, t2_policy_general, t2_policy_locations, t2_policy_ratio, t2_policy_contracts]
    t1b = jax.scipy.linalg.block_diag(*tabs1)
    t2b = jax.scipy.linalg.block_diag(*tabs2)

    w = W[:, 0]
    wmain = w[0:64].reshape(1, 64)
    wcat = w[64:128].reshape(1, 64)
    wixp = jnp.pad(w[128:143], (0, 1)).reshape(_DIXP + 1, 1)
    wfac = jnp.pad(w[143:163], (0, 4)).reshape(24, 1)

    logits = _tc(u_main, v_main, s1x, s2x, s1f, s2f, c1, c2, t1b, t2b,
                 wmain, wcat, wixp, wfac, b.reshape(1, 1))
    return logits.reshape(_B, 1)

# --- scband reference (transcript-rebuilt; emitter-appended) ---
"""Pipeline reference for scband-gmf-55568286875986 (READ-ONLY COPY).

The authoritative reference and input builder live on the scoring server;
editing this copy changes nothing except your own understanding.
"""

import jax, jax.numpy as jnp
import numpy as np

B = 16384
L = 50
CAT_VOCAB = [("info_type", 8), ("AS_tier", 8), ("info_traffic", 16), ("info_ratio", 8), ("info_scope", 8), ("policy_general", 4), ("policy_locations", 4), ("policy_ratio", 4), ("policy_contracts", 4)]


def setup_inputs(seed: int = 0) -> dict:
    key = jax.random.key(seed)
    keys = [key]

    def nk():
        keys[0], sub = jax.random.split(keys[0])
        return sub

    inp = {}
    inp["user_indices"] = jax.random.randint(nk(), (B,), 0, 100000)
    inp["item_indices"] = jax.random.randint(nk(), (B,), 0, 100000)
    for node in ["ASnode1", "ASnode2"]:
        for name, v in CAT_VOCAB:
            inp[f"{node}_{name}"] = jax.random.randint(nk(), (B,), 0, v)
        inp[f"{node}_appearIXP"] = jax.random.randint(nk(), (B, L), 0, 1000)
        inp[f"{node}_appearFac"] = jax.random.randint(nk(), (B, L), 0, 5000)
    inp["emb_user"] = jax.random.normal(nk(), (100000, 64), dtype=jnp.float32) * 0.01
    inp["emb_item"] = jax.random.normal(nk(), (100000, 64), dtype=jnp.float32) * 0.01
    for pref in ["t1", "t2"]:
        for name, v in CAT_VOCAB:
            inp[f"{pref}_{name}"] = jax.random.normal(nk(), (v, v), dtype=jnp.float32) * 0.1
        inp[f"{pref}_appearIXP"] = jax.random.normal(nk(), (1000, 15), dtype=jnp.float32) * 0.1
        inp[f"{pref}_appearFac"] = jax.random.normal(nk(), (5000, 20), dtype=jnp.float32) * 0.1
    inp["W"] = jax.random.normal(nk(), (163, 1), dtype=jnp.float32) * 0.05
    inp["b"] = jnp.zeros((1,), dtype=jnp.float32)
    return inp


def _side(d, idx_prefix, tab_prefix, emb_table, main_idx):
    parts = [jnp.take(emb_table, main_idx, axis=0)]
    for name, _ in CAT_VOCAB:
        parts.append(jnp.take(d[f"{tab_prefix}_{name}"], d[f"{idx_prefix}_{name}"], axis=0))
    parts.append(jnp.mean(jnp.take(d[f"{tab_prefix}_appearIXP"], d[f"{idx_prefix}_appearIXP"], axis=0), axis=1))
    parts.append(jnp.mean(jnp.take(d[f"{tab_prefix}_appearFac"], d[f"{idx_prefix}_appearFac"], axis=0), axis=1))
    return jnp.concatenate(parts, axis=1)


def reference(
    user_indices,
    item_indices,
    ASnode1_info_type,
    ASnode1_AS_tier,
    ASnode1_info_traffic,
    ASnode1_info_ratio,
    ASnode1_info_scope,
    ASnode1_policy_general,
    ASnode1_policy_locations,
    ASnode1_policy_ratio,
    ASnode1_policy_contracts,
    ASnode1_appearIXP,
    ASnode1_appearFac,
    ASnode2_info_type,
    ASnode2_AS_tier,
    ASnode2_info_traffic,
    ASnode2_info_ratio,
    ASnode2_info_scope,
    ASnode2_policy_general,
    ASnode2_policy_locations,
    ASnode2_policy_ratio,
    ASnode2_policy_contracts,
    ASnode2_appearIXP,
    ASnode2_appearFac,
    emb_user,
    emb_item,
    t1_info_type,
    t1_AS_tier,
    t1_info_traffic,
    t1_info_ratio,
    t1_info_scope,
    t1_policy_general,
    t1_policy_locations,
    t1_policy_ratio,
    t1_policy_contracts,
    t1_appearIXP,
    t1_appearFac,
    t2_info_type,
    t2_AS_tier,
    t2_info_traffic,
    t2_info_ratio,
    t2_info_scope,
    t2_policy_general,
    t2_policy_locations,
    t2_policy_ratio,
    t2_policy_contracts,
    t2_appearIXP,
    t2_appearFac,
    W,
    b,
):
    inp = dict(locals())
    user_embedding = _side(inp, "ASnode1", "t1", inp["emb_user"], inp["user_indices"])
    item_embedding = _side(inp, "ASnode2", "t2", inp["emb_item"], inp["item_indices"])
    element_product = user_embedding * item_embedding
    logits = element_product @ inp["W"] + inp["b"]
    return logits

if __name__ == "__main__":
    import jax
    _d = setup_inputs()
    print(jax.jit(kernel)(*tuple(_d.values())))

</pallas_src>

<mosaic_0001>
#map = affine_map<(d0, d1) -> (0)>
#map1 = affine_map<(d0, d1) -> (0, 0, 0)>
module attributes {stable_mosaic.version = 14 : i64} {
  func.func @_sc_b_body(%arg0: i32, %arg1: i32, %arg2: memref<105000xf32, #tpu.memory_space<hbm>>, %arg3: memref<105000xf32, #tpu.memory_space<hbm>>, %arg4: memref<128x50x128xi32, #tpu.memory_space<hbm>>, %arg5: memref<128x50x128xi32, #tpu.memory_space<hbm>>, %arg6: memref<128x24x128xf32, #tpu.memory_space<hbm>>, %arg7: memref<128x24x128xf32, #tpu.memory_space<hbm>>, %arg8: memref<105000xf32, #tpu.memory_space<vmem>>, %arg9: memref<50x128xi32, #tpu.memory_space<vmem>>, %arg10: memref<24x128xf32, #tpu.memory_space<vmem>>) attributes {dimension_semantics = [#tpu.dimension_semantics<core_parallel>, #tpu.dimension_semantics<subcore_parallel>], iteration_bounds = array<i64: 2, 16>, scalar_prefetch = 0 : i64, scratch_operands = 3 : i64, tpu.core_type = #tpu.core_type<sc_vector_subcore>, window_params = [{transform_indices = #map}, {transform_indices = #map}, {transform_indices = #map1}, {transform_indices = #map1}, {transform_indices = #map1}, {transform_indices = #map1}]} {
    %eq3A = arith.constant 0 : i32
    %eq3A_0 = arith.cmpi eq, %arg0, %eq3A : i32
    %convert_element_type3A = arith.extui %eq3A_0 : i1 to i32
    %cond3A = arith.constant 0 : i32
    %cond3A_1 = arith.cmpi ne, %convert_element_type3A, %cond3A : i32
    scf.if %cond3A_1 {
      "tpu.region"() ({
        %run_scoped3A = tpu.sem_alloc : memref<!tpu.dma_semaphore, #tpu.memory_space<semaphore_mem>>
        tpu.enqueue_dma source(%arg2 : memref<105000xf32, #tpu.memory_space<hbm>>) target(%arg8 : memref<105000xf32, #tpu.memory_space<vmem>>) target_semaphore(%run_scoped3A : memref<!tpu.dma_semaphore, #tpu.memory_space<semaphore_mem>>)
        tpu.wait_dma2 semaphore(%run_scoped3A : memref<!tpu.dma_semaphore, #tpu.memory_space<semaphore_mem>>) src(%arg2 : memref<105000xf32, #tpu.memory_space<hbm>>) dst(%arg8 : memref<105000xf32, #tpu.memory_space<vmem>>)
        tpu.yield
      }) : () -> ()
      %scan3A = arith.constant 0 : i32
      %scan3A_7 = arith.constant 0 : i32
      %scan3A_8 = arith.constant 8 : i32
      %scan3A_9 = arith.addi %scan3A_7, %scan3A_8 : i32
      %scan3A_10 = arith.constant 1 : i32
      scf.for %scan3A_12 = %scan3A_7 to %scan3A_9 step %scan3A_10  : i32 {
        %mul3A = arith.constant 8 : i32
        %mul3A_13 = arith.muli %arg1, %mul3A : i32
        %add3A = arith.addi %mul3A_13, %scan3A_12 : i32
        "tpu.region"() ({
          %run_scoped3A = tpu.sem_alloc : memref<!tpu.dma_semaphore, #tpu.memory_space<semaphore_mem>>
          %dma_start3A = arith.constant 0 : i32
          %dma_start3A_20 = arith.constant 0 : i32
          %dma_start3A_21 = tpu.memref_slice %arg4[%add3A, %dma_start3A, %dma_start3A_20] : memref<128x50x128xi32, #tpu.memory_space<hbm>> -> memref<1x50x128xi32, #tpu.memory_space<hbm>>
          %dma_start3A_22 = tpu.memref_squeeze %dma_start3A_21 : memref<1x50x128xi32, #tpu.memory_space<hbm>> -> memref<50x128xi32, #tpu.memory_space<hbm>>
          %dma_start3A_23 = arith.constant 0 : i32
          %dma_start3A_24 = arith.constant 0 : i32
          %dma_start3A_25 = tpu.memref_slice %arg4[%add3A, %dma_start3A_23, %dma_start3A_24] : memref<128x50x128xi32, #tpu.memory_space<hbm>> -> memref<1x50x128xi32, #tpu.memory_space<hbm>>
          %dma_start3A_26 = tpu.memref_squeeze %dma_start3A_25 : memref<1x50x128xi32, #tpu.memory_space<hbm>> -> memref<50x128xi32, #tpu.memory_space<hbm>>
          tpu.enqueue_dma source(%dma_start3A_26 : memref<50x128xi32, #tpu.memory_space<hbm>>) target(%arg9 : memref<50x128xi32, #tpu.memory_space<vmem>>) target_semaphore(%run_scoped3A : memref<!tpu.dma_semaphore, #tpu.memory_space<semaphore_mem>>)
          %dma_wait3A = arith.constant 0 : i32
          %dma_wait3A_27 = arith.constant 0 : i32
          %dma_wait3A_28 = tpu.memref_slice %arg4[%add3A, %dma_wait3A, %dma_wait3A_27] : memref<128x50x128xi32, #tpu.memory_space<hbm>> -> memref<1x50x128xi32, #tpu.memory_space<hbm>>
          %dma_wait3A_29 = tpu.memref_squeeze %dma_wait3A_28 : memref<1x50x128xi32, #tpu.memory_space<hbm>> -> memref<50x128xi32, #tpu.memory_space<hbm>>
          %dma_wait3A_30 = arith.constant 0 : i32
          %dma_wait3A_31 = arith.constant 0 : i32
          %dma_wait3A_32 = tpu.memref_slice %arg4[%add3A, %dma_wait3A_30, %dma_wait3A_31] : memref<128x50x128xi32, #tpu.memory_space<hbm>> -> memref<1x50x128xi32, #tpu.memory_space<hbm>>
          %dma_wait3A_33 = tpu.memref_squeeze %dma_wait3A_32 : memref<1x50x128xi32, #tpu.memory_space<hbm>> -> memref<50x128xi32, #tpu.memory_space<hbm>>
          tpu.wait_dma2 semaphore(%run_scoped3A : memref<!tpu.dma_semaphore, #tpu.memory_space<semaphore_mem>>) src(%dma_wait3A_33 : memref<50x128xi32, #tpu.memory_space<hbm>>) dst(%arg9 : memref<50x128xi32, #tpu.memory_space<vmem>>)
          tpu.yield
        }) : () -> ()
        %scan3A_14 = arith.constant 0 : i32
        %scan3A_15 = arith.constant 0 : i32
        %scan3A_16 = arith.constant 8 : i32
        %scan3A_17 = arith.addi %scan3A_15, %scan3A_16 : i32
        %scan3A_18 = arith.constant 1 : i32
        scf.for %scan3A_20 = %scan3A_15 to %scan3A_17 step %scan3A_18  : i32 {
          %mul3A_21 = arith.constant 16 : i32
          %mul3A_22 = arith.muli %scan3A_20, %mul3A_21 : i32
          %broadcast_in_dim3A = arith.constant 0.000000e+00 : f32
          %broadcast_in_dim3A_23 = vector.broadcast %broadcast_in_dim3A : f32 to vector<16xf32>
          %broadcast_in_dim3A_24 = arith.constant 0.000000e+00 : f32
          %broadcast_in_dim3A_25 = vector.broadcast %broadcast_in_dim3A_24 : f32 to vector<16xf32>
          %broadcast_in_dim3A_26 = arith.constant 0.000000e+00 : f32
          %broadcast_in_dim3A_27 = vector.broadcast %broadcast_in_dim3A_26 : f32 to vector<16xf32>
          %broadcast_in_dim3A_28 = arith.constant 0.000000e+00 : f32
          %broadcast_in_dim3A_29 = vector.broadcast %broadcast_in_dim3A_28 : f32 to vector<16xf32>
          %broadcast_in_dim3A_30 = arith.constant 0.000000e+00 : f32
          %broadcast_in_dim3A_31 = vector.broadcast %broadcast_in_dim3A_30 : f32 to vector<16xf32>
          %broadcast_in_dim3A_32 = arith.constant 0.000000e+00 : f32
          %broadcast_in_dim3A_33 = vector.broadcast %broadcast_in_dim3A_32 : f32 to vector<16xf32>
          %broadcast_in_dim3A_34 = arith.constant 0.000000e+00 : f32
          %broadcast_in_dim3A_35 = vector.broadcast %broadcast_in_dim3A_34 : f32 to vector<16xf32>
          %broadcast_in_dim3A_36 = arith.constant 0.000000e+00 : f32
          %broadcast_in_dim3A_37 = vector.broadcast %broadcast_in_dim3A_36 : f32 to vector<16xf32>
          %broadcast_in_dim3A_38 = arith.constant 0.000000e+00 : f32
          %broadcast_in_dim3A_39 = vector.broadcast %broadcast_in_dim3A_38 : f32 to vector<16xf32>
          %broadcast_in_dim3A_40 = arith.constant 0.000000e+00 : f32
          %broadcast_in_dim3A_41 = vector.broadcast %broadcast_in_dim3A_40 : f32 to vector<16xf32>
          %broadcast_in_dim3A_42 = arith.constant 0.000000e+00 : f32
          %broadcast_in_dim3A_43 = vector.broadcast %broadcast_in_dim3A_42 : f32 to vector<16xf32>
          %broadcast_in_dim3A_44 = arith.constant 0.000000e+00 : f32
          %broadcast_in_dim3A_45 = vector.broadcast %broadcast_in_dim3A_44 : f32 to vector<16xf32>
          %broadcast_in_dim3A_46 = arith.constant 0.000000e+00 : f32
          %broadcast_in_dim3A_47 = vector.broadcast %broadcast_in_dim3A_46 : f32 to vector<16xf32>
          %broadcast_in_dim3A_48 = arith.constant 0.000000e+00 : f32
          %broadcast_in_dim3A_49 = vector.broadcast %broadcast_in_dim3A_48 : f32 to vector<16xf32>
          %broadcast_in_dim3A_50 = arith.constant 0.000000e+00 : f32
          %broadcast_in_dim3A_51 = vector.broadcast %broadcast_in_dim3A_50 : f32 to vector<16xf32>
          %broadcast_in_dim3A_52 = arith.constant 0.000000e+00 : f32
          %broadcast_in_dim3A_53 = vector.broadcast %broadcast_in_dim3A_52 : f32 to vector<16xf32>
          %broadcast_in_dim3A_54 = arith.constant 0.000000e+00 : f32
          %broadcast_in_dim3A_55 = vector.broadcast %broadcast_in_dim3A_54 : f32 to vector<16xf32>
          %broadcast_in_dim3A_56 = arith.constant 0.000000e+00 : f32
          %broadcast_in_dim3A_57 = vector.broadcast %broadcast_in_dim3A_56 : f32 to vector<16xf32>
          %broadcast_in_dim3A_58 = arith.constant 0.000000e+00 : f32
          %broadcast_in_dim3A_59 = vector.broadcast %broadcast_in_dim3A_58 : f32 to vector<16xf32>
          %broadcast_in_dim3A_60 = arith.constant 0.000000e+00 : f32
          %broadcast_in_dim3A_61 = vector.broadcast %broadcast_in_dim3A_60 : f32 to vector<16xf32>
          %scan3A_62 = arith.constant 0 : i32
          %scan3A_63 = arith.constant 25 : i32
          %scan3A_64 = arith.addi %scan3A_62, %scan3A_63 : i32
          %scan3A_65 = arith.constant 1 : i32
          %scan3A_66:20 = scf.for %scan3A_171 = %scan3A_62 to %scan3A_64 step %scan3A_65 iter_args(%scan3A_172 = %broadcast_in_dim3A_23, %scan3A_173 = %broadcast_in_dim3A_25, %scan3A_174 = %broadcast_in_dim3A_27, %scan3A_175 = %broadcast_in_dim3A_29, %scan3A_176 = %broadcast_in_dim3A_31, %scan3A_177 = %broadcast_in_dim3A_33, %scan3A_178 = %broadcast_in_dim3A_35, %scan3A_179 = %broadcast_in_dim3A_37, %scan3A_180 = %broadcast_in_dim3A_39, %scan3A_181 = %broadcast_in_dim3A_41, %scan3A_182 = %broadcast_in_dim3A_43, %scan3A_183 = %broadcast_in_dim3A_45, %scan3A_184 = %broadcast_in_dim3A_47, %scan3A_185 = %broadcast_in_dim3A_49, %scan3A_186 = %broadcast_in_dim3A_51, %scan3A_187 = %broadcast_in_dim3A_53, %scan3A_188 = %broadcast_in_dim3A_55, %scan3A_189 = %broadcast_in_dim3A_57, %scan3A_190 = %broadcast_in_dim3A_59, %scan3A_191 = %broadcast_in_dim3A_61) -> (vector<16xf32>, vector<16xf32>, vector<16xf32>, vector<16xf32>, vector<16xf32>, vector<16xf32>, vector<16xf32>, vector<16xf32>, vector<16xf32>, vector<16xf32>, vector<16xf32>, vector<16xf32>, vector<16xf32>, vector<16xf32>, vector<16xf32>, vector<16xf32>, vector<16xf32>, vector<16xf32>, vector<16xf32>, vector<16xf32>)  : i32 {
            %mul3A_192 = arith.constant 2 : i32
            %mul3A_193 = arith.muli %scan3A_171, %mul3A_192 : i32
            %add3A_194 = arith.constant 0 : i32
            %add3A_195 = arith.addi %mul3A_193, %add3A_194 : i32
            %get3A = arith.index_cast %add3A_195 : i32 to index
            %get3A_196 = arith.index_cast %mul3A_22 : i32 to index
            %get3A_197 = tpu.vector_load %arg9[%get3A, %get3A_196] {strides = array<i32>} : memref<50x128xi32, #tpu.memory_space<vmem>>, vector<16xi32>,
            %mul3A_198 = arith.constant 21 : i32
            %mul3A_199 = vector.broadcast %mul3A_198 : i32 to vector<16xi32>
            %mul3A_200 = arith.muli %get3A_197, %mul3A_199 : vector<16xi32>
            %add3A_201 = arith.constant 0 : i32
            %add3A_202 = vector.broadcast %add3A_201 : i32 to vector<16xi32>
            %add3A_203 = arith.addi %mul3A_200, %add3A_202 : vector<16xi32>
            %gather3A = tpu.vector_load_idx %arg8[%add3A_203] : memref<105000xf32, #tpu.memory_space<vmem>>[vector<16xi32>], vector<16xf32>,
            %add3A_204 = arith.addf %scan3A_172, %gather3A : vector<16xf32>
            %add3A_205 = arith.constant 1 : i32
            %add3A_206 = vector.broadcast %add3A_205 : i32 to vector<16xi32>
            %add3A_207 = arith.addi %mul3A_200, %add3A_206 : vector<16xi32>
            %gather3A_208 = tpu.vector_load_idx %arg8[%add3A_207] : memref<105000xf32, #tpu.memory_space<vmem>>[vector<16xi32>], vector<16xf32>,
            %add3A_209 = arith.addf %scan3A_173, %gather3A_208 : vector<16xf32>
            %add3A_210 = arith.constant 2 : i32
            %add3A_211 = vector.broadcast %add3A_210 : i32 to vector<16xi32>
            %add3A_212 = arith.addi %mul3A_200, %add3A_211 : vector<16xi32>
            %gather3A_213 = tpu.vector_load_idx %arg8[%add3A_212] : memref<105000xf32, #tpu.memory_space<vmem>>[vector<16xi32>], vector<16xf32>,
            %add3A_214 = arith.addf %scan3A_174, %gather3A_213 : vector<16xf32>
            %add3A_215 = arith.constant 3 : i32
            %add3A_216 = vector.broadcast %add3A_215 : i32 to vector<16xi32>
            %add3A_217 = arith.addi %mul3A_200, %add3A_216 : vector<16xi32>
            %gather3A_218 = tpu.vector_load_idx %arg8[%add3A_217] : memref<105000xf32, #tpu.memory_space<vmem>>[vector<16xi32>], vector<16xf32>,
            %add3A_219 = arith.addf %scan3A_175, %gather3A_218 : vector<16xf32>
            %add3A_220 = arith.constant 4 : i32
            %add3A_221 = vector.broadcast %add3A_220 : i32 to vector<16xi32>
            %add3A_222 = arith.addi %mul3A_200, %add3A_221 : vector<16xi32>
            %gather3A_223 = tpu.vector_load_idx %arg8[%add3A_222] : memref<105000xf32, #tpu.memory_space<vmem>>[vector<16xi32>], vector<16xf32>,
            %add3A_224 = arith.addf %scan3A_176, %gather3A_223 : vector<16xf32>
            %add3A_225 = arith.constant 5 : i32
            %add3A_226 = vector.broadcast %add3A_225 : i32 to vector<16xi32>
            %add3A_227 = arith.addi %mul3A_200, %add3A_226 : vector<16xi32>
            %gather3A_228 = tpu.vector_load_idx %arg8[%add3A_227] : memref<105000xf32, #tpu.memory_space<vmem>>[vector<16xi32>], vector<16xf32>,
            %add3A_229 = arith.addf %scan3A_177, %gather3A_228 : vector<16xf32>
            %add3A_230 = arith.constant 6 : i32
            %add3A_231 = vector.broadcast %add3A_230 : i32 to vector<16xi32>
            %add3A_232 = arith.addi %mul3A_200, %add3A_231 : vector<16xi32>
            %gather3A_233 = tpu.vector_load_idx %arg8[%add3A_232] : memref<105000xf32, #tpu.memory_space<vmem>>[vector<16xi32>], vector<16xf32>,
            %add3A_234 = arith.addf %scan3A_178, %gather3A_233 : vector<16xf32>
            %add3A_235 = arith.constant 7 : i32
            %add3A_236 = vector.broadcast %add3A_235 : i32 to vector<16xi32>
            %add3A_237 = arith.addi %mul3A_200, %add3A_236 : vector<16xi32>
            %gather3A_238 = tpu.vector_load_idx %arg8[%add3A_237] : memref<105000xf32, #tpu.memory_space<vmem>>[vector<16xi32>], vector<16xf32>,
            %add3A_239 = arith.addf %scan3A_179, %gather3A_238 : vector<16xf32>
            %add3A_240 = arith.constant 8 : i32
            %add3A_241 = vector.broadcast %add3A_240 : i32 to vector<16xi32>
            %add3A_242 = arith.addi %mul3A_200, %add3A_241 : vector<16xi32>
            %gather3A_243 = tpu.vector_load_idx %arg8[%add3A_242] : memref<105000xf32, #tpu.memory_space<vmem>>[vector<16xi32>], vector<16xf32>,
            %add3A_244 = arith.addf %scan3A_180, %gather3A_243 : vector<16xf32>
            %add3A_245 = arith.constant 9 : i32
            %add3A_246 = vector.broadcast %add3A_245 : i32 to vector<16xi32>
            %add3A_247 = arith.addi %mul3A_200, %add3A_246 : vector<16xi32>
            %gather3A_248 = tpu.vector_load_idx %arg8[%add3A_247] : memref<105000xf32, #tpu.memory_space<vmem>>[vector<16xi32>], vector<16xf32>,
            %add3A_249 = arith.addf %scan3A_181, %gather3A_248 : vector<16xf32>
            %add3A_250 = arith.constant 10 : i32
            %add3A_251 = vector.broadcast %add3A_250 : i32 to vector<16xi32>
            %add3A_252 = arith.addi %mul3A_200, %add3A_251 : vector<16xi32>
            %gather3A_253 = tpu.vector_load_idx %arg8[%add3A_252] : memref<105000xf32, #tpu.memory_space<vmem>>[vector<16xi32>], vector<16xf32>,
            %add3A_254 = arith.addf %scan3A_182, %gather3A_253 : vector<16xf32>
            %add3A_255 = arith.constant 11 : i32
            %add3A_256 = vector.broadcast %add3A_255 : i32 to vector<16xi32>
            %add3A_257 = arith.addi %mul3A_200, %add3A_256 : vector<16xi32>
            %gather3A_258 = tpu.vector_load_idx %arg8[%add3A_257] : memref<105000xf32, #tpu.memory_space<vmem>>[vector<16xi32>], vector<16xf32>,
            %add3A_259 = arith.addf %scan3A_183, %gather3A_258 : vector<16xf32>
            %add3A_260 = arith.constant 12 : i32
            %add3A_261 = vector.broadcast %add3A_260 : i32 to vector<16xi32>
            %add3A_262 = arith.addi %mul3A_200, %add3A_261 : vector<16xi32>
            %gather3A_263 = tpu.vector_load_idx %arg8[%add3A_262] : memref<105000xf32, #tpu.memory_space<vmem>>[vector<16xi32>], vector<16xf32>,
            %add3A_264 = arith.addf %scan3A_184, %gather3A_263 : vector<16xf32>
            %add3A_265 = arith.constant 13 : i32
            %add3A_266 = vector.broadcast %add3A_265 : i32 to vector<16xi32>
            %add3A_267 = arith.addi %mul3A_200, %add3A_266 : vector<16xi32>
            %gather3A_268 = tpu.vector_load_idx %arg8[%add3A_267] : memref<105000xf32, #tpu.memory_space<vmem>>[vector<16xi32>], vector<16xf32>,
            %add3A_269 = arith.addf %scan3A_185, %gather3A_268 : vector<16xf32>
            %add3A_270 = arith.constant 14 : i32
            %add3A_271 = vector.broadcast %add3A_270 : i32 to vector<16xi32>
            %add3A_272 = arith.addi %mul3A_200, %add3A_271 : vector<16xi32>
            %gather3A_273 = tpu.vector_load_idx %arg8[%add3A_272] : memref<105000xf32, #tpu.memory_space<vmem>>[vector<16xi32>], vector<16xf32>,
            %add3A_274 = arith.addf %scan3A_186, %gather3A_273 : vector<16xf32>
            %add3A_275 = arith.constant 15 : i32
            %add3A_276 = vector.broadcast %add3A_275 : i32 to vector<16xi32>
            %add3A_277 = arith.addi %mul3A_200, %add3A_276 : vector<16xi32>
            %gather3A_278 = tpu.vector_load_idx %arg8[%add3A_277] : memref<105000xf32, #tpu.memory_space<vmem>>[vector<16xi32>], vector<16xf32>,
            %add3A_279 = arith.addf %scan3A_187, %gather3A_278 : vector<16xf32>
            %add3A_280 = arith.constant 16 : i32
            %add3A_281 = vector.broadcast %add3A_280 : i32 to vector<16xi32>
            %add3A_282 = arith.addi %mul3A_200, %add3A_281 : vector<16xi32>
            %gather3A_283 = tpu.vector_load_idx %arg8[%add3A_282] : memref<105000xf32, #tpu.memory_space<vmem>>[vector<16xi32>], vector<16xf32>,
            %add3A_284 = arith.addf %scan3A_188, %gather3A_283 : vector<16xf32>
            %add3A_285 = arith.constant 17 : i32
            %add3A_286 = vector.broadcast %add3A_285 : i32 to vector<16xi32>
            %add3A_287 = arith.addi %mul3A_200, %add3A_286 : vector<16xi32>
            %gather3A_288 = tpu.vector_load_idx %arg8[%add3A_287] : memref<105000xf32, #tpu.memory_space<vmem>>[vector<16xi32>], vector<16xf32>,
            %add3A_289 = arith.addf %scan3A_189, %gather3A_288 : vector<16xf32>
            %add3A_290 = arith.constant 18 : i32
            %add3A_291 = vector.broadcast %add3A_290 : i32 to vector<16xi32>
            %add3A_292 = arith.addi %mul3A_200, %add3A_291 : vector<16xi32>
            %gather3A_293 = tpu.vector_load_idx %arg8[%add3A_292] : memref<105000xf32, #tpu.memory_space<vmem>>[vector<16xi32>], vector<16xf32>,
            %add3A_294 = arith.addf %scan3A_190, %gather3A_293 : vector<16xf32>
            %add3A_295 = arith.constant 19 : i32
            %add3A_296 = vector.broadcast %add3A_295 : i32 to vector<16xi32>
            %add3A_297 = arith.addi %mul3A_200, %add3A_296 : vector<16xi32>
            %gather3A_298 = tpu.vector_load_idx %arg8[%add3A_297] : memref<105000xf32, #tpu.memory_space<vmem>>[vector<16xi32>], vector<16xf32>,
            %add3A_299 = arith.addf %scan3A_191, %gather3A_298 : vector<16xf32>
            %mul3A_300 = arith.constant 2 : i32
            %mul3A_301 = arith.muli %scan3A_171, %mul3A_300 : i32
            %add3A_302 = arith.constant 1 : i32
            %add3A_303 = arith.addi %mul3A_301, %add3A_302 : i32
            %get3A_304 = arith.index_cast %add3A_303 : i32 to index
            %get3A_305 = arith.index_cast %mul3A_22 : i32 to index
            %get3A_306 = tpu.vector_load %arg9[%get3A_304, %get3A_305] {strides = array<i32>} : memref<50x128xi32, #tpu.memory_space<vmem>>, vector<16xi32>,
            %mul3A_307 = arith.constant 21 : i32
            %mul3A_308 = vector.broadcast %mul3A_307 : i32 to vector<16xi32>
            %mul3A_309 = arith.muli %get3A_306, %mul3A_308 : vector<16xi32>
            %add3A_310 = arith.constant 0 : i32
            %add3A_311 = vector.broadcast %add3A_310 : i32 to vector<16xi32>
            %add3A_312 = arith.addi %mul3A_309, %add3A_311 : vector<16xi32>
            %gather3A_313 = tpu.vector_load_idx %arg8[%add3A_312] : memref<105000xf32, #tpu.memory_space<vmem>>[vector<16xi32>], vector<16xf32>,
            %add3A_314 = arith.addf %add3A_204, %gather3A_313 : vector<16xf32>
            %add3A_315 = arith.constant 1 : i32
            %add3A_316 = vector.broadcast %add3A_315 : i32 to vector<16xi32>
            %add3A_317 = arith.addi %mul3A_309, %add3A_316 : vector<16xi32>
            %gather3A_318 = tpu.vector_load_idx %arg8[%add3A_317] : memref<105000xf32, #tpu.memory_space<vmem>>[vector<16xi32>], vector<16xf32>,
            %add3A_319 = arith.addf %add3A_209, %gather3A_318 : vector<16xf32>
            %add3A_320 = arith.constant 2 : i32
            %add3A_321 = vector.broadcast %add3A_320 : i32 to vector<16xi32>
            %add3A_322 = arith.addi %mul3A_309, %add3A_321 : vector<16xi32>
            %gather3A_323 = tpu.vector_load_idx %arg8[%add3A_322] : memref<105000xf32, #tpu.memory_space<vmem>>[vector<16xi32>], vector<16xf32>,
            %add3A_324 = arith.addf %add3A_214, %gather3A_323 : vector<16xf32>
            %add3A_325 = arith.constant 3 : i32
            %add3A_326 = vector.broadcast %add3A_325 : i32 to vector<16xi32>
            %add3A_327 = arith.addi %mul3A_309, %add3A_326 : vector<16xi32>
            %gather3A_328 = tpu.vector_load_idx %arg8[%add3A_327] : memref<105000xf32, #tpu.memory_space<vmem>>[vector<16xi32>], vector<16xf32>,
            %add3A_329 = arith.addf %add3A_219, %gather3A_328 : vector<16xf32>
            %add3A_330 = arith.constant 4 : i32
            %add3A_331 = vector.broadcast %add3A_330 : i32 to vector<16xi32>
            %add3A_332 = arith.addi %mul3A_309, %add3A_331 : vector<16xi32>
            %gather3A_333 = tpu.vector_load_idx %arg8[%add3A_332] : memref<105000xf32, #tpu.memory_space<vmem>>[vector<16xi32>], vector<16xf32>,
            %add3A_334 = arith.addf %add3A_224, %gather3A_333 : vector<16xf32>
            %add3A_335 = arith.constant 5 : i32
            %add3A_336 = vector.broadcast %add3A_335 : i32 to vector<16xi32>
            %add3A_337 = arith.addi %mul3A_309, %add3A_336 : vector<16xi32>
            %gather3A_338 = tpu.vector_load_idx %arg8[%add3A_337] : memref<105000xf32, #tpu.memory_space<vmem>>[vector<16xi32>], vector<16xf32>,
            %add3A_339 = arith.addf %add3A_229, %gather3A_338 : vector<16xf32>
            %add3A_340 = arith.constant 6 : i32
            %add3A_341 = vector.broadcast %add3A_340 : i32 to vector<16xi32>
            %add3A_342 = arith.addi %mul3A_309, %add3A_341 : vector<16xi32>
            %gather3A_343 = tpu.vector_load_idx %arg8[%add3A_342] : memref<105000xf32, #tpu.memory_space<vmem>>[vector<16xi32>], vector<16xf32>,
            %add3A_344 = arith.addf %add3A_234, %gather3A_343 : vector<16xf32>
            %add3A_345 = arith.constant 7 : i32
            %add3A_346 = vector.broadcast %add3A_345 : i32 to vector<16xi32>
            %add3A_347 = arith.addi %mul3A_309, %add3A_346 : vector<16xi32>
            %gather3A_348 = tpu.vector_load_idx %arg8[%add3A_347] : memref<105000xf32, #tpu.memory_space<vmem>>[vector<16xi32>], vector<16xf32>,
            %add3A_349 = arith.addf %add3A_239, %gather3A_348 : vector<16xf32>
            %add3A_350 = arith.constant 8 : i32
            %add3A_351 = vector.broadcast %add3A_350 : i32 to vector<16xi32>
            %add3A_352 = arith.addi %mul3A_309, %add3A_351 : vector<16xi32>
            %gather3A_353 = tpu.vector_load_idx %arg8[%add3A_352] : memref<105000xf32, #tpu.memory_space<vmem>>[vector<16xi32>], vector<16xf32>,
            %add3A_354 = arith.addf %add3A_244, %gather3A_353 : vector<16xf32>
            %add3A_355 = arith.constant 9 : i32
            %add3A_356 = vector.broadcast %add3A_355 : i32 to vector<16xi32>
            %add3A_357 = arith.addi %mul3A_309, %add3A_356 : vector<16xi32>
            %gather3A_358 = tpu.vector_load_idx %arg8[%add3A_357] : memref<105000xf32, #tpu.memory_space<vmem>>[vector<16xi32>], vector<16xf32>,
            %add3A_359 = arith.addf %add3A_249, %gather3A_358 : vector<16xf32>
            %add3A_360 = arith.constant 10 : i32
            %add3A_361 = vector.broadcast %add3A_360 : i32 to vector<16xi32>
            %add3A_362 = arith.addi %mul3A_309, %add3A_361 : vector<16xi32>
            %gather3A_363 = tpu.vector_load_idx %arg8[%add3A_362] : memref<105000xf32, #tpu.memory_space<vmem>>[vector<16xi32>], vector<16xf32>,
            %add3A_364 = arith.addf %add3A_254, %gather3A_363 : vector<16xf32>
            %add3A_365 = arith.constant 11 : i32
            %add3A_366 = vector.broadcast %add3A_365 : i32 to vector<16xi32>
            %add3A_367 = arith.addi %mul3A_309, %add3A_366 : vector<16xi32>
            %gather3A_368 = tpu.vector_load_idx %arg8[%add3A_367] : memref<105000xf32, #tpu.memory_space<vmem>>[vector<16xi32>], vector<16xf32>,
            %add3A_369 = arith.addf %add3A_259, %gather3A_368 : vector<16xf32>
            %add3A_370 = arith.constant 12 : i32
            %add3A_371 = vector.broadcast %add3A_370 : i32 to vector<16xi32>
            %add3A_372 = arith.addi %mul3A_309, %add3A_371 : vector<16xi32>
            %gather3A_373 = tpu.vector_load_idx %arg8[%add3A_372] : memref<105000xf32, #tpu.memory_space<vmem>>[vector<16xi32>], vector<16xf32>,
            %add3A_374 = arith.addf %add3A_264, %gather3A_373 : vector<16xf32>
            %add3A_375 = arith.constant 13 : i32
            %add3A_376 = vector.broadcast %add3A_375 : i32 to vector<16xi32>
            %add3A_377 = arith.addi %mul3A_309, %add3A_376 : vector<16xi32>
            %gather3A_378 = tpu.vector_load_idx %arg8[%add3A_377] : memref<105000xf32, #tpu.memory_space<vmem>>[vector<16xi32>], vector<16xf32>,
            %add3A_379 = arith.addf %add3A_269, %gather3A_378 : vector<16xf32>
            %add3A_380 = arith.constant 14 : i32
            %add3A_381 = vector.broadcast %add3A_380 : i32 to vector<16xi32>
            %add3A_382 = arith.addi %mul3A_309, %add3A_381 : vector<16xi32>
            %gather3A_383 = tpu.vector_load_idx %arg8[%add3A_382] : memref<105000xf32, #tpu.memory_space<vmem>>[vector<16xi32>], vector<16xf32>,
            %add3A_384 = arith.addf %add3A_274, %gather3A_383 : vector<16xf32>
            %add3A_385 = arith.constant 15 : i32
            %add3A_386 = vector.broadcast %add3A_385 : i32 to vector<16xi32>
            %add3A_387 = arith.addi %mul3A_309, %add3A_386 : vector<16xi32>
            %gather3A_388 = tpu.vector_load_idx %arg8[%add3A_387] : memref<105000xf32, #tpu.memory_space<vmem>>[vector<16xi32>], vector<16xf32>,
            %add3A_389 = arith.addf %add3A_279, %gather3A_388 : vector<16xf32>
            %add3A_390 = arith.constant 16 : i32
            %add3A_391 = vector.broadcast %add3A_390 : i32 to vector<16xi32>
            %add3A_392 = arith.addi %mul3A_309, %add3A_391 : vector<16xi32>
            %gather3A_393 = tpu.vector_load_idx %arg8[%add3A_392] : memref<105000xf32, #tpu.memory_space<vmem>>[vector<16xi32>], vector<16xf32>,
            %add3A_394 = arith.addf %add3A_284, %gather3A_393 : vector<16xf32>
            %add3A_395 = arith.constant 17 : i32
            %add3A_396 = vector.broadcast %add3A_395 : i32 to vector<16xi32>
            %add3A_397 = arith.addi %mul3A_309, %add3A_396 : vector<16xi32>
            %gather3A_398 = tpu.vector_load_idx %arg8[%add3A_397] : memref<105000xf32, #tpu.memory_space<vmem>>[vector<16xi32>], vector<16xf32>,
            %add3A_399 = arith.addf %add3A_289, %gather3A_398 : vector<16xf32>
            %add3A_400 = arith.constant 18 : i32
            %add3A_401 = vector.broadcast %add3A_400 : i32 to vector<16xi32>
            %add3A_402 = arith.addi %mul3A_309, %add3A_401 : vector<16xi32>
            %gather3A_403 = tpu.vector_load_idx %arg8[%add3A_402] : memref<105000xf32, #tpu.memory_space<vmem>>[vector<16xi32>], vector<16xf32>,
            %add3A_404 = arith.addf %add3A_294, %gather3A_403 : vector<16xf32>
            %add3A_405 = arith.constant 19 : i32
            %add3A_406 = vector.broadcast %add3A_405 : i32 to vector<16xi32>
            %add3A_407 = arith.addi %mul3A_309, %add3A_406 : vector<16xi32>
            %gather3A_408 = tpu.vector_load_idx %arg8[%add3A_407] : memref<105000xf32, #tpu.memory_space<vmem>>[vector<16xi32>], vector<16xf32>,
            %add3A_409 = arith.addf %add3A_299, %gather3A_408 : vector<16xf32>
            scf.yield %add3A_314, %add3A_319, %add3A_324, %add3A_329, %add3A_334, %add3A_339, %add3A_344, %add3A_349, %add3A_354, %add3A_359, %add3A_364, %add3A_369, %add3A_374, %add3A_379, %add3A_384, %add3A_389, %add3A_394, %add3A_399, %add3A_404, %add3A_409 : vector<16xf32>, vector<16xf32>, vector<16xf32>, vector<16xf32>, vector<16xf32>, vector<16xf32>, vector<16xf32>, vector<16xf32>, vector<16xf32>, vector<16xf32>, vector<16xf32>, vector<16xf32>, vector<16xf32>, vector<16xf32>, vector<16xf32>, vector<16xf32>, vector<16xf32>, vector<16xf32>, vector<16xf32>, vector<16xf32>
          }
          %scan3A_67 = arith.constant 25 : i32
          %swap3A = arith.constant 0 : i32
          %swap3A_68 = arith.index_cast %swap3A : i32 to index
          %swap3A_69 = arith.index_cast %mul3A_22 : i32 to index
          %swap3A_70 = tpu.vector_load %arg10[%swap3A_68, %swap3A_69] {strides = array<i32>} : memref<24x128xf32, #tpu.memory_space<vmem>>, vector<16xf32>,
          tpu.vector_store %arg10[%swap3A_68, %swap3A_69], %scan3A_66#0 {strides = array<i32>} : memref<24x128xf32, #tpu.memory_space<vmem>>, vector<16xf32>,
          %swap3A_71 = arith.constant 1 : i32
          %swap3A_72 = arith.index_cast %swap3A_71 : i32 to index
          %swap3A_73 = arith.index_cast %mul3A_22 : i32 to index
          %swap3A_74 = tpu.vector_load %arg10[%swap3A_72, %swap3A_73] {strides = array<i32>} : memref<24x128xf32, #tpu.memory_space<vmem>>, vector<16xf32>,
          tpu.vector_store %arg10[%swap3A_72, %swap3A_73], %scan3A_66#1 {strides = array<i32>} : memref<24x128xf32, #tpu.memory_space<vmem>>, vector<16xf32>,
          %swap3A_75 = arith.constant 2 : i32
          %swap3A_76 = arith.index_cast %swap3A_75 : i32 to index
          %swap3A_77 = arith.index_cast %mul3A_22 : i32 to index
          %swap3A_78 = tpu.vector_load %arg10[%swap3A_76, %swap3A_77] {strides = array<i32>} : memref<24x128xf32, #tpu.memory_space<vmem>>, vector<16xf32>,
          tpu.vector_store %arg10[%swap3A_76, %swap3A_77], %scan3A_66#2 {strides = array<i32>} : memref<24x128xf32, #tpu.memory_space<vmem>>, vector<16xf32>,
          %swap3A_79 = arith.constant 3 : i32
          %swap3A_80 = arith.index_cast %swap3A_79 : i32 to index
          %swap3A_81 = arith.index_cast %mul3A_22 : i32 to index
          %swap3A_82 = tpu.vector_load %arg10[%swap3A_80, %swap3A_81] {strides = array<i32>} : memref<24x128xf32, #tpu.memory_space<vmem>>, vector<16xf32>,
          tpu.vector_store %arg10[%swap3A_80, %swap3A_81], %scan3A_66#3 {strides = array<i32>} : memref<24x128xf32, #tpu.memory_space<vmem>>, vector<16xf32>,
          %swap3A_83 = arith.constant 4 : i32
          %swap3A_84 = arith.index_cast %swap3A_83 : i32 to index
          %swap3A_85 = arith.index_cast %mul3A_22 : i32 to index
          %swap3A_86 = tpu.vector_load %arg10[%swap3A_84, %swap3A_85] {strides = array<i32>} : memref<24x128xf32, #tpu.memory_space<vmem>>, vector<16xf32>,
          tpu.vector_store %arg10[%swap3A_84, %swap3A_85], %scan3A_66#4 {strides = array<i32>} : memref<24x128xf32, #tpu.memory_space<vmem>>, vector<16xf32>,
          %swap3A_87 = arith.constant 5 : i32
          %swap3A_88 = arith.index_cast %swap3A_87 : i32 to index
          %swap3A_89 = arith.index_cast %mul3A_22 : i32 to index
          %swap3A_90 = tpu.vector_load %arg10[%swap3A_88, %swap3A_89] {strides = array<i32>} : memref<24x128xf32, #tpu.memory_space<vmem>>, vector<16xf32>,
          tpu.vector_store %arg10[%swap3A_88, %swap3A_89], %scan3A_66#5 {strides = array<i32>} : memref<24x128xf32, #tpu.memory_space<vmem>>, vector<16xf32>,
          %swap3A_91 = arith.constant 6 : i32
          %swap3A_92 = arith.index_cast %swap3A_91 : i32 to index
          %swap3A_93 = arith.index_cast %mul3A_22 : i32 to index
          %swap3A_94 = tpu.vector_load %arg10[%swap3A_92, %swap3A_93] {strides = array<i32>} : memref<24x128xf32, #tpu.memory_space<vmem>>, vector<16xf32>,
          tpu.vector_store %arg10[%swap3A_92, %swap3A_93], %scan3A_66#6 {strides = array<i32>} : memref<24x128xf32, #tpu.memory_space<vmem>>, vector<16xf32>,
          %swap3A_95 = arith.constant 7 : i32
          %swap3A_96 = arith.index_cast %swap3A_95 : i32 to index
          %swap3A_97 = arith.index_cast %mul3A_22 : i32 to index
          %swap3A_98 = tpu.vector_load %arg10[%swap3A_96, %swap3A_97] {strides = array<i32>} : memref<24x128xf32, #tpu.memory_space<vmem>>, vector<16xf32>,
          tpu.vector_store %arg10[%swap3A_96, %swap3A_97], %scan3A_66#7 {strides = array<i32>} : memref<24x128xf32, #tpu.memory_space<vmem>>, vector<16xf32>,
          %swap3A_99 = arith.constant 8 : i32
          %swap3A_100 = arith.index_cast %swap3A_99 : i32 to index
          %swap3A_101 = arith.index_cast %mul3A_22 : i32 to index
          %swap3A_102 = tpu.vector_load %arg10[%swap3A_100, %swap3A_101] {strides = array<i32>} : memref<24x128xf32, #tpu.memory_space<vmem>>, vector<16xf32>,
          tpu.vector_store %arg10[%swap3A_100, %swap3A_101], %scan3A_66#8 {strides = array<i32>} : memref<24x128xf32, #tpu.memory_space<vmem>>, vector<16xf32>,
          %swap3A_103 = arith.constant 9 : i32
          %swap3A_104 = arith.index_cast %swap3A_103 : i32 to index
          %swap3A_105 = arith.index_cast %mul3A_22 : i32 to index
          %swap3A_106 = tpu.vector_load %arg10[%swap3A_104, %swap3A_105] {strides = array<i32>} : memref<24x128xf32, #tpu.memory_space<vmem>>, vector<16xf32>,
          tpu.vector_store %arg10[%swap3A_104, %swap3A_105], %scan3A_66#9 {strides = array<i32>} : memref<24x128xf32, #tpu.memory_space<vmem>>, vector<16xf32>,
          %swap3A_107 = arith.constant 10 : i32
          %swap3A_108 = arith.index_cast %swap3A_107 : i32 to index
          %swap3A_109 = arith.index_cast %mul3A_22 : i32 to index
          %swap3A_110 = tpu.vector_load %arg10[%swap3A_108, %swap3A_109] {strides = array<i32>} : memref<24x128xf32, #tpu.memory_space<vmem>>, vector<16xf32>,
          tpu.vector_store %arg10[%swap3A_108, %swap3A_109], %scan3A_66#10 {strides = array<i32>} : memref<24x128xf32, #tpu.memory_space<vmem>>, vector<16xf32>,
          %swap3A_111 = arith.constant 11 : i32
          %swap3A_112 = arith.index_cast %swap3A_111 : i32 to index
          %swap3A_113 = arith.index_cast %mul3A_22 : i32 to index
          %swap3A_114 = tpu.vector_load %arg10[%swap3A_112, %swap3A_113] {strides = array<i32>} : memref<24x128xf32, #tpu.memory_space<vmem>>, vector<16xf32>,
          tpu.vector_store %arg10[%swap3A_112, %swap3A_113], %scan3A_66#11 {strides = array<i32>} : memref<24x128xf32, #tpu.memory_space<vmem>>, vector<16xf32>,
          %swap3A_115 = arith.constant 12 : i32
          %swap3A_116 = arith.index_cast %swap3A_115 : i32 to index
          %swap3A_117 = arith.index_cast %mul3A_22 : i32 to index
          %swap3A_118 = tpu.vector_load %arg10[%swap3A_116, %swap3A_117] {strides = array<i32>} : memref<24x128xf32, #tpu.memory_space<vmem>>, vector<16xf32>,
          tpu.vector_store %arg10[%swap3A_116, %swap3A_117], %scan3A_66#12 {strides = array<i32>} : memref<24x128xf32, #tpu.memory_space<vmem>>, vector<16xf32>,
          %swap3A_119 = arith.constant 13 : i32
          %swap3A_120 = arith.index_cast %swap3A_119 : i32 to index
          %swap3A_121 = arith.index_cast %mul3A_22 : i32 to index
          %swap3A_122 = tpu.vector_load %arg10[%swap3A_120, %swap3A_121] {strides = array<i32>} : memref<24x128xf32, #tpu.memory_space<vmem>>, vector<16xf32>,
          tpu.vector_store %arg10[%swap3A_120, %swap3A_121], %scan3A_66#13 {strides = array<i32>} : memref<24x128xf32, #tpu.memory_space<vmem>>, vector<16xf32>,
          %swap3A_123 = arith.constant 14 : i32
          %swap3A_124 = arith.index_cast %swap3A_123 : i32 to index
          %swap3A_125 = arith.index_cast %mul3A_22 : i32 to index
          %swap3A_126 = tpu.vector_load %arg10[%swap3A_124, %swap3A_125] {strides = array<i32>} : memref<24x128xf32, #tpu.memory_space<vmem>>, vector<16xf32>,
          tpu.vector_store %arg10[%swap3A_124, %swap3A_125], %scan3A_66#14 {strides = array<i32>} : memref<24x128xf32, #tpu.memory_space<vmem>>, vector<16xf32>,
          %swap3A_127 = arith.constant 15 : i32
          %swap3A_128 = arith.index_cast %swap3A_127 : i32 to index
          %swap3A_129 = arith.index_cast %mul3A_22 : i32 to index
          %swap3A_130 = tpu.vector_load %arg10[%swap3A_128, %swap3A_129] {strides = array<i32>} : memref<24x128xf32, #tpu.memory_space<vmem>>, vector<16xf32>,
          tpu.vector_store %arg10[%swap3A_128, %swap3A_129], %scan3A_66#15 {strides = array<i32>} : memref<24x128xf32, #tpu.memory_space<vmem>>, vector<16xf32>,
          %swap3A_131 = arith.constant 16 : i32
          %swap3A_132 = arith.index_cast %swap3A_131 : i32 to index
          %swap3A_133 = arith.index_cast %mul3A_22 : i32 to index
          %swap3A_134 = tpu.vector_load %arg10[%swap3A_132, %swap3A_133] {strides = array<i32>} : memref<24x128xf32, #tpu.memory_space<vmem>>, vector<16xf32>,
          tpu.vector_store %arg10[%swap3A_132, %swap3A_133], %scan3A_66#16 {strides = array<i32>} : memref<24x128xf32, #tpu.memory_space<vmem>>, vector<16xf32>,
          %swap3A_135 = arith.constant 17 : i32
          %swap3A_136 = arith.index_cast %swap3A_135 : i32 to index
          %swap3A_137 = arith.index_cast %mul3A_22 : i32 to index
          %swap3A_138 = tpu.vector_load %arg10[%swap3A_136, %swap3A_137] {strides = array<i32>} : memref<24x128xf32, #tpu.memory_space<vmem>>, vector<16xf32>,
          tpu.vector_store %arg10[%swap3A_136, %swap3A_137], %scan3A_66#17 {strides = array<i32>} : memref<24x128xf32, #tpu.memory_space<vmem>>, vector<16xf32>,
          %swap3A_139 = arith.constant 18 : i32
          %swap3A_140 = arith.index_cast %swap3A_139 : i32 to index
          %swap3A_141 = arith.index_cast %mul3A_22 : i32 to index
          %swap3A_142 = tpu.vector_load %arg10[%swap3A_140, %swap3A_141] {strides = array<i32>} : memref<24x128xf32, #tpu.memory_space<vmem>>, vector<16xf32>,
          tpu.vector_store %arg10[%swap3A_140, %swap3A_141], %scan3A_66#18 {strides = array<i32>} : memref<24x128xf32, #tpu.memory_space<vmem>>, vector<16xf32>,
          %swap3A_143 = arith.constant 19 : i32
          %swap3A_144 = arith.index_cast %swap3A_143 : i32 to index
          %swap3A_145 = arith.index_cast %mul3A_22 : i32 to index
          %swap3A_146 = tpu.vector_load %arg10[%swap3A_144, %swap3A_145] {strides = array<i32>} : memref<24x128xf32, #tpu.memory_space<vmem>>, vector<16xf32>,
          tpu.vector_store %arg10[%swap3A_144, %swap3A_145], %scan3A_66#19 {strides = array<i32>} : memref<24x128xf32, #tpu.memory_space<vmem>>, vector<16xf32>,
          %broadcast_in_dim3A_147 = arith.constant 0.000000e+00 : f32
          %broadcast_in_dim3A_148 = vector.broadcast %broadcast_in_dim3A_147 : f32 to vector<16xf32>
          %swap3A_149 = arith.constant 20 : i32
          %swap3A_150 = arith.index_cast %swap3A_149 : i32 to index
          %swap3A_151 = arith.index_cast %mul3A_22 : i32 to index
          %swap3A_152 = tpu.vector_load %arg10[%swap3A_150, %swap3A_151] {strides = array<i32>} : memref<24x128xf32, #tpu.memory_space<vmem>>, vector<16xf32>,
          tpu.vector_store %arg10[%swap3A_150, %swap3A_151], %broadcast_in_dim3A_148 {strides = array<i32>} : memref<24x128xf32, #tpu.memory_space<vmem>>, vector<16xf32>,
          %broadcast_in_dim3A_153 = arith.constant 0.000000e+00 : f32
          %broadcast_in_dim3A_154 = vector.broadcast %broadcast_in_dim3A_153 : f32 to vector<16xf32>
          %swap3A_155 = arith.constant 21 : i32
          %swap3A_156 = arith.index_cast %swap3A_155 : i32 to index
          %swap3A_157 = arith.index_cast %mul3A_22 : i32 to index
          %swap3A_158 = tpu.vector_load %arg10[%swap3A_156, %swap3A_157] {strides = array<i32>} : memref<24x128xf32, #tpu.memory_space<vmem>>, vector<16xf32>,
          tpu.vector_store %arg10[%swap3A_156, %swap3A_157], %broadcast_in_dim3A_154 {strides = array<i32>} : memref<24x128xf32, #tpu.memory_space<vmem>>, vector<16xf32>,
          %broadcast_in_dim3A_159 = arith.constant 0.000000e+00 : f32
          %broadcast_in_dim3A_160 = vector.broadcast %broadcast_in_dim3A_159 : f32 to vector<16xf32>
          %swap3A_161 = arith.constant 22 : i32
          %swap3A_162 = arith.index_cast %swap3A_161 : i32 to index
          %swap3A_163 = arith.index_cast %mul3A_22 : i32 to index
          %swap3A_164 = tpu.vector_load %arg10[%swap3A_162, %swap3A_163] {strides = array<i32>} : memref<24x128xf32, #tpu.memory_space<vmem>>, vector<16xf32>,
          tpu.vector_store %arg10[%swap3A_162, %swap3A_163], %broadcast_in_dim3A_160 {strides = array<i32>} : memref<24x128xf32, #tpu.memory_space<vmem>>, vector<16xf32>,
          %broadcast_in_dim3A_165 = arith.constant 0.000000e+00 : f32
          %broadcast_in_dim3A_166 = vector.broadcast %broadcast_in_dim3A_165 : f32 to vector<16xf32>
          %swap3A_167 = arith.constant 23 : i32
          %swap3A_168 = arith.index_cast %swap3A_167 : i32 to index
          %swap3A_169 = arith.index_cast %mul3A_22 : i32 to index
          %swap3A_170 = tpu.vector_load %arg10[%swap3A_168, %swap3A_169] {strides = array<i32>} : memref<24x128xf32, #tpu.memory_space<vmem>>, vector<16xf32>,
          tpu.vector_store %arg10[%swap3A_168, %swap3A_169], %broadcast_in_dim3A_166 {strides = array<i32>} : memref<24x128xf32, #tpu.memory_space<vmem>>, vector<16xf32>,
        }
        %scan3A_19 = arith.constant 8 : i32
        "tpu.region"() ({
          %run_scoped3A = tpu.sem_alloc : memref<!tpu.dma_semaphore, #tpu.memory_space<semaphore_mem>>
          %dma_start3A = arith.constant 0 : i32
          %dma_start3A_20 = arith.constant 0 : i32
          %dma_start3A_21 = tpu.memref_slice %arg6[%add3A, %dma_start3A, %dma_start3A_20] : memref<128x24x128xf32, #tpu.memory_space<hbm>> -> memref<1x24x128xf32, #tpu.memory_space<hbm>>
          %dma_start3A_22 = tpu.memref_squeeze %dma_start3A_21 : memref<1x24x128xf32, #tpu.memory_space<hbm>> -> memref<24x128xf32, #tpu.memory_space<hbm>>
          %dma_start3A_23 = arith.constant 0 : i32
          %dma_start3A_24 = arith.constant 0 : i32
          %dma_start3A_25 = tpu.memref_slice %arg6[%add3A, %dma_start3A_23, %dma_start3A_24] : memref<128x24x128xf32, #tpu.memory_space<hbm>> -> memref<1x24x128xf32, #tpu.memory_space<hbm>>
          %dma_start3A_26 = tpu.memref_squeeze %dma_start3A_25 : memref<1x24x128xf32, #tpu.memory_space<hbm>> -> memref<24x128xf32, #tpu.memory_space<hbm>>
          tpu.enqueue_dma source(%arg10 : memref<24x128xf32, #tpu.memory_space<vmem>>) target(%dma_start3A_26 : memref<24x128xf32, #tpu.memory_space<hbm>>) target_semaphore(%run_scoped3A : memref<!tpu.dma_semaphore, #tpu.memory_space<semaphore_mem>>)
          %dma_wait3A = arith.constant 0 : i32
          %dma_wait3A_27 = arith.constant 0 : i32
          %dma_wait3A_28 = tpu.memref_slice %arg6[%add3A, %dma_wait3A, %dma_wait3A_27] : memref<128x24x128xf32, #tpu.memory_space<hbm>> -> memref<1x24x128xf32, #tpu.memory_space<hbm>>
          %dma_wait3A_29 = tpu.memref_squeeze %dma_wait3A_28 : memref<1x24x128xf32, #tpu.memory_space<hbm>> -> memref<24x128xf32, #tpu.memory_space<hbm>>
          %dma_wait3A_30 = arith.constant 0 : i32
          %dma_wait3A_31 = arith.constant 0 : i32
          %dma_wait3A_32 = tpu.memref_slice %arg6[%add3A, %dma_wait3A_30, %dma_wait3A_31] : memref<128x24x128xf32, #tpu.memory_space<hbm>> -> memref<1x24x128xf32, #tpu.memory_space<hbm>>
          %dma_wait3A_33 = tpu.memref_squeeze %dma_wait3A_32 : memref<1x24x128xf32, #tpu.memory_space<hbm>> -> memref<24x128xf32, #tpu.memory_space<hbm>>
          tpu.wait_dma2 semaphore(%run_scoped3A : memref<!tpu.dma_semaphore, #tpu.memory_space<semaphore_mem>>) src(%arg10 : memref<24x128xf32, #tpu.memory_space<vmem>>) dst(%dma_wait3A_33 : memref<24x128xf32, #tpu.memory_space<hbm>>)
          tpu.yield
        }) : () -> ()
      }
      %scan3A_11 = arith.constant 8 : i32
    } else {
    }
    %eq3A_2 = arith.constant 1 : i32
    %eq3A_3 = arith.cmpi eq, %arg0, %eq3A_2 : i32
    %convert_element_type3A_4 = arith.extui %eq3A_3 : i1 to i32
    %cond3A_5 = arith.constant 0 : i32
    %cond3A_6 = arith.cmpi ne, %convert_element_type3A_4, %cond3A_5 : i32
    scf.if %cond3A_6 {
      "tpu.region"() ({
        %run_scoped3A = tpu.sem_alloc : memref<!tpu.dma_semaphore, #tpu.memory_space<semaphore_mem>>
        tpu.enqueue_dma source(%arg3 : memref<105000xf32, #tpu.memory_space<hbm>>) target(%arg8 : memref<105000xf32, #tpu.memory_space<vmem>>) target_semaphore(%run_scoped3A : memref<!tpu.dma_semaphore, #tpu.memory_space<semaphore_mem>>)
        tpu.wait_dma2 semaphore(%run_scoped3A : memref<!tpu.dma_semaphore, #tpu.memory_space<semaphore_mem>>) src(%arg3 : memref<105000xf32, #tpu.memory_space<hbm>>) dst(%arg8 : memref<105000xf32, #tpu.memory_space<vmem>>)
        tpu.yield
      }) : () -> ()
      %scan3A = arith.constant 0 : i32
      %scan3A_7 = arith.constant 0 : i32
      %scan3A_8 = arith.constant 8 : i32
      %scan3A_9 = arith.addi %scan3A_7, %scan3A_8 : i32
      %scan3A_10 = arith.constant 1 : i32
      scf.for %scan3A_12 = %scan3A_7 to %scan3A_9 step %scan3A_10  : i32 {
        %mul3A = arith.constant 8 : i32
        %mul3A_13 = arith.muli %arg1, %mul3A : i32
        %add3A = arith.addi %mul3A_13, %scan3A_12 : i32
        "tpu.region"() ({
          %run_scoped3A = tpu.sem_alloc : memref<!tpu.dma_semaphore, #tpu.memory_space<semaphore_mem>>
          %dma_start3A = arith.constant 0 : i32
          %dma_start3A_20 = arith.constant 0 : i32
          %dma_start3A_21 = tpu.memref_slice %arg5[%add3A, %dma_start3A, %dma_start3A_20] : memref<128x50x128xi32, #tpu.memory_space<hbm>> -> memref<1x50x128xi32, #tpu.memory_space<hbm>>
          %dma_start3A_22 = tpu.memref_squeeze %dma_start3A_21 : memref<1x50x128xi32, #tpu.memory_space<hbm>> -> memref<50x128xi32, #tpu.memory_space<hbm>>
          %dma_start3A_23 = arith.constant 0 : i32
          %dma_start3A_24 = arith.constant 0 : i32
          %dma_start3A_25 = tpu.memref_slice %arg5[%add3A, %dma_start3A_23, %dma_start3A_24] : memref<128x50x128xi32, #tpu.memory_space<hbm>> -> memref<1x50x128xi32, #tpu.memory_space<hbm>>
          %dma_start3A_26 = tpu.memref_squeeze %dma_start3A_25 : memref<1x50x128xi32, #tpu.memory_space<hbm>> -> memref<50x128xi32, #tpu.memory_space<hbm>>
          tpu.enqueue_dma source(%dma_start3A_26 : memref<50x128xi32, #tpu.memory_space<hbm>>) target(%arg9 : memref<50x128xi32, #tpu.memory_space<vmem>>) target_semaphore(%run_scoped3A : memref<!tpu.dma_semaphore, #tpu.memory_space<semaphore_mem>>)
          %dma_wait3A = arith.constant 0 : i32
          %dma_wait3A_27 = arith.constant 0 : i32
          %dma_wait3A_28 = tpu.memref_slice %arg5[%add3A, %dma_wait3A, %dma_wait3A_27] : memref<128x50x128xi32, #tpu.memory_space<hbm>> -> memref<1x50x128xi32, #tpu.memory_space<hbm>>
          %dma_wait3A_29 = tpu.memref_squeeze %dma_wait3A_28 : memref<1x50x128xi32, #tpu.memory_space<hbm>> -> memref<50x128xi32, #tpu.memory_space<hbm>>
          %dma_wait3A_30 = arith.constant 0 : i32
          %dma_wait3A_31 = arith.constant 0 : i32
          %dma_wait3A_32 = tpu.memref_slice %arg5[%add3A, %dma_wait3A_30, %dma_wait3A_31] : memref<128x50x128xi32, #tpu.memory_space<hbm>> -> memref<1x50x128xi32, #tpu.memory_space<hbm>>
          %dma_wait3A_33 = tpu.memref_squeeze %dma_wait3A_32 : memref<1x50x128xi32, #tpu.memory_space<hbm>> -> memref<50x128xi32, #tpu.memory_space<hbm>>
          tpu.wait_dma2 semaphore(%run_scoped3A : memref<!tpu.dma_semaphore, #tpu.memory_space<semaphore_mem>>) src(%dma_wait3A_33 : memref<50x128xi32, #tpu.memory_space<hbm>>) dst(%arg9 : memref<50x128xi32, #tpu.memory_space<vmem>>)
          tpu.yield
        }) : () -> ()
        %scan3A_14 = arith.constant 0 : i32
        %scan3A_15 = arith.constant 0 : i32
        %scan3A_16 = arith.constant 8 : i32
        %scan3A_17 = arith.addi %scan3A_15, %scan3A_16 : i32
        %scan3A_18 = arith.constant 1 : i32
        scf.for %scan3A_20 = %scan3A_15 to %scan3A_17 step %scan3A_18  : i32 {
          %mul3A_21 = arith.constant 16 : i32
          %mul3A_22 = arith.muli %scan3A_20, %mul3A_21 : i32
          %broadcast_in_dim3A = arith.constant 0.000000e+00 : f32
          %broadcast_in_dim3A_23 = vector.broadcast %broadcast_in_dim3A : f32 to vector<16xf32>
          %broadcast_in_dim3A_24 = arith.constant 0.000000e+00 : f32
          %broadcast_in_dim3A_25 = vector.broadcast %broadcast_in_dim3A_24 : f32 to vector<16xf32>
          %broadcast_in_dim3A_26 = arith.constant 0.000000e+00 : f32
          %broadcast_in_dim3A_27 = vector.broadcast %broadcast_in_dim3A_26 : f32 to vector<16xf32>
          %broadcast_in_dim3A_28 = arith.constant 0.000000e+00 : f32
          %broadcast_in_dim3A_29 = vector.broadcast %broadcast_in_dim3A_28 : f32 to vector<16xf32>
          %broadcast_in_dim3A_30 = arith.constant 0.000000e+00 : f32
          %broadcast_in_dim3A_31 = vector.broadcast %broadcast_in_dim3A_30 : f32 to vector<16xf32>
          %broadcast_in_dim3A_32 = arith.constant 0.000000e+00 : f32
          %broadcast_in_dim3A_33 = vector.broadcast %broadcast_in_dim3A_32 : f32 to vector<16xf32>
          %broadcast_in_dim3A_34 = arith.constant 0.000000e+00 : f32
          %broadcast_in_dim3A_35 = vector.broadcast %broadcast_in_dim3A_34 : f32 to vector<16xf32>
          %broadcast_in_dim3A_36 = arith.constant 0.000000e+00 : f32
          %broadcast_in_dim3A_37 = vector.broadcast %broadcast_in_dim3A_36 : f32 to vector<16xf32>
          %broadcast_in_dim3A_38 = arith.constant 0.000000e+00 : f32
          %broadcast_in_dim3A_39 = vector.broadcast %broadcast_in_dim3A_38 : f32 to vector<16xf32>
          %broadcast_in_dim3A_40 = arith.constant 0.000000e+00 : f32
          %broadcast_in_dim3A_41 = vector.broadcast %broadcast_in_dim3A_40 : f32 to vector<16xf32>
          %broadcast_in_dim3A_42 = arith.constant 0.000000e+00 : f32
          %broadcast_in_dim3A_43 = vector.broadcast %broadcast_in_dim3A_42 : f32 to vector<16xf32>
          %broadcast_in_dim3A_44 = arith.constant 0.000000e+00 : f32
          %broadcast_in_dim3A_45 = vector.broadcast %broadcast_in_dim3A_44 : f32 to vector<16xf32>
          %broadcast_in_dim3A_46 = arith.constant 0.000000e+00 : f32
          %broadcast_in_dim3A_47 = vector.broadcast %broadcast_in_dim3A_46 : f32 to vector<16xf32>
          %broadcast_in_dim3A_48 = arith.constant 0.000000e+00 : f32
          %broadcast_in_dim3A_49 = vector.broadcast %broadcast_in_dim3A_48 : f32 to vector<16xf32>
          %broadcast_in_dim3A_50 = arith.constant 0.000000e+00 : f32
          %broadcast_in_dim3A_51 = vector.broadcast %broadcast_in_dim3A_50 : f32 to vector<16xf32>
          %broadcast_in_dim3A_52 = arith.constant 0.000000e+00 : f32
          %broadcast_in_dim3A_53 = vector.broadcast %broadcast_in_dim3A_52 : f32 to vector<16xf32>
          %broadcast_in_dim3A_54 = arith.constant 0.000000e+00 : f32
          %broadcast_in_dim3A_55 = vector.broadcast %broadcast_in_dim3A_54 : f32 to vector<16xf32>
          %broadcast_in_dim3A_56 = arith.constant 0.000000e+00 : f32
          %broadcast_in_dim3A_57 = vector.broadcast %broadcast_in_dim3A_56 : f32 to vector<16xf32>
          %broadcast_in_dim3A_58 = arith.constant 0.000000e+00 : f32
          %broadcast_in_dim3A_59 = vector.broadcast %broadcast_in_dim3A_58 : f32 to vector<16xf32>
          %broadcast_in_dim3A_60 = arith.constant 0.000000e+00 : f32
          %broadcast_in_dim3A_61 = vector.broadcast %broadcast_in_dim3A_60 : f32 to vector<16xf32>
          %scan3A_62 = arith.constant 0 : i32
          %scan3A_63 = arith.constant 25 : i32
          %scan3A_64 = arith.addi %scan3A_62, %scan3A_63 : i32
          %scan3A_65 = arith.constant 1 : i32
          %scan3A_66:20 = scf.for %scan3A_171 = %scan3A_62 to %scan3A_64 step %scan3A_65 iter_args(%scan3A_172 = %broadcast_in_dim3A_23, %scan3A_173 = %broadcast_in_dim3A_25, %scan3A_174 = %broadcast_in_dim3A_27, %scan3A_175 = %broadcast_in_dim3A_29, %scan3A_176 = %broadcast_in_dim3A_31, %scan3A_177 = %broadcast_in_dim3A_33, %scan3A_178 = %broadcast_in_dim3A_35, %scan3A_179 = %broadcast_in_dim3A_37, %scan3A_180 = %broadcast_in_dim3A_39, %scan3A_181 = %broadcast_in_dim3A_41, %scan3A_182 = %broadcast_in_dim3A_43, %scan3A_183 = %broadcast_in_dim3A_45, %scan3A_184 = %broadcast_in_dim3A_47, %scan3A_185 = %broadcast_in_dim3A_49, %scan3A_186 = %broadcast_in_dim3A_51, %scan3A_187 = %broadcast_in_dim3A_53, %scan3A_188 = %broadcast_in_dim3A_55, %scan3A_189 = %broadcast_in_dim3A_57, %scan3A_190 = %broadcast_in_dim3A_59, %scan3A_191 = %broadcast_in_dim3A_61) -> (vector<16xf32>, vector<16xf32>, vector<16xf32>, vector<16xf32>, vector<16xf32>, vector<16xf32>, vector<16xf32>, vector<16xf32>, vector<16xf32>, vector<16xf32>, vector<16xf32>, vector<16xf32>, vector<16xf32>, vector<16xf32>, vector<16xf32>, vector<16xf32>, vector<16xf32>, vector<16xf32>, vector<16xf32>, vector<16xf32>)  : i32 {
            %mul3A_192 = arith.constant 2 : i32
            %mul3A_193 = arith.muli %scan3A_171, %mul3A_192 : i32
            %add3A_194 = arith.constant 0 : i32
            %add3A_195 = arith.addi %mul3A_193, %add3A_194 : i32
            %get3A = arith.index_cast %add3A_195 : i32 to index
            %get3A_196 = arith.index_cast %mul3A_22 : i32 to index
            %get3A_197 = tpu.vector_load %arg9[%get3A, %get3A_196] {strides = array<i32>} : memref<50x128xi32, #tpu.memory_space<vmem>>, vector<16xi32>,
            %mul3A_198 = arith.constant 21 : i32
            %mul3A_199 = vector.broadcast %mul3A_198 : i32 to vector<16xi32>
            %mul3A_200 = arith.muli %get3A_197, %mul3A_199 : vector<16xi32>
            %add3A_201 = arith.constant 0 : i32
            %add3A_202 = vector.broadcast %add3A_201 : i32 to vector<16xi32>
            %add3A_203 = arith.addi %mul3A_200, %add3A_202 : vector<16xi32>
            %gather3A = tpu.vector_load_idx %arg8[%add3A_203] : memref<105000xf32, #tpu.memory_space<vmem>>[vector<16xi32>], vector<16xf32>,
            %add3A_204 = arith.addf %scan3A_172, %gather3A : vector<16xf32>
            %add3A_205 = arith.constant 1 : i32
            %add3A_206 = vector.broadcast %add3A_205 : i32 to vector<16xi32>
            %add3A_207 = arith.addi %mul3A_200, %add3A_206 : vector<16xi32>
            %gather3A_208 = tpu.vector_load_idx %arg8[%add3A_207] : memref<105000xf32, #tpu.memory_space<vmem>>[vector<16xi32>], vector<16xf32>,
            %add3A_209 = arith.addf %scan3A_173, %gather3A_208 : vector<16xf32>
            %add3A_210 = arith.constant 2 : i32
            %add3A_211 = vector.broadcast %add3A_210 : i32 to vector<16xi32>
            %add3A_212 = arith.addi %mul3A_200, %add3A_211 : vector<16xi32>
            %gather3A_213 = tpu.vector_load_idx %arg8[%add3A_212] : memref<105000xf32, #tpu.memory_space<vmem>>[vector<16xi32>], vector<16xf32>,
            %add3A_214 = arith.addf %scan3A_174, %gather3A_213 : vector<16xf32>
            %add3A_215 = arith.constant 3 : i32
            %add3A_216 = vector.broadcast %add3A_215 : i32 to vector<16xi32>
            %add3A_217 = arith.addi %mul3A_200, %add3A_216 : vector<16xi32>
            %gather3A_218 = tpu.vector_load_idx %arg8[%add3A_217] : memref<105000xf32, #tpu.memory_space<vmem>>[vector<16xi32>], vector<16xf32>,
            %add3A_219 = arith.addf %scan3A_175, %gather3A_218 : vector<16xf32>
            %add3A_220 = arith.constant 4 : i32
            %add3A_221 = vector.broadcast %add3A_220 : i32 to vector<16xi32>
            %add3A_222 = arith.addi %mul3A_200, %add3A_221 : vector<16xi32>
            %gather3A_223 = tpu.vector_load_idx %arg8[%add3A_222] : memref<105000xf32, #tpu.memory_space<vmem>>[vector<16xi32>], vector<16xf32>,
            %add3A_224 = arith.addf %scan3A_176, %gather3A_223 : vector<16xf32>
            %add3A_225 = arith.constant 5 : i32
            %add3A_226 = vector.broadcast %add3A_225 : i32 to vector<16xi32>
            %add3A_227 = arith.addi %mul3A_200, %add3A_226 : vector<16xi32>
            %gather3A_228 = tpu.vector_load_idx %arg8[%add3A_227] : memref<105000xf32, #tpu.memory_space<vmem>>[vector<16xi32>], vector<16xf32>,
            %add3A_229 = arith.addf %scan3A_177, %gather3A_228 : vector<16xf32>
            %add3A_230 = arith.constant 6 : i32
            %add3A_231 = vector.broadcast %add3A_230 : i32 to vector<16xi32>
            %add3A_232 = arith.addi %mul3A_200, %add3A_231 : vector<16xi32>
            %gather3A_233 = tpu.vector_load_idx %arg8[%add3A_232] : memref<105000xf32, #tpu.memory_space<vmem>>[vector<16xi32>], vector<16xf32>,
            %add3A_234 = arith.addf %scan3A_178, %gather3A_233 : vector<16xf32>
            %add3A_235 = arith.constant 7 : i32
            %add3A_236 = vector.broadcast %add3A_235 : i32 to vector<16xi32>
            %add3A_237 = arith.addi %mul3A_200, %add3A_236 : vector<16xi32>
            %gather3A_238 = tpu.vector_load_idx %arg8[%add3A_237] : memref<105000xf32, #tpu.memory_space<vmem>>[vector<16xi32>], vector<16xf32>,
            %add3A_239 = arith.addf %scan3A_179, %gather3A_238 : vector<16xf32>
            %add3A_240 = arith.constant 8 : i32
            %add3A_241 = vector.broadcast %add3A_240 : i32 to vector<16xi32>
            %add3A_242 = arith.addi %mul3A_200, %add3A_241 : vector<16xi32>
            %gather3A_243 = tpu.vector_load_idx %arg8[%add3A_242] : memref<105000xf32, #tpu.memory_space<vmem>>[vector<16xi32>], vector<16xf32>,
            %add3A_244 = arith.addf %scan3A_180, %gather3A_243 : vector<16xf32>
            %add3A_245 = arith.constant 9 : i32
            %add3A_246 = vector.broadcast %add3A_245 : i32 to vector<16xi32>
            %add3A_247 = arith.addi %mul3A_200, %add3A_246 : vector<16xi32>
            %gather3A_248 = tpu.vector_load_idx %arg8[%add3A_247] : memref<105000xf32, #tpu.memory_space<vmem>>[vector<16xi32>], vector<16xf32>,
            %add3A_249 = arith.addf %scan3A_181, %gather3A_248 : vector<16xf32>
            %add3A_250 = arith.constant 10 : i32
            %add3A_251 = vector.broadcast %add3A_250 : i32 to vector<16xi32>
            %add3A_252 = arith.addi %mul3A_200, %add3A_251 : vector<16xi32>
            %gather3A_253 = tpu.vector_load_idx %arg8[%add3A_252] : memref<105000xf32, #tpu.memory_space<vmem>>[vector<16xi32>], vector<16xf32>,
            %add3A_254 = arith.addf %scan3A_182, %gather3A_253 : vector<16xf32>
            %add3A_255 = arith.constant 11 : i32
            %add3A_256 = vector.broadcast %add3A_255 : i32 to vector<16xi32>
            %add3A_257 = arith.addi %mul3A_200, %add3A_256 : vector<16xi32>
            %gather3A_258 = tpu.vector_load_idx %arg8[%add3A_257] : memref<105000xf32, #tpu.memory_space<vmem>>[vector<16xi32>], vector<16xf32>,
            %add3A_259 = arith.addf %scan3A_183, %gather3A_258 : vector<16xf32>
            %add3A_260 = arith.constant 12 : i32
            %add3A_261 = vector.broadcast %add3A_260 : i32 to vector<16xi32>
            %add3A_262 = arith.addi %mul3A_200, %add3A_261 : vector<16xi32>
            %gather3A_263 = tpu.vector_load_idx %arg8[%add3A_262] : memref<105000xf32, #tpu.memory_space<vmem>>[vector<16xi32>], vector<16xf32>,
            %add3A_264 = arith.addf %scan3A_184, %gather3A_263 : vector<16xf32>
            %add3A_265 = arith.constant 13 : i32
            %add3A_266 = vector.broadcast %add3A_265 : i32 to vector<16xi32>
            %add3A_267 = arith.addi %mul3A_200, %add3A_266 : vector<16xi32>
            %gather3A_268 = tpu.vector_load_idx %arg8[%add3A_267] : memref<105000xf32, #tpu.memory_space<vmem>>[vector<16xi32>], vector<16xf32>,
            %add3A_269 = arith.addf %scan3A_185, %gather3A_268 : vector<16xf32>
            %add3A_270 = arith.constant 14 : i32
            %add3A_271 = vector.broadcast %add3A_270 : i32 to vector<16xi32>
            %add3A_272 = arith.addi %mul3A_200, %add3A_271 : vector<16xi32>
            %gather3A_273 = tpu.vector_load_idx %arg8[%add3A_272] : memref<105000xf32, #tpu.memory_space<vmem>>[vector<16xi32>], vector<16xf32>,
            %add3A_274 = arith.addf %scan3A_186, %gather3A_273 : vector<16xf32>
            %add3A_275 = arith.constant 15 : i32
            %add3A_276 = vector.broadcast %add3A_275 : i32 to vector<16xi32>
            %add3A_277 = arith.addi %mul3A_200, %add3A_276 : vector<16xi32>
            %gather3A_278 = tpu.vector_load_idx %arg8[%add3A_277] : memref<105000xf32, #tpu.memory_space<vmem>>[vector<16xi32>], vector<16xf32>,
            %add3A_279 = arith.addf %scan3A_187, %gather3A_278 : vector<16xf32>
            %add3A_280 = arith.constant 16 : i32
            %add3A_281 = vector.broadcast %add3A_280 : i32 to vector<16xi32>
            %add3A_282 = arith.addi %mul3A_200, %add3A_281 : vector<16xi32>
            %gather3A_283 = tpu.vector_load_idx %arg8[%add3A_282] : memref<105000xf32, #tpu.memory_space<vmem>>[vector<16xi32>], vector<16xf32>,
            %add3A_284 = arith.addf %scan3A_188, %gather3A_283 : vector<16xf32>
            %add3A_285 = arith.constant 17 : i32
            %add3A_286 = vector.broadcast %add3A_285 : i32 to vector<16xi32>
            %add3A_287 = arith.addi %mul3A_200, %add3A_286 : vector<16xi32>
            %gather3A_288 = tpu.vector_load_idx %arg8[%add3A_287] : memref<105000xf32, #tpu.memory_space<vmem>>[vector<16xi32>], vector<16xf32>,
            %add3A_289 = arith.addf %scan3A_189, %gather3A_288 : vector<16xf32>
            %add3A_290 = arith.constant 18 : i32
            %add3A_291 = vector.broadcast %add3A_290 : i32 to vector<16xi32>
            %add3A_292 = arith.addi %mul3A_200, %add3A_291 : vector<16xi32>
            %gather3A_293 = tpu.vector_load_idx %arg8[%add3A_292] : memref<105000xf32, #tpu.memory_space<vmem>>[vector<16xi32>], vector<16xf32>,
            %add3A_294 = arith.addf %scan3A_190, %gather3A_293 : vector<16xf32>
            %add3A_295 = arith.constant 19 : i32
            %add3A_296 = vector.broadcast %add3A_295 : i32 to vector<16xi32>
            %add3A_297 = arith.addi %mul3A_200, %add3A_296 : vector<16xi32>
            %gather3A_298 = tpu.vector_load_idx %arg8[%add3A_297] : memref<105000xf32, #tpu.memory_space<vmem>>[vector<16xi32>], vector<16xf32>,
            %add3A_299 = arith.addf %scan3A_191, %gather3A_298 : vector<16xf32>
            %mul3A_300 = arith.constant 2 : i32
            %mul3A_301 = arith.muli %scan3A_171, %mul3A_300 : i32
            %add3A_302 = arith.constant 1 : i32
            %add3A_303 = arith.addi %mul3A_301, %add3A_302 : i32
            %get3A_304 = arith.index_cast %add3A_303 : i32 to index
            %get3A_305 = arith.index_cast %mul3A_22 : i32 to index
            %get3A_306 = tpu.vector_load %arg9[%get3A_304, %get3A_305] {strides = array<i32>} : memref<50x128xi32, #tpu.memory_space<vmem>>, vector<16xi32>,
            %mul3A_307 = arith.constant 21 : i32
            %mul3A_308 = vector.broadcast %mul3A_307 : i32 to vector<16xi32>
            %mul3A_309 = arith.muli %get3A_306, %mul3A_308 : vector<16xi32>
            %add3A_310 = arith.constant 0 : i32
            %add3A_311 = vector.broadcast %add3A_310 : i32 to vector<16xi32>
            %add3A_312 = arith.addi %mul3A_309, %add3A_311 : vector<16xi32>
            %gather3A_313 = tpu.vector_load_idx %arg8[%add3A_312] : memref<105000xf32, #tpu.memory_space<vmem>>[vector<16xi32>], vector<16xf32>,
            %add3A_314 = arith.addf %add3A_204, %gather3A_313 : vector<16xf32>
            %add3A_315 = arith.constant 1 : i32
            %add3A_316 = vector.broadcast %add3A_315 : i32 to vector<16xi32>
            %add3A_317 = arith.addi %mul3A_309, %add3A_316 : vector<16xi32>
            %gather3A_318 = tpu.vector_load_idx %arg8[%add3A_317] : memref<105000xf32, #tpu.memory_space<vmem>>[vector<16xi32>], vector<16xf32>,
            %add3A_319 = arith.addf %add3A_209, %gather3A_318 : vector<16xf32>
            %add3A_320 = arith.constant 2 : i32
            %add3A_321 = vector.broadcast %add3A_320 : i32 to vector<16xi32>
            %add3A_322 = arith.addi %mul3A_309, %add3A_321 : vector<16xi32>
            %gather3A_323 = tpu.vector_load_idx %arg8[%add3A_322] : memref<105000xf32, #tpu.memory_space<vmem>>[vector<16xi32>], vector<16xf32>,
            %add3A_324 = arith.addf %add3A_214, %gather3A_323 : vector<16xf32>
            %add3A_325 = arith.constant 3 : i32
            %add3A_326 = vector.broadcast %add3A_325 : i32 to vector<16xi32>
            %add3A_327 = arith.addi %mul3A_309, %add3A_326 : vector<16xi32>
            %gather3A_328 = tpu.vector_load_idx %arg8[%add3A_327] : memref<105000xf32, #tpu.memory_space<vmem>>[vector<16xi32>], vector<16xf32>,
            %add3A_329 = arith.addf %add3A_219, %gather3A_328 : vector<16xf32>
            %add3A_330 = arith.constant 4 : i32
            %add3A_331 = vector.broadcast %add3A_330 : i32 to vector<16xi32>
            %add3A_332 = arith.addi %mul3A_309, %add3A_331 : vector<16xi32>
            %gather3A_333 = tpu.vector_load_idx %arg8[%add3A_332] : memref<105000xf32, #tpu.memory_space<vmem>>[vector<16xi32>], vector<16xf32>,
            %add3A_334 = arith.addf %add3A_224, %gather3A_333 : vector<16xf32>
            %add3A_335 = arith.constant 5 : i32
            %add3A_336 = vector.broadcast %add3A_335 : i32 to vector<16xi32>
            %add3A_337 = arith.addi %mul3A_309, %add3A_336 : vector<16xi32>
            %gather3A_338 = tpu.vector_load_idx %arg8[%add3A_337] : memref<105000xf32, #tpu.memory_space<vmem>>[vector<16xi32>], vector<16xf32>,
            %add3A_339 = arith.addf %add3A_229, %gather3A_338 : vector<16xf32>
            %add3A_340 = arith.constant 6 : i32
            %add3A_341 = vector.broadcast %add3A_340 : i32 to vector<16xi32>
            %add3A_342 = arith.addi %mul3A_309, %add3A_341 : vector<16xi32>
            %gather3A_343 = tpu.vector_load_idx %arg8[%add3A_342] : memref<105000xf32, #tpu.memory_space<vmem>>[vector<16xi32>], vector<16xf32>,
            %add3A_344 = arith.addf %add3A_234, %gather3A_343 : vector<16xf32>
            %add3A_345 = arith.constant 7 : i32
            %add3A_346 = vector.broadcast %add3A_345 : i32 to vector<16xi32>
            %add3A_347 = arith.addi %mul3A_309, %add3A_346 : vector<16xi32>
            %gather3A_348 = tpu.vector_load_idx %arg8[%add3A_347] : memref<105000xf32, #tpu.memory_space<vmem>>[vector<16xi32>], vector<16xf32>,
            %add3A_349 = arith.addf %add3A_239, %gather3A_348 : vector<16xf32>
            %add3A_350 = arith.constant 8 : i32
            %add3A_351 = vector.broadcast %add3A_350 : i32 to vector<16xi32>
            %add3A_352 = arith.addi %mul3A_309, %add3A_351 : vector<16xi32>
            %gather3A_353 = tpu.vector_load_idx %arg8[%add3A_352] : memref<105000xf32, #tpu.memory_space<vmem>>[vector<16xi32>], vector<16xf32>,
            %add3A_354 = arith.addf %add3A_244, %gather3A_353 : vector<16xf32>
            %add3A_355 = arith.constant 9 : i32
            %add3A_356 = vector.broadcast %add3A_355 : i32 to vector<16xi32>
            %add3A_357 = arith.addi %mul3A_309, %add3A_356 : vector<16xi32>
            %gather3A_358 = tpu.vector_load_idx %arg8[%add3A_357] : memref<105000xf32, #tpu.memory_space<vmem>>[vector<16xi32>], vector<16xf32>,
            %add3A_359 = arith.addf %add3A_249, %gather3A_358 : vector<16xf32>
            %add3A_360 = arith.constant 10 : i32
            %add3A_361 = vector.broadcast %add3A_360 : i32 to vector<16xi32>
            %add3A_362 = arith.addi %mul3A_309, %add3A_361 : vector<16xi32>
            %gather3A_363 = tpu.vector_load_idx %arg8[%add3A_362] : memref<105000xf32, #tpu.memory_space<vmem>>[vector<16xi32>], vector<16xf32>,
            %add3A_364 = arith.addf %add3A_254, %gather3A_363 : vector<16xf32>
            %add3A_365 = arith.constant 11 : i32
            %add3A_366 = vector.broadcast %add3A_365 : i32 to vector<16xi32>
            %add3A_367 = arith.addi %mul3A_309, %add3A_366 : vector<16xi32>
            %gather3A_368 = tpu.vector_load_idx %arg8[%add3A_367] : memref<105000xf32, #tpu.memory_space<vmem>>[vector<16xi32>], vector<16xf32>,
            %add3A_369 = arith.addf %add3A_259, %gather3A_368 : vector<16xf32>
            %add3A_370 = arith.constant 12 : i32
            %add3A_371 = vector.broadcast %add3A_370 : i32 to vector<16xi32>
            %add3A_372 = arith.addi %mul3A_309, %add3A_371 : vector<16xi32>
            %gather3A_373 = tpu.vector_load_idx %arg8[%add3A_372] : memref<105000xf32, #tpu.memory_space<vmem>>[vector<16xi32>], vector<16xf32>,
            %add3A_374 = arith.addf %add3A_264, %gather3A_373 : vector<16xf32>
            %add3A_375 = arith.constant 13 : i32
            %add3A_376 = vector.broadcast %add3A_375 : i32 to vector<16xi32>
            %add3A_377 = arith.addi %mul3A_309, %add3A_376 : vector<16xi32>
            %gather3A_378 = tpu.vector_load_idx %arg8[%add3A_377] : memref<105000xf32, #tpu.memory_space<vmem>>[vector<16xi32>], vector<16xf32>,
            %add3A_379 = arith.addf %add3A_269, %gather3A_378 : vector<16xf32>
            %add3A_380 = arith.constant 14 : i32
            %add3A_381 = vector.broadcast %add3A_380 : i32 to vector<16xi32>
            %add3A_382 = arith.addi %mul3A_309, %add3A_381 : vector<16xi32>
            %gather3A_383 = tpu.vector_load_idx %arg8[%add3A_382] : memref<105000xf32, #tpu.memory_space<vmem>>[vector<16xi32>], vector<16xf32>,
            %add3A_384 = arith.addf %add3A_274, %gather3A_383 : vector<16xf32>
            %add3A_385 = arith.constant 15 : i32
            %add3A_386 = vector.broadcast %add3A_385 : i32 to vector<16xi32>
            %add3A_387 = arith.addi %mul3A_309, %add3A_386 : vector<16xi32>
            %gather3A_388 = tpu.vector_load_idx %arg8[%add3A_387] : memref<105000xf32, #tpu.memory_space<vmem>>[vector<16xi32>], vector<16xf32>,
            %add3A_389 = arith.addf %add3A_279, %gather3A_388 : vector<16xf32>
            %add3A_390 = arith.constant 16 : i32
            %add3A_391 = vector.broadcast %add3A_390 : i32 to vector<16xi32>
            %add3A_392 = arith.addi %mul3A_309, %add3A_391 : vector<16xi32>
            %gather3A_393 = tpu.vector_load_idx %arg8[%add3A_392] : memref<105000xf32, #tpu.memory_space<vmem>>[vector<16xi32>], vector<16xf32>,
            %add3A_394 = arith.addf %add3A_284, %gather3A_393 : vector<16xf32>
            %add3A_395 = arith.constant 17 : i32
            %add3A_396 = vector.broadcast %add3A_395 : i32 to vector<16xi32>
            %add3A_397 = arith.addi %mul3A_309, %add3A_396 : vector<16xi32>
            %gather3A_398 = tpu.vector_load_idx %arg8[%add3A_397] : memref<105000xf32, #tpu.memory_space<vmem>>[vector<16xi32>], vector<16xf32>,
            %add3A_399 = arith.addf %add3A_289, %gather3A_398 : vector<16xf32>
            %add3A_400 = arith.constant 18 : i32
            %add3A_401 = vector.broadcast %add3A_400 : i32 to vector<16xi32>
            %add3A_402 = arith.addi %mul3A_309, %add3A_401 : vector<16xi32>
            %gather3A_403 = tpu.vector_load_idx %arg8[%add3A_402] : memref<105000xf32, #tpu.memory_space<vmem>>[vector<16xi32>], vector<16xf32>,
            %add3A_404 = arith.addf %add3A_294, %gather3A_403 : vector<16xf32>
            %add3A_405 = arith.constant 19 : i32
            %add3A_406 = vector.broadcast %add3A_405 : i32 to vector<16xi32>
            %add3A_407 = arith.addi %mul3A_309, %add3A_406 : vector<16xi32>
            %gather3A_408 = tpu.vector_load_idx %arg8[%add3A_407] : memref<105000xf32, #tpu.memory_space<vmem>>[vector<16xi32>], vector<16xf32>,
            %add3A_409 = arith.addf %add3A_299, %gather3A_408 : vector<16xf32>
            scf.yield %add3A_314, %add3A_319, %add3A_324, %add3A_329, %add3A_334, %add3A_339, %add3A_344, %add3A_349, %add3A_354, %add3A_359, %add3A_364, %add3A_369, %add3A_374, %add3A_379, %add3A_384, %add3A_389, %add3A_394, %add3A_399, %add3A_404, %add3A_409 : vector<16xf32>, vector<16xf32>, vector<16xf32>, vector<16xf32>, vector<16xf32>, vector<16xf32>, vector<16xf32>, vector<16xf32>, vector<16xf32>, vector<16xf32>, vector<16xf32>, vector<16xf32>, vector<16xf32>, vector<16xf32>, vector<16xf32>, vector<16xf32>, vector<16xf32>, vector<16xf32>, vector<16xf32>, vector<16xf32>
          }
          %scan3A_67 = arith.constant 25 : i32
          %swap3A = arith.constant 0 : i32
          %swap3A_68 = arith.index_cast %swap3A : i32 to index
          %swap3A_69 = arith.index_cast %mul3A_22 : i32 to index
          %swap3A_70 = tpu.vector_load %arg10[%swap3A_68, %swap3A_69] {strides = array<i32>} : memref<24x128xf32, #tpu.memory_space<vmem>>, vector<16xf32>,
          tpu.vector_store %arg10[%swap3A_68, %swap3A_69], %scan3A_66#0 {strides = array<i32>} : memref<24x128xf32, #tpu.memory_space<vmem>>, vector<16xf32>,
          %swap3A_71 = arith.constant 1 : i32
          %swap3A_72 = arith.index_cast %swap3A_71 : i32 to index
          %swap3A_73 = arith.index_cast %mul3A_22 : i32 to index
          %swap3A_74 = tpu.vector_load %arg10[%swap3A_72, %swap3A_73] {strides = array<i32>} : memref<24x128xf32, #tpu.memory_space<vmem>>, vector<16xf32>,
          tpu.vector_store %arg10[%swap3A_72, %swap3A_73], %scan3A_66#1 {strides = array<i32>} : memref<24x128xf32, #tpu.memory_space<vmem>>, vector<16xf32>,
          %swap3A_75 = arith.constant 2 : i32
          %swap3A_76 = arith.index_cast %swap3A_75 : i32 to index
          %swap3A_77 = arith.index_cast %mul3A_22 : i32 to index
          %swap3A_78 = tpu.vector_load %arg10[%swap3A_76, %swap3A_77] {strides = array<i32>} : memref<24x128xf32, #tpu.memory_space<vmem>>, vector<16xf32>,
          tpu.vector_store %arg10[%swap3A_76, %swap3A_77], %scan3A_66#2 {strides = array<i32>} : memref<24x128xf32, #tpu.memory_space<vmem>>, vector<16xf32>,
          %swap3A_79 = arith.constant 3 : i32
          %swap3A_80 = arith.index_cast %swap3A_79 : i32 to index
          %swap3A_81 = arith.index_cast %mul3A_22 : i32 to index
          %swap3A_82 = tpu.vector_load %arg10[%swap3A_80, %swap3A_81] {strides = array<i32>} : memref<24x128xf32, #tpu.memory_space<vmem>>, vector<16xf32>,
          tpu.vector_store %arg10[%swap3A_80, %swap3A_81], %scan3A_66#3 {strides = array<i32>} : memref<24x128xf32, #tpu.memory_space<vmem>>, vector<16xf32>,
          %swap3A_83 = arith.constant 4 : i32
          %swap3A_84 = arith.index_cast %swap3A_83 : i32 to index
          %swap3A_85 = arith.index_cast %mul3A_22 : i32 to index
          %swap3A_86 = tpu.vector_load %arg10[%swap3A_84, %swap3A_85] {strides = array<i32>} : memref<24x128xf32, #tpu.memory_space<vmem>>, vector<16xf32>,
          tpu.vector_store %arg10[%swap3A_84, %swap3A_85], %scan3A_66#4 {strides = array<i32>} : memref<24x128xf32, #tpu.memory_space<vmem>>, vector<16xf32>,
          %swap3A_87 = arith.constant 5 : i32
          %swap3A_88 = arith.index_cast %swap3A_87 : i32 to index
          %swap3A_89 = arith.index_cast %mul3A_22 : i32 to index
          %swap3A_90 = tpu.vector_load %arg10[%swap3A_88, %swap3A_89] {strides = array<i32>} : memref<24x128xf32, #tpu.memory_space<vmem>>, vector<16xf32>,
          tpu.vector_store %arg10[%swap3A_88, %swap3A_89], %scan3A_66#5 {strides = array<i32>} : memref<24x128xf32, #tpu.memory_space<vmem>>, vector<16xf32>,
          %swap3A_91 = arith.constant 6 : i32
          %swap3A_92 = arith.index_cast %swap3A_91 : i32 to index
          %swap3A_93 = arith.index_cast %mul3A_22 : i32 to index
          %swap3A_94 = tpu.vector_load %arg10[%swap3A_92, %swap3A_93] {strides = array<i32>} : memref<24x128xf32, #tpu.memory_space<vmem>>, vector<16xf32>,
          tpu.vector_store %arg10[%swap3A_92, %swap3A_93], %scan3A_66#6 {strides = array<i32>} : memref<24x128xf32, #tpu.memory_space<vmem>>, vector<16xf32>,
          %swap3A_95 = arith.constant 7 : i32
          %swap3A_96 = arith.index_cast %swap3A_95 : i32 to index
          %swap3A_97 = arith.index_cast %mul3A_22 : i32 to index
          %swap3A_98 = tpu.vector_load %arg10[%swap3A_96, %swap3A_97] {strides = array<i32>} : memref<24x128xf32, #tpu.memory_space<vmem>>, vector<16xf32>,
          tpu.vector_store %arg10[%swap3A_96, %swap3A_97], %scan3A_66#7 {strides = array<i32>} : memref<24x128xf32, #tpu.memory_space<vmem>>, vector<16xf32>,
          %swap3A_99 = arith.constant 8 : i32
          %swap3A_100 = arith.index_cast %swap3A_99 : i32 to index
          %swap3A_101 = arith.index_cast %mul3A_22 : i32 to index
          %swap3A_102 = tpu.vector_load %arg10[%swap3A_100, %swap3A_101] {strides = array<i32>} : memref<24x128xf32, #tpu.memory_space<vmem>>, vector<16xf32>,
          tpu.vector_store %arg10[%swap3A_100, %swap3A_101], %scan3A_66#8 {strides = array<i32>} : memref<24x128xf32, #tpu.memory_space<vmem>>, vector<16xf32>,
          %swap3A_103 = arith.constant 9 : i32
          %swap3A_104 = arith.index_cast %swap3A_103 : i32 to index
          %swap3A_105 = arith.index_cast %mul3A_22 : i32 to index
          %swap3A_106 = tpu.vector_load %arg10[%swap3A_104, %swap3A_105] {strides = array<i32>} : memref<24x128xf32, #tpu.memory_space<vmem>>, vector<16xf32>,
          tpu.vector_store %arg10[%swap3A_104, %swap3A_105], %scan3A_66#9 {strides = array<i32>} : memref<24x128xf32, #tpu.memory_space<vmem>>, vector<16xf32>,
          %swap3A_107 = arith.constant 10 : i32
          %swap3A_108 = arith.index_cast %swap3A_107 : i32 to index
          %swap3A_109 = arith.index_cast %mul3A_22 : i32 to index
          %swap3A_110 = tpu.vector_load %arg10[%swap3A_108, %swap3A_109] {strides = array<i32>} : memref<24x128xf32, #tpu.memory_space<vmem>>, vector<16xf32>,
          tpu.vector_store %arg10[%swap3A_108, %swap3A_109], %scan3A_66#10 {strides = array<i32>} : memref<24x128xf32, #tpu.memory_space<vmem>>, vector<16xf32>,
          %swap3A_111 = arith.constant 11 : i32
          %swap3A_112 = arith.index_cast %swap3A_111 : i32 to index
          %swap3A_113 = arith.index_cast %mul3A_22 : i32 to index
          %swap3A_114 = tpu.vector_load %arg10[%swap3A_112, %swap3A_113] {strides = array<i32>} : memref<24x128xf32, #tpu.memory_space<vmem>>, vector<16xf32>,
          tpu.vector_store %arg10[%swap3A_112, %swap3A_113], %scan3A_66#11 {strides = array<i32>} : memref<24x128xf32, #tpu.memory_space<vmem>>, vector<16xf32>,
          %swap3A_115 = arith.constant 12 : i32
          %swap3A_116 = arith.index_cast %swap3A_115 : i32 to index
          %swap3A_117 = arith.index_cast %mul3A_22 : i32 to index
          %swap3A_118 = tpu.vector_load %arg10[%swap3A_116, %swap3A_117] {strides = array<i32>} : memref<24x128xf32, #tpu.memory_space<vmem>>, vector<16xf32>,
          tpu.vector_store %arg10[%swap3A_116, %swap3A_117], %scan3A_66#12 {strides = array<i32>} : memref<24x128xf32, #tpu.memory_space<vmem>>, vector<16xf32>,
          %swap3A_119 = arith.constant 13 : i32
          %swap3A_120 = arith.index_cast %swap3A_119 : i32 to index
          %swap3A_121 = arith.index_cast %mul3A_22 : i32 to index
          %swap3A_122 = tpu.vector_load %arg10[%swap3A_120, %swap3A_121] {strides = array<i32>} : memref<24x128xf32, #tpu.memory_space<vmem>>, vector<16xf32>,
          tpu.vector_store %arg10[%swap3A_120, %swap3A_121], %scan3A_66#13 {strides = array<i32>} : memref<24x128xf32, #tpu.memory_space<vmem>>, vector<16xf32>,
          %swap3A_123 = arith.constant 14 : i32
          %swap3A_124 = arith.index_cast %swap3A_123 : i32 to index
          %swap3A_125 = arith.index_cast %mul3A_22 : i32 to index
          %swap3A_126 = tpu.vector_load %arg10[%swap3A_124, %swap3A_125] {strides = array<i32>} : memref<24x128xf32, #tpu.memory_space<vmem>>, vector<16xf32>,
          tpu.vector_store %arg10[%swap3A_124, %swap3A_125], %scan3A_66#14 {strides = array<i32>} : memref<24x128xf32, #tpu.memory_space<vmem>>, vector<16xf32>,
          %swap3A_127 = arith.constant 15 : i32
          %swap3A_128 = arith.index_cast %swap3A_127 : i32 to index
          %swap3A_129 = arith.index_cast %mul3A_22 : i32 to index
          %swap3A_130 = tpu.vector_load %arg10[%swap3A_128, %swap3A_129] {strides = array<i32>} : memref<24x128xf32, #tpu.memory_space<vmem>>, vector<16xf32>,
          tpu.vector_store %arg10[%swap3A_128, %swap3A_129], %scan3A_66#15 {strides = array<i32>} : memref<24x128xf32, #tpu.memory_space<vmem>>, vector<16xf32>,
          %swap3A_131 = arith.constant 16 : i32
          %swap3A_132 = arith.index_cast %swap3A_131 : i32 to index
          %swap3A_133 = arith.index_cast %mul3A_22 : i32 to index
          %swap3A_134 = tpu.vector_load %arg10[%swap3A_132, %swap3A_133] {strides = array<i32>} : memref<24x128xf32, #tpu.memory_space<vmem>>, vector<16xf32>,
          tpu.vector_store %arg10[%swap3A_132, %swap3A_133], %scan3A_66#16 {strides = array<i32>} : memref<24x128xf32, #tpu.memory_space<vmem>>, vector<16xf32>,
          %swap3A_135 = arith.constant 17 : i32
          %swap3A_136 = arith.index_cast %swap3A_135 : i32 to index
          %swap3A_137 = arith.index_cast %mul3A_22 : i32 to index
          %swap3A_138 = tpu.vector_load %arg10[%swap3A_136, %swap3A_137] {strides = array<i32>} : memref<24x128xf32, #tpu.memory_space<vmem>>, vector<16xf32>,
          tpu.vector_store %arg10[%swap3A_136, %swap3A_137], %scan3A_66#17 {strides = array<i32>} : memref<24x128xf32, #tpu.memory_space<vmem>>, vector<16xf32>,
          %swap3A_139 = arith.constant 18 : i32
          %swap3A_140 = arith.index_cast %swap3A_139 : i32 to index
          %swap3A_141 = arith.index_cast %mul3A_22 : i32 to index
          %swap3A_142 = tpu.vector_load %arg10[%swap3A_140, %swap3A_141] {strides = array<i32>} : memref<24x128xf32, #tpu.memory_space<vmem>>, vector<16xf32>,
          tpu.vector_store %arg10[%swap3A_140, %swap3A_141], %scan3A_66#18 {strides = array<i32>} : memref<24x128xf32, #tpu.memory_space<vmem>>, vector<16xf32>,
          %swap3A_143 = arith.constant 19 : i32
          %swap3A_144 = arith.index_cast %swap3A_143 : i32 to index
          %swap3A_145 = arith.index_cast %mul3A_22 : i32 to index
          %swap3A_146 = tpu.vector_load %arg10[%swap3A_144, %swap3A_145] {strides = array<i32>} : memref<24x128xf32, #tpu.memory_space<vmem>>, vector<16xf32>,
          tpu.vector_store %arg10[%swap3A_144, %swap3A_145], %scan3A_66#19 {strides = array<i32>} : memref<24x128xf32, #tpu.memory_space<vmem>>, vector<16xf32>,
          %broadcast_in_dim3A_147 = arith.constant 0.000000e+00 : f32
          %broadcast_in_dim3A_148 = vector.broadcast %broadcast_in_dim3A_147 : f32 to vector<16xf32>
          %swap3A_149 = arith.constant 20 : i32
          %swap3A_150 = arith.index_cast %swap3A_149 : i32 to index
          %swap3A_151 = arith.index_cast %mul3A_22 : i32 to index
          %swap3A_152 = tpu.vector_load %arg10[%swap3A_150, %swap3A_151] {strides = array<i32>} : memref<24x128xf32, #tpu.memory_space<vmem>>, vector<16xf32>,
          tpu.vector_store %arg10[%swap3A_150, %swap3A_151], %broadcast_in_dim3A_148 {strides = array<i32>} : memref<24x128xf32, #tpu.memory_space<vmem>>, vector<16xf32>,
          %broadcast_in_dim3A_153 = arith.constant 0.000000e+00 : f32
          %broadcast_in_dim3A_154 = vector.broadcast %broadcast_in_dim3A_153 : f32 to vector<16xf32>
          %swap3A_155 = arith.constant 21 : i32
          %swap3A_156 = arith.index_cast %swap3A_155 : i32 to index
          %swap3A_157 = arith.index_cast %mul3A_22 : i32 to index
          %swap3A_158 = tpu.vector_load %arg10[%swap3A_156, %swap3A_157] {strides = array<i32>} : memref<24x128xf32, #tpu.memory_space<vmem>>, vector<16xf32>,
          tpu.vector_store %arg10[%swap3A_156, %swap3A_157], %broadcast_in_dim3A_154 {strides = array<i32>} : memref<24x128xf32, #tpu.memory_space<vmem>>, vector<16xf32>,
          %broadcast_in_dim3A_159 = arith.constant 0.000000e+00 : f32
          %broadcast_in_dim3A_160 = vector.broadcast %broadcast_in_dim3A_159 : f32 to vector<16xf32>
          %swap3A_161 = arith.constant 22 : i32
          %swap3A_162 = arith.index_cast %swap3A_161 : i32 to index
          %swap3A_163 = arith.index_cast %mul3A_22 : i32 to index
          %swap3A_164 = tpu.vector_load %arg10[%swap3A_162, %swap3A_163] {strides = array<i32>} : memref<24x128xf32, #tpu.memory_space<vmem>>, vector<16xf32>,
          tpu.vector_store %arg10[%swap3A_162, %swap3A_163], %broadcast_in_dim3A_160 {strides = array<i32>} : memref<24x128xf32, #tpu.memory_space<vmem>>, vector<16xf32>,
          %broadcast_in_dim3A_165 = arith.constant 0.000000e+00 : f32
          %broadcast_in_dim3A_166 = vector.broadcast %broadcast_in_dim3A_165 : f32 to vector<16xf32>
          %swap3A_167 = arith.constant 23 : i32
          %swap3A_168 = arith.index_cast %swap3A_167 : i32 to index
          %swap3A_169 = arith.index_cast %mul3A_22 : i32 to index
          %swap3A_170 = tpu.vector_load %arg10[%swap3A_168, %swap3A_169] {strides = array<i32>} : memref<24x128xf32, #tpu.memory_space<vmem>>, vector<16xf32>,
          tpu.vector_store %arg10[%swap3A_168, %swap3A_169], %broadcast_in_dim3A_166 {strides = array<i32>} : memref<24x128xf32, #tpu.memory_space<vmem>>, vector<16xf32>,
        }
        %scan3A_19 = arith.constant 8 : i32
        "tpu.region"() ({
          %run_scoped3A = tpu.sem_alloc : memref<!tpu.dma_semaphore, #tpu.memory_space<semaphore_mem>>
          %dma_start3A = arith.constant 0 : i32
          %dma_start3A_20 = arith.constant 0 : i32
          %dma_start3A_21 = tpu.memref_slice %arg7[%add3A, %dma_start3A, %dma_start3A_20] : memref<128x24x128xf32, #tpu.memory_space<hbm>> -> memref<1x24x128xf32, #tpu.memory_space<hbm>>
          %dma_start3A_22 = tpu.memref_squeeze %dma_start3A_21 : memref<1x24x128xf32, #tpu.memory_space<hbm>> -> memref<24x128xf32, #tpu.memory_space<hbm>>
          %dma_start3A_23 = arith.constant 0 : i32
          %dma_start3A_24 = arith.constant 0 : i32
          %dma_start3A_25 = tpu.memref_slice %arg7[%add3A, %dma_start3A_23, %dma_start3A_24] : memref<128x24x128xf32, #tpu.memory_space<hbm>> -> memref<1x24x128xf32, #tpu.memory_space<hbm>>
          %dma_start3A_26 = tpu.memref_squeeze %dma_start3A_25 : memref<1x24x128xf32, #tpu.memory_space<hbm>> -> memref<24x128xf32, #tpu.memory_space<hbm>>
          tpu.enqueue_dma source(%arg10 : memref<24x128xf32, #tpu.memory_space<vmem>>) target(%dma_start3A_26 : memref<24x128xf32, #tpu.memory_space<hbm>>) target_semaphore(%run_scoped3A : memref<!tpu.dma_semaphore, #tpu.memory_space<semaphore_mem>>)
          %dma_wait3A = arith.constant 0 : i32
          %dma_wait3A_27 = arith.constant 0 : i32
          %dma_wait3A_28 = tpu.memref_slice %arg7[%add3A, %dma_wait3A, %dma_wait3A_27] : memref<128x24x128xf32, #tpu.memory_space<hbm>> -> memref<1x24x128xf32, #tpu.memory_space<hbm>>
          %dma_wait3A_29 = tpu.memref_squeeze %dma_wait3A_28 : memref<1x24x128xf32, #tpu.memory_space<hbm>> -> memref<24x128xf32, #tpu.memory_space<hbm>>
          %dma_wait3A_30 = arith.constant 0 : i32
          %dma_wait3A_31 = arith.constant 0 : i32
          %dma_wait3A_32 = tpu.memref_slice %arg7[%add3A, %dma_wait3A_30, %dma_wait3A_31] : memref<128x24x128xf32, #tpu.memory_space<hbm>> -> memref<1x24x128xf32, #tpu.memory_space<hbm>>
          %dma_wait3A_33 = tpu.memref_squeeze %dma_wait3A_32 : memref<1x24x128xf32, #tpu.memory_space<hbm>> -> memref<24x128xf32, #tpu.memory_space<hbm>>
          tpu.wait_dma2 semaphore(%run_scoped3A : memref<!tpu.dma_semaphore, #tpu.memory_space<semaphore_mem>>) src(%arg10 : memref<24x128xf32, #tpu.memory_space<vmem>>) dst(%dma_wait3A_33 : memref<24x128xf32, #tpu.memory_space<hbm>>)
          tpu.yield
        }) : () -> ()
      }
      %scan3A_11 = arith.constant 8 : i32
    } else {
    }
    return
  }
}

#map = affine_map<(d0, d1) -> (0, 0)>
#map1 = affine_map<(d0, d1) -> (0)>
#map2 = affine_map<(d0, d1) -> (0, 0, 0)>
module attributes {stable_mosaic.version = 14 : i64} {
  func.func @_sc_a_body(%arg0: i32, %arg1: i32, %arg2: memref<100000x64xf32, #tpu.memory_space<hbm>>, %arg3: memref<100000x64xf32, #tpu.memory_space<hbm>>, %arg4: memref<128x128xi32, #tpu.memory_space<hbm>>, %arg5: memref<128x128xi32, #tpu.memory_space<hbm>>, %arg6: memref<15000xf32, #tpu.memory_space<hbm>>, %arg7: memref<15000xf32, #tpu.memory_space<hbm>>, %arg8: memref<64x50x256xi32, #tpu.memory_space<hbm>>, %arg9: memref<64x50x256xi32, #tpu.memory_space<hbm>>, %arg10: memref<16384x64xf32, #tpu.memory_space<hbm>>, %arg11: memref<16384x64xf32, #tpu.memory_space<hbm>>, %arg12: memref<64x16x256xf32, #tpu.memory_space<hbm>>, %arg13: memref<64x16x256xf32, #tpu.memory_space<hbm>>, %arg14: memref<15000xf32, #tpu.memory_space<vmem>>, %arg15: memref<4x128xi32, #tpu.memory_space<vmem>>, %arg16: memref<512x64xf32, #tpu.memory_space<vmem>>, %arg17: memref<50x256xi32, #tpu.memory_space<vmem>>, %arg18: memref<16x256xf32, #tpu.memory_space<vmem>>, %arg19: memref<!tpu.dma_semaphore, #tpu.memory_space<semaphore_mem>>) attributes {dimension_semantics = [#tpu.dimension_semantics<core_parallel>, #tpu.dimension_semantics<subcore_parallel>], iteration_bounds = array<i64: 2, 16>, scalar_prefetch = 0 : i64, scratch_operands = 6 : i64, tpu.core_type = #tpu.core_type<sc_vector_subcore>, window_params = [{transform_indices = #map}, {transform_indices = #map}, {transform_indices = #map}, {transform_indices = #map}, {transform_indices = #map1}, {transform_indices = #map1}, {transform_indices = #map2}, {transform_indices = #map2}, {transform_indices = #map}, {transform_indices = #map}, {transform_indices = #map2}, {transform_indices = #map2}]} {
    %mul3A = arith.constant 2 : i32
    %mul3A_0 = arith.muli %arg1, %mul3A : i32
    %add3A = arith.addi %mul3A_0, %arg0 : i32
    "tpu.region"() ({
      %run_scoped3A = tpu.sem_alloc : memref<!tpu.dma_semaphore, #tpu.memory_space<semaphore_mem>>
      tpu.enqueue_dma source(%arg6 : memref<15000xf32, #tpu.memory_space<hbm>>) target(%arg14 : memref<15000xf32, #tpu.memory_space<vmem>>) target_semaphore(%run_scoped3A : memref<!tpu.dma_semaphore, #tpu.memory_space<semaphore_mem>>)
      tpu.wait_dma2 semaphore(%run_scoped3A : memref<!tpu.dma_semaphore, #tpu.memory_space<semaphore_mem>>) src(%arg6 : memref<15000xf32, #tpu.memory_space<hbm>>) dst(%arg14 : memref<15000xf32, #tpu.memory_space<vmem>>)
      tpu.yield
    }) : () -> ()
    %mul3A_1 = arith.constant 4 : i32
    %mul3A_2 = arith.muli %add3A, %mul3A_1 : i32
    "tpu.region"() ({
      %run_scoped3A = tpu.sem_alloc : memref<!tpu.dma_semaphore, #tpu.memory_space<semaphore_mem>>
      %dma_start3A_206 = arith.constant 0 : i32
      %dma_start3A_207 = tpu.memref_slice %arg4[%mul3A_2, %dma_start3A_206] : memref<128x128xi32, #tpu.memory_space<hbm>> -> memref<4x128xi32, #tpu.memory_space<hbm>>
      %dma_start3A_208 = arith.constant 0 : i32
      %dma_start3A_209 = tpu.memref_slice %arg4[%mul3A_2, %dma_start3A_208] : memref<128x128xi32, #tpu.memory_space<hbm>> -> memref<4x128xi32, #tpu.memory_space<hbm>>
      tpu.enqueue_dma source(%dma_start3A_209 : memref<4x128xi32, #tpu.memory_space<hbm>>) target(%arg15 : memref<4x128xi32, #tpu.memory_space<vmem>>) target_semaphore(%run_scoped3A : memref<!tpu.dma_semaphore, #tpu.memory_space<semaphore_mem>>)
      %dma_wait3A_210 = arith.constant 0 : i32
      %dma_wait3A_211 = tpu.memref_slice %arg4[%mul3A_2, %dma_wait3A_210] : memref<128x128xi32, #tpu.memory_space<hbm>> -> memref<4x128xi32, #tpu.memory_space<hbm>>
      %dma_wait3A_212 = arith.constant 0 : i32
      %dma_wait3A_213 = tpu.memref_slice %arg4[%mul3A_2, %dma_wait3A_212] : memref<128x128xi32, #tpu.memory_space<hbm>> -> memref<4x128xi32, #tpu.memory_space<hbm>>
      tpu.wait_dma2 semaphore(%run_scoped3A : memref<!tpu.dma_semaphore, #tpu.memory_space<semaphore_mem>>) src(%dma_wait3A_213 : memref<4x128xi32, #tpu.memory_space<hbm>>) dst(%arg15 : memref<4x128xi32, #tpu.memory_space<vmem>>)
      tpu.yield
    }) : () -> ()
    %dma_start3A = arith.constant 0 : i32
    %dma_start3A_3 = arith.constant 0 : i32
    %dma_start3A_4 = arith.constant 0 : i32
    %dma_start3A_5 = tpu.memref_slice %arg16[%dma_start3A_3, %dma_start3A_4] : memref<512x64xf32, #tpu.memory_space<vmem>> -> memref<128x64xf32, #tpu.memory_space<vmem>>
    %dma_start3A_6 = arith.constant 0 : i32
    %dma_start3A_7 = tpu.memref_slice %arg15[%dma_start3A, %dma_start3A_6] : memref<4x128xi32, #tpu.memory_space<vmem>> -> memref<1x128xi32, #tpu.memory_space<vmem>>
    %dma_start3A_8 = tpu.memref_squeeze %dma_start3A_7 : memref<1x128xi32, #tpu.memory_space<vmem>> -> memref<128xi32, #tpu.memory_space<vmem>>
    %dma_start3A_9 = arith.constant 0 : i32
    %dma_start3A_10 = arith.constant 0 : i32
    %dma_start3A_11 = tpu.memref_slice %arg2[%dma_start3A_9, %dma_start3A_10] : memref<100000x64xf32, #tpu.memory_space<hbm>> -> memref<100000x64xf32, #tpu.memory_space<hbm>>
    tpu.enqueue_indirect_dma source(%dma_start3A_11 : memref<100000x64xf32, #tpu.memory_space<hbm>>) target(%dma_start3A_5 : memref<128x64xf32, #tpu.memory_space<vmem>>) offsets(%dma_start3A_8 : memref<128xi32, #tpu.memory_space<vmem>>) semaphore(%arg19 : memref<!tpu.dma_semaphore, #tpu.memory_space<semaphore_mem>>)
    %dma_start3A_12 = arith.constant 1 : i32
    %dma_start3A_13 = arith.constant 128 : i32
    %dma_start3A_14 = arith.constant 0 : i32
    %dma_start3A_15 = tpu.memref_slice %arg16[%dma_start3A_13, %dma_start3A_14] : memref<512x64xf32, #tpu.memory_space<vmem>> -> memref<128x64xf32, #tpu.memory_space<vmem>>
    %dma_start3A_16 = arith.constant 0 : i32
    %dma_start3A_17 = tpu.memref_slice %arg15[%dma_start3A_12, %dma_start3A_16] : memref<4x128xi32, #tpu.memory_space<vmem>> -> memref<1x128xi32, #tpu.memory_space<vmem>>
    %dma_start3A_18 = tpu.memref_squeeze %dma_start3A_17 : memref<1x128xi32, #tpu.memory_space<vmem>> -> memref<128xi32, #tpu.memory_space<vmem>>
    %dma_start3A_19 = arith.constant 0 : i32
    %dma_start3A_20 = arith.constant 0 : i32
    %dma_start3A_21 = tpu.memref_slice %arg2[%dma_start3A_19, %dma_start3A_20] : memref<100000x64xf32, #tpu.memory_space<hbm>> -> memref<100000x64xf32, #tpu.memory_space<hbm>>
    tpu.enqueue_indirect_dma source(%dma_start3A_21 : memref<100000x64xf32, #tpu.memory_space<hbm>>) target(%dma_start3A_15 : memref<128x64xf32, #tpu.memory_space<vmem>>) offsets(%dma_start3A_18 : memref<128xi32, #tpu.memory_space<vmem>>) semaphore(%arg19 : memref<!tpu.dma_semaphore, #tpu.memory_space<semaphore_mem>>)
    %dma_start3A_22 = arith.constant 2 : i32
    %dma_start3A_23 = arith.constant 256 : i32
    %dma_start3A_24 = arith.constant 0 : i32
    %dma_start3A_25 = tpu.memref_slice %arg16[%dma_start3A_23, %dma_start3A_24] : memref<512x64xf32, #tpu.memory_space<vmem>> -> memref<128x64xf32, #tpu.memory_space<vmem>>
    %dma_start3A_26 = arith.constant 0 : i32
    %dma_start3A_27 = tpu.memref_slice %arg15[%dma_start3A_22, %dma_start3A_26] : memref<4x128xi32, #tpu.memory_space<vmem>> -> memref<1x128xi32, #tpu.memory_space<vmem>>
    %dma_start3A_28 = tpu.memref_squeeze %dma_start3A_27 : memref<1x128xi32, #tpu.memory_space<vmem>> -> memref<128xi32, #tpu.memory_space<vmem>>
    %dma_start3A_29 = arith.constant 0 : i32
    %dma_start3A_30 = arith.constant 0 : i32
    %dma_start3A_31 = tpu.memref_slice %arg2[%dma_start3A_29, %dma_start3A_30] : memref<100000x64xf32, #tpu.memory_space<hbm>> -> memref<100000x64xf32, #tpu.memory_space<hbm>>
    tpu.enqueue_indirect_dma source(%dma_start3A_31 : memref<100000x64xf32, #tpu.memory_space<hbm>>) target(%dma_start3A_25 : memref<128x64xf32, #tpu.memory_space<vmem>>) offsets(%dma_start3A_28 : memref<128xi32, #tpu.memory_space<vmem>>) semaphore(%arg19 : memref<!tpu.dma_semaphore, #tpu.memory_space<semaphore_mem>>)
    %dma_start3A_32 = arith.constant 3 : i32
    %dma_start3A_33 = arith.constant 384 : i32
    %dma_start3A_34 = arith.constant 0 : i32
    %dma_start3A_35 = tpu.memref_slice %arg16[%dma_start3A_33, %dma_start3A_34] : memref<512x64xf32, #tpu.memory_space<vmem>> -> memref<128x64xf32, #tpu.memory_space<vmem>>
    %dma_start3A_36 = arith.constant 0 : i32
    %dma_start3A_37 = tpu.memref_slice %arg15[%dma_start3A_32, %dma_start3A_36] : memref<4x128xi32, #tpu.memory_space<vmem>> -> memref<1x128xi32, #tpu.memory_space<vmem>>
    %dma_start3A_38 = tpu.memref_squeeze %dma_start3A_37 : memref<1x128xi32, #tpu.memory_space<vmem>> -> memref<128xi32, #tpu.memory_space<vmem>>
    %dma_start3A_39 = arith.constant 0 : i32
    %dma_start3A_40 = arith.constant 0 : i32
    %dma_start3A_41 = tpu.memref_slice %arg2[%dma_start3A_39, %dma_start3A_40] : memref<100000x64xf32, #tpu.memory_space<hbm>> -> memref<100000x64xf32, #tpu.memory_space<hbm>>
    tpu.enqueue_indirect_dma source(%dma_start3A_41 : memref<100000x64xf32, #tpu.memory_space<hbm>>) target(%dma_start3A_35 : memref<128x64xf32, #tpu.memory_space<vmem>>) offsets(%dma_start3A_38 : memref<128xi32, #tpu.memory_space<vmem>>) semaphore(%arg19 : memref<!tpu.dma_semaphore, #tpu.memory_space<semaphore_mem>>)
    %mul3A_42 = arith.constant 2 : i32
    %mul3A_43 = arith.muli %add3A, %mul3A_42 : i32
    %add3A_44 = arith.constant 0 : i32
    %add3A_45 = arith.addi %mul3A_43, %add3A_44 : i32
    "tpu.region"() ({
      %run_scoped3A = tpu.sem_alloc : memref<!tpu.dma_semaphore, #tpu.memory_space<semaphore_mem>>
      %dma_start3A_206 = arith.constant 0 : i32
      %dma_start3A_207 = arith.constant 0 : i32
      %dma_start3A_208 = tpu.memref_slice %arg8[%add3A_45, %dma_start3A_206, %dma_start3A_207] : memref<64x50x256xi32, #tpu.memory_space<hbm>> -> memref<1x50x256xi32, #tpu.memory_space<hbm>>
      %dma_start3A_209 = tpu.memref_squeeze %dma_start3A_208 : memref<1x50x256xi32, #tpu.memory_space<hbm>> -> memref<50x256xi32, #tpu.memory_space<hbm>>
      %dma_start3A_210 = arith.constant 0 : i32
      %dma_start3A_211 = arith.constant 0 : i32
      %dma_start3A_212 = tpu.memref_slice %arg8[%add3A_45, %dma_start3A_210, %dma_start3A_211] : memref<64x50x256xi32, #tpu.memory_space<hbm>> -> memref<1x50x256xi32, #tpu.memory_space<hbm>>
      %dma_start3A_213 = tpu.memref_squeeze %dma_start3A_212 : memref<1x50x256xi32, #tpu.memory_space<hbm>> -> memref<50x256xi32, #tpu.memory_space<hbm>>
      tpu.enqueue_dma source(%dma_start3A_213 : memref<50x256xi32, #tpu.memory_space<hbm>>) target(%arg17 : memref<50x256xi32, #tpu.memory_space<vmem>>) target_semaphore(%run_scoped3A : memref<!tpu.dma_semaphore, #tpu.memory_space<semaphore_mem>>)
      %dma_wait3A_214 = arith.constant 0 : i32
      %dma_wait3A_215 = arith.constant 0 : i32
      %dma_wait3A_216 = tpu.memref_slice %arg8[%add3A_45, %dma_wait3A_214, %dma_wait3A_215] : memref<64x50x256xi32, #tpu.memory_space<hbm>> -> memref<1x50x256xi32, #tpu.memory_space<hbm>>
      %dma_wait3A_217 = tpu.memref_squeeze %dma_wait3A_216 : memref<1x50x256xi32, #tpu.memory_space<hbm>> -> memref<50x256xi32, #tpu.memory_space<hbm>>
      %dma_wait3A_218 = arith.constant 0 : i32
      %dma_wait3A_219 = arith.constant 0 : i32
      %dma_wait3A_220 = tpu.memref_slice %arg8[%add3A_45, %dma_wait3A_218, %dma_wait3A_219] : memref<64x50x256xi32, #tpu.memory_space<hbm>> -> memref<1x50x256xi32, #tpu.memory_space<hbm>>
      %dma_wait3A_221 = tpu.memref_squeeze %dma_wait3A_220 : memref<1x50x256xi32, #tpu.memory_space<hbm>> -> memref<50x256xi32, #tpu.memory_space<hbm>>
      tpu.wait_dma2 semaphore(%run_scoped3A : memref<!tpu.dma_semaphore, #tpu.memory_space<semaphore_mem>>) src(%dma_wait3A_221 : memref<50x256xi32, #tpu.memory_space<hbm>>) dst(%arg17 : memref<50x256xi32, #tpu.memory_space<vmem>>)
      tpu.yield
    }) : () -> ()
    %scan3A = arith.constant 0 : i32
    %scan3A_46 = arith.constant 0 : i32
    %scan3A_47 = arith.constant 16 : i32
    %scan3A_48 = arith.addi %scan3A_46, %scan3A_47 : i32
    %scan3A_49 = arith.constant 1 : i32
    scf.for %scan3A_206 = %scan3A_46 to %scan3A_48 step %scan3A_49  : i32 {
      %mul3A_207 = arith.constant 16 : i32
      %mul3A_208 = arith.muli %scan3A_206, %mul3A_207 : i32
      %broadcast_in_dim3A = arith.constant 0.000000e+00 : f32
      %broadcast_in_dim3A_209 = vector.broadcast %broadcast_in_dim3A : f32 to vector<16xf32>
      %broadcast_in_dim3A_210 = arith.constant 0.000000e+00 : f32
      %broadcast_in_dim3A_211 = vector.broadcast %broadcast_in_dim3A_210 : f32 to vector<16xf32>
      %broadcast_in_dim3A_212 = arith.constant 0.000000e+00 : f32
      %broadcast_in_dim3A_213 = vector.broadcast %broadcast_in_dim3A_212 : f32 to vector<16xf32>
      %broadcast_in_dim3A_214 = arith.constant 0.000000e+00 : f32
      %broadcast_in_dim3A_215 = vector.broadcast %broadcast_in_dim3A_214 : f32 to vector<16xf32>
      %broadcast_in_dim3A_216 = arith.constant 0.000000e+00 : f32
      %broadcast_in_dim3A_217 = vector.broadcast %broadcast_in_dim3A_216 : f32 to vector<16xf32>
      %broadcast_in_dim3A_218 = arith.constant 0.000000e+00 : f32
      %broadcast_in_dim3A_219 = vector.broadcast %broadcast_in_dim3A_218 : f32 to vector<16xf32>
      %broadcast_in_dim3A_220 = arith.constant 0.000000e+00 : f32
      %broadcast_in_dim3A_221 = vector.broadcast %broadcast_in_dim3A_220 : f32 to vector<16xf32>
      %broadcast_in_dim3A_222 = arith.constant 0.000000e+00 : f32
      %broadcast_in_dim3A_223 = vector.broadcast %broadcast_in_dim3A_222 : f32 to vector<16xf32>
      %broadcast_in_dim3A_224 = arith.constant 0.000000e+00 : f32
      %broadcast_in_dim3A_225 = vector.broadcast %broadcast_in_dim3A_224 : f32 to vector<16xf32>
      %broadcast_in_dim3A_226 = arith.constant 0.000000e+00 : f32
      %broadcast_in_dim3A_227 = vector.broadcast %broadcast_in_dim3A_226 : f32 to vector<16xf32>
      %broadcast_in_dim3A_228 = arith.constant 0.000000e+00 : f32
      %broadcast_in_dim3A_229 = vector.broadcast %broadcast_in_dim3A_228 : f32 to vector<16xf32>
      %broadcast_in_dim3A_230 = arith.constant 0.000000e+00 : f32
      %broadcast_in_dim3A_231 = vector.broadcast %broadcast_in_dim3A_230 : f32 to vector<16xf32>
      %broadcast_in_dim3A_232 = arith.constant 0.000000e+00 : f32
      %broadcast_in_dim3A_233 = vector.broadcast %broadcast_in_dim3A_232 : f32 to vector<16xf32>
      %broadcast_in_dim3A_234 = arith.constant 0.000000e+00 : f32
      %broadcast_in_dim3A_235 = vector.broadcast %broadcast_in_dim3A_234 : f32 to vector<16xf32>
      %broadcast_in_dim3A_236 = arith.constant 0.000000e+00 : f32
      %broadcast_in_dim3A_237 = vector.broadcast %broadcast_in_dim3A_236 : f32 to vector<16xf32>
      %scan3A_238 = arith.constant 0 : i32
      %scan3A_239 = arith.constant 25 : i32
      %scan3A_240 = arith.addi %scan3A_238, %scan3A_239 : i32
      %scan3A_241 = arith.constant 1 : i32
      %scan3A_242:15 = scf.for %scan3A_309 = %scan3A_238 to %scan3A_240 step %scan3A_241 iter_args(%scan3A_310 = %broadcast_in_dim3A_209, %scan3A_311 = %broadcast_in_dim3A_211, %scan3A_312 = %broadcast_in_dim3A_213, %scan3A_313 = %broadcast_in_dim3A_215, %scan3A_314 = %broadcast_in_dim3A_217, %scan3A_315 = %broadcast_in_dim3A_219, %scan3A_316 = %broadcast_in_dim3A_221, %scan3A_317 = %broadcast_in_dim3A_223, %scan3A_318 = %broadcast_in_dim3A_225, %scan3A_319 = %broadcast_in_dim3A_227, %scan3A_320 = %broadcast_in_dim3A_229, %scan3A_321 = %broadcast_in_dim3A_231, %scan3A_322 = %broadcast_in_dim3A_233, %scan3A_323 = %broadcast_in_dim3A_235, %scan3A_324 = %broadcast_in_dim3A_237) -> (vector<16xf32>, vector<16xf32>, vector<16xf32>, vector<16xf32>, vector<16xf32>, vector<16xf32>, vector<16xf32>, vector<16xf32>, vector<16xf32>, vector<16xf32>, vector<16xf32>, vector<16xf32>, vector<16xf32>, vector<16xf32>, vector<16xf32>)  : i32 {
        %mul3A_325 = arith.constant 2 : i32
        %mul3A_326 = arith.muli %scan3A_309, %mul3A_325 : i32
        %add3A_327 = arith.constant 0 : i32
        %add3A_328 = arith.addi %mul3A_326, %add3A_327 : i32
        %get3A = arith.index_cast %add3A_328 : i32 to index
        %get3A_329 = arith.index_cast %mul3A_208 : i32 to index
        %get3A_330 = tpu.vector_load %arg17[%get3A, %get3A_329] {strides = array<i32>} : memref<50x256xi32, #tpu.memory_space<vmem>>, vector<16xi32>,
        %mul3A_331 = arith.constant 15 : i32
        %mul3A_332 = vector.broadcast %mul3A_331 : i32 to vector<16xi32>
        %mul3A_333 = arith.muli %get3A_330, %mul3A_332 : vector<16xi32>
        %add3A_334 = arith.constant 0 : i32
        %add3A_335 = vector.broadcast %add3A_334 : i32 to vector<16xi32>
        %add3A_336 = arith.addi %mul3A_333, %add3A_335 : vector<16xi32>
        %gather3A = tpu.vector_load_idx %arg14[%add3A_336] : memref<15000xf32, #tpu.memory_space<vmem>>[vector<16xi32>], vector<16xf32>,
        %add3A_337 = arith.addf %scan3A_310, %gather3A : vector<16xf32>
        %add3A_338 = arith.constant 1 : i32
        %add3A_339 = vector.broadcast %add3A_338 : i32 to vector<16xi32>
        %add3A_340 = arith.addi %mul3A_333, %add3A_339 : vector<16xi32>
        %gather3A_341 = tpu.vector_load_idx %arg14[%add3A_340] : memref<15000xf32, #tpu.memory_space<vmem>>[vector<16xi32>], vector<16xf32>,
        %add3A_342 = arith.addf %scan3A_311, %gather3A_341 : vector<16xf32>
        %add3A_343 = arith.constant 2 : i32
        %add3A_344 = vector.broadcast %add3A_343 : i32 to vector<16xi32>
        %add3A_345 = arith.addi %mul3A_333, %add3A_344 : vector<16xi32>
        %gather3A_346 = tpu.vector_load_idx %arg14[%add3A_345] : memref<15000xf32, #tpu.memory_space<vmem>>[vector<16xi32>], vector<16xf32>,
        %add3A_347 = arith.addf %scan3A_312, %gather3A_346 : vector<16xf32>
        %add3A_348 = arith.constant 3 : i32
        %add3A_349 = vector.broadcast %add3A_348 : i32 to vector<16xi32>
        %add3A_350 = arith.addi %mul3A_333, %add3A_349 : vector<16xi32>
        %gather3A_351 = tpu.vector_load_idx %arg14[%add3A_350] : memref<15000xf32, #tpu.memory_space<vmem>>[vector<16xi32>], vector<16xf32>,
        %add3A_352 = arith.addf %scan3A_313, %gather3A_351 : vector<16xf32>
        %add3A_353 = arith.constant 4 : i32
        %add3A_354 = vector.broadcast %add3A_353 : i32 to vector<16xi32>
        %add3A_355 = arith.addi %mul3A_333, %add3A_354 : vector<16xi32>
        %gather3A_356 = tpu.vector_load_idx %arg14[%add3A_355] : memref<15000xf32, #tpu.memory_space<vmem>>[vector<16xi32>], vector<16xf32>,
        %add3A_357 = arith.addf %scan3A_314, %gather3A_356 : vector<16xf32>
        %add3A_358 = arith.constant 5 : i32
        %add3A_359 = vector.broadcast %add3A_358 : i32 to vector<16xi32>
        %add3A_360 = arith.addi %mul3A_333, %add3A_359 : vector<16xi32>
        %gather3A_361 = tpu.vector_load_idx %arg14[%add3A_360] : memref<15000xf32, #tpu.memory_space<vmem>>[vector<16xi32>], vector<16xf32>,
        %add3A_362 = arith.addf %scan3A_315, %gather3A_361 : vector<16xf32>
        %add3A_363 = arith.constant 6 : i32
        %add3A_364 = vector.broadcast %add3A_363 : i32 to vector<16xi32>
        %add3A_365 = arith.addi %mul3A_333, %add3A_364 : vector<16xi32>
        %gather3A_366 = tpu.vector_load_idx %arg14[%add3A_365] : memref<15000xf32, #tpu.memory_space<vmem>>[vector<16xi32>], vector<16xf32>,
        %add3A_367 = arith.addf %scan3A_316, %gather3A_366 : vector<16xf32>
        %add3A_368 = arith.constant 7 : i32
        %add3A_369 = vector.broadcast %add3A_368 : i32 to vector<16xi32>
        %add3A_370 = arith.addi %mul3A_333, %add3A_369 : vector<16xi32>
        %gather3A_371 = tpu.vector_load_idx %arg14[%add3A_370] : memref<15000xf32, #tpu.memory_space<vmem>>[vector<16xi32>], vector<16xf32>,
        %add3A_372 = arith.addf %scan3A_317, %gather3A_371 : vector<16xf32>
        %add3A_373 = arith.constant 8 : i32
        %add3A_374 = vector.broadcast %add3A_373 : i32 to vector<16xi32>
        %add3A_375 = arith.addi %mul3A_333, %add3A_374 : vector<16xi32>
        %gather3A_376 = tpu.vector_load_idx %arg14[%add3A_375] : memref<15000xf32, #tpu.memory_space<vmem>>[vector<16xi32>], vector<16xf32>,
        %add3A_377 = arith.addf %scan3A_318, %gather3A_376 : vector<16xf32>
        %add3A_378 = arith.constant 9 : i32
        %add3A_379 = vector.broadcast %add3A_378 : i32 to vector<16xi32>
        %add3A_380 = arith.addi %mul3A_333, %add3A_379 : vector<16xi32>
        %gather3A_381 = tpu.vector_load_idx %arg14[%add3A_380] : memref<15000xf32, #tpu.memory_space<vmem>>[vector<16xi32>], vector<16xf32>,
        %add3A_382 = arith.addf %scan3A_319, %gather3A_381 : vector<16xf32>
        %add3A_383 = arith.constant 10 : i32
        %add3A_384 = vector.broadcast %add3A_383 : i32 to vector<16xi32>
        %add3A_385 = arith.addi %mul3A_333, %add3A_384 : vector<16xi32>
        %gather3A_386 = tpu.vector_load_idx %arg14[%add3A_385] : memref<15000xf32, #tpu.memory_space<vmem>>[vector<16xi32>], vector<16xf32>,
        %add3A_387 = arith.addf %scan3A_320, %gather3A_386 : vector<16xf32>
        %add3A_388 = arith.constant 11 : i32
        %add3A_389 = vector.broadcast %add3A_388 : i32 to vector<16xi32>
        %add3A_390 = arith.addi %mul3A_333, %add3A_389 : vector<16xi32>
        %gather3A_391 = tpu.vector_load_idx %arg14[%add3A_390] : memref<15000xf32, #tpu.memory_space<vmem>>[vector<16xi32>], vector<16xf32>,
        %add3A_392 = arith.addf %scan3A_321, %gather3A_391 : vector<16xf32>
        %add3A_393 = arith.constant 12 : i32
        %add3A_394 = vector.broadcast %add3A_393 : i32 to vector<16xi32>
        %add3A_395 = arith.addi %mul3A_333, %add3A_394 : vector<16xi32>
        %gather3A_396 = tpu.vector_load_idx %arg14[%add3A_395] : memref<15000xf32, #tpu.memory_space<vmem>>[vector<16xi32>], vector<16xf32>,
        %add3A_397 = arith.addf %scan3A_322, %gather3A_396 : vector<16xf32>
        %add3A_398 = arith.constant 13 : i32
        %add3A_399 = vector.broadcast %add3A_398 : i32 to vector<16xi32>
        %add3A_400 = arith.addi %mul3A_333, %add3A_399 : vector<16xi32>
        %gather3A_401 = tpu.vector_load_idx %arg14[%add3A_400] : memref<15000xf32, #tpu.memory_space<vmem>>[vector<16xi32>], vector<16xf32>,
        %add3A_402 = arith.addf %scan3A_323, %gather3A_401 : vector<16xf32>
        %add3A_403 = arith.constant 14 : i32
        %add3A_404 = vector.broadcast %add3A_403 : i32 to vector<16xi32>
        %add3A_405 = arith.addi %mul3A_333, %add3A_404 : vector<16xi32>
        %gather3A_406 = tpu.vector_load_idx %arg14[%add3A_405] : memref<15000xf32, #tpu.memory_space<vmem>>[vector<16xi32>], vector<16xf32>,
        %add3A_407 = arith.addf %scan3A_324, %gather3A_406 : vector<16xf32>
        %mul3A_408 = arith.constant 2 : i32
        %mul3A_409 = arith.muli %scan3A_309, %mul3A_408 : i32
        %add3A_410 = arith.constant 1 : i32
        %add3A_411 = arith.addi %mul3A_409, %add3A_410 : i32
        %get3A_412 = arith.index_cast %add3A_411 : i32 to index
        %get3A_413 = arith.index_cast %mul3A_208 : i32 to index
        %get3A_414 = tpu.vector_load %arg17[%get3A_412, %get3A_413] {strides = array<i32>} : memref<50x256xi32, #tpu.memory_space<vmem>>, vector<16xi32>,
        %mul3A_415 = arith.constant 15 : i32
        %mul3A_416 = vector.broadcast %mul3A_415 : i32 to vector<16xi32>
        %mul3A_417 = arith.muli %get3A_414, %mul3A_416 : vector<16xi32>
        %add3A_418 = arith.constant 0 : i32
        %add3A_419 = vector.broadcast %add3A_418 : i32 to vector<16xi32>
        %add3A_420 = arith.addi %mul3A_417, %add3A_419 : vector<16xi32>
        %gather3A_421 = tpu.vector_load_idx %arg14[%add3A_420] : memref<15000xf32, #tpu.memory_space<vmem>>[vector<16xi32>], vector<16xf32>,
        %add3A_422 = arith.addf %add3A_337, %gather3A_421 : vector<16xf32>
        %add3A_423 = arith.constant 1 : i32
        %add3A_424 = vector.broadcast %add3A_423 : i32 to vector<16xi32>
        %add3A_425 = arith.addi %mul3A_417, %add3A_424 : vector<16xi32>
        %gather3A_426 = tpu.vector_load_idx %arg14[%add3A_425] : memref<15000xf32, #tpu.memory_space<vmem>>[vector<16xi32>], vector<16xf32>,
        %add3A_427 = arith.addf %add3A_342, %gather3A_426 : vector<16xf32>
        %add3A_428 = arith.constant 2 : i32
        %add3A_429 = vector.broadcast %add3A_428 : i32 to vector<16xi32>
        %add3A_430 = arith.addi %mul3A_417, %add3A_429 : vector<16xi32>
        %gather3A_431 = tpu.vector_load_idx %arg14[%add3A_430] : memref<15000xf32, #tpu.memory_space<vmem>>[vector<16xi32>], vector<16xf32>,
        %add3A_432 = arith.addf %add3A_347, %gather3A_431 : vector<16xf32>
        %add3A_433 = arith.constant 3 : i32
        %add3A_434 = vector.broadcast %add3A_433 : i32 to vector<16xi32>
        %add3A_435 = arith.addi %mul3A_417, %add3A_434 : vector<16xi32>
        %gather3A_436 = tpu.vector_load_idx %arg14[%add3A_435] : memref<15000xf32, #tpu.memory_space<vmem>>[vector<16xi32>], vector<16xf32>,
        %add3A_437 = arith.addf %add3A_352, %gather3A_436 : vector<16xf32>
        %add3A_438 = arith.constant 4 : i32
        %add3A_439 = vector.broadcast %add3A_438 : i32 to vector<16xi32>
        %add3A_440 = arith.addi %mul3A_417, %add3A_439 : vector<16xi32>
        %gather3A_441 = tpu.vector_load_idx %arg14[%add3A_440] : memref<15000xf32, #tpu.memory_space<vmem>>[vector<16xi32>], vector<16xf32>,
        %add3A_442 = arith.addf %add3A_357, %gather3A_441 : vector<16xf32>
        %add3A_443 = arith.constant 5 : i32
        %add3A_444 = vector.broadcast %add3A_443 : i32 to vector<16xi32>
        %add3A_445 = arith.addi %mul3A_417, %add3A_444 : vector<16xi32>
        %gather3A_446 = tpu.vector_load_idx %arg14[%add3A_445] : memref<15000xf32, #tpu.memory_space<vmem>>[vector<16xi32>], vector<16xf32>,
        %add3A_447 = arith.addf %add3A_362, %gather3A_446 : vector<16xf32>
        %add3A_448 = arith.constant 6 : i32
        %add3A_449 = vector.broadcast %add3A_448 : i32 to vector<16xi32>
        %add3A_450 = arith.addi %mul3A_417, %add3A_449 : vector<16xi32>
        %gather3A_451 = tpu.vector_load_idx %arg14[%add3A_450] : memref<15000xf32, #tpu.memory_space<vmem>>[vector<16xi32>], vector<16xf32>,
        %add3A_452 = arith.addf %add3A_367, %gather3A_451 : vector<16xf32>
        %add3A_453 = arith.constant 7 : i32
        %add3A_454 = vector.broadcast %add3A_453 : i32 to vector<16xi32>
        %add3A_455 = arith.addi %mul3A_417, %add3A_454 : vector<16xi32>
        %gather3A_456 = tpu.vector_load_idx %arg14[%add3A_455] : memref<15000xf32, #tpu.memory_space<vmem>>[vector<16xi32>], vector<16xf32>,
        %add3A_457 = arith.addf %add3A_372, %gather3A_456 : vector<16xf32>
        %add3A_458 = arith.constant 8 : i32
        %add3A_459 = vector.broadcast %add3A_458 : i32 to vector<16xi32>
        %add3A_460 = arith.addi %mul3A_417, %add3A_459 : vector<16xi32>
        %gather3A_461 = tpu.vector_load_idx %arg14[%add3A_460] : memref<15000xf32, #tpu.memory_space<vmem>>[vector<16xi32>], vector<16xf32>,
        %add3A_462 = arith.addf %add3A_377, %gather3A_461 : vector<16xf32>
        %add3A_463 = arith.constant 9 : i32
        %add3A_464 = vector.broadcast %add3A_463 : i32 to vector<16xi32>
        %add3A_465 = arith.addi %mul3A_417, %add3A_464 : vector<16xi32>
        %gather3A_466 = tpu.vector_load_idx %arg14[%add3A_465] : memref<15000xf32, #tpu.memory_space<vmem>>[vector<16xi32>], vector<16xf32>,
        %add3A_467 = arith.addf %add3A_382, %gather3A_466 : vector<16xf32>
        %add3A_468 = arith.constant 10 : i32
        %add3A_469 = vector.broadcast %add3A_468 : i32 to vector<16xi32>
        %add3A_470 = arith.addi %mul3A_417, %add3A_469 : vector<16xi32>
        %gather3A_471 = tpu.vector_load_idx %arg14[%add3A_470] : memref<15000xf32, #tpu.memory_space<vmem>>[vector<16xi32>], vector<16xf32>,
        %add3A_472 = arith.addf %add3A_387, %gather3A_471 : vector<16xf32>
        %add3A_473 = arith.constant 11 : i32
        %add3A_474 = vector.broadcast %add3A_473 : i32 to vector<16xi32>
        %add3A_475 = arith.addi %mul3A_417, %add3A_474 : vector<16xi32>
        %gather3A_476 = tpu.vector_load_idx %arg14[%add3A_475] : memref<15000xf32, #tpu.memory_space<vmem>>[vector<16xi32>], vector<16xf32>,
        %add3A_477 = arith.addf %add3A_392, %gather3A_476 : vector<16xf32>
        %add3A_478 = arith.constant 12 : i32
        %add3A_479 = vector.broadcast %add3A_478 : i32 to vector<16xi32>
        %add3A_480 = arith.addi %mul3A_417, %add3A_479 : vector<16xi32>
        %gather3A_481 = tpu.vector_load_idx %arg14[%add3A_480] : memref<15000xf32, #tpu.memory_space<vmem>>[vector<16xi32>], vector<16xf32>,
        %add3A_482 = arith.addf %add3A_397, %gather3A_481 : vector<16xf32>
        %add3A_483 = arith.constant 13 : i32
        %add3A_484 = vector.broadcast %add3A_483 : i32 to vector<16xi32>
        %add3A_485 = arith.addi %mul3A_417, %add3A_484 : vector<16xi32>
        %gather3A_486 = tpu.vector_load_idx %arg14[%add3A_485] : memref<15000xf32, #tpu.memory_space<vmem>>[vector<16xi32>], vector<16xf32>,
        %add3A_487 = arith.addf %add3A_402, %gather3A_486 : vector<16xf32>
        %add3A_488 = arith.constant 14 : i32
        %add3A_489 = vector.broadcast %add3A_488 : i32 to vector<16xi32>
        %add3A_490 = arith.addi %mul3A_417, %add3A_489 : vector<16xi32>
        %gather3A_491 = tpu.vector_load_idx %arg14[%add3A_490] : memref<15000xf32, #tpu.memory_space<vmem>>[vector<16xi32>], vector<16xf32>,
        %add3A_492 = arith.addf %add3A_407, %gather3A_491 : vector<16xf32>
        scf.yield %add3A_422, %add3A_427, %add3A_432, %add3A_437, %add3A_442, %add3A_447, %add3A_452, %add3A_457, %add3A_462, %add3A_467, %add3A_472, %add3A_477, %add3A_482, %add3A_487, %add3A_492 : vector<16xf32>, vector<16xf32>, vector<16xf32>, vector<16xf32>, vector<16xf32>, vector<16xf32>, vector<16xf32>, vector<16xf32>, vector<16xf32>, vector<16xf32>, vector<16xf32>, vector<16xf32>, vector<16xf32>, vector<16xf32>, vector<16xf32>
      }
      %scan3A_243 = arith.constant 25 : i32
      %swap3A = arith.constant 0 : i32
      %swap3A_244 = arith.index_cast %swap3A : i32 to index
      %swap3A_245 = arith.index_cast %mul3A_208 : i32 to index
      %swap3A_246 = tpu.vector_load %arg18[%swap3A_244, %swap3A_245] {strides = array<i32>} : memref<16x256xf32, #tpu.memory_space<vmem>>, vector<16xf32>,
      tpu.vector_store %arg18[%swap3A_244, %swap3A_245], %scan3A_242#0 {strides = array<i32>} : memref<16x256xf32, #tpu.memory_space<vmem>>, vector<16xf32>,
      %swap3A_247 = arith.constant 1 : i32
      %swap3A_248 = arith.index_cast %swap3A_247 : i32 to index
      %swap3A_249 = arith.index_cast %mul3A_208 : i32 to index
      %swap3A_250 = tpu.vector_load %arg18[%swap3A_248, %swap3A_249] {strides = array<i32>} : memref<16x256xf32, #tpu.memory_space<vmem>>, vector<16xf32>,
      tpu.vector_store %arg18[%swap3A_248, %swap3A_249], %scan3A_242#1 {strides = array<i32>} : memref<16x256xf32, #tpu.memory_space<vmem>>, vector<16xf32>,
      %swap3A_251 = arith.constant 2 : i32
      %swap3A_252 = arith.index_cast %swap3A_251 : i32 to index
      %swap3A_253 = arith.index_cast %mul3A_208 : i32 to index
      %swap3A_254 = tpu.vector_load %arg18[%swap3A_252, %swap3A_253] {strides = array<i32>} : memref<16x256xf32, #tpu.memory_space<vmem>>, vector<16xf32>,
      tpu.vector_store %arg18[%swap3A_252, %swap3A_253], %scan3A_242#2 {strides = array<i32>} : memref<16x256xf32, #tpu.memory_space<vmem>>, vector<16xf32>,
      %swap3A_255 = arith.constant 3 : i32
      %swap3A_256 = arith.index_cast %swap3A_255 : i32 to index
      %swap3A_257 = arith.index_cast %mul3A_208 : i32 to index
      %swap3A_258 = tpu.vector_load %arg18[%swap3A_256, %swap3A_257] {strides = array<i32>} : memref<16x256xf32, #tpu.memory_space<vmem>>, vector<16xf32>,
      tpu.vector_store %arg18[%swap3A_256, %swap3A_257], %scan3A_242#3 {strides = array<i32>} : memref<16x256xf32, #tpu.memory_space<vmem>>, vector<16xf32>,
      %swap3A_259 = arith.constant 4 : i32
      %swap3A_260 = arith.index_cast %swap3A_259 : i32 to index
      %swap3A_261 = arith.index_cast %mul3A_208 : i32 to index
      %swap3A_262 = tpu.vector_load %arg18[%swap3A_260, %swap3A_261] {strides = array<i32>} : memref<16x256xf32, #tpu.memory_space<vmem>>, vector<16xf32>,
      tpu.vector_store %arg18[%swap3A_260, %swap3A_261], %scan3A_242#4 {strides = array<i32>} : memref<16x256xf32, #tpu.memory_space<vmem>>, vector<16xf32>,
      %swap3A_263 = arith.constant 5 : i32
      %swap3A_264 = arith.index_cast %swap3A_263 : i32 to index
      %swap3A_265 = arith.index_cast %mul3A_208 : i32 to index
      %swap3A_266 = tpu.vector_load %arg18[%swap3A_264, %swap3A_265] {strides = array<i32>} : memref<16x256xf32, #tpu.memory_space<vmem>>, vector<16xf32>,
      tpu.vector_store %arg18[%swap3A_264, %swap3A_265], %scan3A_242#5 {strides = array<i32>} : memref<16x256xf32, #tpu.memory_space<vmem>>, vector<16xf32>,
      %swap3A_267 = arith.constant 6 : i32
      %swap3A_268 = arith.index_cast %swap3A_267 : i32 to index
      %swap3A_269 = arith.index_cast %mul3A_208 : i32 to index
      %swap3A_270 = tpu.vector_load %arg18[%swap3A_268, %swap3A_269] {strides = array<i32>} : memref<16x256xf32, #tpu.memory_space<vmem>>, vector<16xf32>,
      tpu.vector_store %arg18[%swap3A_268, %swap3A_269], %scan3A_242#6 {strides = array<i32>} : memref<16x256xf32, #tpu.memory_space<vmem>>, vector<16xf32>,
      %swap3A_271 = arith.constant 7 : i32
      %swap3A_272 = arith.index_cast %swap3A_271 : i32 to index
      %swap3A_273 = arith.index_cast %mul3A_208 : i32 to index
      %swap3A_274 = tpu.vector_load %arg18[%swap3A_272, %swap3A_273] {strides = array<i32>} : memref<16x256xf32, #tpu.memory_space<vmem>>, vector<16xf32>,
      tpu.vector_store %arg18[%swap3A_272, %swap3A_273], %scan3A_242#7 {strides = array<i32>} : memref<16x256xf32, #tpu.memory_space<vmem>>, vector<16xf32>,
      %swap3A_275 = arith.constant 8 : i32
      %swap3A_276 = arith.index_cast %swap3A_275 : i32 to index
      %swap3A_277 = arith.index_cast %mul3A_208 : i32 to index
      %swap3A_278 = tpu.vector_load %arg18[%swap3A_276, %swap3A_277] {strides = array<i32>} : memref<16x256xf32, #tpu.memory_space<vmem>>, vector<16xf32>,
      tpu.vector_store %arg18[%swap3A_276, %swap3A_277], %scan3A_242#8 {strides = array<i32>} : memref<16x256xf32, #tpu.memory_space<vmem>>, vector<16xf32>,
      %swap3A_279 = arith.constant 9 : i32
      %swap3A_280 = arith.index_cast %swap3A_279 : i32 to index
      %swap3A_281 = arith.index_cast %mul3A_208 : i32 to index
      %swap3A_282 = tpu.vector_load %arg18[%swap3A_280, %swap3A_281] {strides = array<i32>} : memref<16x256xf32, #tpu.memory_space<vmem>>, vector<16xf32>,
      tpu.vector_store %arg18[%swap3A_280, %swap3A_281], %scan3A_242#9 {strides = array<i32>} : memref<16x256xf32, #tpu.memory_space<vmem>>, vector<16xf32>,
      %swap3A_283 = arith.constant 10 : i32
      %swap3A_284 = arith.index_cast %swap3A_283 : i32 to index
      %swap3A_285 = arith.index_cast %mul3A_208 : i32 to index
      %swap3A_286 = tpu.vector_load %arg18[%swap3A_284, %swap3A_285] {strides = array<i32>} : memref<16x256xf32, #tpu.memory_space<vmem>>, vector<16xf32>,
      tpu.vector_store %arg18[%swap3A_284, %swap3A_285], %scan3A_242#10 {strides = array<i32>} : memref<16x256xf32, #tpu.memory_space<vmem>>, vector<16xf32>,
      %swap3A_287 = arith.constant 11 : i32
      %swap3A_288 = arith.index_cast %swap3A_287 : i32 to index
      %swap3A_289 = arith.index_cast %mul3A_208 : i32 to index
      %swap3A_290 = tpu.vector_load %arg18[%swap3A_288, %swap3A_289] {strides = array<i32>} : memref<16x256xf32, #tpu.memory_space<vmem>>, vector<16xf32>,
      tpu.vector_store %arg18[%swap3A_288, %swap3A_289], %scan3A_242#11 {strides = array<i32>} : memref<16x256xf32, #tpu.memory_space<vmem>>, vector<16xf32>,
      %swap3A_291 = arith.constant 12 : i32
      %swap3A_292 = arith.index_cast %swap3A_291 : i32 to index
      %swap3A_293 = arith.index_cast %mul3A_208 : i32 to index
      %swap3A_294 = tpu.vector_load %arg18[%swap3A_292, %swap3A_293] {strides = array<i32>} : memref<16x256xf32, #tpu.memory_space<vmem>>, vector<16xf32>,
      tpu.vector_store %arg18[%swap3A_292, %swap3A_293], %scan3A_242#12 {strides = array<i32>} : memref<16x256xf32, #tpu.memory_space<vmem>>, vector<16xf32>,
      %swap3A_295 = arith.constant 13 : i32
      %swap3A_296 = arith.index_cast %swap3A_295 : i32 to index
      %swap3A_297 = arith.index_cast %mul3A_208 : i32 to index
      %swap3A_298 = tpu.vector_load %arg18[%swap3A_296, %swap3A_297] {strides = array<i32>} : memref<16x256xf32, #tpu.memory_space<vmem>>, vector<16xf32>,
      tpu.vector_store %arg18[%swap3A_296, %swap3A_297], %scan3A_242#13 {strides = array<i32>} : memref<16x256xf32, #tpu.memory_space<vmem>>, vector<16xf32>,
      %swap3A_299 = arith.constant 14 : i32
      %swap3A_300 = arith.index_cast %swap3A_299 : i32 to index
      %swap3A_301 = arith.index_cast %mul3A_208 : i32 to index
      %swap3A_302 = tpu.vector_load %arg18[%swap3A_300, %swap3A_301] {strides = array<i32>} : memref<16x256xf32, #tpu.memory_space<vmem>>, vector<16xf32>,
      tpu.vector_store %arg18[%swap3A_300, %swap3A_301], %scan3A_242#14 {strides = array<i32>} : memref<16x256xf32, #tpu.memory_space<vmem>>, vector<16xf32>,
      %broadcast_in_dim3A_303 = arith.constant 0.000000e+00 : f32
      %broadcast_in_dim3A_304 = vector.broadcast %broadcast_in_dim3A_303 : f32 to vector<16xf32>
      %swap3A_305 = arith.constant 15 : i32
      %swap3A_306 = arith.index_cast %swap3A_305 : i32 to index
      %swap3A_307 = arith.index_cast %mul3A_208 : i32 to index
      %swap3A_308 = tpu.vector_load %arg18[%swap3A_306, %swap3A_307] {strides = array<i32>} : memref<16x256xf32, #tpu.memory_space<vmem>>, vector<16xf32>,
      tpu.vector_store %arg18[%swap3A_306, %swap3A_307], %broadcast_in_dim3A_304 {strides = array<i32>} : memref<16x256xf32, #tpu.memory_space<vmem>>, vector<16xf32>,
    }
    %scan3A_50 = arith.constant 16 : i32
    "tpu.region"() ({
      %run_scoped3A = tpu.sem_alloc : memref<!tpu.dma_semaphore, #tpu.memory_space<semaphore_mem>>
      %dma_start3A_206 = arith.constant 0 : i32
      %dma_start3A_207 = arith.constant 0 : i32
      %dma_start3A_208 = tpu.memref_slice %arg12[%add3A_45, %dma_start3A_206, %dma_start3A_207] : memref<64x16x256xf32, #tpu.memory_space<hbm>> -> memref<1x16x256xf32, #tpu.memory_space<hbm>>
      %dma_start3A_209 = tpu.memref_squeeze %dma_start3A_208 : memref<1x16x256xf32, #tpu.memory_space<hbm>> -> memref<16x256xf32, #tpu.memory_space<hbm>>
      %dma_start3A_210 = arith.constant 0 : i32
      %dma_start3A_211 = arith.constant 0 : i32
      %dma_start3A_212 = tpu.memref_slice %arg12[%add3A_45, %dma_start3A_210, %dma_start3A_211] : memref<64x16x256xf32, #tpu.memory_space<hbm>> -> memref<1x16x256xf32, #tpu.memory_space<hbm>>
      %dma_start3A_213 = tpu.memref_squeeze %dma_start3A_212 : memref<1x16x256xf32, #tpu.memory_space<hbm>> -> memref<16x256xf32, #tpu.memory_space<hbm>>
      tpu.enqueue_dma source(%arg18 : memref<16x256xf32, #tpu.memory_space<vmem>>) target(%dma_start3A_213 : memref<16x256xf32, #tpu.memory_space<hbm>>) target_semaphore(%run_scoped3A : memref<!tpu.dma_semaphore, #tpu.memory_space<semaphore_mem>>)
      %dma_wait3A_214 = arith.constant 0 : i32
      %dma_wait3A_215 = arith.constant 0 : i32
      %dma_wait3A_216 = tpu.memref_slice %arg12[%add3A_45, %dma_wait3A_214, %dma_wait3A_215] : memref<64x16x256xf32, #tpu.memory_space<hbm>> -> memref<1x16x256xf32, #tpu.memory_space<hbm>>
      %dma_wait3A_217 = tpu.memref_squeeze %dma_wait3A_216 : memref<1x16x256xf32, #tpu.memory_space<hbm>> -> memref<16x256xf32, #tpu.memory_space<hbm>>
      %dma_wait3A_218 = arith.constant 0 : i32
      %dma_wait3A_219 = arith.constant 0 : i32
      %dma_wait3A_220 = tpu.memref_slice %arg12[%add3A_45, %dma_wait3A_218, %dma_wait3A_219] : memref<64x16x256xf32, #tpu.memory_space<hbm>> -> memref<1x16x256xf32, #tpu.memory_space<hbm>>
      %dma_wait3A_221 = tpu.memref_squeeze %dma_wait3A_220 : memref<1x16x256xf32, #tpu.memory_space<hbm>> -> memref<16x256xf32, #tpu.memory_space<hbm>>
      tpu.wait_dma2 semaphore(%run_scoped3A : memref<!tpu.dma_semaphore, #tpu.memory_space<semaphore_mem>>) src(%arg18 : memref<16x256xf32, #tpu.memory_space<vmem>>) dst(%dma_wait3A_221 : memref<16x256xf32, #tpu.memory_space<hbm>>)
      tpu.yield
    }) : () -> ()
    %mul3A_51 = arith.constant 2 : i32
    %mul3A_52 = arith.muli %add3A, %mul3A_51 : i32
    %add3A_53 = arith.constant 1 : i32
    %add3A_54 = arith.addi %mul3A_52, %add3A_53 : i32
    "tpu.region"() ({
      %run_scoped3A = tpu.sem_alloc : memref<!tpu.dma_semaphore, #tpu.memory_space<semaphore_mem>>
      %dma_start3A_206 = arith.constant 0 : i32
      %dma_start3A_207 = arith.constant 0 : i32
      %dma_start3A_208 = tpu.memref_slice %arg8[%add3A_54, %dma_start3A_206, %dma_start3A_207] : memref<64x50x256xi32, #tpu.memory_space<hbm>> -> memref<1x50x256xi32, #tpu.memory_space<hbm>>
      %dma_start3A_209 = tpu.memref_squeeze %dma_start3A_208 : memref<1x50x256xi32, #tpu.memory_space<hbm>> -> memref<50x256xi32, #tpu.memory_space<hbm>>
      %dma_start3A_210 = arith.constant 0 : i32
      %dma_start3A_211 = arith.constant 0 : i32
      %dma_start3A_212 = tpu.memref_slice %arg8[%add3A_54, %dma_start3A_210, %dma_start3A_211] : memref<64x50x256xi32, #tpu.memory_space<hbm>> -> memref<1x50x256xi32, #tpu.memory_space<hbm>>
      %dma_start3A_213 = tpu.memref_squeeze %dma_start3A_212 : memref<1x50x256xi32, #tpu.memory_space<hbm>> -> memref<50x256xi32, #tpu.memory_space<hbm>>
      tpu.enqueue_dma source(%dma_start3A_213 : memref<50x256xi32, #tpu.memory_space<hbm>>) target(%arg17 : memref<50x256xi32, #tpu.memory_space<vmem>>) target_semaphore(%run_scoped3A : memref<!tpu.dma_semaphore, #tpu.memory_space<semaphore_mem>>)
      %dma_wait3A_214 = arith.constant 0 : i32
      %dma_wait3A_215 = arith.constant 0 : i32
      %dma_wait3A_216 = tpu.memref_slice %arg8[%add3A_54, %dma_wait3A_214, %dma_wait3A_215] : memref<64x50x256xi32, #tpu.memory_space<hbm>> -> memref<1x50x256xi32, #tpu.memory_space<hbm>>
      %dma_wait3A_217 = tpu.memref_squeeze %dma_wait3A_216 : memref<1x50x256xi32, #tpu.memory_space<hbm>> -> memref<50x256xi32, #tpu.memory_space<hbm>>
      %dma_wait3A_218 = arith.constant 0 : i32
      %dma_wait3A_219 = arith.constant 0 : i32
      %dma_wait3A_220 = tpu.memref_slice %arg8[%add3A_54, %dma_wait3A_218, %dma_wait3A_219] : memref<64x50x256xi32, #tpu.memory_space<hbm>> -> memref<1x50x256xi32, #tpu.memory_space<hbm>>
      %dma_wait3A_221 = tpu.memref_squeeze %dma_wait3A_220 : memref<1x50x256xi32, #tpu.memory_space<hbm>> -> memref<50x256xi32, #tpu.memory_space<hbm>>
      tpu.wait_dma2 semaphore(%run_scoped3A : memref<!tpu.dma_semaphore, #tpu.memory_space<semaphore_mem>>) src(%dma_wait3A_221 : memref<50x256xi32, #tpu.memory_space<hbm>>) dst(%arg17 : memref<50x256xi32, #tpu.memory_space<vmem>>)
      tpu.yield
    }) : () -> ()
    %scan3A_55 = arith.constant 0 : i32
    %scan3A_56 = arith.constant 0 : i32
    %scan3A_57 = arith.constant 16 : i32
    %scan3A_58 = arith.addi %scan3A_56, %scan3A_57 : i32
    %scan3A_59 = arith.constant 1 : i32
    scf.for %scan3A_206 = %scan3A_56 to %scan3A_58 step %scan3A_59  : i32 {
      %mul3A_207 = arith.constant 16 : i32
      %mul3A_208 = arith.muli %scan3A_206, %mul3A_207 : i32
      %broadcast_in_dim3A = arith.constant 0.000000e+00 : f32
      %broadcast_in_dim3A_209 = vector.broadcast %broadcast_in_dim3A : f32 to vector<16xf32>
      %broadcast_in_dim3A_210 = arith.constant 0.000000e+00 : f32
      %broadcast_in_dim3A_211 = vector.broadcast %broadcast_in_dim3A_210 : f32 to vector<16xf32>
      %broadcast_in_dim3A_212 = arith.constant 0.000000e+00 : f32
      %broadcast_in_dim3A_213 = vector.broadcast %broadcast_in_dim3A_212 : f32 to vector<16xf32>
      %broadcast_in_dim3A_214 = arith.constant 0.000000e+00 : f32
      %broadcast_in_dim3A_215 = vector.broadcast %broadcast_in_dim3A_214 : f32 to vector<16xf32>
      %broadcast_in_dim3A_216 = arith.constant 0.000000e+00 : f32
      %broadcast_in_dim3A_217 = vector.broadcast %broadcast_in_dim3A_216 : f32 to vector<16xf32>
      %broadcast_in_dim3A_218 = arith.constant 0.000000e+00 : f32
      %broadcast_in_dim3A_219 = vector.broadcast %broadcast_in_dim3A_218 : f32 to vector<16xf32>
      %broadcast_in_dim3A_220 = arith.constant 0.000000e+00 : f32
      %broadcast_in_dim3A_221 = vector.broadcast %broadcast_in_dim3A_220 : f32 to vector<16xf32>
      %broadcast_in_dim3A_222 = arith.constant 0.000000e+00 : f32
      %broadcast_in_dim3A_223 = vector.broadcast %broadcast_in_dim3A_222 : f32 to vector<16xf32>
      %broadcast_in_dim3A_224 = arith.constant 0.000000e+00 : f32
      %broadcast_in_dim3A_225 = vector.broadcast %broadcast_in_dim3A_224 : f32 to vector<16xf32>
      %broadcast_in_dim3A_226 = arith.constant 0.000000e+00 : f32
      %broadcast_in_dim3A_227 = vector.broadcast %broadcast_in_dim3A_226 : f32 to vector<16xf32>
      %broadcast_in_dim3A_228 = arith.constant 0.000000e+00 : f32
      %broadcast_in_dim3A_229 = vector.broadcast %broadcast_in_dim3A_228 : f32 to vector<16xf32>
      %broadcast_in_dim3A_230 = arith.constant 0.000000e+00 : f32
      %broadcast_in_dim3A_231 = vector.broadcast %broadcast_in_dim3A_230 : f32 to vector<16xf32>
      %broadcast_in_dim3A_232 = arith.constant 0.000000e+00 : f32
      %broadcast_in_dim3A_233 = vector.broadcast %broadcast_in_dim3A_232 : f32 to vector<16xf32>
      %broadcast_in_dim3A_234 = arith.constant 0.000000e+00 : f32
      %broadcast_in_dim3A_235 = vector.broadcast %broadcast_in_dim3A_234 : f32 to vector<16xf32>
      %broadcast_in_dim3A_236 = arith.constant 0.000000e+00 : f32
      %broadcast_in_dim3A_237 = vector.broadcast %broadcast_in_dim3A_236 : f32 to vector<16xf32>
      %scan3A_238 = arith.constant 0 : i32
      %scan3A_239 = arith.constant 25 : i32
      %scan3A_240 = arith.addi %scan3A_238, %scan3A_239 : i32
      %scan3A_241 = arith.constant 1 : i32
      %scan3A_242:15 = scf.for %scan3A_309 = %scan3A_238 to %scan3A_240 step %scan3A_241 iter_args(%scan3A_310 = %broadcast_in_dim3A_209, %scan3A_311 = %broadcast_in_dim3A_211, %scan3A_312 = %broadcast_in_dim3A_213, %scan3A_313 = %broadcast_in_dim3A_215, %scan3A_314 = %broadcast_in_dim3A_217, %scan3A_315 = %broadcast_in_dim3A_219, %scan3A_316 = %broadcast_in_dim3A_221, %scan3A_317 = %broadcast_in_dim3A_223, %scan3A_318 = %broadcast_in_dim3A_225, %scan3A_319 = %broadcast_in_dim3A_227, %scan3A_320 = %broadcast_in_dim3A_229, %scan3A_321 = %broadcast_in_dim3A_231, %scan3A_322 = %broadcast_in_dim3A_233, %scan3A_323 = %broadcast_in_dim3A_235, %scan3A_324 = %broadcast_in_dim3A_237) -> (vector<16xf32>, vector<16xf32>, vector<16xf32>, vector<16xf32>, vector<16xf32>, vector<16xf32>, vector<16xf32>, vector<16xf32>, vector<16xf32>, vector<16xf32>, vector<16xf32>, vector<16xf32>, vector<16xf32>, vector<16xf32>, vector<16xf32>)  : i32 {
        %mul3A_325 = arith.constant 2 : i32
        %mul3A_326 = arith.muli %scan3A_309, %mul3A_325 : i32
        %add3A_327 = arith.constant 0 : i32
        %add3A_328 = arith.addi %mul3A_326, %add3A_327 : i32
        %get3A = arith.index_cast %add3A_328 : i32 to index
        %get3A_329 = arith.index_cast %mul3A_208 : i32 to index
        %get3A_330 = tpu.vector_load %arg17[%get3A, %get3A_329] {strides = array<i32>} : memref<50x256xi32, #tpu.memory_space<vmem>>, vector<16xi32>,
        %mul3A_331 = arith.constant 15 : i32
        %mul3A_332 = vector.broadcast %mul3A_331 : i32 to vector<16xi32>
        %mul3A_333 = arith.muli %get3A_330, %mul3A_332 : vector<16xi32>
        %add3A_334 = arith.constant 0 : i32
        %add3A_335 = vector.broadcast %add3A_334 : i32 to vector<16xi32>
        %add3A_336 = arith.addi %mul3A_333, %add3A_335 : vector<16xi32>
        %gather3A = tpu.vector_load_idx %arg14[%add3A_336] : memref<15000xf32, #tpu.memory_space<vmem>>[vector<16xi32>], vector<16xf32>,
        %add3A_337 = arith.addf %scan3A_310, %gather3A : vector<16xf32>
        %add3A_338 = arith.constant 1 : i32
        %add3A_339 = vector.broadcast %add3A_338 : i32 to vector<16xi32>
        %add3A_340 = arith.addi %mul3A_333, %add3A_339 : vector<16xi32>
        %gather3A_341 = tpu.vector_load_idx %arg14[%add3A_340] : memref<15000xf32, #tpu.memory_space<vmem>>[vector<16xi32>], vector<16xf32>,
        %add3A_342 = arith.addf %scan3A_311, %gather3A_341 : vector<16xf32>
        %add3A_343 = arith.constant 2 : i32
        %add3A_344 = vector.broadcast %add3A_343 : i32 to vector<16xi32>
        %add3A_345 = arith.addi %mul3A_333, %add3A_344 : vector<16xi32>
        %gather3A_346 = tpu.vector_load_idx %arg14[%add3A_345] : memref<15000xf32, #tpu.memory_space<vmem>>[vector<16xi32>], vector<16xf32>,
        %add3A_347 = arith.addf %scan3A_312, %gather3A_346 : vector<16xf32>
        %add3A_348 = arith.constant 3 : i32
        %add3A_349 = vector.broadcast %add3A_348 : i32 to vector<16xi32>
        %add3A_350 = arith.addi %mul3A_333, %add3A_349 : vector<16xi32>
        %gather3A_351 = tpu.vector_load_idx %arg14[%add3A_350] : memref<15000xf32, #tpu.memory_space<vmem>>[vector<16xi32>], vector<16xf32>,
        %add3A_352 = arith.addf %scan3A_313, %gather3A_351 : vector<16xf32>
        %add3A_353 = arith.constant 4 : i32
        %add3A_354 = vector.broadcast %add3A_353 : i32 to vector<16xi32>
        %add3A_355 = arith.addi %mul3A_333, %add3A_354 : vector<16xi32>
        %gather3A_356 = tpu.vector_load_idx %arg14[%add3A_355] : memref<15000xf32, #tpu.memory_space<vmem>>[vector<16xi32>], vector<16xf32>,
        %add3A_357 = arith.addf %scan3A_314, %gather3A_356 : vector<16xf32>
        %add3A_358 = arith.constant 5 : i32
        %add3A_359 = vector.broadcast %add3A_358 : i32 to vector<16xi32>
        %add3A_360 = arith.addi %mul3A_333, %add3A_359 : vector<16xi32>
        %gather3A_361 = tpu.vector_load_idx %arg14[%add3A_360] : memref<15000xf32, #tpu.memory_space<vmem>>[vector<16xi32>], vector<16xf32>,
        %add3A_362 = arith.addf %scan3A_315, %gather3A_361 : vector<16xf32>
        %add3A_363 = arith.constant 6 : i32
        %add3A_364 = vector.broadcast %add3A_363 : i32 to vector<16xi32>
        %add3A_365 = arith.addi %mul3A_333, %add3A_364 : vector<16xi32>
        %gather3A_366 = tpu.vector_load_idx %arg14[%add3A_365] : memref<15000xf32, #tpu.memory_space<vmem>>[vector<16xi32>], vector<16xf32>,
        %add3A_367 = arith.addf %scan3A_316, %gather3A_366 : vector<16xf32>
        %add3A_368 = arith.constant 7 : i32
        %add3A_369 = vector.broadcast %add3A_368 : i32 to vector<16xi32>
        %add3A_370 = arith.addi %mul3A_333, %add3A_369 : vector<16xi32>
        %gather3A_371 = tpu.vector_load_idx %arg14[%add3A_370] : memref<15000xf32, #tpu.memory_space<vmem>>[vector<16xi32>], vector<16xf32>,
        %add3A_372 = arith.addf %scan3A_317, %gather3A_371 : vector<16xf32>
        %add3A_373 = arith.constant 8 : i32
        %add3A_374 = vector.broadcast %add3A_373 : i32 to vector<16xi32>
        %add3A_375 = arith.addi %mul3A_333, %add3A_374 : vector<16xi32>
        %gather3A_376 = tpu.vector_load_idx %arg14[%add3A_375] : memref<15000xf32, #tpu.memory_space<vmem>>[vector<16xi32>], vector<16xf32>,
        %add3A_377 = arith.addf %scan3A_318, %gather3A_376 : vector<16xf32>
        %add3A_378 = arith.constant 9 : i32
        %add3A_379 = vector.broadcast %add3A_378 : i32 to vector<16xi32>
        %add3A_380 = arith.addi %mul3A_333, %add3A_379 : vector<16xi32>
        %gather3A_381 = tpu.vector_load_idx %arg14[%add3A_380] : memref<15000xf32, #tpu.memory_space<vmem>>[vector<16xi32>], vector<16xf32>,
        %add3A_382 = arith.addf %scan3A_319, %gather3A_381 : vector<16xf32>
        %add3A_383 = arith.constant 10 : i32
        %add3A_384 = vector.broadcast %add3A_383 : i32 to vector<16xi32>
        %add3A_385 = arith.addi %mul3A_333, %add3A_384 : vector<16xi32>
        %gather3A_386 = tpu.vector_load_idx %arg14[%add3A_385] : memref<15000xf32, #tpu.memory_space<vmem>>[vector<16xi32>], vector<16xf32>,
        %add3A_387 = arith.addf %scan3A_320, %gather3A_386 : vector<16xf32>
        %add3A_388 = arith.constant 11 : i32
        %add3A_389 = vector.broadcast %add3A_388 : i32 to vector<16xi32>
        %add3A_390 = arith.addi %mul3A_333, %add3A_389 : vector<16xi32>
        %gather3A_391 = tpu.vector_load_idx %arg14[%add3A_390] : memref<15000xf32, #tpu.memory_space<vmem>>[vector<16xi32>], vector<16xf32>,
        %add3A_392 = arith.addf %scan3A_321, %gather3A_391 : vector<16xf32>
        %add3A_393 = arith.constant 12 : i32
        %add3A_394 = vector.broadcast %add3A_393 : i32 to vector<16xi32>
        %add3A_395 = arith.addi %mul3A_333, %add3A_394 : vector<16xi32>
        %gather3A_396 = tpu.vector_load_idx %arg14[%add3A_395] : memref<15000xf32, #tpu.memory_space<vmem>>[vector<16xi32>], vector<16xf32>,
        %add3A_397 = arith.addf %scan3A_322, %gather3A_396 : vector<16xf32>
        %add3A_398 = arith.constant 13 : i32
        %add3A_399 = vector.broadcast %add3A_398 : i32 to vector<16xi32>
        %add3A_400 = arith.addi %mul3A_333, %add3A_399 : vector<16xi32>
        %gather3A_401 = tpu.vector_load_idx %arg14[%add3A_400] : memref<15000xf32, #tpu.memory_space<vmem>>[vector<16xi32>], vector<16xf32>,
        %add3A_402 = arith.addf %scan3A_323, %gather3A_401 : vector<16xf32>
        %add3A_403 = arith.constant 14 : i32
        %add3A_404 = vector.broadcast %add3A_403 : i32 to vector<16xi32>
        %add3A_405 = arith.addi %mul3A_333, %add3A_404 : vector<16xi32>
        %gather3A_406 = tpu.vector_load_idx %arg14[%add3A_405] : memref<15000xf32, #tpu.memory_space<vmem>>[vector<16xi32>], vector<16xf32>,
        %add3A_407 = arith.addf %scan3A_324, %gather3A_406 : vector<16xf32>
        %mul3A_408 = arith.constant 2 : i32
        %mul3A_409 = arith.muli %scan3A_309, %mul3A_408 : i32
        %add3A_410 = arith.constant 1 : i32
        %add3A_411 = arith.addi %mul3A_409, %add3A_410 : i32
        %get3A_412 = arith.index_cast %add3A_411 : i32 to index
        %get3A_413 = arith.index_cast %mul3A_208 : i32 to index
        %get3A_414 = tpu.vector_load %arg17[%get3A_412, %get3A_413] {strides = array<i32>} : memref<50x256xi32, #tpu.memory_space<vmem>>, vector<16xi32>,
        %mul3A_415 = arith.constant 15 : i32
        %mul3A_416 = vector.broadcast %mul3A_415 : i32 to vector<16xi32>
        %mul3A_417 = arith.muli %get3A_414, %mul3A_416 : vector<16xi32>
        %add3A_418 = arith.constant 0 : i32
        %add3A_419 = vector.broadcast %add3A_418 : i32 to vector<16xi32>
        %add3A_420 = arith.addi %mul3A_417, %add3A_419 : vector<16xi32>
        %gather3A_421 = tpu.vector_load_idx %arg14[%add3A_420] : memref<15000xf32, #tpu.memory_space<vmem>>[vector<16xi32>], vector<16xf32>,
        %add3A_422 = arith.addf %add3A_337, %gather3A_421 : vector<16xf32>
        %add3A_423 = arith.constant 1 : i32
        %add3A_424 = vector.broadcast %add3A_423 : i32 to vector<16xi32>
        %add3A_425 = arith.addi %mul3A_417, %add3A_424 : vector<16xi32>
        %gather3A_426 = tpu.vector_load_idx %arg14[%add3A_425] : memref<15000xf32, #tpu.memory_space<vmem>>[vector<16xi32>], vector<16xf32>,
        %add3A_427 = arith.addf %add3A_342, %gather3A_426 : vector<16xf32>
        %add3A_428 = arith.constant 2 : i32
        %add3A_429 = vector.broadcast %add3A_428 : i32 to vector<16xi32>
        %add3A_430 = arith.addi %mul3A_417, %add3A_429 : vector<16xi32>
        %gather3A_431 = tpu.vector_load_idx %arg14[%add3A_430] : memref<15000xf32, #tpu.memory_space<vmem>>[vector<16xi32>], vector<16xf32>,
        %add3A_432 = arith.addf %add3A_347, %gather3A_431 : vector<16xf32>
        %add3A_433 = arith.constant 3 : i32
        %add3A_434 = vector.broadcast %add3A_433 : i32 to vector<16xi32>
        %add3A_435 = arith.addi %mul3A_417, %add3A_434 : vector<16xi32>
        %gather3A_436 = tpu.vector_load_idx %arg14[%add3A_435] : memref<15000xf32, #tpu.memory_space<vmem>>[vector<16xi32>], vector<16xf32>,
        %add3A_437 = arith.addf %add3A_352, %gather3A_436 : vector<16xf32>
        %add3A_438 = arith.constant 4 : i32
        %add3A_439 = vector.broadcast %add3A_438 : i32 to vector<16xi32>
        %add3A_440 = arith.addi %mul3A_417, %add3A_439 : vector<16xi32>
        %gather3A_441 = tpu.vector_load_idx %arg14[%add3A_440] : memref<15000xf32, #tpu.memory_space<vmem>>[vector<16xi32>], vector<16xf32>,
        %add3A_442 = arith.addf %add3A_357, %gather3A_441 : vector<16xf32>
        %add3A_443 = arith.constant 5 : i32
        %add3A_444 = vector.broadcast %add3A_443 : i32 to vector<16xi32>
        %add3A_445 = arith.addi %mul3A_417, %add3A_444 : vector<16xi32>
        %gather3A_446 = tpu.vector_load_idx %arg14[%add3A_445] : memref<15000xf32, #tpu.memory_space<vmem>>[vector<16xi32>], vector<16xf32>,
        %add3A_447 = arith.addf %add3A_362, %gather3A_446 : vector<16xf32>
        %add3A_448 = arith.constant 6 : i32
        %add3A_449 = vector.broadcast %add3A_448 : i32 to vector<16xi32>
        %add3A_450 = arith.addi %mul3A_417, %add3A_449 : vector<16xi32>
        %gather3A_451 = tpu.vector_load_idx %arg14[%add3A_450] : memref<15000xf32, #tpu.memory_space<vmem>>[vector<16xi32>], vector<16xf32>,
        %add3A_452 = arith.addf %add3A_367, %gather3A_451 : vector<16xf32>
        %add3A_453 = arith.constant 7 : i32
        %add3A_454 = vector.broadcast %add3A_453 : i32 to vector<16xi32>
        %add3A_455 = arith.addi %mul3A_417, %add3A_454 : vector<16xi32>
        %gather3A_456 = tpu.vector_load_idx %arg14[%add3A_455] : memref<15000xf32, #tpu.memory_space<vmem>>[vector<16xi32>], vector<16xf32>,
        %add3A_457 = arith.addf %add3A_372, %gather3A_456 : vector<16xf32>
        %add3A_458 = arith.constant 8 : i32
        %add3A_459 = vector.broadcast %add3A_458 : i32 to vector<16xi32>
        %add3A_460 = arith.addi %mul3A_417, %add3A_459 : vector<16xi32>
        %gather3A_461 = tpu.vector_load_idx %arg14[%add3A_460] : memref<15000xf32, #tpu.memory_space<vmem>>[vector<16xi32>], vector<16xf32>,
        %add3A_462 = arith.addf %add3A_377, %gather3A_461 : vector<16xf32>
        %add3A_463 = arith.constant 9 : i32
        %add3A_464 = vector.broadcast %add3A_463 : i32 to vector<16xi32>
        %add3A_465 = arith.addi %mul3A_417, %add3A_464 : vector<16xi32>
        %gather3A_466 = tpu.vector_load_idx %arg14[%add3A_465] : memref<15000xf32, #tpu.memory_space<vmem>>[vector<16xi32>], vector<16xf32>,
        %add3A_467 = arith.addf %add3A_382, %gather3A_466 : vector<16xf32>
        %add3A_468 = arith.constant 10 : i32
        %add3A_469 = vector.broadcast %add3A_468 : i32 to vector<16xi32>
        %add3A_470 = arith.addi %mul3A_417, %add3A_469 : vector<16xi32>
        %gather3A_471 = tpu.vector_load_idx %arg14[%add3A_470] : memref<15000xf32, #tpu.memory_space<vmem>>[vector<16xi32>], vector<16xf32>,
        %add3A_472 = arith.addf %add3A_387, %gather3A_471 : vector<16xf32>
        %add3A_473 = arith.constant 11 : i32
        %add3A_474 = vector.broadcast %add3A_473 : i32 to vector<16xi32>
        %add3A_475 = arith.addi %mul3A_417, %add3A_474 : vector<16xi32>
        %gather3A_476 = tpu.vector_load_idx %arg14[%add3A_475] : memref<15000xf32, #tpu.memory_space<vmem>>[vector<16xi32>], vector<16xf32>,
        %add3A_477 = arith.addf %add3A_392, %gather3A_476 : vector<16xf32>
        %add3A_478 = arith.constant 12 : i32
        %add3A_479 = vector.broadcast %add3A_478 : i32 to vector<16xi32>
        %add3A_480 = arith.addi %mul3A_417, %add3A_479 : vector<16xi32>
        %gather3A_481 = tpu.vector_load_idx %arg14[%add3A_480] : memref<15000xf32, #tpu.memory_space<vmem>>[vector<16xi32>], vector<16xf32>,
        %add3A_482 = arith.addf %add3A_397, %gather3A_481 : vector<16xf32>
        %add3A_483 = arith.constant 13 : i32
        %add3A_484 = vector.broadcast %add3A_483 : i32 to vector<16xi32>
        %add3A_485 = arith.addi %mul3A_417, %add3A_484 : vector<16xi32>
        %gather3A_486 = tpu.vector_load_idx %arg14[%add3A_485] : memref<15000xf32, #tpu.memory_space<vmem>>[vector<16xi32>], vector<16xf32>,
        %add3A_487 = arith.addf %add3A_402, %gather3A_486 : vector<16xf32>
        %add3A_488 = arith.constant 14 : i32
        %add3A_489 = vector.broadcast %add3A_488 : i32 to vector<16xi32>
        %add3A_490 = arith.addi %mul3A_417, %add3A_489 : vector<16xi32>
        %gather3A_491 = tpu.vector_load_idx %arg14[%add3A_490] : memref<15000xf32, #tpu.memory_space<vmem>>[vector<16xi32>], vector<16xf32>,
        %add3A_492 = arith.addf %add3A_407, %gather3A_491 : vector<16xf32>
        scf.yield %add3A_422, %add3A_427, %add3A_432, %add3A_437, %add3A_442, %add3A_447, %add3A_452, %add3A_457, %add3A_462, %add3A_467, %add3A_472, %add3A_477, %add3A_482, %add3A_487, %add3A_492 : vector<16xf32>, vector<16xf32>, vector<16xf32>, vector<16xf32>, vector<16xf32>, vector<16xf32>, vector<16xf32>, vector<16xf32>, vector<16xf32>, vector<16xf32>, vector<16xf32>, vector<16xf32>, vector<16xf32>, vector<16xf32>, vector<16xf32>
      }
      %scan3A_243 = arith.constant 25 : i32
      %swap3A = arith.constant 0 : i32
      %swap3A_244 = arith.index_cast %swap3A : i32 to index
      %swap3A_245 = arith.index_cast %mul3A_208 : i32 to index
      %swap3A_246 = tpu.vector_load %arg18[%swap3A_244, %swap3A_245] {strides = array<i32>} : memref<16x256xf32, #tpu.memory_space<vmem>>, vector<16xf32>,
      tpu.vector_store %arg18[%swap3A_244, %swap3A_245], %scan3A_242#0 {strides = array<i32>} : memref<16x256xf32, #tpu.memory_space<vmem>>, vector<16xf32>,
      %swap3A_247 = arith.constant 1 : i32
      %swap3A_248 = arith.index_cast %swap3A_247 : i32 to index
      %swap3A_249 = arith.index_cast %mul3A_208 : i32 to index
      %swap3A_250 = tpu.vector_load %arg18[%swap3A_248, %swap3A_249] {strides = array<i32>} : memref<16x256xf32, #tpu.memory_space<vmem>>, vector<16xf32>,
      tpu.vector_store %arg18[%swap3A_248, %swap3A_249], %scan3A_242#1 {strides = array<i32>} : memref<16x256xf32, #tpu.memory_space<vmem>>, vector<16xf32>,
      %swap3A_251 = arith.constant 2 : i32
      %swap3A_252 = arith.index_cast %swap3A_251 : i32 to index
      %swap3A_253 = arith.index_cast %mul3A_208 : i32 to index
      %swap3A_254 = tpu.vector_load %arg18[%swap3A_252, %swap3A_253] {strides = array<i32>} : memref<16x256xf32, #tpu.memory_space<vmem>>, vector<16xf32>,
      tpu.vector_store %arg18[%swap3A_252, %swap3A_253], %scan3A_242#2 {strides = array<i32>} : memref<16x256xf32, #tpu.memory_space<vmem>>, vector<16xf32>,
      %swap3A_255 = arith.constant 3 : i32
      %swap3A_256 = arith.index_cast %swap3A_255 : i32 to index
      %swap3A_257 = arith.index_cast %mul3A_208 : i32 to index
      %swap3A_258 = tpu.vector_load %arg18[%swap3A_256, %swap3A_257] {strides = array<i32>} : memref<16x256xf32, #tpu.memory_space<vmem>>, vector<16xf32>,
      tpu.vector_store %arg18[%swap3A_256, %swap3A_257], %scan3A_242#3 {strides = array<i32>} : memref<16x256xf32, #tpu.memory_space<vmem>>, vector<16xf32>,
      %swap3A_259 = arith.constant 4 : i32
      %swap3A_260 = arith.index_cast %swap3A_259 : i32 to index
      %swap3A_261 = arith.index_cast %mul3A_208 : i32 to index
      %swap3A_262 = tpu.vector_load %arg18[%swap3A_260, %swap3A_261] {strides = array<i32>} : memref<16x256xf32, #tpu.memory_space<vmem>>, vector<16xf32>,
      tpu.vector_store %arg18[%swap3A_260, %swap3A_261], %scan3A_242#4 {strides = array<i32>} : memref<16x256xf32, #tpu.memory_space<vmem>>, vector<16xf32>,
      %swap3A_263 = arith.constant 5 : i32
      %swap3A_264 = arith.index_cast %swap3A_263 : i32 to index
      %swap3A_265 = arith.index_cast %mul3A_208 : i32 to index
      %swap3A_266 = tpu.vector_load %arg18[%swap3A_264, %swap3A_265] {strides = array<i32>} : memref<16x256xf32, #tpu.memory_space<vmem>>, vector<16xf32>,
      tpu.vector_store %arg18[%swap3A_264, %swap3A_265], %scan3A_242#5 {strides = array<i32>} : memref<16x256xf32, #tpu.memory_space<vmem>>, vector<16xf32>,
      %swap3A_267 = arith.constant 6 : i32
      %swap3A_268 = arith.index_cast %swap3A_267 : i32 to index
      %swap3A_269 = arith.index_cast %mul3A_208 : i32 to index
      %swap3A_270 = tpu.vector_load %arg18[%swap3A_268, %swap3A_269] {strides = array<i32>} : memref<16x256xf32, #tpu.memory_space<vmem>>, vector<16xf32>,
      tpu.vector_store %arg18[%swap3A_268, %swap3A_269], %scan3A_242#6 {strides = array<i32>} : memref<16x256xf32, #tpu.memory_space<vmem>>, vector<16xf32>,
      %swap3A_271 = arith.constant 7 : i32
      %swap3A_272 = arith.index_cast %swap3A_271 : i32 to index
      %swap3A_273 = arith.index_cast %mul3A_208 : i32 to index
      %swap3A_274 = tpu.vector_load %arg18[%swap3A_272, %swap3A_273] {strides = array<i32>} : memref<16x256xf32, #tpu.memory_space<vmem>>, vector<16xf32>,
      tpu.vector_store %arg18[%swap3A_272, %swap3A_273], %scan3A_242#7 {strides = array<i32>} : memref<16x256xf32, #tpu.memory_space<vmem>>, vector<16xf32>,
      %swap3A_275 = arith.constant 8 : i32
      %swap3A_276 = arith.index_cast %swap3A_275 : i32 to index
      %swap3A_277 = arith.index_cast %mul3A_208 : i32 to index
      %swap3A_278 = tpu.vector_load %arg18[%swap3A_276, %swap3A_277] {strides = array<i32>} : memref<16x256xf32, #tpu.memory_space<vmem>>, vector<16xf32>,
      tpu.vector_store %arg18[%swap3A_276, %swap3A_277], %scan3A_242#8 {strides = array<i32>} : memref<16x256xf32, #tpu.memory_space<vmem>>, vector<16xf32>,
      %swap3A_279 = arith.constant 9 : i32
      %swap3A_280 = arith.index_cast %swap3A_279 : i32 to index
      %swap3A_281 = arith.index_cast %mul3A_208 : i32 to index
      %swap3A_282 = tpu.vector_load %arg18[%swap3A_280, %swap3A_281] {strides = array<i32>} : memref<16x256xf32, #tpu.memory_space<vmem>>, vector<16xf32>,
      tpu.vector_store %arg18[%swap3A_280, %swap3A_281], %scan3A_242#9 {strides = array<i32>} : memref<16x256xf32, #tpu.memory_space<vmem>>, vector<16xf32>,
      %swap3A_283 = arith.constant 10 : i32
      %swap3A_284 = arith.index_cast %swap3A_283 : i32 to index
      %swap3A_285 = arith.index_cast %mul3A_208 : i32 to index
      %swap3A_286 = tpu.vector_load %arg18[%swap3A_284, %swap3A_285] {strides = array<i32>} : memref<16x256xf32, #tpu.memory_space<vmem>>, vector<16xf32>,
      tpu.vector_store %arg18[%swap3A_284, %swap3A_285], %scan3A_242#10 {strides = array<i32>} : memref<16x256xf32, #tpu.memory_space<vmem>>, vector<16xf32>,
      %swap3A_287 = arith.constant 11 : i32
      %swap3A_288 = arith.index_cast %swap3A_287 : i32 to index
      %swap3A_289 = arith.index_cast %mul3A_208 : i32 to index
      %swap3A_290 = tpu.vector_load %arg18[%swap3A_288, %swap3A_289] {strides = array<i32>} : memref<16x256xf32, #tpu.memory_space<vmem>>, vector<16xf32>,
      tpu.vector_store %arg18[%swap3A_288, %swap3A_289], %scan3A_242#11 {strides = array<i32>} : memref<16x256xf32, #tpu.memory_space<vmem>>, vector<16xf32>,
      %swap3A_291 = arith.constant 12 : i32
      %swap3A_292 = arith.index_cast %swap3A_291 : i32 to index
      %swap3A_293 = arith.index_cast %mul3A_208 : i32 to index
      %swap3A_294 = tpu.vector_load %arg18[%swap3A_292, %swap3A_293] {strides = array<i32>} : memref<16x256xf32, #tpu.memory_space<vmem>>, vector<16xf32>,
      tpu.vector_store %arg18[%swap3A_292, %swap3A_293], %scan3A_242#12 {strides = array<i32>} : memref<16x256xf32, #tpu.memory_space<vmem>>, vector<16xf32>,
      %swap3A_295 = arith.constant 13 : i32
      %swap3A_296 = arith.index_cast %swap3A_295 : i32 to index
      %swap3A_297 = arith.index_cast %mul3A_208 : i32 to index
      %swap3A_298 = tpu.vector_load %arg18[%swap3A_296, %swap3A_297] {strides = array<i32>} : memref<16x256xf32, #tpu.memory_space<vmem>>, vector<16xf32>,
      tpu.vector_store %arg18[%swap3A_296, %swap3A_297], %scan3A_242#13 {strides = array<i32>} : memref<16x256xf32, #tpu.memory_space<vmem>>, vector<16xf32>,
      %swap3A_299 = arith.constant 14 : i32
      %swap3A_300 = arith.index_cast %swap3A_299 : i32 to index
      %swap3A_301 = arith.index_cast %mul3A_208 : i32 to index
      %swap3A_302 = tpu.vector_load %arg18[%swap3A_300, %swap3A_301] {strides = array<i32>} : memref<16x256xf32, #tpu.memory_space<vmem>>, vector<16xf32>,
      tpu.vector_store %arg18[%swap3A_300, %swap3A_301], %scan3A_242#14 {strides = array<i32>} : memref<16x256xf32, #tpu.memory_space<vmem>>, vector<16xf32>,
      %broadcast_in_dim3A_303 = arith.constant 0.000000e+00 : f32
      %broadcast_in_dim3A_304 = vector.broadcast %broadcast_in_dim3A_303 : f32 to vector<16xf32>
      %swap3A_305 = arith.constant 15 : i32
      %swap3A_306 = arith.index_cast %swap3A_305 : i32 to index
      %swap3A_307 = arith.index_cast %mul3A_208 : i32 to index
      %swap3A_308 = tpu.vector_load %arg18[%swap3A_306, %swap3A_307] {strides = array<i32>} : memref<16x256xf32, #tpu.memory_space<vmem>>, vector<16xf32>,
      tpu.vector_store %arg18[%swap3A_306, %swap3A_307], %broadcast_in_dim3A_304 {strides = array<i32>} : memref<16x256xf32, #tpu.memory_space<vmem>>, vector<16xf32>,
    }
    %scan3A_60 = arith.constant 16 : i32
    "tpu.region"() ({
      %run_scoped3A = tpu.sem_alloc : memref<!tpu.dma_semaphore, #tpu.memory_space<semaphore_mem>>
      %dma_start3A_206 = arith.constant 0 : i32
      %dma_start3A_207 = arith.constant 0 : i32
      %dma_start3A_208 = tpu.memref_slice %arg12[%add3A_54, %dma_start3A_206, %dma_start3A_207] : memref<64x16x256xf32, #tpu.memory_space<hbm>> -> memref<1x16x256xf32, #tpu.memory_space<hbm>>
      %dma_start3A_209 = tpu.memref_squeeze %dma_start3A_208 : memref<1x16x256xf32, #tpu.memory_space<hbm>> -> memref<16x256xf32, #tpu.memory_space<hbm>>
      %dma_start3A_210 = arith.constant 0 : i32
      %dma_start3A_211 = arith.constant 0 : i32
      %dma_start3A_212 = tpu.memref_slice %arg12[%add3A_54, %dma_start3A_210, %dma_start3A_211] : memref<64x16x256xf32, #tpu.memory_space<hbm>> -> memref<1x16x256xf32, #tpu.memory_space<hbm>>
      %dma_start3A_213 = tpu.memref_squeeze %dma_start3A_212 : memref<1x16x256xf32, #tpu.memory_space<hbm>> -> memref<16x256xf32, #tpu.memory_space<hbm>>
      tpu.enqueue_dma source(%arg18 : memref<16x256xf32, #tpu.memory_space<vmem>>) target(%dma_start3A_213 : memref<16x256xf32, #tpu.memory_space<hbm>>) target_semaphore(%run_scoped3A : memref<!tpu.dma_semaphore, #tpu.memory_space<semaphore_mem>>)
      %dma_wait3A_214 = arith.constant 0 : i32
      %dma_wait3A_215 = arith.constant 0 : i32
      %dma_wait3A_216 = tpu.memref_slice %arg12[%add3A_54, %dma_wait3A_214, %dma_wait3A_215] : memref<64x16x256xf32, #tpu.memory_space<hbm>> -> memref<1x16x256xf32, #tpu.memory_space<hbm>>
      %dma_wait3A_217 = tpu.memref_squeeze %dma_wait3A_216 : memref<1x16x256xf32, #tpu.memory_space<hbm>> -> memref<16x256xf32, #tpu.memory_space<hbm>>
      %dma_wait3A_218 = arith.constant 0 : i32
      %dma_wait3A_219 = arith.constant 0 : i32
      %dma_wait3A_220 = tpu.memref_slice %arg12[%add3A_54, %dma_wait3A_218, %dma_wait3A_219] : memref<64x16x256xf32, #tpu.memory_space<hbm>> -> memref<1x16x256xf32, #tpu.memory_space<hbm>>
      %dma_wait3A_221 = tpu.memref_squeeze %dma_wait3A_220 : memref<1x16x256xf32, #tpu.memory_space<hbm>> -> memref<16x256xf32, #tpu.memory_space<hbm>>
      tpu.wait_dma2 semaphore(%run_scoped3A : memref<!tpu.dma_semaphore, #tpu.memory_space<semaphore_mem>>) src(%arg18 : memref<16x256xf32, #tpu.memory_space<vmem>>) dst(%dma_wait3A_221 : memref<16x256xf32, #tpu.memory_space<hbm>>)
      tpu.yield
    }) : () -> ()
    %dma_wait3A = arith.constant 0 : i32
    %dma_wait3A_61 = arith.constant 0 : i32
    %dma_wait3A_62 = arith.constant 0 : i32
    %dma_wait3A_63 = tpu.memref_slice %arg16[%dma_wait3A_61, %dma_wait3A_62] : memref<512x64xf32, #tpu.memory_space<vmem>> -> memref<128x64xf32, #tpu.memory_space<vmem>>
    %dma_wait3A_64 = arith.constant 0 : i32
    %dma_wait3A_65 = tpu.memref_slice %arg15[%dma_wait3A, %dma_wait3A_64] : memref<4x128xi32, #tpu.memory_space<vmem>> -> memref<1x128xi32, #tpu.memory_space<vmem>>
    %dma_wait3A_66 = tpu.memref_squeeze %dma_wait3A_65 : memref<1x128xi32, #tpu.memory_space<vmem>> -> memref<128xi32, #tpu.memory_space<vmem>>
    %dma_wait3A_67 = arith.constant 0 : i32
    %dma_wait3A_68 = arith.constant 0 : i32
    %dma_wait3A_69 = tpu.memref_slice %arg2[%dma_wait3A_67, %dma_wait3A_68] : memref<100000x64xf32, #tpu.memory_space<hbm>> -> memref<100000x64xf32, #tpu.memory_space<hbm>>
    tpu.wait_indirect_dma semaphore(%arg19 : memref<!tpu.dma_semaphore, #tpu.memory_space<semaphore_mem>>) src(%dma_wait3A_69 : memref<100000x64xf32, #tpu.memory_space<hbm>>) dst(%dma_wait3A_63 : memref<128x64xf32, #tpu.memory_space<vmem>>)
    %dma_wait3A_70 = arith.constant 1 : i32
    %dma_wait3A_71 = arith.constant 128 : i32
    %dma_wait3A_72 = arith.constant 0 : i32
    %dma_wait3A_73 = tpu.memref_slice %arg16[%dma_wait3A_71, %dma_wait3A_72] : memref<512x64xf32, #tpu.memory_space<vmem>> -> memref<128x64xf32, #tpu.memory_space<vmem>>
    %dma_wait3A_74 = arith.constant 0 : i32
    %dma_wait3A_75 = tpu.memref_slice %arg15[%dma_wait3A_70, %dma_wait3A_74] : memref<4x128xi32, #tpu.memory_space<vmem>> -> memref<1x128xi32, #tpu.memory_space<vmem>>
    %dma_wait3A_76 = tpu.memref_squeeze %dma_wait3A_75 : memref<1x128xi32, #tpu.memory_space<vmem>> -> memref<128xi32, #tpu.memory_space<vmem>>
    %dma_wait3A_77 = arith.constant 0 : i32
    %dma_wait3A_78 = arith.constant 0 : i32
    %dma_wait3A_79 = tpu.memref_slice %arg2[%dma_wait3A_77, %dma_wait3A_78] : memref<100000x64xf32, #tpu.memory_space<hbm>> -> memref<100000x64xf32, #tpu.memory_space<hbm>>
    tpu.wait_indirect_dma semaphore(%arg19 : memref<!tpu.dma_semaphore, #tpu.memory_space<semaphore_mem>>) src(%dma_wait3A_79 : memref<100000x64xf32, #tpu.memory_space<hbm>>) dst(%dma_wait3A_73 : memref<128x64xf32, #tpu.memory_space<vmem>>)
    %dma_wait3A_80 = arith.constant 2 : i32
    %dma_wait3A_81 = arith.constant 256 : i32
    %dma_wait3A_82 = arith.constant 0 : i32
    %dma_wait3A_83 = tpu.memref_slice %arg16[%dma_wait3A_81, %dma_wait3A_82] : memref<512x64xf32, #tpu.memory_space<vmem>> -> memref<128x64xf32, #tpu.memory_space<vmem>>
    %dma_wait3A_84 = arith.constant 0 : i32
    %dma_wait3A_85 = tpu.memref_slice %arg15[%dma_wait3A_80, %dma_wait3A_84] : memref<4x128xi32, #tpu.memory_space<vmem>> -> memref<1x128xi32, #tpu.memory_space<vmem>>
    %dma_wait3A_86 = tpu.memref_squeeze %dma_wait3A_85 : memref<1x128xi32, #tpu.memory_space<vmem>> -> memref<128xi32, #tpu.memory_space<vmem>>
    %dma_wait3A_87 = arith.constant 0 : i32
    %dma_wait3A_88 = arith.constant 0 : i32
    %dma_wait3A_89 = tpu.memref_slice %arg2[%dma_wait3A_87, %dma_wait3A_88] : memref<100000x64xf32, #tpu.memory_space<hbm>> -> memref<100000x64xf32, #tpu.memory_space<hbm>>
    tpu.wait_indirect_dma semaphore(%arg19 : memref<!tpu.dma_semaphore, #tpu.memory_space<semaphore_mem>>) src(%dma_wait3A_89 : memref<100000x64xf32, #tpu.memory_space<hbm>>) dst(%dma_wait3A_83 : memref<128x64xf32, #tpu.memory_space<vmem>>)
    %dma_wait3A_90 = arith.constant 3 : i32
    %dma_wait3A_91 = arith.constant 384 : i32
    %dma_wait3A_92 = arith.constant 0 : i32
    %dma_wait3A_93 = tpu.memref_slice %arg16[%dma_wait3A_91, %dma_wait3A_92] : memref<512x64xf32, #tpu.memory_space<vmem>> -> memref<128x64xf32, #tpu.memory_space<vmem>>
    %dma_wait3A_94 = arith.constant 0 : i32
    %dma_wait3A_95 = tpu.memref_slice %arg15[%dma_wait3A_90, %dma_wait3A_94] : memref<4x128xi32, #tpu.memory_space<vmem>> -> memref<1x128xi32, #tpu.memory_space<vmem>>
    %dma_wait3A_96 = tpu.memref_squeeze %dma_wait3A_95 : memref<1x128xi32, #tpu.memory_space<vmem>> -> memref<128xi32, #tpu.memory_space<vmem>>
    %dma_wait3A_97 = arith.constant 0 : i32
    %dma_wait3A_98 = arith.constant 0 : i32
    %dma_wait3A_99 = tpu.memref_slice %arg2[%dma_wait3A_97, %dma_wait3A_98] : memref<100000x64xf32, #tpu.memory_space<hbm>> -> memref<100000x64xf32, #tpu.memory_space<hbm>>
    tpu.wait_indirect_dma semaphore(%arg19 : memref<!tpu.dma_semaphore, #tpu.memory_space<semaphore_mem>>) src(%dma_wait3A_99 : memref<100000x64xf32, #tpu.memory_space<hbm>>) dst(%dma_wait3A_93 : memref<128x64xf32, #tpu.memory_space<vmem>>)
    %mul3A_100 = arith.constant 512 : i32
    %mul3A_101 = arith.muli %add3A, %mul3A_100 : i32
    "tpu.region"() ({
      %run_scoped3A = tpu.sem_alloc : memref<!tpu.dma_semaphore, #tpu.memory_space<semaphore_mem>>
      %dma_start3A_206 = arith.constant 0 : i32
      %dma_start3A_207 = tpu.memref_slice %arg10[%mul3A_101, %dma_start3A_206] : memref<16384x64xf32, #tpu.memory_space<hbm>> -> memref<512x64xf32, #tpu.memory_space<hbm>>
      %dma_start3A_208 = arith.constant 0 : i32
      %dma_start3A_209 = tpu.memref_slice %arg10[%mul3A_101, %dma_start3A_208] : memref<16384x64xf32, #tpu.memory_space<hbm>> -> memref<512x64xf32, #tpu.memory_space<hbm>>
      tpu.enqueue_dma source(%arg16 : memref<512x64xf32, #tpu.memory_space<vmem>>) target(%dma_start3A_209 : memref<512x64xf32, #tpu.memory_space<hbm>>) target_semaphore(%run_scoped3A : memref<!tpu.dma_semaphore, #tpu.memory_space<semaphore_mem>>)
      %dma_wait3A_210 = arith.constant 0 : i32
      %dma_wait3A_211 = tpu.memref_slice %arg10[%mul3A_101, %dma_wait3A_210] : memref<16384x64xf32, #tpu.memory_space<hbm>> -> memref<512x64xf32, #tpu.memory_space<hbm>>
      %dma_wait3A_212 = arith.constant 0 : i32
      %dma_wait3A_213 = tpu.memref_slice %arg10[%mul3A_101, %dma_wait3A_212] : memref<16384x64xf32, #tpu.memory_space<hbm>> -> memref<512x64xf32, #tpu.memory_space<hbm>>
      tpu.wait_dma2 semaphore(%run_scoped3A : memref<!tpu.dma_semaphore, #tpu.memory_space<semaphore_mem>>) src(%arg16 : memref<512x64xf32, #tpu.memory_space<vmem>>) dst(%dma_wait3A_213 : memref<512x64xf32, #tpu.memory_space<hbm>>)
      tpu.yield
    }) : () -> ()
    "tpu.region"() ({
      %run_scoped3A = tpu.sem_alloc : memref<!tpu.dma_semaphore, #tpu.memory_space<semaphore_mem>>
      tpu.enqueue_dma source(%arg7 : memref<15000xf32, #tpu.memory_space<hbm>>) target(%arg14 : memref<15000xf32, #tpu.memory_space<vmem>>) target_semaphore(%run_scoped3A : memref<!tpu.dma_semaphore, #tpu.memory_space<semaphore_mem>>)
      tpu.wait_dma2 semaphore(%run_scoped3A : memref<!tpu.dma_semaphore, #tpu.memory_space<semaphore_mem>>) src(%arg7 : memref<15000xf32, #tpu.memory_space<hbm>>) dst(%arg14 : memref<15000xf32, #tpu.memory_space<vmem>>)
      tpu.yield
    }) : () -> ()
    %mul3A_102 = arith.constant 4 : i32
    %mul3A_103 = arith.muli %add3A, %mul3A_102 : i32
    "tpu.region"() ({
      %run_scoped3A = tpu.sem_alloc : memref<!tpu.dma_semaphore, #tpu.memory_space<semaphore_mem>>
      %dma_start3A_206 = arith.constant 0 : i32
      %dma_start3A_207 = tpu.memref_slice %arg5[%mul3A_103, %dma_start3A_206] : memref<128x128xi32, #tpu.memory_space<hbm>> -> memref<4x128xi32, #tpu.memory_space<hbm>>
      %dma_start3A_208 = arith.constant 0 : i32
      %dma_start3A_209 = tpu.memref_slice %arg5[%mul3A_103, %dma_start3A_208] : memref<128x128xi32, #tpu.memory_space<hbm>> -> memref<4x128xi32, #tpu.memory_space<hbm>>
      tpu.enqueue_dma source(%dma_start3A_209 : memref<4x128xi32, #tpu.memory_space<hbm>>) target(%arg15 : memref<4x128xi32, #tpu.memory_space<vmem>>) target_semaphore(%run_scoped3A : memref<!tpu.dma_semaphore, #tpu.memory_space<semaphore_mem>>)
      %dma_wait3A_210 = arith.constant 0 : i32
      %dma_wait3A_211 = tpu.memref_slice %arg5[%mul3A_103, %dma_wait3A_210] : memref<128x128xi32, #tpu.memory_space<hbm>> -> memref<4x128xi32, #tpu.memory_space<hbm>>
      %dma_wait3A_212 = arith.constant 0 : i32
      %dma_wait3A_213 = tpu.memref_slice %arg5[%mul3A_103, %dma_wait3A_212] : memref<128x128xi32, #tpu.memory_space<hbm>> -> memref<4x128xi32, #tpu.memory_space<hbm>>
      tpu.wait_dma2 semaphore(%run_scoped3A : memref<!tpu.dma_semaphore, #tpu.memory_space<semaphore_mem>>) src(%dma_wait3A_213 : memref<4x128xi32, #tpu.memory_space<hbm>>) dst(%arg15 : memref<4x128xi32, #tpu.memory_space<vmem>>)
      tpu.yield
    }) : () -> ()
    %dma_start3A_104 = arith.constant 0 : i32
    %dma_start3A_105 = arith.constant 0 : i32
    %dma_start3A_106 = arith.constant 0 : i32
    %dma_start3A_107 = tpu.memref_slice %arg16[%dma_start3A_105, %dma_start3A_106] : memref<512x64xf32, #tpu.memory_space<vmem>> -> memref<128x64xf32, #tpu.memory_space<vmem>>
    %dma_start3A_108 = arith.constant 0 : i32
    %dma_start3A_109 = tpu.memref_slice %arg15[%dma_start3A_104, %dma_start3A_108] : memref<4x128xi32, #tpu.memory_space<vmem>> -> memref<1x128xi32, #tpu.memory_space<vmem>>
    %dma_start3A_110 = tpu.memref_squeeze %dma_start3A_109 : memref<1x128xi32, #tpu.memory_space<vmem>> -> memref<128xi32, #tpu.memory_space<vmem>>
    %dma_start3A_111 = arith.constant 0 : i32
    %dma_start3A_112 = arith.constant 0 : i32
    %dma_start3A_113 = tpu.memref_slice %arg3[%dma_start3A_111, %dma_start3A_112] : memref<100000x64xf32, #tpu.memory_space<hbm>> -> memref<100000x64xf32, #tpu.memory_space<hbm>>
    tpu.enqueue_indirect_dma source(%dma_start3A_113 : memref<100000x64xf32, #tpu.memory_space<hbm>>) target(%dma_start3A_107 : memref<128x64xf32, #tpu.memory_space<vmem>>) offsets(%dma_start3A_110 : memref<128xi32, #tpu.memory_space<vmem>>) semaphore(%arg19 : memref<!tpu.dma_semaphore, #tpu.memory_space<semaphore_mem>>)
    %dma_start3A_114 = arith.constant 1 : i32
    %dma_start3A_115 = arith.constant 128 : i32
    %dma_start3A_116 = arith.constant 0 : i32
    %dma_start3A_117 = tpu.memref_slice %arg16[%dma_start3A_115, %dma_start3A_116] : memref<512x64xf32, #tpu.memory_space<vmem>> -> memref<128x64xf32, #tpu.memory_space<vmem>>
    %dma_start3A_118 = arith.constant 0 : i32
    %dma_start3A_119 = tpu.memref_slice %arg15[%dma_start3A_114, %dma_start3A_118] : memref<4x128xi32, #tpu.memory_space<vmem>> -> memref<1x128xi32, #tpu.memory_space<vmem>>
    %dma_start3A_120 = tpu.memref_squeeze %dma_start3A_119 : memref<1x128xi32, #tpu.memory_space<vmem>> -> memref<128xi32, #tpu.memory_space<vmem>>
    %dma_start3A_121 = arith.constant 0 : i32
    %dma_start3A_122 = arith.constant 0 : i32
    %dma_start3A_123 = tpu.memref_slice %arg3[%dma_start3A_121, %dma_start3A_122] : memref<100000x64xf32, #tpu.memory_space<hbm>> -> memref<100000x64xf32, #tpu.memory_space<hbm>>
    tpu.enqueue_indirect_dma source(%dma_start3A_123 : memref<100000x64xf32, #tpu.memory_space<hbm>>) target(%dma_start3A_117 : memref<128x64xf32, #tpu.memory_space<vmem>>) offsets(%dma_start3A_120 : memref<128xi32, #tpu.memory_space<vmem>>) semaphore(%arg19 : memref<!tpu.dma_semaphore, #tpu.memory_space<semaphore_mem>>)
    %dma_start3A_124 = arith.constant 2 : i32
    %dma_start3A_125 = arith.constant 256 : i32
    %dma_start3A_126 = arith.constant 0 : i32
    %dma_start3A_127 = tpu.memref_slice %arg16[%dma_start3A_125, %dma_start3A_126] : memref<512x64xf32, #tpu.memory_space<vmem>> -> memref<128x64xf32, #tpu.memory_space<vmem>>
    %dma_start3A_128 = arith.constant 0 : i32
    %dma_start3A_129 = tpu.memref_slice %arg15[%dma_start3A_124, %dma_start3A_128] : memref<4x128xi32, #tpu.memory_space<vmem>> -> memref<1x128xi32, #tpu.memory_space<vmem>>
    %dma_start3A_130 = tpu.memref_squeeze %dma_start3A_129 : memref<1x128xi32, #tpu.memory_space<vmem>> -> memref<128xi32, #tpu.memory_space<vmem>>
    %dma_start3A_131 = arith.constant 0 : i32
    %dma_start3A_132 = arith.constant 0 : i32
    %dma_start3A_133 = tpu.memref_slice %arg3[%dma_start3A_131, %dma_start3A_132] : memref<100000x64xf32, #tpu.memory_space<hbm>> -> memref<100000x64xf32, #tpu.memory_space<hbm>>
    tpu.enqueue_indirect_dma source(%dma_start3A_133 : memref<100000x64xf32, #tpu.memory_space<hbm>>) target(%dma_start3A_127 : memref<128x64xf32, #tpu.memory_space<vmem>>) offsets(%dma_start3A_130 : memref<128xi32, #tpu.memory_space<vmem>>) semaphore(%arg19 : memref<!tpu.dma_semaphore, #tpu.memory_space<semaphore_mem>>)
    %dma_start3A_134 = arith.constant 3 : i32
    %dma_start3A_135 = arith.constant 384 : i32
    %dma_start3A_136 = arith.constant 0 : i32
    %dma_start3A_137 = tpu.memref_slice %arg16[%dma_start3A_135, %dma_start3A_136] : memref<512x64xf32, #tpu.memory_space<vmem>> -> memref<128x64xf32, #tpu.memory_space<vmem>>
    %dma_start3A_138 = arith.constant 0 : i32
    %dma_start3A_139 = tpu.memref_slice %arg15[%dma_start3A_134, %dma_start3A_138] : memref<4x128xi32, #tpu.memory_space<vmem>> -> memref<1x128xi32, #tpu.memory_space<vmem>>
    %dma_start3A_140 = tpu.memref_squeeze %dma_start3A_139 : memref<1x128xi32, #tpu.memory_space<vmem>> -> memref<128xi32, #tpu.memory_space<vmem>>
    %dma_start3A_141 = arith.constant 0 : i32
    %dma_start3A_142 = arith.constant 0 : i32
    %dma_start3A_143 = tpu.memref_slice %arg3[%dma_start3A_141, %dma_start3A_142] : memref<100000x64xf32, #tpu.memory_space<hbm>> -> memref<100000x64xf32, #tpu.memory_space<hbm>>
    tpu.enqueue_indirect_dma source(%dma_start3A_143 : memref<100000x64xf32, #tpu.memory_space<hbm>>) target(%dma_start3A_137 : memref<128x64xf32, #tpu.memory_space<vmem>>) offsets(%dma_start3A_140 : memref<128xi32, #tpu.memory_space<vmem>>) semaphore(%arg19 : memref<!tpu.dma_semaphore, #tpu.memory_space<semaphore_mem>>)
    %mul3A_144 = arith.constant 2 : i32
    %mul3A_145 = arith.muli %add3A, %mul3A_144 : i32
    %add3A_146 = arith.constant 0 : i32
    %add3A_147 = arith.addi %mul3A_145, %add3A_146 : i32
    "tpu.region"() ({
      %run_scoped3A = tpu.sem_alloc : memref<!tpu.dma_semaphore, #tpu.memory_space<semaphore_mem>>
      %dma_start3A_206 = arith.constant 0 : i32
      %dma_start3A_207 = arith.constant 0 : i32
      %dma_start3A_208 = tpu.memref_slice %arg9[%add3A_147, %dma_start3A_206, %dma_start3A_207] : memref<64x50x256xi32, #tpu.memory_space<hbm>> -> memref<1x50x256xi32, #tpu.memory_space<hbm>>
      %dma_start3A_209 = tpu.memref_squeeze %dma_start3A_208 : memref<1x50x256xi32, #tpu.memory_space<hbm>> -> memref<50x256xi32, #tpu.memory_space<hbm>>
      %dma_start3A_210 = arith.constant 0 : i32
      %dma_start3A_211 = arith.constant 0 : i32
      %dma_start3A_212 = tpu.memref_slice %arg9[%add3A_147, %dma_start3A_210, %dma_start3A_211] : memref<64x50x256xi32, #tpu.memory_space<hbm>> -> memref<1x50x256xi32, #tpu.memory_space<hbm>>
      %dma_start3A_213 = tpu.memref_squeeze %dma_start3A_212 : memref<1x50x256xi32, #tpu.memory_space<hbm>> -> memref<50x256xi32, #tpu.memory_space<hbm>>
      tpu.enqueue_dma source(%dma_start3A_213 : memref<50x256xi32, #tpu.memory_space<hbm>>) target(%arg17 : memref<50x256xi32, #tpu.memory_space<vmem>>) target_semaphore(%run_scoped3A : memref<!tpu.dma_semaphore, #tpu.memory_space<semaphore_mem>>)
      %dma_wait3A_214 = arith.constant 0 : i32
      %dma_wait3A_215 = arith.constant 0 : i32
      %dma_wait3A_216 = tpu.memref_slice %arg9[%add3A_147, %dma_wait3A_214, %dma_wait3A_215] : memref<64x50x256xi32, #tpu.memory_space<hbm>> -> memref<1x50x256xi32, #tpu.memory_space<hbm>>
      %dma_wait3A_217 = tpu.memref_squeeze %dma_wait3A_216 : memref<1x50x256xi32, #tpu.memory_space<hbm>> -> memref<50x256xi32, #tpu.memory_space<hbm>>
      %dma_wait3A_218 = arith.constant 0 : i32
      %dma_wait3A_219 = arith.constant 0 : i32
      %dma_wait3A_220 = tpu.memref_slice %arg9[%add3A_147, %dma_wait3A_218, %dma_wait3A_219] : memref<64x50x256xi32, #tpu.memory_space<hbm>> -> memref<1x50x256xi32, #tpu.memory_space<hbm>>
      %dma_wait3A_221 = tpu.memref_squeeze %dma_wait3A_220 : memref<1x50x256xi32, #tpu.memory_space<hbm>> -> memref<50x256xi32, #tpu.memory_space<hbm>>
      tpu.wait_dma2 semaphore(%run_scoped3A : memref<!tpu.dma_semaphore, #tpu.memory_space<semaphore_mem>>) src(%dma_wait3A_221 : memref<50x256xi32, #tpu.memory_space<hbm>>) dst(%arg17 : memref<50x256xi32, #tpu.memory_space<vmem>>)
      tpu.yield
    }) : () -> ()
    %scan3A_148 = arith.constant 0 : i32
    %scan3A_149 = arith.constant 0 : i32
    %scan3A_150 = arith.constant 16 : i32
    %scan3A_151 = arith.addi %scan3A_149, %scan3A_150 : i32
    %scan3A_152 = arith.constant 1 : i32
    scf.for %scan3A_206 = %scan3A_149 to %scan3A_151 step %scan3A_152  : i32 {
      %mul3A_207 = arith.constant 16 : i32
      %mul3A_208 = arith.muli %scan3A_206, %mul3A_207 : i32
      %broadcast_in_dim3A = arith.constant 0.000000e+00 : f32
      %broadcast_in_dim3A_209 = vector.broadcast %broadcast_in_dim3A : f32 to vector<16xf32>
      %broadcast_in_dim3A_210 = arith.constant 0.000000e+00 : f32
      %broadcast_in_dim3A_211 = vector.broadcast %broadcast_in_dim3A_210 : f32 to vector<16xf32>
      %broadcast_in_dim3A_212 = arith.constant 0.000000e+00 : f32
      %broadcast_in_dim3A_213 = vector.broadcast %broadcast_in_dim3A_212 : f32 to vector<16xf32>
      %broadcast_in_dim3A_214 = arith.constant 0.000000e+00 : f32
      %broadcast_in_dim3A_215 = vector.broadcast %broadcast_in_dim3A_214 : f32 to vector<16xf32>
      %broadcast_in_dim3A_216 = arith.constant 0.000000e+00 : f32
      %broadcast_in_dim3A_217 = vector.broadcast %broadcast_in_dim3A_216 : f32 to vector<16xf32>
      %broadcast_in_dim3A_218 = arith.constant 0.000000e+00 : f32
      %broadcast_in_dim3A_219 = vector.broadcast %broadcast_in_dim3A_218 : f32 to vector<16xf32>
      %broadcast_in_dim3A_220 = arith.constant 0.000000e+00 : f32
      %broadcast_in_dim3A_221 = vector.broadcast %broadcast_in_dim3A_220 : f32 to vector<16xf32>
      %broadcast_in_dim3A_222 = arith.constant 0.000000e+00 : f32
      %broadcast_in_dim3A_223 = vector.broadcast %broadcast_in_dim3A_222 : f32 to vector<16xf32>
      %broadcast_in_dim3A_224 = arith.constant 0.000000e+00 : f32
      %broadcast_in_dim3A_225 = vector.broadcast %broadcast_in_dim3A_224 : f32 to vector<16xf32>
      %broadcast_in_dim3A_226 = arith.constant 0.000000e+00 : f32
      %broadcast_in_dim3A_227 = vector.broadcast %broadcast_in_dim3A_226 : f32 to vector<16xf32>
      %broadcast_in_dim3A_228 = arith.constant 0.000000e+00 : f32
      %broadcast_in_dim3A_229 = vector.broadcast %broadcast_in_dim3A_228 : f32 to vector<16xf32>
      %broadcast_in_dim3A_230 = arith.constant 0.000000e+00 : f32
      %broadcast_in_dim3A_231 = vector.broadcast %broadcast_in_dim3A_230 : f32 to vector<16xf32>
      %broadcast_in_dim3A_232 = arith.constant 0.000000e+00 : f32
      %broadcast_in_dim3A_233 = vector.broadcast %broadcast_in_dim3A_232 : f32 to vector<16xf32>
      %broadcast_in_dim3A_234 = arith.constant 0.000000e+00 : f32
      %broadcast_in_dim3A_235 = vector.broadcast %broadcast_in_dim3A_234 : f32 to vector<16xf32>
      %broadcast_in_dim3A_236 = arith.constant 0.000000e+00 : f32
      %broadcast_in_dim3A_237 = vector.broadcast %broadcast_in_dim3A_236 : f32 to vector<16xf32>
      %scan3A_238 = arith.constant 0 : i32
      %scan3A_239 = arith.constant 25 : i32
      %scan3A_240 = arith.addi %scan3A_238, %scan3A_239 : i32
      %scan3A_241 = arith.constant 1 : i32
      %scan3A_242:15 = scf.for %scan3A_309 = %scan3A_238 to %scan3A_240 step %scan3A_241 iter_args(%scan3A_310 = %broadcast_in_dim3A_209, %scan3A_311 = %broadcast_in_dim3A_211, %scan3A_312 = %broadcast_in_dim3A_213, %scan3A_313 = %broadcast_in_dim3A_215, %scan3A_314 = %broadcast_in_dim3A_217, %scan3A_315 = %broadcast_in_dim3A_219, %scan3A_316 = %broadcast_in_dim3A_221, %scan3A_317 = %broadcast_in_dim3A_223, %scan3A_318 = %broadcast_in_dim3A_225, %scan3A_319 = %broadcast_in_dim3A_227, %scan3A_320 = %broadcast_in_dim3A_229, %scan3A_321 = %broadcast_in_dim3A_231, %scan3A_322 = %broadcast_in_dim3A_233, %scan3A_323 = %broadcast_in_dim3A_235, %scan3A_324 = %broadcast_in_dim3A_237) -> (vector<16xf32>, vector<16xf32>, vector<16xf32>, vector<16xf32>, vector<16xf32>, vector<16xf32>, vector<16xf32>, vector<16xf32>, vector<16xf32>, vector<16xf32>, vector<16xf32>, vector<16xf32>, vector<16xf32>, vector<16xf32>, vector<16xf32>)  : i32 {
        %mul3A_325 = arith.constant 2 : i32
        %mul3A_326 = arith.muli %scan3A_309, %mul3A_325 : i32
        %add3A_327 = arith.constant 0 : i32
        %add3A_328 = arith.addi %mul3A_326, %add3A_327 : i32
        %get3A = arith.index_cast %add3A_328 : i32 to index
        %get3A_329 = arith.index_cast %mul3A_208 : i32 to index
        %get3A_330 = tpu.vector_load %arg17[%get3A, %get3A_329] {strides = array<i32>} : memref<50x256xi32, #tpu.memory_space<vmem>>, vector<16xi32>,
        %mul3A_331 = arith.constant 15 : i32
        %mul3A_332 = vector.broadcast %mul3A_331 : i32 to vector<16xi32>
        %mul3A_333 = arith.muli %get3A_330, %mul3A_332 : vector<16xi32>
        %add3A_334 = arith.constant 0 : i32
        %add3A_335 = vector.broadcast %add3A_334 : i32 to vector<16xi32>
        %add3A_336 = arith.addi %mul3A_333, %add3A_335 : vector<16xi32>
        %gather3A = tpu.vector_load_idx %arg14[%add3A_336] : memref<15000xf32, #tpu.memory_space<vmem>>[vector<16xi32>], vector<16xf32>,
        %add3A_337 = arith.addf %scan3A_310, %gather3A : vector<16xf32>
        %add3A_338 = arith.constant 1 : i32
        %add3A_339 = vector.broadcast %add3A_338 : i32 to vector<16xi32>
        %add3A_340 = arith.addi %mul3A_333, %add3A_339 : vector<16xi32>
        %gather3A_341 = tpu.vector_load_idx %arg14[%add3A_340] : memref<15000xf32, #tpu.memory_space<vmem>>[vector<16xi32>], vector<16xf32>,
        %add3A_342 = arith.addf %scan3A_311, %gather3A_341 : vector<16xf32>
        %add3A_343 = arith.constant 2 : i32
        %add3A_344 = vector.broadcast %add3A_343 : i32 to vector<16xi32>
        %add3A_345 = arith.addi %mul3A_333, %add3A_344 : vector<16xi32>
        %gather3A_346 = tpu.vector_load_idx %arg14[%add3A_345] : memref<15000xf32, #tpu.memory_space<vmem>>[vector<16xi32>], vector<16xf32>,
        %add3A_347 = arith.addf %scan3A_312, %gather3A_346 : vector<16xf32>
        %add3A_348 = arith.constant 3 : i32
        %add3A_349 = vector.broadcast %add3A_348 : i32 to vector<16xi32>
        %add3A_350 = arith.addi %mul3A_333, %add3A_349 : vector<16xi32>
        %gather3A_351 = tpu.vector_load_idx %arg14[%add3A_350] : memref<15000xf32, #tpu.memory_space<vmem>>[vector<16xi32>], vector<16xf32>,
        %add3A_352 = arith.addf %scan3A_313, %gather3A_351 : vector<16xf32>
        %add3A_353 = arith.constant 4 : i32
        %add3A_354 = vector.broadcast %add3A_353 : i32 to vector<16xi32>
        %add3A_355 = arith.addi %mul3A_333, %add3A_354 : vector<16xi32>
        %gather3A_356 = tpu.vector_load_idx %arg14[%add3A_355] : memref<15000xf32, #tpu.memory_space<vmem>>[vector<16xi32>], vector<16xf32>,
        %add3A_357 = arith.addf %scan3A_314, %gather3A_356 : vector<16xf32>
        %add3A_358 = arith.constant 5 : i32
        %add3A_359 = vector.broadcast %add3A_358 : i32 to vector<16xi32>
        %add3A_360 = arith.addi %mul3A_333, %add3A_359 : vector<16xi32>
        %gather3A_361 = tpu.vector_load_idx %arg14[%add3A_360] : memref<15000xf32, #tpu.memory_space<vmem>>[vector<16xi32>], vector<16xf32>,
        %add3A_362 = arith.addf %scan3A_315, %gather3A_361 : vector<16xf32>
        %add3A_363 = arith.constant 6 : i32
        %add3A_364 = vector.broadcast %add3A_363 : i32 to vector<16xi32>
        %add3A_365 = arith.addi %mul3A_333, %add3A_364 : vector<16xi32>
        %gather3A_366 = tpu.vector_load_idx %arg14[%add3A_365] : memref<15000xf32, #tpu.memory_space<vmem>>[vector<16xi32>], vector<16xf32>,
        %add3A_367 = arith.addf %scan3A_316, %gather3A_366 : vector<16xf32>
        %add3A_368 = arith.constant 7 : i32
        %add3A_369 = vector.broadcast %add3A_368 : i32 to vector<16xi32>
        %add3A_370 = arith.addi %mul3A_333, %add3A_369 : vector<16xi32>
        %gather3A_371 = tpu.vector_load_idx %arg14[%add3A_370] : memref<15000xf32, #tpu.memory_space<vmem>>[vector<16xi32>], vector<16xf32>,
        %add3A_372 = arith.addf %scan3A_317, %gather3A_371 : vector<16xf32>
        %add3A_373 = arith.constant 8 : i32
        %add3A_374 = vector.broadcast %add3A_373 : i32 to vector<16xi32>
        %add3A_375 = arith.addi %mul3A_333, %add3A_374 : vector<16xi32>
        %gather3A_376 = tpu.vector_load_idx %arg14[%add3A_375] : memref<15000xf32, #tpu.memory_space<vmem>>[vector<16xi32>], vector<16xf32>,
        %add3A_377 = arith.addf %scan3A_318, %gather3A_376 : vector<16xf32>
        %add3A_378 = arith.constant 9 : i32
        %add3A_379 = vector.broadcast %add3A_378 : i32 to vector<16xi32>
        %add3A_380 = arith.addi %mul3A_333, %add3A_379 : vector<16xi32>
        %gather3A_381 = tpu.vector_load_idx %arg14[%add3A_380] : memref<15000xf32, #tpu.memory_space<vmem>>[vector<16xi32>], vector<16xf32>,
        %add3A_382 = arith.addf %scan3A_319, %gather3A_381 : vector<16xf32>
        %add3A_383 = arith.constant 10 : i32
        %add3A_384 = vector.broadcast %add3A_383 : i32 to vector<16xi32>
        %add3A_385 = arith.addi %mul3A_333, %add3A_384 : vector<16xi32>
        %gather3A_386 = tpu.vector_load_idx %arg14[%add3A_385] : memref<15000xf32, #tpu.memory_space<vmem>>[vector<16xi32>], vector<16xf32>,
        %add3A_387 = arith.addf %scan3A_320, %gather3A_386 : vector<16xf32>
        %add3A_388 = arith.constant 11 : i32
        %add3A_389 = vector.broadcast %add3A_388 : i32 to vector<16xi32>
        %add3A_390 = arith.addi %mul3A_333, %add3A_389 : vector<16xi32>
        %gather3A_391 = tpu.vector_load_idx %arg14[%add3A_390] : memref<15000xf32, #tpu.memory_space<vmem>>[vector<16xi32>], vector<16xf32>,
        %add3A_392 = arith.addf %scan3A_321, %gather3A_391 : vector<16xf32>
        %add3A_393 = arith.constant 12 : i32
        %add3A_394 = vector.broadcast %add3A_393 : i32 to vector<16xi32>
        %add3A_395 = arith.addi %mul3A_333, %add3A_394 : vector<16xi32>
        %gather3A_396 = tpu.vector_load_idx %arg14[%add3A_395] : memref<15000xf32, #tpu.memory_space<vmem>>[vector<16xi32>], vector<16xf32>,
        %add3A_397 = arith.addf %scan3A_322, %gather3A_396 : vector<16xf32>
        %add3A_398 = arith.constant 13 : i32
        %add3A_399 = vector.broadcast %add3A_398 : i32 to vector<16xi32>
        %add3A_400 = arith.addi %mul3A_333, %add3A_399 : vector<16xi32>
        %gather3A_401 = tpu.vector_load_idx %arg14[%add3A_400] : memref<15000xf32, #tpu.memory_space<vmem>>[vector<16xi32>], vector<16xf32>,
        %add3A_402 = arith.addf %scan3A_323, %gather3A_401 : vector<16xf32>
        %add3A_403 = arith.constant 14 : i32
        %add3A_404 = vector.broadcast %add3A_403 : i32 to vector<16xi32>
        %add3A_405 = arith.addi %mul3A_333, %add3A_404 : vector<16xi32>
        %gather3A_406 = tpu.vector_load_idx %arg14[%add3A_405] : memref<15000xf32, #tpu.memory_space<vmem>>[vector<16xi32>], vector<16xf32>,
        %add3A_407 = arith.addf %scan3A_324, %gather3A_406 : vector<16xf32>
        %mul3A_408 = arith.constant 2 : i32
        %mul3A_409 = arith.muli %scan3A_309, %mul3A_408 : i32
        %add3A_410 = arith.constant 1 : i32
        %add3A_411 = arith.addi %mul3A_409, %add3A_410 : i32
        %get3A_412 = arith.index_cast %add3A_411 : i32 to index
        %get3A_413 = arith.index_cast %mul3A_208 : i32 to index
        %get3A_414 = tpu.vector_load %arg17[%get3A_412, %get3A_413] {strides = array<i32>} : memref<50x256xi32, #tpu.memory_space<vmem>>, vector<16xi32>,
        %mul3A_415 = arith.constant 15 : i32
        %mul3A_416 = vector.broadcast %mul3A_415 : i32 to vector<16xi32>
        %mul3A_417 = arith.muli %get3A_414, %mul3A_416 : vector<16xi32>
        %add3A_418 = arith.constant 0 : i32
        %add3A_419 = vector.broadcast %add3A_418 : i32 to vector<16xi32>
        %add3A_420 = arith.addi %mul3A_417, %add3A_419 : vector<16xi32>
        %gather3A_421 = tpu.vector_load_idx %arg14[%add3A_420] : memref<15000xf32, #tpu.memory_space<vmem>>[vector<16xi32>], vector<16xf32>,
        %add3A_422 = arith.addf %add3A_337, %gather3A_421 : vector<16xf32>
        %add3A_423 = arith.constant 1 : i32
        %add3A_424 = vector.broadcast %add3A_423 : i32 to vector<16xi32>
        %add3A_425 = arith.addi %mul3A_417, %add3A_424 : vector<16xi32>
        %gather3A_426 = tpu.vector_load_idx %arg14[%add3A_425] : memref<15000xf32, #tpu.memory_space<vmem>>[vector<16xi32>], vector<16xf32>,
        %add3A_427 = arith.addf %add3A_342, %gather3A_426 : vector<16xf32>
        %add3A_428 = arith.constant 2 : i32
        %add3A_429 = vector.broadcast %add3A_428 : i32 to vector<16xi32>
        %add3A_430 = arith.addi %mul3A_417, %add3A_429 : vector<16xi32>
        %gather3A_431 = tpu.vector_load_idx %arg14[%add3A_430] : memref<15000xf32, #tpu.memory_space<vmem>>[vector<16xi32>], vector<16xf32>,
        %add3A_432 = arith.addf %add3A_347, %gather3A_431 : vector<16xf32>
        %add3A_433 = arith.constant 3 : i32
        %add3A_434 = vector.broadcast %add3A_433 : i32 to vector<16xi32>
        %add3A_435 = arith.addi %mul3A_417, %add3A_434 : vector<16xi32>
        %gather3A_436 = tpu.vector_load_idx %arg14[%add3A_435] : memref<15000xf32, #tpu.memory_space<vmem>>[vector<16xi32>], vector<16xf32>,
        %add3A_437 = arith.addf %add3A_352, %gather3A_436 : vector<16xf32>
        %add3A_438 = arith.constant 4 : i32
        %add3A_439 = vector.broadcast %add3A_438 : i32 to vector<16xi32>
        %add3A_440 = arith.addi %mul3A_417, %add3A_439 : vector<16xi32>
        %gather3A_441 = tpu.vector_load_idx %arg14[%add3A_440] : memref<15000xf32, #tpu.memory_space<vmem>>[vector<16xi32>], vector<16xf32>,
        %add3A_442 = arith.addf %add3A_357, %gather3A_441 : vector<16xf32>
        %add3A_443 = arith.constant 5 : i32
        %add3A_444 = vector.broadcast %add3A_443 : i32 to vector<16xi32>
        %add3A_445 = arith.addi %mul3A_417, %add3A_444 : vector<16xi32>
        %gather3A_446 = tpu.vector_load_idx %arg14[%add3A_445] : memref<15000xf32, #tpu.memory_space<vmem>>[vector<16xi32>], vector<16xf32>,
        %add3A_447 = arith.addf %add3A_362, %gather3A_446 : vector<16xf32>
        %add3A_448 = arith.constant 6 : i32
        %add3A_449 = vector.broadcast %add3A_448 : i32 to vector<16xi32>
        %add3A_450 = arith.addi %mul3A_417, %add3A_449 : vector<16xi32>
        %gather3A_451 = tpu.vector_load_idx %arg14[%add3A_450] : memref<15000xf32, #tpu.memory_space<vmem>>[vector<16xi32>], vector<16xf32>,
        %add3A_452 = arith.addf %add3A_367, %gather3A_451 : vector<16xf32>
        %add3A_453 = arith.constant 7 : i32
        %add3A_454 = vector.broadcast %add3A_453 : i32 to vector<16xi32>
        %add3A_455 = arith.addi %mul3A_417, %add3A_454 : vector<16xi32>
        %gather3A_456 = tpu.vector_load_idx %arg14[%add3A_455] : memref<15000xf32, #tpu.memory_space<vmem>>[vector<16xi32>], vector<16xf32>,
        %add3A_457 = arith.addf %add3A_372, %gather3A_456 : vector<16xf32>
        %add3A_458 = arith.constant 8 : i32
        %add3A_459 = vector.broadcast %add3A_458 : i32 to vector<16xi32>
        %add3A_460 = arith.addi %mul3A_417, %add3A_459 : vector<16xi32>
        %gather3A_461 = tpu.vector_load_idx %arg14[%add3A_460] : memref<15000xf32, #tpu.memory_space<vmem>>[vector<16xi32>], vector<16xf32>,
        %add3A_462 = arith.addf %add3A_377, %gather3A_461 : vector<16xf32>
        %add3A_463 = arith.constant 9 : i32
        %add3A_464 = vector.broadcast %add3A_463 : i32 to vector<16xi32>
        %add3A_465 = arith.addi %mul3A_417, %add3A_464 : vector<16xi32>
        %gather3A_466 = tpu.vector_load_idx %arg14[%add3A_465] : memref<15000xf32, #tpu.memory_space<vmem>>[vector<16xi32>], vector<16xf32>,
        %add3A_467 = arith.addf %add3A_382, %gather3A_466 : vector<16xf32>
        %add3A_468 = arith.constant 10 : i32
        %add3A_469 = vector.broadcast %add3A_468 : i32 to vector<16xi32>
        %add3A_470 = arith.addi %mul3A_417, %add3A_469 : vector<16xi32>
        %gather3A_471 = tpu.vector_load_idx %arg14[%add3A_470] : memref<15000xf32, #tpu.memory_space<vmem>>[vector<16xi32>], vector<16xf32>,
        %add3A_472 = arith.addf %add3A_387, %gather3A_471 : vector<16xf32>
        %add3A_473 = arith.constant 11 : i32
        %add3A_474 = vector.broadcast %add3A_473 : i32 to vector<16xi32>
        %add3A_475 = arith.addi %mul3A_417, %add3A_474 : vector<16xi32>
        %gather3A_476 = tpu.vector_load_idx %arg14[%add3A_475] : memref<15000xf32, #tpu.memory_space<vmem>>[vector<16xi32>], vector<16xf32>,
        %add3A_477 = arith.addf %add3A_392, %gather3A_476 : vector<16xf32>
        %add3A_478 = arith.constant 12 : i32
        %add3A_479 = vector.broadcast %add3A_478 : i32 to vector<16xi32>
        %add3A_480 = arith.addi %mul3A_417, %add3A_479 : vector<16xi32>
        %gather3A_481 = tpu.vector_load_idx %arg14[%add3A_480] : memref<15000xf32, #tpu.memory_space<vmem>>[vector<16xi32>], vector<16xf32>,
        %add3A_482 = arith.addf %add3A_397, %gather3A_481 : vector<16xf32>
        %add3A_483 = arith.constant 13 : i32
        %add3A_484 = vector.broadcast %add3A_483 : i32 to vector<16xi32>
        %add3A_485 = arith.addi %mul3A_417, %add3A_484 : vector<16xi32>
        %gather3A_486 = tpu.vector_load_idx %arg14[%add3A_485] : memref<15000xf32, #tpu.memory_space<vmem>>[vector<16xi32>], vector<16xf32>,
        %add3A_487 = arith.addf %add3A_402, %gather3A_486 : vector<16xf32>
        %add3A_488 = arith.constant 14 : i32
        %add3A_489 = vector.broadcast %add3A_488 : i32 to vector<16xi32>
        %add3A_490 = arith.addi %mul3A_417, %add3A_489 : vector<16xi32>
        %gather3A_491 = tpu.vector_load_idx %arg14[%add3A_490] : memref<15000xf32, #tpu.memory_space<vmem>>[vector<16xi32>], vector<16xf32>,
        %add3A_492 = arith.addf %add3A_407, %gather3A_491 : vector<16xf32>
        scf.yield %add3A_422, %add3A_427, %add3A_432, %add3A_437, %add3A_442, %add3A_447, %add3A_452, %add3A_457, %add3A_462, %add3A_467, %add3A_472, %add3A_477, %add3A_482, %add3A_487, %add3A_492 : vector<16xf32>, vector<16xf32>, vector<16xf32>, vector<16xf32>, vector<16xf32>, vector<16xf32>, vector<16xf32>, vector<16xf32>, vector<16xf32>, vector<16xf32>, vector<16xf32>, vector<16xf32>, vector<16xf32>, vector<16xf32>, vector<16xf32>
      }
      %scan3A_243 = arith.constant 25 : i32
      %swap3A = arith.constant 0 : i32
      %swap3A_244 = arith.index_cast %swap3A : i32 to index
      %swap3A_245 = arith.index_cast %mul3A_208 : i32 to index
      %swap3A_246 = tpu.vector_load %arg18[%swap3A_244, %swap3A_245] {strides = array<i32>} : memref<16x256xf32, #tpu.memory_space<vmem>>, vector<16xf32>,
      tpu.vector_store %arg18[%swap3A_244, %swap3A_245], %scan3A_242#0 {strides = array<i32>} : memref<16x256xf32, #tpu.memory_space<vmem>>, vector<16xf32>,
      %swap3A_247 = arith.constant 1 : i32
      %swap3A_248 = arith.index_cast %swap3A_247 : i32 to index
      %swap3A_249 = arith.index_cast %mul3A_208 : i32 to index
      %swap3A_250 = tpu.vector_load %arg18[%swap3A_248, %swap3A_249] {strides = array<i32>} : memref<16x256xf32, #tpu.memory_space<vmem>>, vector<16xf32>,
      tpu.vector_store %arg18[%swap3A_248, %swap3A_249], %scan3A_242#1 {strides = array<i32>} : memref<16x256xf32, #tpu.memory_space<vmem>>, vector<16xf32>,
      %swap3A_251 = arith.constant 2 : i32
      %swap3A_252 = arith.index_cast %swap3A_251 : i32 to index
      %swap3A_253 = arith.index_cast %mul3A_208 : i32 to index
      %swap3A_254 = tpu.vector_load %arg18[%swap3A_252, %swap3A_253] {strides = array<i32>} : memref<16x256xf32, #tpu.memory_space<vmem>>, vector<16xf32>,
      tpu.vector_store %arg18[%swap3A_252, %swap3A_253], %scan3A_242#2 {strides = array<i32>} : memref<16x256xf32, #tpu.memory_space<vmem>>, vector<16xf32>,
      %swap3A_255 = arith.constant 3 : i32
      %swap3A_256 = arith.index_cast %swap3A_255 : i32 to index
      %swap3A_257 = arith.index_cast %mul3A_208 : i32 to index
      %swap3A_258 = tpu.vector_load %arg18[%swap3A_256, %swap3A_257] {strides = array<i32>} : memref<16x256xf32, #tpu.memory_space<vmem>>, vector<16xf32>,
      tpu.vector_store %arg18[%swap3A_256, %swap3A_257], %scan3A_242#3 {strides = array<i32>} : memref<16x256xf32, #tpu.memory_space<vmem>>, vector<16xf32>,
      %swap3A_259 = arith.constant 4 : i32
      %swap3A_260 = arith.index_cast %swap3A_259 : i32 to index
      %swap3A_261 = arith.index_cast %mul3A_208 : i32 to index
      %swap3A_262 = tpu.vector_load %arg18[%swap3A_260, %swap3A_261] {strides = array<i32>} : memref<16x256xf32, #tpu.memory_space<vmem>>, vector<16xf32>,
      tpu.vector_store %arg18[%swap3A_260, %swap3A_261], %scan3A_242#4 {strides = array<i32>} : memref<16x256xf32, #tpu.memory_space<vmem>>, vector<16xf32>,
      %swap3A_263 = arith.constant 5 : i32
      %swap3A_264 = arith.index_cast %swap3A_263 : i32 to index
      %swap3A_265 = arith.index_cast %mul3A_208 : i32 to index
      %swap3A_266 = tpu.vector_load %arg18[%swap3A_264, %swap3A_265] {strides = array<i32>} : memref<16x256xf32, #tpu.memory_space<vmem>>, vector<16xf32>,
      tpu.vector_store %arg18[%swap3A_264, %swap3A_265], %scan3A_242#5 {strides = array<i32>} : memref<16x256xf32, #tpu.memory_space<vmem>>, vector<16xf32>,
      %swap3A_267 = arith.constant 6 : i32
      %swap3A_268 = arith.index_cast %swap3A_267 : i32 to index
      %swap3A_269 = arith.index_cast %mul3A_208 : i32 to index
      %swap3A_270 = tpu.vector_load %arg18[%swap3A_268, %swap3A_269] {strides = array<i32>} : memref<16x256xf32, #tpu.memory_space<vmem>>, vector<16xf32>,
      tpu.vector_store %arg18[%swap3A_268, %swap3A_269], %scan3A_242#6 {strides = array<i32>} : memref<16x256xf32, #tpu.memory_space<vmem>>, vector<16xf32>,
      %swap3A_271 = arith.constant 7 : i32
      %swap3A_272 = arith.index_cast %swap3A_271 : i32 to index
      %swap3A_273 = arith.index_cast %mul3A_208 : i32 to index
      %swap3A_274 = tpu.vector_load %arg18[%swap3A_272, %swap3A_273] {strides = array<i32>} : memref<16x256xf32, #tpu.memory_space<vmem>>, vector<16xf32>,
      tpu.vector_store %arg18[%swap3A_272, %swap3A_273], %scan3A_242#7 {strides = array<i32>} : memref<16x256xf32, #tpu.memory_space<vmem>>, vector<16xf32>,
      %swap3A_275 = arith.constant 8 : i32
      %swap3A_276 = arith.index_cast %swap3A_275 : i32 to index
      %swap3A_277 = arith.index_cast %mul3A_208 : i32 to index
      %swap3A_278 = tpu.vector_load %arg18[%swap3A_276, %swap3A_277] {strides = array<i32>} : memref<16x256xf32, #tpu.memory_space<vmem>>, vector<16xf32>,
      tpu.vector_store %arg18[%swap3A_276, %swap3A_277], %scan3A_242#8 {strides = array<i32>} : memref<16x256xf32, #tpu.memory_space<vmem>>, vector<16xf32>,
      %swap3A_279 = arith.constant 9 : i32
      %swap3A_280 = arith.index_cast %swap3A_279 : i32 to index
      %swap3A_281 = arith.index_cast %mul3A_208 : i32 to index
      %swap3A_282 = tpu.vector_load %arg18[%swap3A_280, %swap3A_281] {strides = array<i32>} : memref<16x256xf32, #tpu.memory_space<vmem>>, vector<16xf32>,
      tpu.vector_store %arg18[%swap3A_280, %swap3A_281], %scan3A_242#9 {strides = array<i32>} : memref<16x256xf32, #tpu.memory_space<vmem>>, vector<16xf32>,
      %swap3A_283 = arith.constant 10 : i32
      %swap3A_284 = arith.index_cast %swap3A_283 : i32 to index
      %swap3A_285 = arith.index_cast %mul3A_208 : i32 to index
      %swap3A_286 = tpu.vector_load %arg18[%swap3A_284, %swap3A_285] {strides = array<i32>} : memref<16x256xf32, #tpu.memory_space<vmem>>, vector<16xf32>,
      tpu.vector_store %arg18[%swap3A_284, %swap3A_285], %scan3A_242#10 {strides = array<i32>} : memref<16x256xf32, #tpu.memory_space<vmem>>, vector<16xf32>,
      %swap3A_287 = arith.constant 11 : i32
      %swap3A_288 = arith.index_cast %swap3A_287 : i32 to index
      %swap3A_289 = arith.index_cast %mul3A_208 : i32 to index
      %swap3A_290 = tpu.vector_load %arg18[%swap3A_288, %swap3A_289] {strides = array<i32>} : memref<16x256xf32, #tpu.memory_space<vmem>>, vector<16xf32>,
      tpu.vector_store %arg18[%swap3A_288, %swap3A_289], %scan3A_242#11 {strides = array<i32>} : memref<16x256xf32, #tpu.memory_space<vmem>>, vector<16xf32>,
      %swap3A_291 = arith.constant 12 : i32
      %swap3A_292 = arith.index_cast %swap3A_291 : i32 to index
      %swap3A_293 = arith.index_cast %mul3A_208 : i32 to index
      %swap3A_294 = tpu.vector_load %arg18[%swap3A_292, %swap3A_293] {strides = array<i32>} : memref<16x256xf32, #tpu.memory_space<vmem>>, vector<16xf32>,
      tpu.vector_store %arg18[%swap3A_292, %swap3A_293], %scan3A_242#12 {strides = array<i32>} : memref<16x256xf32, #tpu.memory_space<vmem>>, vector<16xf32>,
      %swap3A_295 = arith.constant 13 : i32
      %swap3A_296 = arith.index_cast %swap3A_295 : i32 to index
      %swap3A_297 = arith.index_cast %mul3A_208 : i32 to index
      %swap3A_298 = tpu.vector_load %arg18[%swap3A_296, %swap3A_297] {strides = array<i32>} : memref<16x256xf32, #tpu.memory_space<vmem>>, vector<16xf32>,
      tpu.vector_store %arg18[%swap3A_296, %swap3A_297], %scan3A_242#13 {strides = array<i32>} : memref<16x256xf32, #tpu.memory_space<vmem>>, vector<16xf32>,
      %swap3A_299 = arith.constant 14 : i32
      %swap3A_300 = arith.index_cast %swap3A_299 : i32 to index
      %swap3A_301 = arith.index_cast %mul3A_208 : i32 to index
      %swap3A_302 = tpu.vector_load %arg18[%swap3A_300, %swap3A_301] {strides = array<i32>} : memref<16x256xf32, #tpu.memory_space<vmem>>, vector<16xf32>,
      tpu.vector_store %arg18[%swap3A_300, %swap3A_301], %scan3A_242#14 {strides = array<i32>} : memref<16x256xf32, #tpu.memory_space<vmem>>, vector<16xf32>,
      %broadcast_in_dim3A_303 = arith.constant 0.000000e+00 : f32
      %broadcast_in_dim3A_304 = vector.broadcast %broadcast_in_dim3A_303 : f32 to vector<16xf32>
      %swap3A_305 = arith.constant 15 : i32
      %swap3A_306 = arith.index_cast %swap3A_305 : i32 to index
      %swap3A_307 = arith.index_cast %mul3A_208 : i32 to index
      %swap3A_308 = tpu.vector_load %arg18[%swap3A_306, %swap3A_307] {strides = array<i32>} : memref<16x256xf32, #tpu.memory_space<vmem>>, vector<16xf32>,
      tpu.vector_store %arg18[%swap3A_306, %swap3A_307], %broadcast_in_dim3A_304 {strides = array<i32>} : memref<16x256xf32, #tpu.memory_space<vmem>>, vector<16xf32>,
    }
    %scan3A_153 = arith.constant 16 : i32
    "tpu.region"() ({
      %run_scoped3A = tpu.sem_alloc : memref<!tpu.dma_semaphore, #tpu.memory_space<semaphore_mem>>
      %dma_start3A_206 = arith.constant 0 : i32
      %dma_start3A_207 = arith.constant 0 : i32
      %dma_start3A_208 = tpu.memref_slice %arg13[%add3A_147, %dma_start3A_206, %dma_start3A_207] : memref<64x16x256xf32, #tpu.memory_space<hbm>> -> memref<1x16x256xf32, #tpu.memory_space<hbm>>
      %dma_start3A_209 = tpu.memref_squeeze %dma_start3A_208 : memref<1x16x256xf32, #tpu.memory_space<hbm>> -> memref<16x256xf32, #tpu.memory_space<hbm>>
      %dma_start3A_210 = arith.constant 0 : i32
      %dma_start3A_211 = arith.constant 0 : i32
      %dma_start3A_212 = tpu.memref_slice %arg13[%add3A_147, %dma_start3A_210, %dma_start3A_211] : memref<64x16x256xf32, #tpu.memory_space<hbm>> -> memref<1x16x256xf32, #tpu.memory_space<hbm>>
      %dma_start3A_213 = tpu.memref_squeeze %dma_start3A_212 : memref<1x16x256xf32, #tpu.memory_space<hbm>> -> memref<16x256xf32, #tpu.memory_space<hbm>>
      tpu.enqueue_dma source(%arg18 : memref<16x256xf32, #tpu.memory_space<vmem>>) target(%dma_start3A_213 : memref<16x256xf32, #tpu.memory_space<hbm>>) target_semaphore(%run_scoped3A : memref<!tpu.dma_semaphore, #tpu.memory_space<semaphore_mem>>)
      %dma_wait3A_214 = arith.constant 0 : i32
      %dma_wait3A_215 = arith.constant 0 : i32
      %dma_wait3A_216 = tpu.memref_slice %arg13[%add3A_147, %dma_wait3A_214, %dma_wait3A_215] : memref<64x16x256xf32, #tpu.memory_space<hbm>> -> memref<1x16x256xf32, #tpu.memory_space<hbm>>
      %dma_wait3A_217 = tpu.memref_squeeze %dma_wait3A_216 : memref<1x16x256xf32, #tpu.memory_space<hbm>> -> memref<16x256xf32, #tpu.memory_space<hbm>>
      %dma_wait3A_218 = arith.constant 0 : i32
      %dma_wait3A_219 = arith.constant 0 : i32
      %dma_wait3A_220 = tpu.memref_slice %arg13[%add3A_147, %dma_wait3A_218, %dma_wait3A_219] : memref<64x16x256xf32, #tpu.memory_space<hbm>> -> memref<1x16x256xf32, #tpu.memory_space<hbm>>
      %dma_wait3A_221 = tpu.memref_squeeze %dma_wait3A_220 : memref<1x16x256xf32, #tpu.memory_space<hbm>> -> memref<16x256xf32, #tpu.memory_space<hbm>>
      tpu.wait_dma2 semaphore(%run_scoped3A : memref<!tpu.dma_semaphore, #tpu.memory_space<semaphore_mem>>) src(%arg18 : memref<16x256xf32, #tpu.memory_space<vmem>>) dst(%dma_wait3A_221 : memref<16x256xf32, #tpu.memory_space<hbm>>)
      tpu.yield
    }) : () -> ()
    %mul3A_154 = arith.constant 2 : i32
    %mul3A_155 = arith.muli %add3A, %mul3A_154 : i32
    %add3A_156 = arith.constant 1 : i32
    %add3A_157 = arith.addi %mul3A_155, %add3A_156 : i32
    "tpu.region"() ({
      %run_scoped3A = tpu.sem_alloc : memref<!tpu.dma_semaphore, #tpu.memory_space<semaphore_mem>>
      %dma_start3A_206 = arith.constant 0 : i32
      %dma_start3A_207 = arith.constant 0 : i32
      %dma_start3A_208 = tpu.memref_slice %arg9[%add3A_157, %dma_start3A_206, %dma_start3A_207] : memref<64x50x256xi32, #tpu.memory_space<hbm>> -> memref<1x50x256xi32, #tpu.memory_space<hbm>>
      %dma_start3A_209 = tpu.memref_squeeze %dma_start3A_208 : memref<1x50x256xi32, #tpu.memory_space<hbm>> -> memref<50x256xi32, #tpu.memory_space<hbm>>
      %dma_start3A_210 = arith.constant 0 : i32
      %dma_start3A_211 = arith.constant 0 : i32
      %dma_start3A_212 = tpu.memref_slice %arg9[%add3A_157, %dma_start3A_210, %dma_start3A_211] : memref<64x50x256xi32, #tpu.memory_space<hbm>> -> memref<1x50x256xi32, #tpu.memory_space<hbm>>
      %dma_start3A_213 = tpu.memref_squeeze %dma_start3A_212 : memref<1x50x256xi32, #tpu.memory_space<hbm>> -> memref<50x256xi32, #tpu.memory_space<hbm>>
      tpu.enqueue_dma source(%dma_start3A_213 : memref<50x256xi32, #tpu.memory_space<hbm>>) target(%arg17 : memref<50x256xi32, #tpu.memory_space<vmem>>) target_semaphore(%run_scoped3A : memref<!tpu.dma_semaphore, #tpu.memory_space<semaphore_mem>>)
      %dma_wait3A_214 = arith.constant 0 : i32
      %dma_wait3A_215 = arith.constant 0 : i32
      %dma_wait3A_216 = tpu.memref_slice %arg9[%add3A_157, %dma_wait3A_214, %dma_wait3A_215] : memref<64x50x256xi32, #tpu.memory_space<hbm>> -> memref<1x50x256xi32, #tpu.memory_space<hbm>>
      %dma_wait3A_217 = tpu.memref_squeeze %dma_wait3A_216 : memref<1x50x256xi32, #tpu.memory_space<hbm>> -> memref<50x256xi32, #tpu.memory_space<hbm>>
      %dma_wait3A_218 = arith.constant 0 : i32
      %dma_wait3A_219 = arith.constant 0 : i32
      %dma_wait3A_220 = tpu.memref_slice %arg9[%add3A_157, %dma_wait3A_218, %dma_wait3A_219] : memref<64x50x256xi32, #tpu.memory_space<hbm>> -> memref<1x50x256xi32, #tpu.memory_space<hbm>>
      %dma_wait3A_221 = tpu.memref_squeeze %dma_wait3A_220 : memref<1x50x256xi32, #tpu.memory_space<hbm>> -> memref<50x256xi32, #tpu.memory_space<hbm>>
      tpu.wait_dma2 semaphore(%run_scoped3A : memref<!tpu.dma_semaphore, #tpu.memory_space<semaphore_mem>>) src(%dma_wait3A_221 : memref<50x256xi32, #tpu.memory_space<hbm>>) dst(%arg17 : memref<50x256xi32, #tpu.memory_space<vmem>>)
      tpu.yield
    }) : () -> ()
    %scan3A_158 = arith.constant 0 : i32
    %scan3A_159 = arith.constant 0 : i32
    %scan3A_160 = arith.constant 16 : i32
    %scan3A_161 = arith.addi %scan3A_159, %scan3A_160 : i32
    %scan3A_162 = arith.constant 1 : i32
    scf.for %scan3A_206 = %scan3A_159 to %scan3A_161 step %scan3A_162  : i32 {
      %mul3A_207 = arith.constant 16 : i32
      %mul3A_208 = arith.muli %scan3A_206, %mul3A_207 : i32
      %broadcast_in_dim3A = arith.constant 0.000000e+00 : f32
      %broadcast_in_dim3A_209 = vector.broadcast %broadcast_in_dim3A : f32 to vector<16xf32>
      %broadcast_in_dim3A_210 = arith.constant 0.000000e+00 : f32
      %broadcast_in_dim3A_211 = vector.broadcast %broadcast_in_dim3A_210 : f32 to vector<16xf32>
      %broadcast_in_dim3A_212 = arith.constant 0.000000e+00 : f32
      %broadcast_in_dim3A_213 = vector.broadcast %broadcast_in_dim3A_212 : f32 to vector<16xf32>
      %broadcast_in_dim3A_214 = arith.constant 0.000000e+00 : f32
      %broadcast_in_dim3A_215 = vector.broadcast %broadcast_in_dim3A_214 : f32 to vector<16xf32>
      %broadcast_in_dim3A_216 = arith.constant 0.000000e+00 : f32
      %broadcast_in_dim3A_217 = vector.broadcast %broadcast_in_dim3A_216 : f32 to vector<16xf32>
      %broadcast_in_dim3A_218 = arith.constant 0.000000e+00 : f32
      %broadcast_in_dim3A_219 = vector.broadcast %broadcast_in_dim3A_218 : f32 to vector<16xf32>
      %broadcast_in_dim3A_220 = arith.constant 0.000000e+00 : f32
      %broadcast_in_dim3A_221 = vector.broadcast %broadcast_in_dim3A_220 : f32 to vector<16xf32>
      %broadcast_in_dim3A_222 = arith.constant 0.000000e+00 : f32
      %broadcast_in_dim3A_223 = vector.broadcast %broadcast_in_dim3A_222 : f32 to vector<16xf32>
      %broadcast_in_dim3A_224 = arith.constant 0.000000e+00 : f32
      %broadcast_in_dim3A_225 = vector.broadcast %broadcast_in_dim3A_224 : f32 to vector<16xf32>
      %broadcast_in_dim3A_226 = arith.constant 0.000000e+00 : f32
      %broadcast_in_dim3A_227 = vector.broadcast %broadcast_in_dim3A_226 : f32 to vector<16xf32>
      %broadcast_in_dim3A_228 = arith.constant 0.000000e+00 : f32
      %broadcast_in_dim3A_229 = vector.broadcast %broadcast_in_dim3A_228 : f32 to vector<16xf32>
      %broadcast_in_dim3A_230 = arith.constant 0.000000e+00 : f32
      %broadcast_in_dim3A_231 = vector.broadcast %broadcast_in_dim3A_230 : f32 to vector<16xf32>
      %broadcast_in_dim3A_232 = arith.constant 0.000000e+00 : f32
      %broadcast_in_dim3A_233 = vector.broadcast %broadcast_in_dim3A_232 : f32 to vector<16xf32>
      %broadcast_in_dim3A_234 = arith.constant 0.000000e+00 : f32
      %broadcast_in_dim3A_235 = vector.broadcast %broadcast_in_dim3A_234 : f32 to vector<16xf32>
      %broadcast_in_dim3A_236 = arith.constant 0.000000e+00 : f32
      %broadcast_in_dim3A_237 = vector.broadcast %broadcast_in_dim3A_236 : f32 to vector<16xf32>
      %scan3A_238 = arith.constant 0 : i32
      %scan3A_239 = arith.constant 25 : i32
      %scan3A_240 = arith.addi %scan3A_238, %scan3A_239 : i32
      %scan3A_241 = arith.constant 1 : i32
      %scan3A_242:15 = scf.for %scan3A_309 = %scan3A_238 to %scan3A_240 step %scan3A_241 iter_args(%scan3A_310 = %broadcast_in_dim3A_209, %scan3A_311 = %broadcast_in_dim3A_211, %scan3A_312 = %broadcast_in_dim3A_213, %scan3A_313 = %broadcast_in_dim3A_215, %scan3A_314 = %broadcast_in_dim3A_217, %scan3A_315 = %broadcast_in_dim3A_219, %scan3A_316 = %broadcast_in_dim3A_221, %scan3A_317 = %broadcast_in_dim3A_223, %scan3A_318 = %broadcast_in_dim3A_225, %scan3A_319 = %broadcast_in_dim3A_227, %scan3A_320 = %broadcast_in_dim3A_229, %scan3A_321 = %broadcast_in_dim3A_231, %scan3A_322 = %broadcast_in_dim3A_233, %scan3A_323 = %broadcast_in_dim3A_235, %scan3A_324 = %broadcast_in_dim3A_237) -> (vector<16xf32>, vector<16xf32>, vector<16xf32>, vector<16xf32>, vector<16xf32>, vector<16xf32>, vector<16xf32>, vector<16xf32>, vector<16xf32>, vector<16xf32>, vector<16xf32>, vector<16xf32>, vector<16xf32>, vector<16xf32>, vector<16xf32>)  : i32 {
        %mul3A_325 = arith.constant 2 : i32
        %mul3A_326 = arith.muli %scan3A_309, %mul3A_325 : i32
        %add3A_327 = arith.constant 0 : i32
        %add3A_328 = arith.addi %mul3A_326, %add3A_327 : i32
        %get3A = arith.index_cast %add3A_328 : i32 to index
        %get3A_329 = arith.index_cast %mul3A_208 : i32 to index
        %get3A_330 = tpu.vector_load %arg17[%get3A, %get3A_329] {strides = array<i32>} : memref<50x256xi32, #tpu.memory_space<vmem>>, vector<16xi32>,
        %mul3A_331 = arith.constant 15 : i32
        %mul3A_332 = vector.broadcast %mul3A_331 : i32 to vector<16xi32>
        %mul3A_333 = arith.muli %get3A_330, %mul3A_332 : vector<16xi32>
        %add3A_334 = arith.constant 0 : i32
        %add3A_335 = vector.broadcast %add3A_334 : i32 to vector<16xi32>
        %add3A_336 = arith.addi %mul3A_333, %add3A_335 : vector<16xi32>
        %gather3A = tpu.vector_load_idx %arg14[%add3A_336] : memref<15000xf32, #tpu.memory_space<vmem>>[vector<16xi32>], vector<16xf32>,
        %add3A_337 = arith.addf %scan3A_310, %gather3A : vector<16xf32>
        %add3A_338 = arith.constant 1 : i32
        %add3A_339 = vector.broadcast %add3A_338 : i32 to vector<16xi32>
        %add3A_340 = arith.addi %mul3A_333, %add3A_339 : vector<16xi32>
        %gather3A_341 = tpu.vector_load_idx %arg14[%add3A_340] : memref<15000xf32, #tpu.memory_space<vmem>>[vector<16xi32>], vector<16xf32>,
        %add3A_342 = arith.addf %scan3A_311, %gather3A_341 : vector<16xf32>
        %add3A_343 = arith.constant 2 : i32
        %add3A_344 = vector.broadcast %add3A_343 : i32 to vector<16xi32>
        %add3A_345 = arith.addi %mul3A_333, %add3A_344 : vector<16xi32>
        %gather3A_346 = tpu.vector_load_idx %arg14[%add3A_345] : memref<15000xf32, #tpu.memory_space<vmem>>[vector<16xi32>], vector<16xf32>,
        %add3A_347 = arith.addf %scan3A_312, %gather3A_346 : vector<16xf32>
        %add3A_348 = arith.constant 3 : i32
        %add3A_349 = vector.broadcast %add3A_348 : i32 to vector<16xi32>
        %add3A_350 = arith.addi %mul3A_333, %add3A_349 : vector<16xi32>
        %gather3A_351 = tpu.vector_load_idx %arg14[%add3A_350] : memref<15000xf32, #tpu.memory_space<vmem>>[vector<16xi32>], vector<16xf32>,
        %add3A_352 = arith.addf %scan3A_313, %gather3A_351 : vector<16xf32>
        %add3A_353 = arith.constant 4 : i32
        %add3A_354 = vector.broadcast %add3A_353 : i32 to vector<16xi32>
        %add3A_355 = arith.addi %mul3A_333, %add3A_354 : vector<16xi32>
        %gather3A_356 = tpu.vector_load_idx %arg14[%add3A_355] : memref<15000xf32, #tpu.memory_space<vmem>>[vector<16xi32>], vector<16xf32>,
        %add3A_357 = arith.addf %scan3A_314, %gather3A_356 : vector<16xf32>
        %add3A_358 = arith.constant 5 : i32
        %add3A_359 = vector.broadcast %add3A_358 : i32 to vector<16xi32>
        %add3A_360 = arith.addi %mul3A_333, %add3A_359 : vector<16xi32>
        %gather3A_361 = tpu.vector_load_idx %arg14[%add3A_360] : memref<15000xf32, #tpu.memory_space<vmem>>[vector<16xi32>], vector<16xf32>,
        %add3A_362 = arith.addf %scan3A_315, %gather3A_361 : vector<16xf32>
        %add3A_363 = arith.constant 6 : i32
        %add3A_364 = vector.broadcast %add3A_363 : i32 to vector<16xi32>
        %add3A_365 = arith.addi %mul3A_333, %add3A_364 : vector<16xi32>
        %gather3A_366 = tpu.vector_load_idx %arg14[%add3A_365] : memref<15000xf32, #tpu.memory_space<vmem>>[vector<16xi32>], vector<16xf32>,
        %add3A_367 = arith.addf %scan3A_316, %gather3A_366 : vector<16xf32>
        %add3A_368 = arith.constant 7 : i32
        %add3A_369 = vector.broadcast %add3A_368 : i32 to vector<16xi32>
        %add3A_370 = arith.addi %mul3A_333, %add3A_369 : vector<16xi32>
        %gather3A_371 = tpu.vector_load_idx %arg14[%add3A_370] : memref<15000xf32, #tpu.memory_space<vmem>>[vector<16xi32>], vector<16xf32>,
        %add3A_372 = arith.addf %scan3A_317, %gather3A_371 : vector<16xf32>
        %add3A_373 = arith.constant 8 : i32
        %add3A_374 = vector.broadcast %add3A_373 : i32 to vector<16xi32>
        %add3A_375 = arith.addi %mul3A_333, %add3A_374 : vector<16xi32>
        %gather3A_376 = tpu.vector_load_idx %arg14[%add3A_375] : memref<15000xf32, #tpu.memory_space<vmem>>[vector<16xi32>], vector<16xf32>,
        %add3A_377 = arith.addf %scan3A_318, %gather3A_376 : vector<16xf32>
        %add3A_378 = arith.constant 9 : i32
        %add3A_379 = vector.broadcast %add3A_378 : i32 to vector<16xi32>
        %add3A_380 = arith.addi %mul3A_333, %add3A_379 : vector<16xi32>
        %gather3A_381 = tpu.vector_load_idx %arg14[%add3A_380] : memref<15000xf32, #tpu.memory_space<vmem>>[vector<16xi32>], vector<16xf32>,
        %add3A_382 = arith.addf %scan3A_319, %gather3A_381 : vector<16xf32>
        %add3A_383 = arith.constant 10 : i32
        %add3A_384 = vector.broadcast %add3A_383 : i32 to vector<16xi32>
        %add3A_385 = arith.addi %mul3A_333, %add3A_384 : vector<16xi32>
        %gather3A_386 = tpu.vector_load_idx %arg14[%add3A_385] : memref<15000xf32, #tpu.memory_space<vmem>>[vector<16xi32>], vector<16xf32>,
        %add3A_387 = arith.addf %scan3A_320, %gather3A_386 : vector<16xf32>
        %add3A_388 = arith.constant 11 : i32
        %add3A_389 = vector.broadcast %add3A_388 : i32 to vector<16xi32>
        %add3A_390 = arith.addi %mul3A_333, %add3A_389 : vector<16xi32>
        %gather3A_391 = tpu.vector_load_idx %arg14[%add3A_390] : memref<15000xf32, #tpu.memory_space<vmem>>[vector<16xi32>], vector<16xf32>,
        %add3A_392 = arith.addf %scan3A_321, %gather3A_391 : vector<16xf32>
        %add3A_393 = arith.constant 12 : i32
        %add3A_394 = vector.broadcast %add3A_393 : i32 to vector<16xi32>
        %add3A_395 = arith.addi %mul3A_333, %add3A_394 : vector<16xi32>
        %gather3A_396 = tpu.vector_load_idx %arg14[%add3A_395] : memref<15000xf32, #tpu.memory_space<vmem>>[vector<16xi32>], vector<16xf32>,
        %add3A_397 = arith.addf %scan3A_322, %gather3A_396 : vector<16xf32>
        %add3A_398 = arith.constant 13 : i32
        %add3A_399 = vector.broadcast %add3A_398 : i32 to vector<16xi32>
        %add3A_400 = arith.addi %mul3A_333, %add3A_399 : vector<16xi32>
        %gather3A_401 = tpu.vector_load_idx %arg14[%add3A_400] : memref<15000xf32, #tpu.memory_space<vmem>>[vector<16xi32>], vector<16xf32>,
        %add3A_402 = arith.addf %scan3A_323, %gather3A_401 : vector<16xf32>
        %add3A_403 = arith.constant 14 : i32
        %add3A_404 = vector.broadcast %add3A_403 : i32 to vector<16xi32>
        %add3A_405 = arith.addi %mul3A_333, %add3A_404 : vector<16xi32>
        %gather3A_406 = tpu.vector_load_idx %arg14[%add3A_405] : memref<15000xf32, #tpu.memory_space<vmem>>[vector<16xi32>], vector<16xf32>,
        %add3A_407 = arith.addf %scan3A_324, %gather3A_406 : vector<16xf32>
        %mul3A_408 = arith.constant 2 : i32
        %mul3A_409 = arith.muli %scan3A_309, %mul3A_408 : i32
        %add3A_410 = arith.constant 1 : i32
        %add3A_411 = arith.addi %mul3A_409, %add3A_410 : i32
        %get3A_412 = arith.index_cast %add3A_411 : i32 to index
        %get3A_413 = arith.index_cast %mul3A_208 : i32 to index
        %get3A_414 = tpu.vector_load %arg17[%get3A_412, %get3A_413] {strides = array<i32>} : memref<50x256xi32, #tpu.memory_space<vmem>>, vector<16xi32>,
        %mul3A_415 = arith.constant 15 : i32
        %mul3A_416 = vector.broadcast %mul3A_415 : i32 to vector<16xi32>
        %mul3A_417 = arith.muli %get3A_414, %mul3A_416 : vector<16xi32>
        %add3A_418 = arith.constant 0 : i32
        %add3A_419 = vector.broadcast %add3A_418 : i32 to vector<16xi32>
        %add3A_420 = arith.addi %mul3A_417, %add3A_419 : vector<16xi32>
        %gather3A_421 = tpu.vector_load_idx %arg14[%add3A_420] : memref<15000xf32, #tpu.memory_space<vmem>>[vector<16xi32>], vector<16xf32>,
        %add3A_422 = arith.addf %add3A_337, %gather3A_421 : vector<16xf32>
        %add3A_423 = arith.constant 1 : i32
        %add3A_424 = vector.broadcast %add3A_423 : i32 to vector<16xi32>
        %add3A_425 = arith.addi %mul3A_417, %add3A_424 : vector<16xi32>
        %gather3A_426 = tpu.vector_load_idx %arg14[%add3A_425] : memref<15000xf32, #tpu.memory_space<vmem>>[vector<16xi32>], vector<16xf32>,
        %add3A_427 = arith.addf %add3A_342, %gather3A_426 : vector<16xf32>
        %add3A_428 = arith.constant 2 : i32
        %add3A_429 = vector.broadcast %add3A_428 : i32 to vector<16xi32>
        %add3A_430 = arith.addi %mul3A_417, %add3A_429 : vector<16xi32>
        %gather3A_431 = tpu.vector_load_idx %arg14[%add3A_430] : memref<15000xf32, #tpu.memory_space<vmem>>[vector<16xi32>], vector<16xf32>,
        %add3A_432 = arith.addf %add3A_347, %gather3A_431 : vector<16xf32>
        %add3A_433 = arith.constant 3 : i32
        %add3A_434 = vector.broadcast %add3A_433 : i32 to vector<16xi32>
        %add3A_435 = arith.addi %mul3A_417, %add3A_434 : vector<16xi32>
        %gather3A_436 = tpu.vector_load_idx %arg14[%add3A_435] : memref<15000xf32, #tpu.memory_space<vmem>>[vector<16xi32>], vector<16xf32>,
        %add3A_437 = arith.addf %add3A_352, %gather3A_436 : vector<16xf32>
        %add3A_438 = arith.constant 4 : i32
        %add3A_439 = vector.broadcast %add3A_438 : i32 to vector<16xi32>
        %add3A_440 = arith.addi %mul3A_417, %add3A_439 : vector<16xi32>
        %gather3A_441 = tpu.vector_load_idx %arg14[%add3A_440] : memref<15000xf32, #tpu.memory_space<vmem>>[vector<16xi32>], vector<16xf32>,
        %add3A_442 = arith.addf %add3A_357, %gather3A_441 : vector<16xf32>
        %add3A_443 = arith.constant 5 : i32
        %add3A_444 = vector.broadcast %add3A_443 : i32 to vector<16xi32>
        %add3A_445 = arith.addi %mul3A_417, %add3A_444 : vector<16xi32>
        %gather3A_446 = tpu.vector_load_idx %arg14[%add3A_445] : memref<15000xf32, #tpu.memory_space<vmem>>[vector<16xi32>], vector<16xf32>,
        %add3A_447 = arith.addf %add3A_362, %gather3A_446 : vector<16xf32>
        %add3A_448 = arith.constant 6 : i32
        %add3A_449 = vector.broadcast %add3A_448 : i32 to vector<16xi32>
        %add3A_450 = arith.addi %mul3A_417, %add3A_449 : vector<16xi32>
        %gather3A_451 = tpu.vector_load_idx %arg14[%add3A_450] : memref<15000xf32, #tpu.memory_space<vmem>>[vector<16xi32>], vector<16xf32>,
        %add3A_452 = arith.addf %add3A_367, %gather3A_451 : vector<16xf32>
        %add3A_453 = arith.constant 7 : i32
        %add3A_454 = vector.broadcast %add3A_453 : i32 to vector<16xi32>
        %add3A_455 = arith.addi %mul3A_417, %add3A_454 : vector<16xi32>
        %gather3A_456 = tpu.vector_load_idx %arg14[%add3A_455] : memref<15000xf32, #tpu.memory_space<vmem>>[vector<16xi32>], vector<16xf32>,
        %add3A_457 = arith.addf %add3A_372, %gather3A_456 : vector<16xf32>
        %add3A_458 = arith.constant 8 : i32
        %add3A_459 = vector.broadcast %add3A_458 : i32 to vector<16xi32>
        %add3A_460 = arith.addi %mul3A_417, %add3A_459 : vector<16xi32>
        %gather3A_461 = tpu.vector_load_idx %arg14[%add3A_460] : memref<15000xf32, #tpu.memory_space<vmem>>[vector<16xi32>], vector<16xf32>,
        %add3A_462 = arith.addf %add3A_377, %gather3A_461 : vector<16xf32>
        %add3A_463 = arith.constant 9 : i32
        %add3A_464 = vector.broadcast %add3A_463 : i32 to vector<16xi32>
        %add3A_465 = arith.addi %mul3A_417, %add3A_464 : vector<16xi32>
        %gather3A_466 = tpu.vector_load_idx %arg14[%add3A_465] : memref<15000xf32, #tpu.memory_space<vmem>>[vector<16xi32>], vector<16xf32>,
        %add3A_467 = arith.addf %add3A_382, %gather3A_466 : vector<16xf32>
        %add3A_468 = arith.constant 10 : i32
        %add3A_469 = vector.broadcast %add3A_468 : i32 to vector<16xi32>
        %add3A_470 = arith.addi %mul3A_417, %add3A_469 : vector<16xi32>
        %gather3A_471 = tpu.vector_load_idx %arg14[%add3A_470] : memref<15000xf32, #tpu.memory_space<vmem>>[vector<16xi32>], vector<16xf32>,
        %add3A_472 = arith.addf %add3A_387, %gather3A_471 : vector<16xf32>
        %add3A_473 = arith.constant 11 : i32
        %add3A_474 = vector.broadcast %add3A_473 : i32 to vector<16xi32>
        %add3A_475 = arith.addi %mul3A_417, %add3A_474 : vector<16xi32>
        %gather3A_476 = tpu.vector_load_idx %arg14[%add3A_475] : memref<15000xf32, #tpu.memory_space<vmem>>[vector<16xi32>], vector<16xf32>,
        %add3A_477 = arith.addf %add3A_392, %gather3A_476 : vector<16xf32>
        %add3A_478 = arith.constant 12 : i32
        %add3A_479 = vector.broadcast %add3A_478 : i32 to vector<16xi32>
        %add3A_480 = arith.addi %mul3A_417, %add3A_479 : vector<16xi32>
        %gather3A_481 = tpu.vector_load_idx %arg14[%add3A_480] : memref<15000xf32, #tpu.memory_space<vmem>>[vector<16xi32>], vector<16xf32>,
        %add3A_482 = arith.addf %add3A_397, %gather3A_481 : vector<16xf32>
        %add3A_483 = arith.constant 13 : i32
        %add3A_484 = vector.broadcast %add3A_483 : i32 to vector<16xi32>
        %add3A_485 = arith.addi %mul3A_417, %add3A_484 : vector<16xi32>
        %gather3A_486 = tpu.vector_load_idx %arg14[%add3A_485] : memref<15000xf32, #tpu.memory_space<vmem>>[vector<16xi32>], vector<16xf32>,
        %add3A_487 = arith.addf %add3A_402, %gather3A_486 : vector<16xf32>
        %add3A_488 = arith.constant 14 : i32
        %add3A_489 = vector.broadcast %add3A_488 : i32 to vector<16xi32>
        %add3A_490 = arith.addi %mul3A_417, %add3A_489 : vector<16xi32>
        %gather3A_491 = tpu.vector_load_idx %arg14[%add3A_490] : memref<15000xf32, #tpu.memory_space<vmem>>[vector<16xi32>], vector<16xf32>,
        %add3A_492 = arith.addf %add3A_407, %gather3A_491 : vector<16xf32>
        scf.yield %add3A_422, %add3A_427, %add3A_432, %add3A_437, %add3A_442, %add3A_447, %add3A_452, %add3A_457, %add3A_462, %add3A_467, %add3A_472, %add3A_477, %add3A_482, %add3A_487, %add3A_492 : vector<16xf32>, vector<16xf32>, vector<16xf32>, vector<16xf32>, vector<16xf32>, vector<16xf32>, vector<16xf32>, vector<16xf32>, vector<16xf32>, vector<16xf32>, vector<16xf32>, vector<16xf32>, vector<16xf32>, vector<16xf32>, vector<16xf32>
      }
      %scan3A_243 = arith.constant 25 : i32
      %swap3A = arith.constant 0 : i32
      %swap3A_244 = arith.index_cast %swap3A : i32 to index
      %swap3A_245 = arith.index_cast %mul3A_208 : i32 to index
      %swap3A_246 = tpu.vector_load %arg18[%swap3A_244, %swap3A_245] {strides = array<i32>} : memref<16x256xf32, #tpu.memory_space<vmem>>, vector<16xf32>,
      tpu.vector_store %arg18[%swap3A_244, %swap3A_245], %scan3A_242#0 {strides = array<i32>} : memref<16x256xf32, #tpu.memory_space<vmem>>, vector<16xf32>,
      %swap3A_247 = arith.constant 1 : i32
      %swap3A_248 = arith.index_cast %swap3A_247 : i32 to index
      %swap3A_249 = arith.index_cast %mul3A_208 : i32 to index
      %swap3A_250 = tpu.vector_load %arg18[%swap3A_248, %swap3A_249] {strides = array<i32>} : memref<16x256xf32, #tpu.memory_space<vmem>>, vector<16xf32>,
      tpu.vector_store %arg18[%swap3A_248, %swap3A_249], %scan3A_242#1 {strides = array<i32>} : memref<16x256xf32, #tpu.memory_space<vmem>>, vector<16xf32>,
      %swap3A_251 = arith.constant 2 : i32
      %swap3A_252 = arith.index_cast %swap3A_251 : i32 to index
      %swap3A_253 = arith.index_cast %mul3A_208 : i32 to index
      %swap3A_254 = tpu.vector_load %arg18[%swap3A_252, %swap3A_253] {strides = array<i32>} : memref<16x256xf32, #tpu.memory_space<vmem>>, vector<16xf32>,
      tpu.vector_store %arg18[%swap3A_252, %swap3A_253], %scan3A_242#2 {strides = array<i32>} : memref<16x256xf32, #tpu.memory_space<vmem>>, vector<16xf32>,
      %swap3A_255 = arith.constant 3 : i32
      %swap3A_256 = arith.index_cast %swap3A_255 : i32 to index
      %swap3A_257 = arith.index_cast %mul3A_208 : i32 to index
      %swap3A_258 = tpu.vector_load %arg18[%swap3A_256, %swap3A_257] {strides = array<i32>} : memref<16x256xf32, #tpu.memory_space<vmem>>, vector<16xf32>,
      tpu.vector_store %arg18[%swap3A_256, %swap3A_257], %scan3A_242#3 {strides = array<i32>} : memref<16x256xf32, #tpu.memory_space<vmem>>, vector<16xf32>,
      %swap3A_259 = arith.constant 4 : i32
      %swap3A_260 = arith.index_cast %swap3A_259 : i32 to index
      %swap3A_261 = arith.index_cast %mul3A_208 : i32 to index
      %swap3A_262 = tpu.vector_load %arg18[%swap3A_260, %swap3A_261] {strides = array<i32>} : memref<16x256xf32, #tpu.memory_space<vmem>>, vector<16xf32>,
      tpu.vector_store %arg18[%swap3A_260, %swap3A_261], %scan3A_242#4 {strides = array<i32>} : memref<16x256xf32, #tpu.memory_space<vmem>>, vector<16xf32>,
      %swap3A_263 = arith.constant 5 : i32
      %swap3A_264 = arith.index_cast %swap3A_263 : i32 to index
      %swap3A_265 = arith.index_cast %mul3A_208 : i32 to index
      %swap3A_266 = tpu.vector_load %arg18[%swap3A_264, %swap3A_265] {strides = array<i32>} : memref<16x256xf32, #tpu.memory_space<vmem>>, vector<16xf32>,
      tpu.vector_store %arg18[%swap3A_264, %swap3A_265], %scan3A_242#5 {strides = array<i32>} : memref<16x256xf32, #tpu.memory_space<vmem>>, vector<16xf32>,
      %swap3A_267 = arith.constant 6 : i32
      %swap3A_268 = arith.index_cast %swap3A_267 : i32 to index
      %swap3A_269 = arith.index_cast %mul3A_208 : i32 to index
      %swap3A_270 = tpu.vector_load %arg18[%swap3A_268, %swap3A_269] {strides = array<i32>} : memref<16x256xf32, #tpu.memory_space<vmem>>, vector<16xf32>,
      tpu.vector_store %arg18[%swap3A_268, %swap3A_269], %scan3A_242#6 {strides = array<i32>} : memref<16x256xf32, #tpu.memory_space<vmem>>, vector<16xf32>,
      %swap3A_271 = arith.constant 7 : i32
      %swap3A_272 = arith.index_cast %swap3A_271 : i32 to index
      %swap3A_273 = arith.index_cast %mul3A_208 : i32 to index
      %swap3A_274 = tpu.vector_load %arg18[%swap3A_272, %swap3A_273] {strides = array<i32>} : memref<16x256xf32, #tpu.memory_space<vmem>>, vector<16xf32>,
      tpu.vector_store %arg18[%swap3A_272, %swap3A_273], %scan3A_242#7 {strides = array<i32>} : memref<16x256xf32, #tpu.memory_space<vmem>>, vector<16xf32>,
      %swap3A_275 = arith.constant 8 : i32
      %swap3A_276 = arith.index_cast %swap3A_275 : i32 to index
      %swap3A_277 = arith.index_cast %mul3A_208 : i32 to index
      %swap3A_278 = tpu.vector_load %arg18[%swap3A_276, %swap3A_277] {strides = array<i32>} : memref<16x256xf32, #tpu.memory_space<vmem>>, vector<16xf32>,
      tpu.vector_store %arg18[%swap3A_276, %swap3A_277], %scan3A_242#8 {strides = array<i32>} : memref<16x256xf32, #tpu.memory_space<vmem>>, vector<16xf32>,
      %swap3A_279 = arith.constant 9 : i32
      %swap3A_280 = arith.index_cast %swap3A_279 : i32 to index
      %swap3A_281 = arith.index_cast %mul3A_208 : i32 to index
      %swap3A_282 = tpu.vector_load %arg18[%swap3A_280, %swap3A_281] {strides = array<i32>} : memref<16x256xf32, #tpu.memory_space<vmem>>, vector<16xf32>,
      tpu.vector_store %arg18[%swap3A_280, %swap3A_281], %scan3A_242#9 {strides = array<i32>} : memref<16x256xf32, #tpu.memory_space<vmem>>, vector<16xf32>,
      %swap3A_283 = arith.constant 10 : i32
      %swap3A_284 = arith.index_cast %swap3A_283 : i32 to index
      %swap3A_285 = arith.index_cast %mul3A_208 : i32 to index
      %swap3A_286 = tpu.vector_load %arg18[%swap3A_284, %swap3A_285] {strides = array<i32>} : memref<16x256xf32, #tpu.memory_space<vmem>>, vector<16xf32>,
      tpu.vector_store %arg18[%swap3A_284, %swap3A_285], %scan3A_242#10 {strides = array<i32>} : memref<16x256xf32, #tpu.memory_space<vmem>>, vector<16xf32>,
      %swap3A_287 = arith.constant 11 : i32
      %swap3A_288 = arith.index_cast %swap3A_287 : i32 to index
      %swap3A_289 = arith.index_cast %mul3A_208 : i32 to index
      %swap3A_290 = tpu.vector_load %arg18[%swap3A_288, %swap3A_289] {strides = array<i32>} : memref<16x256xf32, #tpu.memory_space<vmem>>, vector<16xf32>,
      tpu.vector_store %arg18[%swap3A_288, %swap3A_289], %scan3A_242#11 {strides = array<i32>} : memref<16x256xf32, #tpu.memory_space<vmem>>, vector<16xf32>,
      %swap3A_291 = arith.constant 12 : i32
      %swap3A_292 = arith.index_cast %swap3A_291 : i32 to index
      %swap3A_293 = arith.index_cast %mul3A_208 : i32 to index
      %swap3A_294 = tpu.vector_load %arg18[%swap3A_292, %swap3A_293] {strides = array<i32>} : memref<16x256xf32, #tpu.memory_space<vmem>>, vector<16xf32>,
      tpu.vector_store %arg18[%swap3A_292, %swap3A_293], %scan3A_242#12 {strides = array<i32>} : memref<16x256xf32, #tpu.memory_space<vmem>>, vector<16xf32>,
      %swap3A_295 = arith.constant 13 : i32
      %swap3A_296 = arith.index_cast %swap3A_295 : i32 to index
      %swap3A_297 = arith.index_cast %mul3A_208 : i32 to index
      %swap3A_298 = tpu.vector_load %arg18[%swap3A_296, %swap3A_297] {strides = array<i32>} : memref<16x256xf32, #tpu.memory_space<vmem>>, vector<16xf32>,
      tpu.vector_store %arg18[%swap3A_296, %swap3A_297], %scan3A_242#13 {strides = array<i32>} : memref<16x256xf32, #tpu.memory_space<vmem>>, vector<16xf32>,
      %swap3A_299 = arith.constant 14 : i32
      %swap3A_300 = arith.index_cast %swap3A_299 : i32 to index
      %swap3A_301 = arith.index_cast %mul3A_208 : i32 to index
      %swap3A_302 = tpu.vector_load %arg18[%swap3A_300, %swap3A_301] {strides = array<i32>} : memref<16x256xf32, #tpu.memory_space<vmem>>, vector<16xf32>,
      tpu.vector_store %arg18[%swap3A_300, %swap3A_301], %scan3A_242#14 {strides = array<i32>} : memref<16x256xf32, #tpu.memory_space<vmem>>, vector<16xf32>,
      %broadcast_in_dim3A_303 = arith.constant 0.000000e+00 : f32
      %broadcast_in_dim3A_304 = vector.broadcast %broadcast_in_dim3A_303 : f32 to vector<16xf32>
      %swap3A_305 = arith.constant 15 : i32
      %swap3A_306 = arith.index_cast %swap3A_305 : i32 to index
      %swap3A_307 = arith.index_cast %mul3A_208 : i32 to index
      %swap3A_308 = tpu.vector_load %arg18[%swap3A_306, %swap3A_307] {strides = array<i32>} : memref<16x256xf32, #tpu.memory_space<vmem>>, vector<16xf32>,
      tpu.vector_store %arg18[%swap3A_306, %swap3A_307], %broadcast_in_dim3A_304 {strides = array<i32>} : memref<16x256xf32, #tpu.memory_space<vmem>>, vector<16xf32>,
    }
    %scan3A_163 = arith.constant 16 : i32
    "tpu.region"() ({
      %run_scoped3A = tpu.sem_alloc : memref<!tpu.dma_semaphore, #tpu.memory_space<semaphore_mem>>
      %dma_start3A_206 = arith.constant 0 : i32
      %dma_start3A_207 = arith.constant 0 : i32
      %dma_start3A_208 = tpu.memref_slice %arg13[%add3A_157, %dma_start3A_206, %dma_start3A_207] : memref<64x16x256xf32, #tpu.memory_space<hbm>> -> memref<1x16x256xf32, #tpu.memory_space<hbm>>
      %dma_start3A_209 = tpu.memref_squeeze %dma_start3A_208 : memref<1x16x256xf32, #tpu.memory_space<hbm>> -> memref<16x256xf32, #tpu.memory_space<hbm>>
      %dma_start3A_210 = arith.constant 0 : i32
      %dma_start3A_211 = arith.constant 0 : i32
      %dma_start3A_212 = tpu.memref_slice %arg13[%add3A_157, %dma_start3A_210, %dma_start3A_211] : memref<64x16x256xf32, #tpu.memory_space<hbm>> -> memref<1x16x256xf32, #tpu.memory_space<hbm>>
      %dma_start3A_213 = tpu.memref_squeeze %dma_start3A_212 : memref<1x16x256xf32, #tpu.memory_space<hbm>> -> memref<16x256xf32, #tpu.memory_space<hbm>>
      tpu.enqueue_dma source(%arg18 : memref<16x256xf32, #tpu.memory_space<vmem>>) target(%dma_start3A_213 : memref<16x256xf32, #tpu.memory_space<hbm>>) target_semaphore(%run_scoped3A : memref<!tpu.dma_semaphore, #tpu.memory_space<semaphore_mem>>)
      %dma_wait3A_214 = arith.constant 0 : i32
      %dma_wait3A_215 = arith.constant 0 : i32
      %dma_wait3A_216 = tpu.memref_slice %arg13[%add3A_157, %dma_wait3A_214, %dma_wait3A_215] : memref<64x16x256xf32, #tpu.memory_space<hbm>> -> memref<1x16x256xf32, #tpu.memory_space<hbm>>
      %dma_wait3A_217 = tpu.memref_squeeze %dma_wait3A_216 : memref<1x16x256xf32, #tpu.memory_space<hbm>> -> memref<16x256xf32, #tpu.memory_space<hbm>>
      %dma_wait3A_218 = arith.constant 0 : i32
      %dma_wait3A_219 = arith.constant 0 : i32
      %dma_wait3A_220 = tpu.memref_slice %arg13[%add3A_157, %dma_wait3A_218, %dma_wait3A_219] : memref<64x16x256xf32, #tpu.memory_space<hbm>> -> memref<1x16x256xf32, #tpu.memory_space<hbm>>
      %dma_wait3A_221 = tpu.memref_squeeze %dma_wait3A_220 : memref<1x16x256xf32, #tpu.memory_space<hbm>> -> memref<16x256xf32, #tpu.memory_space<hbm>>
      tpu.wait_dma2 semaphore(%run_scoped3A : memref<!tpu.dma_semaphore, #tpu.memory_space<semaphore_mem>>) src(%arg18 : memref<16x256xf32, #tpu.memory_space<vmem>>) dst(%dma_wait3A_221 : memref<16x256xf32, #tpu.memory_space<hbm>>)
      tpu.yield
    }) : () -> ()
    %dma_wait3A_164 = arith.constant 0 : i32
    %dma_wait3A_165 = arith.constant 0 : i32
    %dma_wait3A_166 = arith.constant 0 : i32
    %dma_wait3A_167 = tpu.memref_slice %arg16[%dma_wait3A_165, %dma_wait3A_166] : memref<512x64xf32, #tpu.memory_space<vmem>> -> memref<128x64xf32, #tpu.memory_space<vmem>>
    %dma_wait3A_168 = arith.constant 0 : i32
    %dma_wait3A_169 = tpu.memref_slice %arg15[%dma_wait3A_164, %dma_wait3A_168] : memref<4x128xi32, #tpu.memory_space<vmem>> -> memref<1x128xi32, #tpu.memory_space<vmem>>
    %dma_wait3A_170 = tpu.memref_squeeze %dma_wait3A_169 : memref<1x128xi32, #tpu.memory_space<vmem>> -> memref<128xi32, #tpu.memory_space<vmem>>
    %dma_wait3A_171 = arith.constant 0 : i32
    %dma_wait3A_172 = arith.constant 0 : i32
    %dma_wait3A_173 = tpu.memref_slice %arg3[%dma_wait3A_171, %dma_wait3A_172] : memref<100000x64xf32, #tpu.memory_space<hbm>> -> memref<100000x64xf32, #tpu.memory_space<hbm>>
    tpu.wait_indirect_dma semaphore(%arg19 : memref<!tpu.dma_semaphore, #tpu.memory_space<semaphore_mem>>) src(%dma_wait3A_173 : memref<100000x64xf32, #tpu.memory_space<hbm>>) dst(%dma_wait3A_167 : memref<128x64xf32, #tpu.memory_space<vmem>>)
    %dma_wait3A_174 = arith.constant 1 : i32
    %dma_wait3A_175 = arith.constant 128 : i32
    %dma_wait3A_176 = arith.constant 0 : i32
    %dma_wait3A_177 = tpu.memref_slice %arg16[%dma_wait3A_175, %dma_wait3A_176] : memref<512x64xf32, #tpu.memory_space<vmem>> -> memref<128x64xf32, #tpu.memory_space<vmem>>
    %dma_wait3A_178 = arith.constant 0 : i32
    %dma_wait3A_179 = tpu.memref_slice %arg15[%dma_wait3A_174, %dma_wait3A_178] : memref<4x128xi32, #tpu.memory_space<vmem>> -> memref<1x128xi32, #tpu.memory_space<vmem>>
    %dma_wait3A_180 = tpu.memref_squeeze %dma_wait3A_179 : memref<1x128xi32, #tpu.memory_space<vmem>> -> memref<128xi32, #tpu.memory_space<vmem>>
    %dma_wait3A_181 = arith.constant 0 : i32
    %dma_wait3A_182 = arith.constant 0 : i32
    %dma_wait3A_183 = tpu.memref_slice %arg3[%dma_wait3A_181, %dma_wait3A_182] : memref<100000x64xf32, #tpu.memory_space<hbm>> -> memref<100000x64xf32, #tpu.memory_space<hbm>>
    tpu.wait_indirect_dma semaphore(%arg19 : memref<!tpu.dma_semaphore, #tpu.memory_space<semaphore_mem>>) src(%dma_wait3A_183 : memref<100000x64xf32, #tpu.memory_space<hbm>>) dst(%dma_wait3A_177 : memref<128x64xf32, #tpu.memory_space<vmem>>)
    %dma_wait3A_184 = arith.constant 2 : i32
    %dma_wait3A_185 = arith.constant 256 : i32
    %dma_wait3A_186 = arith.constant 0 : i32
    %dma_wait3A_187 = tpu.memref_slice %arg16[%dma_wait3A_185, %dma_wait3A_186] : memref<512x64xf32, #tpu.memory_space<vmem>> -> memref<128x64xf32, #tpu.memory_space<vmem>>
    %dma_wait3A_188 = arith.constant 0 : i32
    %dma_wait3A_189 = tpu.memref_slice %arg15[%dma_wait3A_184, %dma_wait3A_188] : memref<4x128xi32, #tpu.memory_space<vmem>> -> memref<1x128xi32, #tpu.memory_space<vmem>>
    %dma_wait3A_190 = tpu.memref_squeeze %dma_wait3A_189 : memref<1x128xi32, #tpu.memory_space<vmem>> -> memref<128xi32, #tpu.memory_space<vmem>>
    %dma_wait3A_191 = arith.constant 0 : i32
    %dma_wait3A_192 = arith.constant 0 : i32
    %dma_wait3A_193 = tpu.memref_slice %arg3[%dma_wait3A_191, %dma_wait3A_192] : memref<100000x64xf32, #tpu.memory_space<hbm>> -> memref<100000x64xf32, #tpu.memory_space<hbm>>
    tpu.wait_indirect_dma semaphore(%arg19 : memref<!tpu.dma_semaphore, #tpu.memory_space<semaphore_mem>>) src(%dma_wait3A_193 : memref<100000x64xf32, #tpu.memory_space<hbm>>) dst(%dma_wait3A_187 : memref<128x64xf32, #tpu.memory_space<vmem>>)
    %dma_wait3A_194 = arith.constant 3 : i32
    %dma_wait3A_195 = arith.constant 384 : i32
    %dma_wait3A_196 = arith.constant 0 : i32
    %dma_wait3A_197 = tpu.memref_slice %arg16[%dma_wait3A_195, %dma_wait3A_196] : memref<512x64xf32, #tpu.memory_space<vmem>> -> memref<128x64xf32, #tpu.memory_space<vmem>>
    %dma_wait3A_198 = arith.constant 0 : i32
    %dma_wait3A_199 = tpu.memref_slice %arg15[%dma_wait3A_194, %dma_wait3A_198] : memref<4x128xi32, #tpu.memory_space<vmem>> -> memref<1x128xi32, #tpu.memory_space<vmem>>
    %dma_wait3A_200 = tpu.memref_squeeze %dma_wait3A_199 : memref<1x128xi32, #tpu.memory_space<vmem>> -> memref<128xi32, #tpu.memory_space<vmem>>
    %dma_wait3A_201 = arith.constant 0 : i32
    %dma_wait3A_202 = arith.constant 0 : i32
    %dma_wait3A_203 = tpu.memref_slice %arg3[%dma_wait3A_201, %dma_wait3A_202] : memref<100000x64xf32, #tpu.memory_space<hbm>> -> memref<100000x64xf32, #tpu.memory_space<hbm>>
    tpu.wait_indirect_dma semaphore(%arg19 : memref<!tpu.dma_semaphore, #tpu.memory_space<semaphore_mem>>) src(%dma_wait3A_203 : memref<100000x64xf32, #tpu.memory_space<hbm>>) dst(%dma_wait3A_197 : memref<128x64xf32, #tpu.memory_space<vmem>>)
    %mul3A_204 = arith.constant 512 : i32
    %mul3A_205 = arith.muli %add3A, %mul3A_204 : i32
    "tpu.region"() ({
      %run_scoped3A = tpu.sem_alloc : memref<!tpu.dma_semaphore, #tpu.memory_space<semaphore_mem>>
      %dma_start3A_206 = arith.constant 0 : i32
      %dma_start3A_207 = tpu.memref_slice %arg11[%mul3A_205, %dma_start3A_206] : memref<16384x64xf32, #tpu.memory_space<hbm>> -> memref<512x64xf32, #tpu.memory_space<hbm>>
      %dma_start3A_208 = arith.constant 0 : i32
      %dma_start3A_209 = tpu.memref_slice %arg11[%mul3A_205, %dma_start3A_208] : memref<16384x64xf32, #tpu.memory_space<hbm>> -> memref<512x64xf32, #tpu.memory_space<hbm>>
      tpu.enqueue_dma source(%arg16 : memref<512x64xf32, #tpu.memory_space<vmem>>) target(%dma_start3A_209 : memref<512x64xf32, #tpu.memory_space<hbm>>) target_semaphore(%run_scoped3A : memref<!tpu.dma_semaphore, #tpu.memory_space<semaphore_mem>>)
      %dma_wait3A_210 = arith.constant 0 : i32
      %dma_wait3A_211 = tpu.memref_slice %arg11[%mul3A_205, %dma_wait3A_210] : memref<16384x64xf32, #tpu.memory_space<hbm>> -> memref<512x64xf32, #tpu.memory_space<hbm>>
      %dma_wait3A_212 = arith.constant 0 : i32
      %dma_wait3A_213 = tpu.memref_slice %arg11[%mul3A_205, %dma_wait3A_212] : memref<16384x64xf32, #tpu.memory_space<hbm>> -> memref<512x64xf32, #tpu.memory_space<hbm>>
      tpu.wait_dma2 semaphore(%run_scoped3A : memref<!tpu.dma_semaphore, #tpu.memory_space<semaphore_mem>>) src(%arg16 : memref<512x64xf32, #tpu.memory_space<vmem>>) dst(%dma_wait3A_213 : memref<512x64xf32, #tpu.memory_space<hbm>>)
      tpu.yield
    }) : () -> ()
    return
  }
}

module attributes {stable_mosaic.version = 14 : i64} {
  func.func @_tc_body(%arg0: i32, %arg1: memref<2048x64xf32, #tpu.memory_space<vmem>>, %arg2: memref<2048x64xf32, #tpu.memory_space<vmem>>, %arg3: memref<16x2048xf32, #tpu.memory_space<vmem>>, %arg4: memref<16x2048xf32, #tpu.memory_space<vmem>>, %arg5: memref<24x2048xf32, #tpu.memory_space<vmem>>, %arg6: memref<24x2048xf32, #tpu.memory_space<vmem>>, %arg7: memref<2048x16xi32, #tpu.memory_space<vmem>>, %arg8: memref<2048x16xi32, #tpu.memory_space<vmem>>, %arg9: memref<64x64xf32, #tpu.memory_space<vmem>>, %arg10: memref<64x64xf32, #tpu.memory_space<vmem>>, %arg11: memref<1x64xf32, #tpu.memory_space<vmem>>, %arg12: memref<1x64xf32, #tpu.memory_space<vmem>>, %arg13: memref<16x1xf32, #tpu.memory_space<vmem>>, %arg14: memref<24x1xf32, #tpu.memory_space<vmem>>, %arg15: memref<1x1xf32, #tpu.memory_space<vmem>>, %arg16: memref<2048xf32, #tpu.memory_space<vmem>>) attributes {dimension_semantics = [#tpu.dimension_semantics<arbitrary>], iteration_bounds = array<i64: 8>, scalar_prefetch = 0 : i64, scratch_operands = 0 : i64, tpu.core_type = #tpu.core_type<tc>, window_params = [{transform_indices = @transform_0, window_bounds = array<i64: 2048, 64>}, {transform_indices = @transform_1, window_bounds = array<i64: 2048, 64>}, {transform_indices = @transform_2, window_bounds = array<i64: 16, 2048>}, {transform_indices = @transform_3, window_bounds = array<i64: 16, 2048>}, {transform_indices = @transform_4, window_bounds = array<i64: 24, 2048>}, {transform_indices = @transform_5, window_bounds = array<i64: 24, 2048>}, {transform_indices = @transform_6, window_bounds = array<i64: 2048, 16>}, {transform_indices = @transform_7, window_bounds = array<i64: 2048, 16>}, {pipeline_mode = #tpu.pipeline_mode<synchronous>, transform_indices = @transform_8, window_bounds = array<i64: 64, 64>}, {pipeline_mode = #tpu.pipeline_mode<synchronous>, transform_indices = @transform_9, window_bounds = array<i64: 64, 64>}, {pipeline_mode = #tpu.pipeline_mode<synchronous>, transform_indices = @transform_10, window_bounds = array<i64: 1, 64>}, {pipeline_mode = #tpu.pipeline_mode<synchronous>, transform_indices = @transform_11, window_bounds = array<i64: 1, 64>}, {pipeline_mode = #tpu.pipeline_mode<synchronous>, transform_indices = @transform_12, window_bounds = array<i64: 16, 1>}, {pipeline_mode = #tpu.pipeline_mode<synchronous>, transform_indices = @transform_13, window_bounds = array<i64: 24, 1>}, {pipeline_mode = #tpu.pipeline_mode<synchronous>, transform_indices = @transform_14, window_bounds = array<i64: 1, 1>}, {transform_indices = @transform_15, window_bounds = array<i64: 2048>}]} {
    %get3A = arith.constant 0 : index
    %get3A_0 = arith.constant 0 : index
    %get3A_1 = vector.load %arg1[%get3A, %get3A_0] : memref<2048x64xf32, #tpu.memory_space<vmem>>, vector<2048x64xf32>
    %get3A_2 = arith.constant 0 : index
    %get3A_3 = arith.constant 0 : index
    %get3A_4 = vector.load %arg2[%get3A_2, %get3A_3] : memref<2048x64xf32, #tpu.memory_space<vmem>>, vector<2048x64xf32>
    %mul3A = arith.mulf %get3A_1, %get3A_4 : vector<2048x64xf32>
    %get3A_5 = arith.constant 0 : index
    %get3A_6 = arith.constant 0 : index
    %get3A_7 = vector.load %arg11[%get3A_5, %get3A_6] : memref<1x64xf32, #tpu.memory_space<vmem>>, vector<1x64xf32>
    %get3A_8 = vector.shape_cast %get3A_7 : vector<1x64xf32> to vector<64xf32>
    %broadcast_in_dim3A = vector.shape_cast %get3A_8 : vector<64xf32> to vector<1x64xf32>
    %mul3A_9 = vector.broadcast %broadcast_in_dim3A : vector<1x64xf32> to vector<2048x64xf32>
    %mul3A_10 = arith.mulf %mul3A, %mul3A_9 : vector<2048x64xf32>
    %reduce_sum3A = arith.constant dense<0.000000e+00> : vector<2048xf32>
    %reduce_sum3A_11 = vector.multi_reduction <add>, %mul3A_10, %reduce_sum3A [1] : vector<2048x64xf32> to vector<2048xf32>
    %iota3A = tpu.iota {dimensions = array<i32: 1>} : vector<2048x64xi32>
    %broadcast_in_dim3A_12 = arith.constant 0.000000e+00 : f32
    %broadcast_in_dim3A_13 = vector.broadcast %broadcast_in_dim3A_12 : f32 to vector<2048x64xf32>
    %broadcast_in_dim3A_14 = arith.constant 0.000000e+00 : f32
    %broadcast_in_dim3A_15 = vector.broadcast %broadcast_in_dim3A_14 : f32 to vector<2048x64xf32>
    %get3A_16 = arith.constant 0 : index
    %get3A_17 = arith.constant 0 : index
    %get3A_18 = vector.load %arg7[%get3A_16, %get3A_17] : memref<2048x16xi32, #tpu.memory_space<vmem>>, vector<2048x1xi32>
    %get3A_19 = vector.shape_cast %get3A_18 : vector<2048x1xi32> to vector<2048xi32>
    %broadcast_in_dim3A_20 = vector.shape_cast %get3A_19 : vector<2048xi32> to vector<2048x1xi32>
    %add3A = arith.constant 0 : i32
    %add3A_21 = vector.broadcast %add3A : i32 to vector<2048x1xi32>
    %add3A_22 = arith.addi %broadcast_in_dim3A_20, %add3A_21 : vector<2048x1xi32>
    %eq3A = vector.broadcast %add3A_22 : vector<2048x1xi32> to vector<2048x64xi32>
    %eq3A_23 = arith.cmpi eq, %iota3A, %eq3A : vector<2048x64xi32>
    %convert_element_type3A = arith.extui %eq3A_23 : vector<2048x64xi1> to vector<2048x64xi32>
    %convert_element_type3A_24 = arith.sitofp %convert_element_type3A : vector<2048x64xi32> to vector<2048x64xf32>
    %add3A_25 = arith.addf %broadcast_in_dim3A_13, %convert_element_type3A_24 : vector<2048x64xf32>
    %get3A_26 = arith.constant 0 : index
    %get3A_27 = arith.constant 0 : index
    %get3A_28 = vector.load %arg8[%get3A_26, %get3A_27] : memref<2048x16xi32, #tpu.memory_space<vmem>>, vector<2048x1xi32>
    %get3A_29 = vector.shape_cast %get3A_28 : vector<2048x1xi32> to vector<2048xi32>
    %broadcast_in_dim3A_30 = vector.shape_cast %get3A_29 : vector<2048xi32> to vector<2048x1xi32>
    %add3A_31 = arith.constant 0 : i32
    %add3A_32 = vector.broadcast %add3A_31 : i32 to vector<2048x1xi32>
    %add3A_33 = arith.addi %broadcast_in_dim3A_30, %add3A_32 : vector<2048x1xi32>
    %eq3A_34 = vector.broadcast %add3A_33 : vector<2048x1xi32> to vector<2048x64xi32>
    %eq3A_35 = arith.cmpi eq, %iota3A, %eq3A_34 : vector<2048x64xi32>
    %convert_element_type3A_36 = arith.extui %eq3A_35 : vector<2048x64xi1> to vector<2048x64xi32>
    %convert_element_type3A_37 = arith.sitofp %convert_element_type3A_36 : vector<2048x64xi32> to vector<2048x64xf32>
    %add3A_38 = arith.addf %broadcast_in_dim3A_15, %convert_element_type3A_37 : vector<2048x64xf32>
    %get3A_39 = arith.constant 0 : index
    %get3A_40 = arith.constant 1 : index
    %get3A_41 = vector.load %arg7[%get3A_39, %get3A_40] : memref<2048x16xi32, #tpu.memory_space<vmem>>, vector<2048x1xi32>
    %get3A_42 = vector.shape_cast %get3A_41 : vector<2048x1xi32> to vector<2048xi32>
    %broadcast_in_dim3A_43 = vector.shape_cast %get3A_42 : vector<2048xi32> to vector<2048x1xi32>
    %add3A_44 = arith.constant 8 : i32
    %add3A_45 = vector.broadcast %add3A_44 : i32 to vector<2048x1xi32>
    %add3A_46 = arith.addi %broadcast_in_dim3A_43, %add3A_45 : vector<2048x1xi32>
    %eq3A_47 = vector.broadcast %add3A_46 : vector<2048x1xi32> to vector<2048x64xi32>
    %eq3A_48 = arith.cmpi eq, %iota3A, %eq3A_47 : vector<2048x64xi32>
    %convert_element_type3A_49 = arith.extui %eq3A_48 : vector<2048x64xi1> to vector<2048x64xi32>
    %convert_element_type3A_50 = arith.sitofp %convert_element_type3A_49 : vector<2048x64xi32> to vector<2048x64xf32>
    %add3A_51 = arith.addf %add3A_25, %convert_element_type3A_50 : vector<2048x64xf32>
    %get3A_52 = arith.constant 0 : index
    %get3A_53 = arith.constant 1 : index
    %get3A_54 = vector.load %arg8[%get3A_52, %get3A_53] : memref<2048x16xi32, #tpu.memory_space<vmem>>, vector<2048x1xi32>
    %get3A_55 = vector.shape_cast %get3A_54 : vector<2048x1xi32> to vector<2048xi32>
    %broadcast_in_dim3A_56 = vector.shape_cast %get3A_55 : vector<2048xi32> to vector<2048x1xi32>
    %add3A_57 = arith.constant 8 : i32
    %add3A_58 = vector.broadcast %add3A_57 : i32 to vector<2048x1xi32>
    %add3A_59 = arith.addi %broadcast_in_dim3A_56, %add3A_58 : vector<2048x1xi32>
    %eq3A_60 = vector.broadcast %add3A_59 : vector<2048x1xi32> to vector<2048x64xi32>
    %eq3A_61 = arith.cmpi eq, %iota3A, %eq3A_60 : vector<2048x64xi32>
    %convert_element_type3A_62 = arith.extui %eq3A_61 : vector<2048x64xi1> to vector<2048x64xi32>
    %convert_element_type3A_63 = arith.sitofp %convert_element_type3A_62 : vector<2048x64xi32> to vector<2048x64xf32>
    %add3A_64 = arith.addf %add3A_38, %convert_element_type3A_63 : vector<2048x64xf32>
    %get3A_65 = arith.constant 0 : index
    %get3A_66 = arith.constant 2 : index
    %get3A_67 = vector.load %arg7[%get3A_65, %get3A_66] : memref<2048x16xi32, #tpu.memory_space<vmem>>, vector<2048x1xi32>
    %get3A_68 = vector.shape_cast %get3A_67 : vector<2048x1xi32> to vector<2048xi32>
    %broadcast_in_dim3A_69 = vector.shape_cast %get3A_68 : vector<2048xi32> to vector<2048x1xi32>
    %add3A_70 = arith.constant 16 : i32
    %add3A_71 = vector.broadcast %add3A_70 : i32 to vector<2048x1xi32>
    %add3A_72 = arith.addi %broadcast_in_dim3A_69, %add3A_71 : vector<2048x1xi32>
    %eq3A_73 = vector.broadcast %add3A_72 : vector<2048x1xi32> to vector<2048x64xi32>
    %eq3A_74 = arith.cmpi eq, %iota3A, %eq3A_73 : vector<2048x64xi32>
    %convert_element_type3A_75 = arith.extui %eq3A_74 : vector<2048x64xi1> to vector<2048x64xi32>
    %convert_element_type3A_76 = arith.sitofp %convert_element_type3A_75 : vector<2048x64xi32> to vector<2048x64xf32>
    %add3A_77 = arith.addf %add3A_51, %convert_element_type3A_76 : vector<2048x64xf32>
    %get3A_78 = arith.constant 0 : index
    %get3A_79 = arith.constant 2 : index
    %get3A_80 = vector.load %arg8[%get3A_78, %get3A_79] : memref<2048x16xi32, #tpu.memory_space<vmem>>, vector<2048x1xi32>
    %get3A_81 = vector.shape_cast %get3A_80 : vector<2048x1xi32> to vector<2048xi32>
    %broadcast_in_dim3A_82 = vector.shape_cast %get3A_81 : vector<2048xi32> to vector<2048x1xi32>
    %add3A_83 = arith.constant 16 : i32
    %add3A_84 = vector.broadcast %add3A_83 : i32 to vector<2048x1xi32>
    %add3A_85 = arith.addi %broadcast_in_dim3A_82, %add3A_84 : vector<2048x1xi32>
    %eq3A_86 = vector.broadcast %add3A_85 : vector<2048x1xi32> to vector<2048x64xi32>
    %eq3A_87 = arith.cmpi eq, %iota3A, %eq3A_86 : vector<2048x64xi32>
    %convert_element_type3A_88 = arith.extui %eq3A_87 : vector<2048x64xi1> to vector<2048x64xi32>
    %convert_element_type3A_89 = arith.sitofp %convert_element_type3A_88 : vector<2048x64xi32> to vector<2048x64xf32>
    %add3A_90 = arith.addf %add3A_64, %convert_element_type3A_89 : vector<2048x64xf32>
    %get3A_91 = arith.constant 0 : index
    %get3A_92 = arith.constant 3 : index
    %get3A_93 = vector.load %arg7[%get3A_91, %get3A_92] : memref<2048x16xi32, #tpu.memory_space<vmem>>, vector<2048x1xi32>
    %get3A_94 = vector.shape_cast %get3A_93 : vector<2048x1xi32> to vector<2048xi32>
    %broadcast_in_dim3A_95 = vector.shape_cast %get3A_94 : vector<2048xi32> to vector<2048x1xi32>
    %add3A_96 = arith.constant 32 : i32
    %add3A_97 = vector.broadcast %add3A_96 : i32 to vector<2048x1xi32>
    %add3A_98 = arith.addi %broadcast_in_dim3A_95, %add3A_97 : vector<2048x1xi32>
    %eq3A_99 = vector.broadcast %add3A_98 : vector<2048x1xi32> to vector<2048x64xi32>
    %eq3A_100 = arith.cmpi eq, %iota3A, %eq3A_99 : vector<2048x64xi32>
    %convert_element_type3A_101 = arith.extui %eq3A_100 : vector<2048x64xi1> to vector<2048x64xi32>
    %convert_element_type3A_102 = arith.sitofp %convert_element_type3A_101 : vector<2048x64xi32> to vector<2048x64xf32>
    %add3A_103 = arith.addf %add3A_77, %convert_element_type3A_102 : vector<2048x64xf32>
    %get3A_104 = arith.constant 0 : index
    %get3A_105 = arith.constant 3 : index
    %get3A_106 = vector.load %arg8[%get3A_104, %get3A_105] : memref<2048x16xi32, #tpu.memory_space<vmem>>, vector<2048x1xi32>
    %get3A_107 = vector.shape_cast %get3A_106 : vector<2048x1xi32> to vector<2048xi32>
    %broadcast_in_dim3A_108 = vector.shape_cast %get3A_107 : vector<2048xi32> to vector<2048x1xi32>
    %add3A_109 = arith.constant 32 : i32
    %add3A_110 = vector.broadcast %add3A_109 : i32 to vector<2048x1xi32>
    %add3A_111 = arith.addi %broadcast_in_dim3A_108, %add3A_110 : vector<2048x1xi32>
    %eq3A_112 = vector.broadcast %add3A_111 : vector<2048x1xi32> to vector<2048x64xi32>
    %eq3A_113 = arith.cmpi eq, %iota3A, %eq3A_112 : vector<2048x64xi32>
    %convert_element_type3A_114 = arith.extui %eq3A_113 : vector<2048x64xi1> to vector<2048x64xi32>
    %convert_element_type3A_115 = arith.sitofp %convert_element_type3A_114 : vector<2048x64xi32> to vector<2048x64xf32>
    %add3A_116 = arith.addf %add3A_90, %convert_element_type3A_115 : vector<2048x64xf32>
    %get3A_117 = arith.constant 0 : index
    %get3A_118 = arith.constant 4 : index
    %get3A_119 = vector.load %arg7[%get3A_117, %get3A_118] : memref<2048x16xi32, #tpu.memory_space<vmem>>, vector<2048x1xi32>
    %get3A_120 = vector.shape_cast %get3A_119 : vector<2048x1xi32> to vector<2048xi32>
    %broadcast_in_dim3A_121 = vector.shape_cast %get3A_120 : vector<2048xi32> to vector<2048x1xi32>
    %add3A_122 = arith.constant 40 : i32
    %add3A_123 = vector.broadcast %add3A_122 : i32 to vector<2048x1xi32>
    %add3A_124 = arith.addi %broadcast_in_dim3A_121, %add3A_123 : vector<2048x1xi32>
    %eq3A_125 = vector.broadcast %add3A_124 : vector<2048x1xi32> to vector<2048x64xi32>
    %eq3A_126 = arith.cmpi eq, %iota3A, %eq3A_125 : vector<2048x64xi32>
    %convert_element_type3A_127 = arith.extui %eq3A_126 : vector<2048x64xi1> to vector<2048x64xi32>
    %convert_element_type3A_128 = arith.sitofp %convert_element_type3A_127 : vector<2048x64xi32> to vector<2048x64xf32>
    %add3A_129 = arith.addf %add3A_103, %convert_element_type3A_128 : vector<2048x64xf32>
    %get3A_130 = arith.constant 0 : index
    %get3A_131 = arith.constant 4 : index
    %get3A_132 = vector.load %arg8[%get3A_130, %get3A_131] : memref<2048x16xi32, #tpu.memory_space<vmem>>, vector<2048x1xi32>
    %get3A_133 = vector.shape_cast %get3A_132 : vector<2048x1xi32> to vector<2048xi32>
    %broadcast_in_dim3A_134 = vector.shape_cast %get3A_133 : vector<2048xi32> to vector<2048x1xi32>
    %add3A_135 = arith.constant 40 : i32
    %add3A_136 = vector.broadcast %add3A_135 : i32 to vector<2048x1xi32>
    %add3A_137 = arith.addi %broadcast_in_dim3A_134, %add3A_136 : vector<2048x1xi32>
    %eq3A_138 = vector.broadcast %add3A_137 : vector<2048x1xi32> to vector<2048x64xi32>
    %eq3A_139 = arith.cmpi eq, %iota3A, %eq3A_138 : vector<2048x64xi32>
    %convert_element_type3A_140 = arith.extui %eq3A_139 : vector<2048x64xi1> to vector<2048x64xi32>
    %convert_element_type3A_141 = arith.sitofp %convert_element_type3A_140 : vector<2048x64xi32> to vector<2048x64xf32>
    %add3A_142 = arith.addf %add3A_116, %convert_element_type3A_141 : vector<2048x64xf32>
    %get3A_143 = arith.constant 0 : index
    %get3A_144 = arith.constant 5 : index
    %get3A_145 = vector.load %arg7[%get3A_143, %get3A_144] : memref<2048x16xi32, #tpu.memory_space<vmem>>, vector<2048x1xi32>
    %get3A_146 = vector.shape_cast %get3A_145 : vector<2048x1xi32> to vector<2048xi32>
    %broadcast_in_dim3A_147 = vector.shape_cast %get3A_146 : vector<2048xi32> to vector<2048x1xi32>
    %add3A_148 = arith.constant 48 : i32
    %add3A_149 = vector.broadcast %add3A_148 : i32 to vector<2048x1xi32>
    %add3A_150 = arith.addi %broadcast_in_dim3A_147, %add3A_149 : vector<2048x1xi32>
    %eq3A_151 = vector.broadcast %add3A_150 : vector<2048x1xi32> to vector<2048x64xi32>
    %eq3A_152 = arith.cmpi eq, %iota3A, %eq3A_151 : vector<2048x64xi32>
    %convert_element_type3A_153 = arith.extui %eq3A_152 : vector<2048x64xi1> to vector<2048x64xi32>
    %convert_element_type3A_154 = arith.sitofp %convert_element_type3A_153 : vector<2048x64xi32> to vector<2048x64xf32>
    %add3A_155 = arith.addf %add3A_129, %convert_element_type3A_154 : vector<2048x64xf32>
    %get3A_156 = arith.constant 0 : index
    %get3A_157 = arith.constant 5 : index
    %get3A_158 = vector.load %arg8[%get3A_156, %get3A_157] : memref<2048x16xi32, #tpu.memory_space<vmem>>, vector<2048x1xi32>
    %get3A_159 = vector.shape_cast %get3A_158 : vector<2048x1xi32> to vector<2048xi32>
    %broadcast_in_dim3A_160 = vector.shape_cast %get3A_159 : vector<2048xi32> to vector<2048x1xi32>
    %add3A_161 = arith.constant 48 : i32
    %add3A_162 = vector.broadcast %add3A_161 : i32 to vector<2048x1xi32>
    %add3A_163 = arith.addi %broadcast_in_dim3A_160, %add3A_162 : vector<2048x1xi32>
    %eq3A_164 = vector.broadcast %add3A_163 : vector<2048x1xi32> to vector<2048x64xi32>
    %eq3A_165 = arith.cmpi eq, %iota3A, %eq3A_164 : vector<2048x64xi32>
    %convert_element_type3A_166 = arith.extui %eq3A_165 : vector<2048x64xi1> to vector<2048x64xi32>
    %convert_element_type3A_167 = arith.sitofp %convert_element_type3A_166 : vector<2048x64xi32> to vector<2048x64xf32>
    %add3A_168 = arith.addf %add3A_142, %convert_element_type3A_167 : vector<2048x64xf32>
    %get3A_169 = arith.constant 0 : index
    %get3A_170 = arith.constant 6 : index
    %get3A_171 = vector.load %arg7[%get3A_169, %get3A_170] : memref<2048x16xi32, #tpu.memory_space<vmem>>, vector<2048x1xi32>
    %get3A_172 = vector.shape_cast %get3A_171 : vector<2048x1xi32> to vector<2048xi32>
    %broadcast_in_dim3A_173 = vector.shape_cast %get3A_172 : vector<2048xi32> to vector<2048x1xi32>
    %add3A_174 = arith.constant 52 : i32
    %add3A_175 = vector.broadcast %add3A_174 : i32 to vector<2048x1xi32>
    %add3A_176 = arith.addi %broadcast_in_dim3A_173, %add3A_175 : vector<2048x1xi32>
    %eq3A_177 = vector.broadcast %add3A_176 : vector<2048x1xi32> to vector<2048x64xi32>
    %eq3A_178 = arith.cmpi eq, %iota3A, %eq3A_177 : vector<2048x64xi32>
    %convert_element_type3A_179 = arith.extui %eq3A_178 : vector<2048x64xi1> to vector<2048x64xi32>
    %convert_element_type3A_180 = arith.sitofp %convert_element_type3A_179 : vector<2048x64xi32> to vector<2048x64xf32>
    %add3A_181 = arith.addf %add3A_155, %convert_element_type3A_180 : vector<2048x64xf32>
    %get3A_182 = arith.constant 0 : index
    %get3A_183 = arith.constant 6 : index
    %get3A_184 = vector.load %arg8[%get3A_182, %get3A_183] : memref<2048x16xi32, #tpu.memory_space<vmem>>, vector<2048x1xi32>
    %get3A_185 = vector.shape_cast %get3A_184 : vector<2048x1xi32> to vector<2048xi32>
    %broadcast_in_dim3A_186 = vector.shape_cast %get3A_185 : vector<2048xi32> to vector<2048x1xi32>
    %add3A_187 = arith.constant 52 : i32
    %add3A_188 = vector.broadcast %add3A_187 : i32 to vector<2048x1xi32>
    %add3A_189 = arith.addi %broadcast_in_dim3A_186, %add3A_188 : vector<2048x1xi32>
    %eq3A_190 = vector.broadcast %add3A_189 : vector<2048x1xi32> to vector<2048x64xi32>
    %eq3A_191 = arith.cmpi eq, %iota3A, %eq3A_190 : vector<2048x64xi32>
    %convert_element_type3A_192 = arith.extui %eq3A_191 : vector<2048x64xi1> to vector<2048x64xi32>
    %convert_element_type3A_193 = arith.sitofp %convert_element_type3A_192 : vector<2048x64xi32> to vector<2048x64xf32>
    %add3A_194 = arith.addf %add3A_168, %convert_element_type3A_193 : vector<2048x64xf32>
    %get3A_195 = arith.constant 0 : index
    %get3A_196 = arith.constant 7 : index
    %get3A_197 = vector.load %arg7[%get3A_195, %get3A_196] : memref<2048x16xi32, #tpu.memory_space<vmem>>, vector<2048x1xi32>
    %get3A_198 = vector.shape_cast %get3A_197 : vector<2048x1xi32> to vector<2048xi32>
    %broadcast_in_dim3A_199 = vector.shape_cast %get3A_198 : vector<2048xi32> to vector<2048x1xi32>
    %add3A_200 = arith.constant 56 : i32
    %add3A_201 = vector.broadcast %add3A_200 : i32 to vector<2048x1xi32>
    %add3A_202 = arith.addi %broadcast_in_dim3A_199, %add3A_201 : vector<2048x1xi32>
    %eq3A_203 = vector.broadcast %add3A_202 : vector<2048x1xi32> to vector<2048x64xi32>
    %eq3A_204 = arith.cmpi eq, %iota3A, %eq3A_203 : vector<2048x64xi32>
    %convert_element_type3A_205 = arith.extui %eq3A_204 : vector<2048x64xi1> to vector<2048x64xi32>
    %convert_element_type3A_206 = arith.sitofp %convert_element_type3A_205 : vector<2048x64xi32> to vector<2048x64xf32>
    %add3A_207 = arith.addf %add3A_181, %convert_element_type3A_206 : vector<2048x64xf32>
    %get3A_208 = arith.constant 0 : index
    %get3A_209 = arith.constant 7 : index
    %get3A_210 = vector.load %arg8[%get3A_208, %get3A_209] : memref<2048x16xi32, #tpu.memory_space<vmem>>, vector<2048x1xi32>
    %get3A_211 = vector.shape_cast %get3A_210 : vector<2048x1xi32> to vector<2048xi32>
    %broadcast_in_dim3A_212 = vector.shape_cast %get3A_211 : vector<2048xi32> to vector<2048x1xi32>
    %add3A_213 = arith.constant 56 : i32
    %add3A_214 = vector.broadcast %add3A_213 : i32 to vector<2048x1xi32>
    %add3A_215 = arith.addi %broadcast_in_dim3A_212, %add3A_214 : vector<2048x1xi32>
    %eq3A_216 = vector.broadcast %add3A_215 : vector<2048x1xi32> to vector<2048x64xi32>
    %eq3A_217 = arith.cmpi eq, %iota3A, %eq3A_216 : vector<2048x64xi32>
    %convert_element_type3A_218 = arith.extui %eq3A_217 : vector<2048x64xi1> to vector<2048x64xi32>
    %convert_element_type3A_219 = arith.sitofp %convert_element_type3A_218 : vector<2048x64xi32> to vector<2048x64xf32>
    %add3A_220 = arith.addf %add3A_194, %convert_element_type3A_219 : vector<2048x64xf32>
    %get3A_221 = arith.constant 0 : index
    %get3A_222 = arith.constant 8 : index
    %get3A_223 = vector.load %arg7[%get3A_221, %get3A_222] : memref<2048x16xi32, #tpu.memory_space<vmem>>, vector<2048x1xi32>
    %get3A_224 = vector.shape_cast %get3A_223 : vector<2048x1xi32> to vector<2048xi32>
    %broadcast_in_dim3A_225 = vector.shape_cast %get3A_224 : vector<2048xi32> to vector<2048x1xi32>
    %add3A_226 = arith.constant 60 : i32
    %add3A_227 = vector.broadcast %add3A_226 : i32 to vector<2048x1xi32>
    %add3A_228 = arith.addi %broadcast_in_dim3A_225, %add3A_227 : vector<2048x1xi32>
    %eq3A_229 = vector.broadcast %add3A_228 : vector<2048x1xi32> to vector<2048x64xi32>
    %eq3A_230 = arith.cmpi eq, %iota3A, %eq3A_229 : vector<2048x64xi32>
    %convert_element_type3A_231 = arith.extui %eq3A_230 : vector<2048x64xi1> to vector<2048x64xi32>
    %convert_element_type3A_232 = arith.sitofp %convert_element_type3A_231 : vector<2048x64xi32> to vector<2048x64xf32>
    %add3A_233 = arith.addf %add3A_207, %convert_element_type3A_232 : vector<2048x64xf32>
    %get3A_234 = arith.constant 0 : index
    %get3A_235 = arith.constant 8 : index
    %get3A_236 = vector.load %arg8[%get3A_234, %get3A_235] : memref<2048x16xi32, #tpu.memory_space<vmem>>, vector<2048x1xi32>
    %get3A_237 = vector.shape_cast %get3A_236 : vector<2048x1xi32> to vector<2048xi32>
    %broadcast_in_dim3A_238 = vector.shape_cast %get3A_237 : vector<2048xi32> to vector<2048x1xi32>
    %add3A_239 = arith.constant 60 : i32
    %add3A_240 = vector.broadcast %add3A_239 : i32 to vector<2048x1xi32>
    %add3A_241 = arith.addi %broadcast_in_dim3A_238, %add3A_240 : vector<2048x1xi32>
    %eq3A_242 = vector.broadcast %add3A_241 : vector<2048x1xi32> to vector<2048x64xi32>
    %eq3A_243 = arith.cmpi eq, %iota3A, %eq3A_242 : vector<2048x64xi32>
    %convert_element_type3A_244 = arith.extui %eq3A_243 : vector<2048x64xi1> to vector<2048x64xi32>
    %convert_element_type3A_245 = arith.sitofp %convert_element_type3A_244 : vector<2048x64xi32> to vector<2048x64xf32>
    %add3A_246 = arith.addf %add3A_220, %convert_element_type3A_245 : vector<2048x64xf32>
    %get3A_247 = arith.constant 0 : index
    %get3A_248 = arith.constant 0 : index
    %get3A_249 = vector.load %arg9[%get3A_247, %get3A_248] : memref<64x64xf32, #tpu.memory_space<vmem>>, vector<64x64xf32>
    %dot_general3A = arith.constant dense<0.000000e+00> : vector<2048x64xf32>
    %dot_general3A_250 = tpu.matmul %add3A_233, %get3A_249, %dot_general3A {dimension_numbers = #tpu.dot_dimension_numbers<[1], [0], [0], [1], [0, 0, 1, 1], [], []>, transpose_lhs_hint = false} : vector<2048x64xf32>, vector<64x64xf32>, vector<2048x64xf32> -> vector<2048x64xf32>
    %get3A_251 = arith.constant 0 : index
    %get3A_252 = arith.constant 0 : index
    %get3A_253 = vector.load %arg10[%get3A_251, %get3A_252] : memref<64x64xf32, #tpu.memory_space<vmem>>, vector<64x64xf32>
    %dot_general3A_254 = arith.constant dense<0.000000e+00> : vector<2048x64xf32>
    %dot_general3A_255 = tpu.matmul %add3A_246, %get3A_253, %dot_general3A_254 {dimension_numbers = #tpu.dot_dimension_numbers<[1], [0], [0], [1], [0, 0, 1, 1], [], []>, transpose_lhs_hint = false} : vector<2048x64xf32>, vector<64x64xf32>, vector<2048x64xf32> -> vector<2048x64xf32>
    %mul3A_256 = arith.mulf %dot_general3A_250, %dot_general3A_255 : vector<2048x64xf32>
    %get3A_257 = arith.constant 0 : index
    %get3A_258 = arith.constant 0 : index
    %get3A_259 = vector.load %arg12[%get3A_257, %get3A_258] : memref<1x64xf32, #tpu.memory_space<vmem>>, vector<1x64xf32>
    %get3A_260 = vector.shape_cast %get3A_259 : vector<1x64xf32> to vector<64xf32>
    %broadcast_in_dim3A_261 = vector.shape_cast %get3A_260 : vector<64xf32> to vector<1x64xf32>
    %mul3A_262 = vector.broadcast %broadcast_in_dim3A_261 : vector<1x64xf32> to vector<2048x64xf32>
    %mul3A_263 = arith.mulf %mul3A_256, %mul3A_262 : vector<2048x64xf32>
    %reduce_sum3A_264 = arith.constant dense<0.000000e+00> : vector<2048xf32>
    %reduce_sum3A_265 = vector.multi_reduction <add>, %mul3A_263, %reduce_sum3A_264 [1] : vector<2048x64xf32> to vector<2048xf32>
    %get3A_266 = arith.constant 0 : index
    %get3A_267 = arith.constant 0 : index
    %get3A_268 = vector.load %arg3[%get3A_266, %get3A_267] : memref<16x2048xf32, #tpu.memory_space<vmem>>, vector<16x2048xf32>
    %get3A_269 = arith.constant 0 : index
    %get3A_270 = arith.constant 0 : index
    %get3A_271 = vector.load %arg4[%get3A_269, %get3A_270] : memref<16x2048xf32, #tpu.memory_space<vmem>>, vector<16x2048xf32>
    %mul3A_272 = arith.mulf %get3A_268, %get3A_271 : vector<16x2048xf32>
    %get3A_273 = arith.constant 0 : index
    %get3A_274 = arith.constant 0 : index
    %get3A_275 = vector.load %arg13[%get3A_273, %get3A_274] : memref<16x1xf32, #tpu.memory_space<vmem>>, vector<16x1xf32>
    %mul3A_276 = vector.broadcast %get3A_275 : vector<16x1xf32> to vector<16x2048xf32>
    %mul3A_277 = arith.mulf %mul3A_272, %mul3A_276 : vector<16x2048xf32>
    %reduce_sum3A_278 = arith.constant dense<0.000000e+00> : vector<2048xf32>
    %reduce_sum3A_279 = vector.multi_reduction <add>, %mul3A_277, %reduce_sum3A_278 [0] : vector<16x2048xf32> to vector<2048xf32>
    %mul3A_280 = arith.constant 4.000000e-04 : f32
    %mul3A_281 = vector.broadcast %mul3A_280 : f32 to vector<2048xf32>
    %mul3A_282 = arith.mulf %reduce_sum3A_279, %mul3A_281 : vector<2048xf32>
    %get3A_283 = arith.constant 0 : index
    %get3A_284 = arith.constant 0 : index
    %get3A_285 = vector.load %arg5[%get3A_283, %get3A_284] : memref<24x2048xf32, #tpu.memory_space<vmem>>, vector<24x2048xf32>
    %get3A_286 = arith.constant 0 : index
    %get3A_287 = arith.constant 0 : index
    %get3A_288 = vector.load %arg6[%get3A_286, %get3A_287] : memref<24x2048xf32, #tpu.memory_space<vmem>>, vector<24x2048xf32>
    %mul3A_289 = arith.mulf %get3A_285, %get3A_288 : vector<24x2048xf32>
    %get3A_290 = arith.constant 0 : index
    %get3A_291 = arith.constant 0 : index
    %get3A_292 = vector.load %arg14[%get3A_290, %get3A_291] : memref<24x1xf32, #tpu.memory_space<vmem>>, vector<24x1xf32>
    %mul3A_293 = vector.broadcast %get3A_292 : vector<24x1xf32> to vector<24x2048xf32>
    %mul3A_294 = arith.mulf %mul3A_289, %mul3A_293 : vector<24x2048xf32>
    %reduce_sum3A_295 = arith.constant dense<0.000000e+00> : vector<2048xf32>
    %reduce_sum3A_296 = vector.multi_reduction <add>, %mul3A_294, %reduce_sum3A_295 [0] : vector<24x2048xf32> to vector<2048xf32>
    %mul3A_297 = arith.constant 4.000000e-04 : f32
    %mul3A_298 = vector.broadcast %mul3A_297 : f32 to vector<2048xf32>
    %mul3A_299 = arith.mulf %reduce_sum3A_296, %mul3A_298 : vector<2048xf32>
    %add3A_300 = arith.addf %reduce_sum3A_11, %reduce_sum3A_265 : vector<2048xf32>
    %add3A_301 = arith.addf %add3A_300, %mul3A_282 : vector<2048xf32>
    %add3A_302 = arith.addf %add3A_301, %mul3A_299 : vector<2048xf32>
    %get3A_303 = arith.constant 0 : index
    %get3A_304 = arith.constant 0 : index
    %get3A_305 = vector.load %arg15[%get3A_303, %get3A_304] : memref<1x1xf32, #tpu.memory_space<vmem>>, vector<1x1xf32>
    %get3A_306 = vector.extract %get3A_305[0, 0] : f32 from vector<1x1xf32>
    %add3A_307 = vector.broadcast %get3A_306 : f32 to vector<2048xf32>
    %add3A_308 = arith.addf %add3A_302, %add3A_307 : vector<2048xf32>
    %swap3A = arith.constant 0 : index
    %swap3A_309 = vector.load %arg16[%swap3A] : memref<2048xf32, #tpu.memory_space<vmem>>, vector<2048xf32>
    tpu.vector_store %arg16[%swap3A], %add3A_308 {strides = array<i32>} : memref<2048xf32, #tpu.memory_space<vmem>>, vector<2048xf32>,
    return
  }
  func.func @transform_0(%arg0: i32) -> (i32, i32) {
    %c0_i32 = arith.constant 0 : i32
    %c0_i32_0 = arith.constant 0 : i32
    return %arg0, %c0_i32 : i32, i32
  }
  func.func @transform_1(%arg0: i32) -> (i32, i32) {
    %c0_i32 = arith.constant 0 : i32
    %c0_i32_0 = arith.constant 0 : i32
    return %arg0, %c0_i32 : i32, i32
  }
  func.func @transform_2(%arg0: i32) -> (i32, i32) {
    %c0_i32 = arith.constant 0 : i32
    %c0_i32_0 = arith.constant 0 : i32
    return %c0_i32, %arg0 : i32, i32
  }
  func.func @transform_3(%arg0: i32) -> (i32, i32) {
    %c0_i32 = arith.constant 0 : i32
    %c0_i32_0 = arith.constant 0 : i32
    return %c0_i32, %arg0 : i32, i32
  }
  func.func @transform_4(%arg0: i32) -> (i32, i32) {
    %c0_i32 = arith.constant 0 : i32
    %c0_i32_0 = arith.constant 0 : i32
    return %c0_i32, %arg0 : i32, i32
  }
  func.func @transform_5(%arg0: i32) -> (i32, i32) {
    %c0_i32 = arith.constant 0 : i32
    %c0_i32_0 = arith.constant 0 : i32
    return %c0_i32, %arg0 : i32, i32
  }
  func.func @transform_6(%arg0: i32) -> (i32, i32) {
    %c0_i32 = arith.constant 0 : i32
    %c0_i32_0 = arith.constant 0 : i32
    return %arg0, %c0_i32 : i32, i32
  }
  func.func @transform_7(%arg0: i32) -> (i32, i32) {
    %c0_i32 = arith.constant 0 : i32
    %c0_i32_0 = arith.constant 0 : i32
    return %arg0, %c0_i32 : i32, i32
  }
  func.func @transform_8(%arg0: i32) -> (i32, i32) {
    %c0_i32 = arith.constant 0 : i32
    %c0_i32_0 = arith.constant 0 : i32
    %c0_i32_1 = arith.constant 0 : i32
    return %c0_i32, %c0_i32_0 : i32, i32
  }
  func.func @transform_9(%arg0: i32) -> (i32, i32) {
    %c0_i32 = arith.constant 0 : i32
    %c0_i32_0 = arith.constant 0 : i32
    %c0_i32_1 = arith.constant 0 : i32
    return %c0_i32, %c0_i32_0 : i32, i32
  }
  func.func @transform_10(%arg0: i32) -> (i32, i32) {
    %c0_i32 = arith.constant 0 : i32
    %c0_i32_0 = arith.constant 0 : i32
    %c0_i32_1 = arith.constant 0 : i32
    return %c0_i32, %c0_i32_0 : i32, i32
  }
  func.func @transform_11(%arg0: i32) -> (i32, i32) {
    %c0_i32 = arith.constant 0 : i32
    %c0_i32_0 = arith.constant 0 : i32
    %c0_i32_1 = arith.constant 0 : i32
    return %c0_i32, %c0_i32_0 : i32, i32
  }
  func.func @transform_12(%arg0: i32) -> (i32, i32) {
    %c0_i32 = arith.constant 0 : i32
    %c0_i32_0 = arith.constant 0 : i32
    %c0_i32_1 = arith.constant 0 : i32
    return %c0_i32, %c0_i32_0 : i32, i32
  }
  func.func @transform_13(%arg0: i32) -> (i32, i32) {
    %c0_i32 = arith.constant 0 : i32
    %c0_i32_0 = arith.constant 0 : i32
    %c0_i32_1 = arith.constant 0 : i32
    return %c0_i32, %c0_i32_0 : i32, i32
  }
  func.func @transform_14(%arg0: i32) -> (i32, i32) {
    %c0_i32 = arith.constant 0 : i32
    %c0_i32_0 = arith.constant 0 : i32
    %c0_i32_1 = arith.constant 0 : i32
    return %c0_i32, %c0_i32_0 : i32, i32
  }
  func.func @transform_15(%arg0: i32) -> i32 {
    %c0_i32 = arith.constant 0 : i32
    return %arg0 : i32
  }
}

</mosaic_0001>

<sc_bundles>
// kernel: kernel.5.cloned.1.call-start
scs
__scs_entry_jumppad:
0x0: {  	(pc) =	sbr.rel $0x88, $3  }
0x1: {  	(tag) =	ssettag $0x0;
	lr =	simm.s32 $0x1  }
0x2: {  	[smem:$0x3F6F] =	sst lr;
	_ =	strace $0xD0000000  }
0x3: {  	_ = 	snop  }
0x4: {  	_ = 	snop  }
0x5: {  	_ = 	snop  }
0x6: {  	_ = 	snop  }
0x7: {  	_ = 	snop  }
__scs_overlays_trampoline_lowered:
0x8: {  	[smem:$0x3F7E] =	sst s0  }
0x9: {  	[smem:$0x3F7F] =	sst s1  }
0xa: {  	[smem:$0x3F80] =	sst s2  }
0xb: {  	[smem:$0x3F81] =	sst s3  }
0xc: {  	[smem:$0x3F82] =	sst s4  }
0xd: {  	[smem:$0x3F83] =	sst s5  }
0xe: {  	[smem:$0x3F84] =	sst s6  }
0xf: {  	[smem:$0x3F85] =	sst s7  }
0x10: {  	[smem:$0x3F86] =	sst s8  }
0x11: {  	[smem:$0x3F87] =	sst s9;
	s0 =	simm.s32 @!p0 $0x0  }
0x12: {  	s1 =	sld [smem:$0x3F6D];
	s0 =	simm.s32 @p0 $0x1  }
0x13: {  	[smem:$0x3F88] =	sst s0;
	s0 =	simm.s32 @!p1 $0x0  }
0x14: {  	s2 =	sld [smem:$0x3F6C];
	s0 =	simm.s32 @p1 $0x1  }
0x15: {  	[smem:$0x3F89] =	sst s0;
	s0 =	simm.s32 @!p2 $0x0  }
0x16: {  	s3 =	sld [smem:$0x3FDB];
	s0 =	simm.s32 @p2 $0x1  }
0x17: {  	s4 =	simm.s32 $0x1BF5;
	[smem:$0x3F8B] =	sst s0  }
0x18: {  	s0 =	sld [smem:$0x3F6E];
	_ =	swait.ge [sflag:s4], $0x0  }
0x19: {  	s7 =	sld [smem:$0x3F6F]  }
0x1a: {  	s8 =	sadd.s32 $0xFFFFE003, lr  }
0x1b: {  	s9 =	sadd.s32 $0xFFFFFEF7, lr;
	s5 =	simm.s32 $0xFFFFFFFF;
	p2 =	slt.u32 s8, $0xFFFFF086  }
0x1c: {  	p1 =	slt.u32 s9, $0xF7A;
	s5 =	simm.s32 @!p2 $0x0  }
0x1d: {  	s5 =	simm.s32 @p1 $0x1;
	p0 =	seq.s32 s7, s2  }
0x1e: {  	s7 =	smul.u32 @!p0 $0xF7A, s2;
	p2 =	seq.s32 @!p0 s5, $0x0  }
0x1f: {  	s9 =	smul.u32 $0xF7A, s1;
	s8 =	simm.s32 @!p0 $0x1BF5;
	p2 =	por !p2, p0  }
0x20: {  	[sflag:s8] =	ssyncset.s32 @!p0 $0xFFFFF086;
	s6 =	sadd.s32 @!p0 s3, s7;
	s7 =	simm.s32 @!p0 $0x108  }
0x21: {  	s3 =	sadd.s32 s3, s9;
	s6 =	sadd.s32 @!p0 $0x88, s6;
	s7 =	simm.s32 @p2 $0x1082  }
0x22: {  	[simem:s7], [sflag:s8] =	dma.local @!p0 [hbm:s6], $0xF7A  }
0x23: {  	s9 =	sor.u32 $0xD0000000, s2;
	s6 =	simm.s32 $0x108;
	_ =	swait.ge @!p0 [sflag:s8], $0x0  }
0x24: {  	s3 =	sadd.s32 $0x88, s3;
	s6 =	simm.s32 @!p1 $0x1082;
	[sflag:s4] =	ssyncset.s32 $0xFFFFF086  }
0x25: {  	[simem:s6], [sflag:s4] =	dma.local [hbm:s3], $0xF7A  }
0x26: {  	[smem:$0x3F6F] =	sst s1;
	(tag) =	ssettag s2;
	_ =	strace s9  }
0x27: {  	s1 =	sld [smem:$0x3F7F]  }
0x28: {  	s2 =	sld [smem:$0x3F80]  }
0x29: {  	s4 =	sld [smem:$0x3F82]  }
0x2a: {  	p0 =	seq.s32 s5, $0x0;
	s5 =	sld [smem:$0x3F83]  }
0x2b: {  	s6 =	sld [smem:$0x3F84]  }
0x2c: {  	s7 =	sld [smem:$0x3F85]  }
0x2d: {  	s3 =	simm.s32 $0x108;
	s8 =	sld [smem:$0x3F86]  }
0x2e: {  	s3 =	simm.s32 @!p0 $0x1082;
	s9 =	sld [smem:$0x3F87]  }
0x2f: {  	lr =	sadd.s32 s0, s3;
	s0 =	sld [smem:$0x3F7E]  }
0x30: {  	s3 =	sld [smem:$0x3F81]  }
0x31: {  	[smem:$0x3F8A] =	sst s10  }
0x32: {  	s10 =	sld [smem:$0x3F88];
	_ =	sdelay $0x3  }
0x33: {  	p0 =	seq.s32 s10, $0x1;
	s10 =	sld [smem:$0x3F8A];
	_ =	sdelay $0x3  }
0x34: {  	[smem:$0x3F8A] =	sst s10  }
0x35: {  	s10 =	sld [smem:$0x3F89];
	_ =	sdelay $0x3  }
0x36: {  	p1 =	seq.s32 s10, $0x1;
	s10 =	sld [smem:$0x3F8A];
	_ =	sdelay $0x3  }
0x37: {  	[smem:$0x3F8A] =	sst s10  }
0x38: {  	s10 =	sld [smem:$0x3F8B]  }
0x39: {  	_ = 	snop;
	(pc) =	sbr.ind lr, $3  }
0x3a: {  	_ = 	snop  }
0x3b: {  	_ = 	snop  }
0x3c: {  	p2 =	seq.s32 s10, $0x1;
	s10 =	sld [smem:$0x3F8A]  }
0x3d: {  	_ =	shalt  }
0x3e: {  	_ =	shalt  }
0x3f: {  	_ =	shalt  }
0x40: {  	_ =	shalt  }
0x41: {  	_ =	shalt  }
0x42: {  	_ =	shalt  }
0x43: {  	_ =	shalt  }
0x44: {  	_ =	shalt  }
0x45: {  	_ =	shalt  }
0x46: {  	_ =	shalt  }
0x47: {  	_ =	shalt  }
0x48: {  	_ =	shalt  }
0x49: {  	_ =	shalt  }
0x4a: {  	_ =	shalt  }
0x4b: {  	_ =	shalt  }
0x4c: {  	_ =	shalt  }
0x4d: {  	_ =	shalt  }
0x4e: {  	_ =	shalt  }
0x4f: {  	_ =	shalt  }
0x50: {  	_ =	shalt  }
0x51: {  	_ =	shalt  }
0x52: {  	_ =	shalt  }
0x53: {  	_ =	shalt  }
0x54: {  	_ =	shalt  }
0x55: {  	_ =	shalt  }
0x56: {  	_ =	shalt  }
0x57: {  	_ =	shalt  }
0x58: {  	_ =	shalt  }
0x59: {  	_ =	shalt  }
0x5a: {  	_ =	shalt  }
0x5b: {  	_ =	shalt  }
0x5c: {  	_ =	shalt  }
0x5d: {  	_ =	shalt  }
0x5e: {  	_ =	shalt  }
0x5f: {  	_ =	shalt  }
0x60: {  	_ =	shalt  }
0x61: {  	_ =	shalt  }
0x62: {  	_ =	shalt  }
0x63: {  	_ =	shalt  }
0x64: {  	_ =	shalt  }
0x65: {  	_ =	shalt  }
0x66: {  	_ =	shalt  }
0x67: {  	_ =	shalt  }
0x68: {  	_ =	shalt  }
0x69: {  	_ =	shalt  }
0x6a: {  	_ =	shalt  }
0x6b: {  	_ =	shalt  }
0x6c: {  	_ =	shalt  }
0x6d: {  	_ =	shalt  }
0x6e: {  	_ =	shalt  }
0x6f: {  	_ =	shalt  }
0x70: {  	_ =	shalt  }
0x71: {  	_ =	shalt  }
0x72: {  	_ =	shalt  }
0x73: {  	_ =	shalt  }
0x74: {  	_ =	shalt  }
0x75: {  	_ =	shalt  }
0x76: {  	_ =	shalt  }
0x77: {  	_ =	shalt  }
0x78: {  	_ =	shalt  }
0x79: {  	_ =	shalt  }
0x7a: {  	_ =	shalt  }
0x7b: {  	_ =	shalt  }
0x7c: {  	_ =	shalt  }
0x7d: {  	_ =	shalt  }
0x7e: {  	_ =	shalt  }
0x7f: {  	_ =	shalt  }
0x80: {  	_ =	shalt  }
0x81: {  	_ =	shalt  }
0x82: {  	_ =	shalt  }
0x83: {  	_ =	shalt  }
0x84: {  	_ =	shalt  }
0x85: {  	_ =	shalt  }
0x86: {  	_ =	shalt  }
0x87: {  	_ =	shalt  }
.Lfunc_end0:
.L_simem_size_0:
called_computation_lowered:
.L_overlay_start_0:
0x88: {  	s2 =	sld [smem:$0x3FD9]  }
0x89: {  	s3 =	sld [smem:$0x3FFE];
	_ =	sdelay $0x1  }
0x8a: {  	s1 =	srdreg.scid  }
0x8b: {  	s0 =	sand.u32 $0x1, s1  }
0x8c: {  	s17 =	sshll.u32 s0, $0xA;
	s2 =	sadd.s32 s3, s2  }
0x8d: {  	s2 =	sadd.s32 s2, s17  }
0x8e: {  	[smem:$0x3F96] =	sst s2  }
0x8f: {  	_ = 	snop  }
0x90: {  	s2 =	sld [smem:$0x3FC9]  }
0x91: {  	s18 =	sld [smem:$0x3FC8]  }
0x92: {  	s4 =	sld [smem:$0x3FD0];
	(tm) =	ssettm $0x1  }
0x93: {  	s5 =	sld [smem:$0x3FFB];
	_ =	sdelay $0x3  }
0x94: {  	_ =	strace s5  }
0x95: {  	s5 =	sld [smem:$0x3FFC];
	_ =	sdelay $0x3  }
0x96: {  	_ =	strace s5  }
0x97: {  	s5 =	sld [smem:$0x3FFD];
	_ =	sdelay $0x3  }
0x98: {  	_ =	strace s5  }
0x99: {  	_ =	strace $0x8FFFFFFF  }
0x9a: {  	s19 =	sld [smem:$0x3FDB];
	_ =	sdelay $0x1  }
0x9b: {  	s6 =	simm.s32 $_scs_section_size  }
0x9c: {  	s7 =	simm.s32 $_size__tile_overlayer_lowered;
	s8 =	simm.s32 $_tile_overlayer_lowered  }
0x9d: {  	s22 =	simm.s32 $0x1BFF;
	s21 =	sshll.u32 s8, $0x1;
	s5 =	sadd.s32 s6, s19  }
0x9e: {  	s9 =	simm.s32 $0x0;
	s20 =	sshll.u32 s7, $0x1;
	s7 =	sadd.s32 s21, s5  }
0x9f: {  	[timem:s9], [sflag:s22] =	dma.local [hbm:s7], s20  }
0xa0: {  	_ =	swait.ge [sflag:s22], s20  }
0xa1: {  	s6 =	ssub.s32 $0x0, s20;
	[sflag:s22] =	ssyncset.done $0x0  }
0xa2: {  	[sflag:s22] =	ssyncadd.s32 s6;
	_ =	sdelay $0x1  }
0xa3: {  	s23 =	simm.s32 $0x1B8B  }
0xa4: {  	_ =	swait.ge [sflag:s23], $0x1  }
0xa5: {  	[sflag:s23] =	ssyncset.done $0x0  }
0xa6: {  	s25 =	simm.s32 $0x1B8E;
	s24 =	sld [smem:$0x3FFE];
	[sflag:s23] =	ssyncadd.s32 $0xFFFFFFFF  }
0xa7: {  	s26 =	simm.s32 $execute0_lowered;
	[smem:$0x3FD2] =	sst s25  }
0xa8: {  	s7 =	sshll.u32 s26, $0x1;
	_ =	strace $0x80000046;
	[dreg:$0x1] =	wrdreg $0xFFFFFFFF  }
0xa9: {  	s28 =	simm.s32 $_size_execute0_lowered;
	s5 =	sadd.s32 s5, s7;
	[dreg:$0x0] =	wrdreg $0x0  }
0xaa: {  	s7 =	sshll.u32 s28, $0x1;
	[dreg:$0x2] =	wrdreg s5  }
0xab: {  	[dreg:$0x3] =	wrdreg s7  }
0xac: {  	[dreg:$0x4] =	wrdreg $0xC0  }
0xad: {  	_ =	task [dreg:s9], $0x5FFFF  }
0xae: {  	[dreg:$0x1] =	wrdreg $0xFFFFFFFF  }
0xaf: {  	[dreg:$0x0] =	wrdreg $0x60  }
0xb0: {  	[dreg:$0x2] =	wrdreg s24  }
0xb1: {  	[dreg:$0x3] =	wrdreg s2  }
0xb2: {  	[dreg:$0x4] =	wrdreg s18  }
0xb3: {  	[dreg:$0x5] =	wrdreg s4  }
0xb4: {  	[dreg:$0x6] =	wrdreg $0x9  }
0xb5: {  	_ =	task.clear_ibuf [dreg:s9], $0x7FFFF;
	_ =	strace $0x90000046  }
0xb6: {  	s29 =	simm.s32 $0x9;
	_ =	strace $0x80000048  }
0xb7: {  	_ =	swait.ge [sflag:s29], $0x1  }
0xb8: {  	[sflag:s29] =	ssyncadd.s32 $0xFFFFFFFF  }
0xb9: {  	_ =	strace $0x90000048  }
0xba: {  	_ =	sfence  }
0xbb: {  	s30 =	sld [smem:$0x0];
	_ =	sdelay $0x2  }
0xbc: {  	s31 =	sshll.u32 s1, $0xD;
	s1 =	sshrl.u32 s1, $0x2  }
0xbd: {  	s3 =	sand.u32 $0x4000, s31;
	s1 =	sadd.s32 s1, s30  }
0xbe: {  	s0 =	sor.u32 s3, s0;
	s1 =	sshll.u32 s1, $0x11  }
0xbf: {  	s0 =	sor.u32 s1, s0  }
0xc0: {  	s0 =	sadd.s32 $0x8F2B, s0  }
0xc1: {  	[sflag:s0] =	ssyncadd.remote.s32 $0x1  }
0xc2: {  	_ =	sfence.sel $0xFFFF  }
0xc3: {  	[dreg:$0x0] =	wrdreg $0xFFFFFFFF;
	(pc) =	sbr.abs _section_cstart, $3  }
0xc4: {  	[dreg:$0x1] =	wrdreg $0xFFFFFFFF  }
0xc5: {  	_ =	task.clear_ibuf [dreg:s9], $0x2FFFF;
	_ =	strace $0x9FFFFFFF  }
0xc6: {  	(tm) =	ssettm $0x7FFFFFFF  }
0xc7: {  	_ =	shalt  }
tec
execute0_lowered:
.L_overlay_start_1:
0x0: {  	(tag) =	ssettag $0x1  }
0x1: {  	s0 =	rddreg [dreg:$0x0]  }
0x2: {  	s1 =	rddreg [dreg:$0x1]  }
0x3: {  	s2 =	rddreg [dreg:$0x2]  }
0x4: {  	s3 =	simm.s32 $0x0;
	s4 =	srdreg.scid;
	s5 =	stileid.u32  }
0x5: {  	s20 =	simm.s32 $0x2;
	s21 =	simm.s32 $0x3A98;
	s22 =	simm.s32 $0x80  }
0x6: {  	s28 =	simm.s32 $0x7C98;
	s29 =	simm.s32 $0x3C18;
	s30 =	simm.s32 $0x9C98  }
0x7: {  	s31 =	simm.s32 $0xEE98;
	[smem:$0x7FF] =	sst s3;
	s6 =	sand.u32 $0x1, s4  }
0x8: {  	s7 =	sshll.u32 s5, $0x1;
	s4 =	sadd.s32 $0x252E00, s0;
	s5 =	sadd.s32 $0x18F800, s0  }
0x9: {  	s8 =	sadd.s32 $0x3AE00, s0;
	s10 =	sadd.s32 $0x21E00, s0;
	s16 =	sadd.s32 $0x8E00, s0  }
0xa: {  	s11 =	sadd.s32 $0x7B600, s0;
	_ =	strace $0x80000047;
	s7 =	sor.u32 s6, s7  }
0xb: {  	[dreg:$0x5] =	wrdreg s8;
	s6 =	ssub.s32 $0x2, s6;
	s23 =	sshll.u32 s7, $0xC  }
0xc: {  	s24 =	sshrl.u32 s6, $0x1;
	s13 =	sshll.u32 s7, $0x6;
	s14 =	smul.u32 $0xC80, s7  }
0xd: {  	s9 =	sshllo.u32 s7, $0x1;
	s7 =	sshll.u32 s7, $0xA;
	s18 =	sadd.s32 s23, s0  }
0xe: {  	s0 =	sadd.s32 $0x83600, s0;
	s6 =	ssub.s32 s6, s24;
	s1 =	sadd.s32 s1, s13  }
0xf: {  	s25 =	smul.u32 $0x640, s9;
	s17 =	sshll.u32 s9, $0x9;
	s9 =	sadd.s32 s11, s7  }
0x10: {  	s13 =	sadd.s32 s2, s13;
	s23 =	simm.s32 $0x3C98;
	s2 =	simm.s32 $0x0  }
0x11: {  	[dreg:$0x6] =	wrdreg s1;
	s26 =	sadd.s32 s10, s14;
	s11 =	sadd.s32 s11, s17  }
0x12: {  	s12 =	sadd.s32 $0x5B600, s18;
	s14 =	sadd.s32 s16, s14;
	s15 =	sadd.s32 s0, s7  }
0x13: {  	s17 =	sadd.s32 s0, s17;
	s18 =	sadd.s32 $0x3B600, s18;
	s19 =	smax.u32 s6, $0x1  }
0x14: {  	s0 =	simm.s32 $0x1;
	[dreg:$0x7] =	wrdreg s26;
	s10 =	sadd.s32 s10, s25  }
0x15: {  	v0 =	vimm.f32 $0.0e+00;
	s16 =	sadd.s32 s16, s25;
	s25 =	simm.s32 $0x5C98;
	s26 =	simm.s32 $0x3B98  }
.LBB2_1:
0x16: {  	s1 =	rddreg [dreg:$0x3]  }
0x17: {  	[tilespmem:s3], [sflag:$0x2] =	stream.linear.gather [hbm4b:s1+s3], $0x3A98, $0x38;
	[tilespmem:$0xFE98] =	vst v63  }
0x18: {  	_ =	swait.ge [sflag:s20], $0x3A98  }
0x19: {  	[sflag:s20] =	ssyncset.done $0x0  }
0x1a: {  	s8 =	rddreg [dreg:$0x6];
	[sflag:s20] =	ssyncadd.s32 $0xFFFFC568  }
0x1b: {  	[tilespmem:s21], [sflag:$0x2] =	stream.linear.gather [hbm4b:s8+s3], $0x200, $0x38;
	[tilespmem:$0xFE98] =	vst v63  }
0x1c: {  	_ =	swait.ge [sflag:s20], $0x200  }
0x1d: {  	[sflag:s20] =	ssyncset.done $0x0  }
0x1e: {  	[sflag:s20] =	ssyncadd.s32 $0xFFFFFE00  }
0x1f: {  	[tilespmem:s23], [sflag:$0x1] =	stream.indirect.gather [hbm4b:s4+s22], $0x40, s21, s22, $0xb8;
	[tilespmem:$0xFE98] =	vst v63  }
0x20: {  	s24 =	simm.s32 $0x3B18  }
0x21: {  	[tilespmem:s25], [sflag:$0x1] =	stream.indirect.gather [hbm4b:s4+s22], $0x40, s24, s22, $0xb8;
	[tilespmem:$0xFE98] =	vst v63  }
0x22: {  	_ = 	snop  }
0x23: {  	[tilespmem:s28], [sflag:$0x1] =	stream.indirect.gather [hbm4b:s4+s22], $0x40, s26, s22, $0xb8;
	[tilespmem:$0xFE98] =	vst v63  }
0x24: {  	_ = 	snop  }
0x25: {  	[tilespmem:s30], [sflag:$0x1] =	stream.indirect.gather [hbm4b:s4+s22], $0x40, s29, s22, $0xb8;
	[tilespmem:$0xFE98] =	vst v63  }
0x26: {  	s1 =	simm.s32 $0xBC98;
	s6 =	rddreg [dreg:$0x7]  }
0x27: {  	[tilespmem:s1], [sflag:$0x2] =	stream.linear.gather [hbm4b:s6+s3], $0x3200, $0x38;
	[tilespmem:$0xFE98] =	vst v63  }
0x28: {  	_ =	swait.ge [sflag:s20], $0x3200  }
0x29: {  	[sflag:s20] =	ssyncset.done $0x0  }
0x2a: {  	s6 =	simm.s32 $0x0;
	[sflag:s20] =	ssyncadd.s32 $0xFFFFCE00  }
.LBB2_2:
0x2b: {  	v2 =	vmov s1;
	_ =	sdelay $0x3  }
0x2c: {  	s7 =	simm.s32 $0x0  }
0x2d: {  	v1 =	vld.idx.msk [tilespmem:v2+s7+$0x0 ss:$0x1], $0xffff  }
0x2e: {  	v3 =	vld.idx.msk [tilespmem:v2+s7+$0x100 ss:$0x1], $0xffff;
	_ =	sdelay $0x3  }
0x2f: {  	v5 =	vmul.u32 $0xF, v1  }
0x30: {  	v3 =	vmul.u32 $0xF, v3;
	_ =	sdelay $0x1  }
0x31: {  	v1 =	vadd.s32 $0xC, v5  }
0x32: {  	v4 =	vadd.s32 $0x1, v5  }
0x33: {  	v7 =	vadd.s32 $0x4, v5  }
0x34: {  	v8 =	vadd.s32 $0x5, v3;
	v10 =	vld.idx.msk [tilespmem:v5+s3+$0x0], $0xffff  }
0x35: {  	v11 =	vadd.s32 $0x8, v3;
	v12 =	vld.idx.msk [tilespmem:v3+s3+$0x0], $0xffff  }
0x36: {  	v13 =	vadd.s32 $0x2, v5;
	v6 =	vld.idx.msk [tilespmem:v1+s3+$0x0], $0xffff  }
0x37: {  	v14 =	vadd.s32 $0xA, v3;
	v18 =	vld.idx.msk [tilespmem:v4+s3+$0x0], $0xffff  }
0x38: {  	v16 =	vadd.s32 $0x9, v5;
	v15 =	vld.idx.msk [tilespmem:v7+s3+$0x0], $0xffff  }
0x39: {  	v20 =	vadd.s32 $0x7, v3;
	v9 =	vld.idx.msk [tilespmem:v8+s3+$0x0], $0xffff  }
0x3a: {  	v23 =	vadd.s32 $0x7, v5;
	v11 =	vld.idx.msk [tilespmem:v11+s3+$0x0], $0xffff  }
0x3b: {  	v4 =	vadd.s32 $0xB, v5;
	v13 =	vld.idx.msk [tilespmem:v13+s3+$0x0], $0xffff  }
0x3c: {  	v7 =	vadd.s32 $0xA, v5;
	v25 =	vld.idx.msk [tilespmem:v14+s3+$0x0], $0xffff  }
0x3d: {  	v30 =	vadd.s32 $0x8, v5;
	v31 =	vld.idx.msk [tilespmem:v16+s3+$0x0], $0xffff  }
0x3e: {  	v21 =	vimm.f32 $0.0e+00;
	v27 =	vadd.s32 $0x3, v5;
	v29 =	vld.idx.msk [tilespmem:v20+s3+$0x0], $0xffff  }
0x3f: {  	v26 =	vadd.s32 $0x5, v5;
	v35 =	vadd.s32 $0x6, v5;
	v8 =	vadd.s32 $0x6, v3;
	v33 =	vld.idx.msk [tilespmem:v23+s3+$0x0], $0xffff  }
0x40: {  	v19 =	vadd.s32 $0x4, v3;
	v28 =	vadd.s32 $0xE, v5;
	v37 =	vadd.s32 $0xB, v3;
	v22 =	vld.idx.msk [tilespmem:v4+s3+$0x0], $0xffff  }
0x41: {  	v38 =	vadd.s32 $0x1, v3;
	v1 =	vadd.s32 $0xD, v3;
	v14 =	vadd.s32 $0x9, v3;
	v24 =	vld.idx.msk [tilespmem:v7+s3+$0x0], $0xffff  }
0x42: {  	v34 =	vld.idx.msk [tilespmem:v30+s3+$0x0], $0xffff;
	v23 =	vimm.f32 $0.0e+00;
	v20 =	vimm.f32 $0.0e+00;
	v30 =	vimm.f32 $0.0e+00  }
0x43: {  	v36 =	vld.idx.msk [tilespmem:v27+s3+$0x0], $0xffff;
	v27 =	vimm.f32 $0.0e+00;
	v16 =	vimm.f32 $0.0e+00;
	v7 =	vadd.f32 v10, v21  }
0x44: {  	v4 =	vld.idx.msk [tilespmem:v8+s3+$0x0], $0xffff;
	v17 =	vadd.f32 v13, v21;
	v8 =	vimm.f32 $0.0e+00;
	v10 =	vimm.f32 $0.0e+00  }
0x45: {  	v35 =	vld.idx.msk [tilespmem:v35+s3+$0x0], $0xffff;
	v13 =	vimm.f32 $0.0e+00;
	v7 =	vadd.f32 v12, v7;
	v12 =	vimm.f32 $0.0e+00  }
0x46: {  	s24 =	simm.s32 $0x800;
	s7 =	sshll.u32 s6, $0x4;
	v1 =	vld.idx.msk [tilespmem:v1+s3+$0x0], $0xffff;
	v22 =	vadd.f32 v22, v21;
	v32 =	vadd.f32 v24, v21;
	v24 =	vimm.f32 $0.0e+00  }
.LBB2_3:
0x47: {  	s8 =	sshra.s32 s24, $0x2;
	p0 =	sne.s32 s24, $0xC000;
	s24 =	sadd.s32 $0x800, s24;
	v26 =	vld.idx.msk [tilespmem:v26+s3+$0x0], $0xffff  }
0x48: {  	v21 =	vadd.f32 v31, v21;
	v31 =	vadd.s32 $0x3, v3;
	v39 =	vld.idx.msk [tilespmem:v2+s8+$0x0 ss:$0x1], $0xffff  }
0x49: {  	v41 =	vadd.s32 $0xD, v5;
	v32 =	vadd.f32 v25, v32;
	v40 =	vld.idx.msk [tilespmem:v2+s8+$0x100 ss:$0x1], $0xffff  }
0x4a: {  	v5 =	vadd.f32 v33, v8;
	v25 =	vld.idx.msk [tilespmem:v37+s3+$0x0], $0xffff  }
0x4b: {  	v23 =	vadd.f32 v6, v23;
	v33 =	vadd.s32 $0x2, v3;
	v10 =	vadd.f32 v34, v10;
	v6 =	vld.idx.msk [tilespmem:v38+s3+$0x0], $0xffff  }
0x4c: {  	v18 =	vadd.f32 v18, v20;
	v8 =	vadd.f32 v29, v5;
	v29 =	vadd.s32 $0xC, v3;
	v28 =	vld.idx.msk [tilespmem:v28+s3+$0x0], $0xffff  }
0x4d: {  	v30 =	vadd.f32 v15, v30;
	v13 =	vadd.f32 v26, v13;
	v26 =	vadd.s32 $0xE, v3;
	v15 =	vld.idx.msk [tilespmem:v31+s3+$0x0], $0xffff  }
0x4e: {  	v24 =	vadd.f32 v36, v24;
	v10 =	vadd.f32 v11, v10;
	v5 =	vmul.u32 $0xF, v39;
	v31 =	vld.idx.msk [tilespmem:v41+s3+$0x0], $0xffff  }
0x4f: {  	v27 =	vadd.f32 v35, v27;
	v3 =	vmul.u32 $0xF, v40;
	v13 =	vadd.f32 v9, v13;
	v11 =	vld.idx.msk [tilespmem:v19+s3+$0x0], $0xffff  }
0x50: {  	v9 =	vadd.s32 $0x1, v5;
	v19 =	vadd.s32 $0xC, v5;
	v22 =	vadd.f32 v25, v22;
	v33 =	vld.idx.msk [tilespmem:v33+s3+$0x0], $0xffff  }
0x51: {  	v25 =	vadd.s32 $0x2, v5;
	v34 =	vadd.s32 $0x7, v3;
	v20 =	vadd.f32 v6, v18;
	v29 =	vld.idx.msk [tilespmem:v29+s3+$0x0], $0xffff  }
0x52: {  	v35 =	vadd.s32 $0x3, v5;
	v36 =	vadd.s32 $0x8, v5;
	v16 =	vadd.f32 v28, v16;
	v28 =	vld.idx.msk [tilespmem:v14+s3+$0x0], $0xffff  }
0x53: {  	v37 =	vadd.s32 $0x4, v5;
	v38 =	vadd.s32 $0x5, v3;
	v39 =	vadd.s32 $0x8, v3;
	v40 =	vld.idx.msk [tilespmem:v26+s3+$0x0], $0xffff  }
0x54: {  	v42 =	vadd.s32 $0x7, v5;
	v26 =	vadd.s32 $0x5, v5;
	v12 =	vadd.f32 v31, v12;
	v41 =	vld.idx.msk [tilespmem:v5+s3+$0x0], $0xffff  }
0x55: {  	v43 =	vadd.s32 $0x6, v5;
	v24 =	vadd.f32 v15, v24;
	v31 =	vadd.s32 $0x9, v5;
	v44 =	vld.idx.msk [tilespmem:v3+s3+$0x0], $0xffff  }
0x56: {  	v45 =	vadd.s32 $0xA, v3;
	v46 =	vadd.s32 $0xD, v3;
	v6 =	vld.idx.msk [tilespmem:v19+s3+$0x0], $0xffff;
	v19 =	vadd.s32 $0x4, v3  }
0x57: {  	v47 =	vadd.s32 $0xB, v5;
	v14 =	vadd.s32 $0x9, v3;
	v17 =	vadd.f32 v33, v17;
	v18 =	vld.idx.msk [tilespmem:v9+s3+$0x0], $0xffff  }
0x58: {  	v33 =	vadd.s32 $0x6, v3;
	v23 =	vadd.f32 v29, v23;
	v21 =	vadd.f32 v28, v21;
	v15 =	vld.idx.msk [tilespmem:v37+s3+$0x0], $0xffff  }
0x59: {  	v30 =	vadd.f32 v11, v30;
	v12 =	vadd.f32 v1, v12;
	v28 =	vadd.s32 $0xE, v5;
	v9 =	vld.idx.msk [tilespmem:v38+s3+$0x0], $0xffff  }
0x5a: {  	v16 =	vadd.f32 v40, v16;
	v7 =	vadd.f32 v41, v7;
	v11 =	vld.idx.msk [tilespmem:v39+s3+$0x0], $0xffff  }
0x5b: {  	v27 =	vadd.f32 v4, v27;
	v29 =	vadd.s32 $0xA, v5;
	v1 =	vld.idx.msk [tilespmem:v46+s3+$0x0], $0xffff  }
0x5c: {  	v7 =	vadd.f32 v44, v7;
	v37 =	vld.idx.msk [tilespmem:v25+s3+$0x0], $0xffff  }
0x5d: {  	v4 =	vld.idx.msk [tilespmem:v33+s3+$0x0], $0xffff  }
0x5e: {  	v25 =	vld.idx.msk [tilespmem:v45+s3+$0x0], $0xffff  }
0x5f: {  	v38 =	vld.idx.msk [tilespmem:v47+s3+$0x0], $0xffff  }
0x60: {  	v39 =	vld.idx.msk [tilespmem:v29+s3+$0x0], $0xffff  }
0x61: {  	v31 =	vld.idx.msk [tilespmem:v31+s3+$0x0], $0xffff  }
.Ltmp0:
0x62: {  	v17 =	vadd.f32 v37, v17;
	v29 =	vld.idx.msk [tilespmem:v34+s3+$0x0], $0xffff;
	(pc) =	sbr.rel @p0 .LBB2_3-.Ltmp0, $4  }
0x63: {  	v33 =	vld.idx.msk [tilespmem:v42+s3+$0x0], $0xffff  }
0x64: {  	v34 =	vld.idx.msk [tilespmem:v36+s3+$0x0], $0xffff  }
0x65: {  	v37 =	vadd.s32 $0xB, v3;
	v22 =	vadd.f32 v38, v22;
	v36 =	vld.idx.msk [tilespmem:v35+s3+$0x0], $0xffff  }
0x66: {  	v38 =	vadd.s32 $0x1, v3;
	v32 =	vadd.f32 v39, v32;
	v35 =	vld.idx.msk [tilespmem:v43+s3+$0x0], $0xffff  }
0x67: {  	_ =	sdelay $0x3  }
0x68: {  	v26 =	vld.idx.msk [tilespmem:v26+s3+$0x0], $0xffff  }
0x69: {  	v2 =	vadd.s32 $0x3, v3;
	v37 =	vld.idx.msk [tilespmem:v37+s3+$0x0], $0xffff  }
0x6a: {  	v5 =	vadd.s32 $0xD, v5;
	v38 =	vld.idx.msk [tilespmem:v38+s3+$0x0], $0xffff  }
0x6b: {  	v39 =	vadd.s32 $0x2, v3;
	v28 =	vld.idx.msk [tilespmem:v28+s3+$0x0], $0xffff  }
0x6c: {  	v40 =	vadd.s32 $0xC, v3;
	v19 =	vld.idx.msk [tilespmem:v19+s3+$0x0], $0xffff  }
0x6d: {  	v3 =	vadd.s32 $0xE, v3;
	v14 =	vld.idx.msk [tilespmem:v14+s3+$0x0], $0xffff  }
0x6e: {  	v2 =	vld.idx.msk [tilespmem:v2+s3+$0x0], $0xffff  }
0x6f: {  	v8 =	vadd.f32 v33, v8;
	v5 =	vld.idx.msk [tilespmem:v5+s3+$0x0], $0xffff  }
0x70: {  	v39 =	vld.idx.msk [tilespmem:v39+s3+$0x0], $0xffff  }
0x71: {  	v8 =	vadd.f32 v29, v8;
	v57 =	vld.idx.msk [tilespmem:v40+s3+$0x0], $0xffff  }
0x72: {  	v18 =	vadd.f32 v18, v20;
	v62 =	vadd.f32 v25, v32;
	v3 =	vld.idx.msk [tilespmem:v3+s3+$0x0], $0xffff;
	[tilespmem:s7+$0xEE98] =	vst v7  }
0x73: {  	v15 =	vadd.f32 v15, v30;
	[tilespmem:s7+$0xF598] =	vst v8  }
0x74: {  	v60 =	vadd.f32 v31, v21;
	v18 =	vadd.f32 v38, v18;
	[tilespmem:s7+$0xF898] =	vst v62  }
0x75: {  	v24 =	vadd.f32 v36, v24;
	v15 =	vadd.f32 v19, v15;
	[tilespmem:s7+$0xFD98] =	vst v0  }
0x76: {  	v59 =	vadd.f32 v35, v27;
	v61 =	vadd.f32 v14, v60;
	[tilespmem:s7+$0xEF98] =	vst v18  }
0x77: {  	v58 =	vadd.f32 v26, v13;
	[tilespmem:s7+$0xF298] =	vst v15;
	v2 =	vadd.f32 v2, v24  }
0x78: {  	v4 =	vadd.f32 v4, v59;
	[tilespmem:s7+$0xF798] =	vst v61  }
0x79: {  	v7 =	vadd.f32 v9, v58;
	[tilespmem:s7+$0xF198] =	vst v2;
	v2 =	vadd.f32 v34, v10  }
0x7a: {  	v6 =	vadd.f32 v6, v23;
	[tilespmem:s7+$0xF498] =	vst v4;
	v17 =	vadd.f32 v39, v17  }
0x7b: {  	s6 =	sadd.s32 $0x1, s6;
	[tilespmem:s7+$0xF398] =	vst v7;
	v2 =	vadd.f32 v11, v2  }
0x7c: {  	p0 =	sne.s32 s6, $0x10;
	v5 =	vadd.f32 v5, v12;
	v6 =	vadd.f32 v57, v6;
	[tilespmem:s7+$0xF098] =	vst v17  }
.Ltmp1:
0x7d: {  	v63 =	vadd.f32 v28, v16;
	[tilespmem:s7+$0xF698] =	vst v2;
	v2 =	vadd.f32 v37, v22;
	(pc) =	sbr.rel @p0 .LBB2_2-.Ltmp1, $4  }
0x7e: {  	v1 =	vadd.f32 v1, v5;
	[tilespmem:s7+$0xFA98] =	vst v6  }
0x7f: {  	[tilespmem:s7+$0xF998] =	vst v2;
	v2 =	vadd.f32 v3, v63  }
0x80: {  	[tilespmem:s7+$0xFB98] =	vst v1  }
0x81: {  	s1 =	sadd.s32 $0x10, s1;
	[tilespmem:s7+$0xFC98] =	vst v2  }
0x82: {  	s1 =	simm.s32 $0x0  }
0x83: {  	[hbm4b:s9+s1] =	stream.linear.scatter [tilespmem:s31], [sflag:$0x2], $0x1000, $0x38;
	[tilespmem:$0xFE98] =	vst v63  }
0x84: {  	_ =	swait.ge [sflag:s20], $0x1000  }
0x85: {  	[sflag:s20] =	ssyncset.done $0x0  }
0x86: {  	s6 =	simm.s32 $0xBC98;
	[sflag:s20] =	ssyncadd.s32 $0xFFFFF000  }
0x87: {  	[tilespmem:s6], [sflag:$0x2] =	stream.linear.gather [hbm4b:s10+s1], $0x3200, $0x38;
	[tilespmem:$0xFE98] =	vst v63  }
0x88: {  	_ =	swait.ge [sflag:s20], $0x3200  }
0x89: {  	[sflag:s20] =	ssyncset.done $0x0  }
0x8a: {  	[sflag:s20] =	ssyncadd.s32 $0xFFFFCE00  }
.LBB2_6:
0x8b: {  	v2 =	vmov s6;
	_ =	sdelay $0x3  }
0x8c: {  	s7 =	simm.s32 $0x0  }
0x8d: {  	v1 =	vld.idx.msk [tilespmem:v2+s7+$0x0 ss:$0x1], $0xffff  }
0x8e: {  	v3 =	vld.idx.msk [tilespmem:v2+s7+$0x100 ss:$0x1], $0xffff;
	_ =	sdelay $0x3  }
0x8f: {  	v5 =	vmul.u32 $0xF, v1  }
0x90: {  	v3 =	vmul.u32 $0xF, v3;
	_ =	sdelay $0x1  }
0x91: {  	v1 =	vadd.s32 $0xC, v5  }
0x92: {  	v4 =	vadd.s32 $0x1, v5  }
0x93: {  	v7 =	vadd.s32 $0x4, v5  }
0x94: {  	v8 =	vadd.s32 $0x5, v3;
	v10 =	vld.idx.msk [tilespmem:v5+s3+$0x0], $0xffff  }
0x95: {  	v11 =	vadd.s32 $0x8, v3;
	v12 =	vld.idx.msk [tilespmem:v3+s3+$0x0], $0xffff  }
0x96: {  	v13 =	vadd.s32 $0x2, v5;
	v6 =	vld.idx.msk [tilespmem:v1+s3+$0x0], $0xffff  }
0x97: {  	v14 =	vadd.s32 $0xA, v3;
	v18 =	vld.idx.msk [tilespmem:v4+s3+$0x0], $0xffff  }
0x98: {  	v16 =	vadd.s32 $0x9, v5;
	v15 =	vld.idx.msk [tilespmem:v7+s3+$0x0], $0xffff  }
0x99: {  	v20 =	vadd.s32 $0x7, v3;
	v9 =	vld.idx.msk [tilespmem:v8+s3+$0x0], $0xffff  }
0x9a: {  	v23 =	vadd.s32 $0x7, v5;
	v11 =	vld.idx.msk [tilespmem:v11+s3+$0x0], $0xffff  }
0x9b: {  	v4 =	vadd.s32 $0xB, v5;
	v13 =	vld.idx.msk [tilespmem:v13+s3+$0x0], $0xffff  }
0x9c: {  	v7 =	vadd.s32 $0xA, v5;
	v25 =	vld.idx.msk [tilespmem:v14+s3+$0x0], $0xffff  }
0x9d: {  	v30 =	vadd.s32 $0x8, v5;
	v31 =	vld.idx.msk [tilespmem:v16+s3+$0x0], $0xffff  }
0x9e: {  	v21 =	vimm.f32 $0.0e+00;
	v27 =	vadd.s32 $0x3, v5;
	v29 =	vld.idx.msk [tilespmem:v20+s3+$0x0], $0xffff  }
0x9f: {  	v26 =	vadd.s32 $0x5, v5;
	v35 =	vadd.s32 $0x6, v5;
	v8 =	vadd.s32 $0x6, v3;
	v33 =	vld.idx.msk [tilespmem:v23+s3+$0x0], $0xffff  }
0xa0: {  	v19 =	vadd.s32 $0x4, v3;
	v28 =	vadd.s32 $0xE, v5;
	v37 =	vadd.s32 $0xB, v3;
	v22 =	vld.idx.msk [tilespmem:v4+s3+$0x0], $0xffff  }
0xa1: {  	v38 =	vadd.s32 $0x1, v3;
	v1 =	vadd.s32 $0xD, v3;
	v14 =	vadd.s32 $0x9, v3;
	v24 =	vld.idx.msk [tilespmem:v7+s3+$0x0], $0xffff  }
0xa2: {  	v34 =	vld.idx.msk [tilespmem:v30+s3+$0x0], $0xffff;
	v23 =	vimm.f32 $0.0e+00;
	v20 =	vimm.f32 $0.0e+00;
	v30 =	vimm.f32 $0.0e+00  }
0xa3: {  	v36 =	vld.idx.msk [tilespmem:v27+s3+$0x0], $0xffff;
	v27 =	vimm.f32 $0.0e+00;
	v16 =	vimm.f32 $0.0e+00;
	v7 =	vadd.f32 v10, v21  }
0xa4: {  	v4 =	vld.idx.msk [tilespmem:v8+s3+$0x0], $0xffff;
	v17 =	vadd.f32 v13, v21;
	v8 =	vimm.f32 $0.0e+00;
	v10 =	vimm.f32 $0.0e+00  }
0xa5: {  	v35 =	vld.idx.msk [tilespmem:v35+s3+$0x0], $0xffff;
	v13 =	vimm.f32 $0.0e+00;
	v7 =	vadd.f32 v12, v7;
	v12 =	vimm.f32 $0.0e+00  }
0xa6: {  	s24 =	simm.s32 $0x800;
	s7 =	sshll.u32 s1, $0x4;
	v1 =	vld.idx.msk [tilespmem:v1+s3+$0x0], $0xffff;
	v22 =	vadd.f32 v22, v21;
	v32 =	vadd.f32 v24, v21;
	v24 =	vimm.f32 $0.0e+00  }
.LBB2_7:
0xa7: {  	s8 =	sshra.s32 s24, $0x2;
	p0 =	sne.s32 s24, $0xC000;
	s24 =	sadd.s32 $0x800, s24;
	v26 =	vld.idx.msk [tilespmem:v26+s3+$0x0], $0xffff  }
0xa8: {  	v21 =	vadd.f32 v31, v21;
	v31 =	vadd.s32 $0x3, v3;
	v39 =	vld.idx.msk [tilespmem:v2+s8+$0x0 ss:$0x1], $0xffff  }
0xa9: {  	v41 =	vadd.s32 $0xD, v5;
	v32 =	vadd.f32 v25, v32;
	v40 =	vld.idx.msk [tilespmem:v2+s8+$0x100 ss:$0x1], $0xffff  }
0xaa: {  	v5 =	vadd.f32 v33, v8;
	v25 =	vld.idx.msk [tilespmem:v37+s3+$0x0], $0xffff  }
0xab: {  	v23 =	vadd.f32 v6, v23;
	v33 =	vadd.s32 $0x2, v3;
	v10 =	vadd.f32 v34, v10;
	v6 =	vld.idx.msk [tilespmem:v38+s3+$0x0], $0xffff  }
0xac: {  	v18 =	vadd.f32 v18, v20;
	v8 =	vadd.f32 v29, v5;
	v29 =	vadd.s32 $0xC, v3;
	v28 =	vld.idx.msk [tilespmem:v28+s3+$0x0], $0xffff  }
0xad: {  	v30 =	vadd.f32 v15, v30;
	v13 =	vadd.f32 v26, v13;
	v26 =	vadd.s32 $0xE, v3;
	v15 =	vld.idx.msk [tilespmem:v31+s3+$0x0], $0xffff  }
0xae: {  	v24 =	vadd.f32 v36, v24;
	v10 =	vadd.f32 v11, v10;
	v5 =	vmul.u32 $0xF, v39;
	v31 =	vld.idx.msk [tilespmem:v41+s3+$0x0], $0xffff  }
0xaf: {  	v27 =	vadd.f32 v35, v27;
	v3 =	vmul.u32 $0xF, v40;
	v13 =	vadd.f32 v9, v13;
	v11 =	vld.idx.msk [tilespmem:v19+s3+$0x0], $0xffff  }
0xb0: {  	v9 =	vadd.s32 $0x1, v5;
	v19 =	vadd.s32 $0xC, v5;
	v22 =	vadd.f32 v25, v22;
	v33 =	vld.idx.msk [tilespmem:v33+s3+$0x0], $0xffff  }
0xb1: {  	v25 =	vadd.s32 $0x2, v5;
	v34 =	vadd.s32 $0x7, v3;
	v20 =	vadd.f32 v6, v18;
	v29 =	vld.idx.msk [tilespmem:v29+s3+$0x0], $0xffff  }
0xb2: {  	v35 =	vadd.s32 $0x3, v5;
	v36 =	vadd.s32 $0x8, v5;
	v16 =	vadd.f32 v28, v16;
	v28 =	vld.idx.msk [tilespmem:v14+s3+$0x0], $0xffff  }
0xb3: {  	v37 =	vadd.s32 $0x4, v5;
	v38 =	vadd.s32 $0x5, v3;
	v39 =	vadd.s32 $0x8, v3;
	v40 =	vld.idx.msk [tilespmem:v26+s3+$0x0], $0xffff  }
0xb4: {  	v42 =	vadd.s32 $0x7, v5;
	v26 =	vadd.s32 $0x5, v5;
	v12 =	vadd.f32 v31, v12;
	v41 =	vld.idx.msk [tilespmem:v5+s3+$0x0], $0xffff  }
0xb5: {  	v43 =	vadd.s32 $0x6, v5;
	v24 =	vadd.f32 v15, v24;
	v31 =	vadd.s32 $0x9, v5;
	v44 =	vld.idx.msk [tilespmem:v3+s3+$0x0], $0xffff  }
0xb6: {  	v45 =	vadd.s32 $0xA, v3;
	v46 =	vadd.s32 $0xD, v3;
	v6 =	vld.idx.msk [tilespmem:v19+s3+$0x0], $0xffff;
	v19 =	vadd.s32 $0x4, v3  }
0xb7: {  	v47 =	vadd.s32 $0xB, v5;
	v14 =	vadd.s32 $0x9, v3;
	v17 =	vadd.f32 v33, v17;
	v18 =	vld.idx.msk [tilespmem:v9+s3+$0x0], $0xffff  }
0xb8: {  	v33 =	vadd.s32 $0x6, v3;
	v23 =	vadd.f32 v29, v23;
	v21 =	vadd.f32 v28, v21;
	v15 =	vld.idx.msk [tilespmem:v37+s3+$0x0], $0xffff  }
0xb9: {  	v30 =	vadd.f32 v11, v30;
	v12 =	vadd.f32 v1, v12;
	v28 =	vadd.s32 $0xE, v5;
	v9 =	vld.idx.msk [tilespmem:v38+s3+$0x0], $0xffff  }
0xba: {  	v16 =	vadd.f32 v40, v16;
	v7 =	vadd.f32 v41, v7;
	v11 =	vld.idx.msk [tilespmem:v39+s3+$0x0], $0xffff  }
0xbb: {  	v27 =	vadd.f32 v4, v27;
	v29 =	vadd.s32 $0xA, v5;
	v1 =	vld.idx.msk [tilespmem:v46+s3+$0x0], $0xffff  }
0xbc: {  	v7 =	vadd.f32 v44, v7;
	v37 =	vld.idx.msk [tilespmem:v25+s3+$0x0], $0xffff  }
0xbd: {  	v4 =	vld.idx.msk [tilespmem:v33+s3+$0x0], $0xffff  }
0xbe: {  	v25 =	vld.idx.msk [tilespmem:v45+s3+$0x0], $0xffff  }
0xbf: {  	v38 =	vld.idx.msk [tilespmem:v47+s3+$0x0], $0xffff  }
0xc0: {  	v39 =	vld.idx.msk [tilespmem:v29+s3+$0x0], $0xffff  }
0xc1: {  	v31 =	vld.idx.msk [tilespmem:v31+s3+$0x0], $0xffff  }
.Ltmp2:
0xc2: {  	v17 =	vadd.f32 v37, v17;
	v29 =	vld.idx.msk [tilespmem:v34+s3+$0x0], $0xffff;
	(pc) =	sbr.rel @p0 .LBB2_7-.Ltmp2, $4  }
0xc3: {  	v33 =	vld.idx.msk [tilespmem:v42+s3+$0x0], $0xffff  }
0xc4: {  	v34 =	vld.idx.msk [tilespmem:v36+s3+$0x0], $0xffff  }
0xc5: {  	v37 =	vadd.s32 $0xB, v3;
	v22 =	vadd.f32 v38, v22;
	v36 =	vld.idx.msk [tilespmem:v35+s3+$0x0], $0xffff  }
0xc6: {  	v38 =	vadd.s32 $0x1, v3;
	v32 =	vadd.f32 v39, v32;
	v35 =	vld.idx.msk [tilespmem:v43+s3+$0x0], $0xffff  }
0xc7: {  	_ =	sdelay $0x3  }
0xc8: {  	v26 =	vld.idx.msk [tilespmem:v26+s3+$0x0], $0xffff  }
0xc9: {  	v2 =	vadd.s32 $0x3, v3;
	v37 =	vld.idx.msk [tilespmem:v37+s3+$0x0], $0xffff  }
0xca: {  	v5 =	vadd.s32 $0xD, v5;
	v38 =	vld.idx.msk [tilespmem:v38+s3+$0x0], $0xffff  }
0xcb: {  	v39 =	vadd.s32 $0x2, v3;
	v28 =	vld.idx.msk [tilespmem:v28+s3+$0x0], $0xffff  }
0xcc: {  	v40 =	vadd.s32 $0xC, v3;
	v19 =	vld.idx.msk [tilespmem:v19+s3+$0x0], $0xffff  }
0xcd: {  	v3 =	vadd.s32 $0xE, v3;
	v14 =	vld.idx.msk [tilespmem:v14+s3+$0x0], $0xffff  }
0xce: {  	v2 =	vld.idx.msk [tilespmem:v2+s3+$0x0], $0xffff  }
0xcf: {  	v8 =	vadd.f32 v33, v8;
	v5 =	vld.idx.msk [tilespmem:v5+s3+$0x0], $0xffff  }
0xd0: {  	v39 =	vld.idx.msk [tilespmem:v39+s3+$0x0], $0xffff  }
0xd1: {  	v8 =	vadd.f32 v29, v8;
	v57 =	vld.idx.msk [tilespmem:v40+s3+$0x0], $0xffff  }
0xd2: {  	v18 =	vadd.f32 v18, v20;
	v62 =	vadd.f32 v25, v32;
	v3 =	vld.idx.msk [tilespmem:v3+s3+$0x0], $0xffff;
	[tilespmem:s7+$0xEE98] =	vst v7  }
0xd3: {  	v15 =	vadd.f32 v15, v30;
	[tilespmem:s7+$0xF598] =	vst v8  }
0xd4: {  	v60 =	vadd.f32 v31, v21;
	v18 =	vadd.f32 v38, v18;
	[tilespmem:s7+$0xF898] =	vst v62  }
0xd5: {  	v24 =	vadd.f32 v36, v24;
	v15 =	vadd.f32 v19, v15;
	[tilespmem:s7+$0xFD98] =	vst v0  }
0xd6: {  	v59 =	vadd.f32 v35, v27;
	v61 =	vadd.f32 v14, v60;
	[tilespmem:s7+$0xEF98] =	vst v18  }
0xd7: {  	v58 =	vadd.f32 v26, v13;
	[tilespmem:s7+$0xF298] =	vst v15;
	v2 =	vadd.f32 v2, v24  }
0xd8: {  	v4 =	vadd.f32 v4, v59;
	[tilespmem:s7+$0xF798] =	vst v61  }
0xd9: {  	v7 =	vadd.f32 v9, v58;
	[tilespmem:s7+$0xF198] =	vst v2;
	v2 =	vadd.f32 v34, v10  }
0xda: {  	v6 =	vadd.f32 v6, v23;
	[tilespmem:s7+$0xF498] =	vst v4;
	v17 =	vadd.f32 v39, v17  }
0xdb: {  	s1 =	sadd.s32 $0x1, s1;
	[tilespmem:s7+$0xF398] =	vst v7;
	v2 =	vadd.f32 v11, v2  }
0xdc: {  	p0 =	sne.s32 s1, $0x10;
	v5 =	vadd.f32 v5, v12;
	v6 =	vadd.f32 v57, v6;
	[tilespmem:s7+$0xF098] =	vst v17  }
.Ltmp3:
0xdd: {  	v63 =	vadd.f32 v28, v16;
	[tilespmem:s7+$0xF698] =	vst v2;
	v2 =	vadd.f32 v37, v22;
	(pc) =	sbr.rel @p0 .LBB2_6-.Ltmp3, $4  }
0xde: {  	v1 =	vadd.f32 v1, v5;
	[tilespmem:s7+$0xFA98] =	vst v6  }
0xdf: {  	[tilespmem:s7+$0xF998] =	vst v2;
	v2 =	vadd.f32 v3, v63  }
0xe0: {  	[tilespmem:s7+$0xFB98] =	vst v1  }
0xe1: {  	s6 =	sadd.s32 $0x10, s6;
	[tilespmem:s7+$0xFC98] =	vst v2  }
0xe2: {  	s1 =	simm.s32 $0x0  }
0xe3: {  	[hbm4b:s11+s1] =	stream.linear.scatter [tilespmem:s31], [sflag:$0x2], $0x1000, $0x38;
	[tilespmem:$0xFE98] =	vst v63  }
0xe4: {  	_ =	swait.ge [sflag:s20], $0x1000  }
0xe5: {  	[sflag:s20] =	ssyncset.done $0x0  }
0xe6: {  	[sflag:s20] =	ssyncadd.s32 $0xFFFFF000  }
0xe7: {  	_ =	swait.ge [sflag:s0], $0x2000  }
0xe8: {  	[sflag:s0] =	ssyncset.done $0x0  }
0xe9: {  	[sflag:s0] =	ssyncadd.s32 $0xFFFFE000  }
0xea: {  	_ =	swait.ge [sflag:s0], $0x2000  }
0xeb: {  	[sflag:s0] =	ssyncset.done $0x0  }
0xec: {  	[sflag:s0] =	ssyncadd.s32 $0xFFFFE000  }
0xed: {  	_ =	swait.ge [sflag:s0], $0x2000  }
0xee: {  	[sflag:s0] =	ssyncset.done $0x0  }
0xef: {  	[sflag:s0] =	ssyncadd.s32 $0xFFFFE000  }
0xf0: {  	_ =	swait.ge [sflag:s0], $0x2000  }
0xf1: {  	[sflag:s0] =	ssyncset.done $0x0  }
0xf2: {  	[sflag:s0] =	ssyncadd.s32 $0xFFFFE000  }
0xf3: {  	[hbm4b:s12+s1] =	stream.linear.scatter [tilespmem:s23], [sflag:$0x2], $0x8000, $0x38;
	[tilespmem:$0xFE98] =	vst v63  }
0xf4: {  	_ =	swait.ge [sflag:s20], $0x8000  }
0xf5: {  	[sflag:s20] =	ssyncset.done $0x0  }
0xf6: {  	s6 =	rddreg [dreg:$0x5];
	[sflag:s20] =	ssyncadd.s32 $0xFFFF8000  }
0xf7: {  	[tilespmem:s1], [sflag:$0x2] =	stream.linear.gather [hbm4b:s6+s1], $0x3A98, $0x38;
	[tilespmem:$0xFE98] =	vst v63  }
0xf8: {  	_ =	swait.ge [sflag:s20], $0x3A98  }
0xf9: {  	[sflag:s20] =	ssyncset.done $0x0  }
0xfa: {  	[sflag:s20] =	ssyncadd.s32 $0xFFFFC568  }
0xfb: {  	[tilespmem:s21], [sflag:$0x2] =	stream.linear.gather [hbm4b:s13+s1], $0x200, $0x38;
	[tilespmem:$0xFE98] =	vst v63  }
0xfc: {  	_ =	swait.ge [sflag:s20], $0x200  }
0xfd: {  	[sflag:s20] =	ssyncset.done $0x0  }
0xfe: {  	[sflag:s20] =	ssyncadd.s32 $0xFFFFFE00  }
0xff: {  	[tilespmem:s23], [sflag:$0x1] =	stream.indirect.gather [hbm4b:s5+s22], $0x40, s21, s22, $0xb8;
	[tilespmem:$0xFE98] =	vst v63  }
0x100: {  	s24 =	simm.s32 $0x3B18  }
0x101: {  	[tilespmem:s25], [sflag:$0x1] =	stream.indirect.gather [hbm4b:s5+s22], $0x40, s24, s22, $0xb8;
	[tilespmem:$0xFE98] =	vst v63  }
0x102: {  	_ = 	snop  }
0x103: {  	[tilespmem:s28], [sflag:$0x1] =	stream.indirect.gather [hbm4b:s5+s22], $0x40, s26, s22, $0xb8;
	[tilespmem:$0xFE98] =	vst v63  }
0x104: {  	_ = 	snop  }
0x105: {  	[tilespmem:s30], [sflag:$0x1] =	stream.indirect.gather [hbm4b:s5+s22], $0x40, s29, s22, $0xb8;
	[tilespmem:$0xFE98] =	vst v63  }
0x106: {  	s6 =	simm.s32 $0xBC98  }
0x107: {  	[tilespmem:s6], [sflag:$0x2] =	stream.linear.gather [hbm4b:s14+s1], $0x3200, $0x38;
	[tilespmem:$0xFE98] =	vst v63  }
0x108: {  	_ =	swait.ge [sflag:s20], $0x3200  }
0x109: {  	[sflag:s20] =	ssyncset.done $0x0  }
0x10a: {  	[sflag:s20] =	ssyncadd.s32 $0xFFFFCE00  }
.LBB2_10:
0x10b: {  	v2 =	vmov s6;
	_ =	sdelay $0x3  }
0x10c: {  	s7 =	simm.s32 $0x0  }
0x10d: {  	v1 =	vld.idx.msk [tilespmem:v2+s7+$0x0 ss:$0x1], $0xffff  }
0x10e: {  	v3 =	vld.idx.msk [tilespmem:v2+s7+$0x100 ss:$0x1], $0xffff;
	_ =	sdelay $0x3  }
0x10f: {  	v5 =	vmul.u32 $0xF, v1  }
0x110: {  	v3 =	vmul.u32 $0xF, v3;
	_ =	sdelay $0x1  }
0x111: {  	v1 =	vadd.s32 $0xC, v5  }
0x112: {  	v4 =	vadd.s32 $0x1, v5  }
0x113: {  	v7 =	vadd.s32 $0x4, v5  }
0x114: {  	v8 =	vadd.s32 $0x5, v3;
	v10 =	vld.idx.msk [tilespmem:v5+s3+$0x0], $0xffff  }
0x115: {  	v11 =	vadd.s32 $0x8, v3;
	v12 =	vld.idx.msk [tilespmem:v3+s3+$0x0], $0xffff  }
0x116: {  	v13 =	vadd.s32 $0x2, v5;
	v6 =	vld.idx.msk [tilespmem:v1+s3+$0x0], $0xffff  }
0x117: {  	v14 =	vadd.s32 $0xA, v3;
	v18 =	vld.idx.msk [tilespmem:v4+s3+$0x0], $0xffff  }
0x118: {  	v16 =	vadd.s32 $0x9, v5;
	v15 =	vld.idx.msk [tilespmem:v7+s3+$0x0], $0xffff  }
0x119: {  	v20 =	vadd.s32 $0x7, v3;
	v9 =	vld.idx.msk [tilespmem:v8+s3+$0x0], $0xffff  }
0x11a: {  	v23 =	vadd.s32 $0x7, v5;
	v11 =	vld.idx.msk [tilespmem:v11+s3+$0x0], $0xffff  }
0x11b: {  	v4 =	vadd.s32 $0xB, v5;
	v13 =	vld.idx.msk [tilespmem:v13+s3+$0x0], $0xffff  }
0x11c: {  	v7 =	vadd.s32 $0xA, v5;
	v25 =	vld.idx.msk [tilespmem:v14+s3+$0x0], $0xffff  }
0x11d: {  	v30 =	vadd.s32 $0x8, v5;
	v31 =	vld.idx.msk [tilespmem:v16+s3+$0x0], $0xffff  }
0x11e: {  	v21 =	vimm.f32 $0.0e+00;
	v27 =	vadd.s32 $0x3, v5;
	v29 =	vld.idx.msk [tilespmem:v20+s3+$0x0], $0xffff  }
0x11f: {  	v26 =	vadd.s32 $0x5, v5;
	v35 =	vadd.s32 $0x6, v5;
	v8 =	vadd.s32 $0x6, v3;
	v33 =	vld.idx.msk [tilespmem:v23+s3+$0x0], $0xffff  }
0x120: {  	v19 =	vadd.s32 $0x4, v3;
	v28 =	vadd.s32 $0xE, v5;
	v37 =	vadd.s32 $0xB, v3;
	v22 =	vld.idx.msk [tilespmem:v4+s3+$0x0], $0xffff  }
0x121: {  	v38 =	vadd.s32 $0x1, v3;
	v1 =	vadd.s32 $0xD, v3;
	v14 =	vadd.s32 $0x9, v3;
	v24 =	vld.idx.msk [tilespmem:v7+s3+$0x0], $0xffff  }
0x122: {  	v34 =	vld.idx.msk [tilespmem:v30+s3+$0x0], $0xffff;
	v23 =	vimm.f32 $0.0e+00;
	v20 =	vimm.f32 $0.0e+00;
	v30 =	vimm.f32 $0.0e+00  }
0x123: {  	v36 =	vld.idx.msk [tilespmem:v27+s3+$0x0], $0xffff;
	v27 =	vimm.f32 $0.0e+00;
	v16 =	vimm.f32 $0.0e+00;
	v7 =	vadd.f32 v10, v21  }
0x124: {  	v4 =	vld.idx.msk [tilespmem:v8+s3+$0x0], $0xffff;
	v17 =	vadd.f32 v13, v21;
	v8 =	vimm.f32 $0.0e+00;
	v10 =	vimm.f32 $0.0e+00  }
0x125: {  	v35 =	vld.idx.msk [tilespmem:v35+s3+$0x0], $0xffff;
	v13 =	vimm.f32 $0.0e+00;
	v7 =	vadd.f32 v12, v7;
	v12 =	vimm.f32 $0.0e+00  }
0x126: {  	s24 =	simm.s32 $0x800;
	s7 =	sshll.u32 s1, $0x4;
	v1 =	vld.idx.msk [tilespmem:v1+s3+$0x0], $0xffff;
	v22 =	vadd.f32 v22, v21;
	v32 =	vadd.f32 v24, v21;
	v24 =	vimm.f32 $0.0e+00  }
.LBB2_11:
0x127: {  	s8 =	sshra.s32 s24, $0x2;
	p0 =	sne.s32 s24, $0xC000;
	s24 =	sadd.s32 $0x800, s24;
	v26 =	vld.idx.msk [tilespmem:v26+s3+$0x0], $0xffff  }
0x128: {  	v21 =	vadd.f32 v31, v21;
	v31 =	vadd.s32 $0x3, v3;
	v39 =	vld.idx.msk [tilespmem:v2+s8+$0x0 ss:$0x1], $0xffff  }
0x129: {  	v41 =	vadd.s32 $0xD, v5;
	v32 =	vadd.f32 v25, v32;
	v40 =	vld.idx.msk [tilespmem:v2+s8+$0x100 ss:$0x1], $0xffff  }
0x12a: {  	v5 =	vadd.f32 v33, v8;
	v25 =	vld.idx.msk [tilespmem:v37+s3+$0x0], $0xffff  }
0x12b: {  	v23 =	vadd.f32 v6, v23;
	v33 =	vadd.s32 $0x2, v3;
	v10 =	vadd.f32 v34, v10;
	v6 =	vld.idx.msk [tilespmem:v38+s3+$0x0], $0xffff  }
0x12c: {  	v18 =	vadd.f32 v18, v20;
	v8 =	vadd.f32 v29, v5;
	v29 =	vadd.s32 $0xC, v3;
	v28 =	vld.idx.msk [tilespmem:v28+s3+$0x0], $0xffff  }
0x12d: {  	v30 =	vadd.f32 v15, v30;
	v13 =	vadd.f32 v26, v13;
	v26 =	vadd.s32 $0xE, v3;
	v15 =	vld.idx.msk [tilespmem:v31+s3+$0x0], $0xffff  }
0x12e: {  	v24 =	vadd.f32 v36, v24;
	v10 =	vadd.f32 v11, v10;
	v5 =	vmul.u32 $0xF, v39;
	v31 =	vld.idx.msk [tilespmem:v41+s3+$0x0], $0xffff  }
0x12f: {  	v27 =	vadd.f32 v35, v27;
	v3 =	vmul.u32 $0xF, v40;
	v13 =	vadd.f32 v9, v13;
	v11 =	vld.idx.msk [tilespmem:v19+s3+$0x0], $0xffff  }
0x130: {  	v9 =	vadd.s32 $0x1, v5;
	v19 =	vadd.s32 $0xC, v5;
	v22 =	vadd.f32 v25, v22;
	v33 =	vld.idx.msk [tilespmem:v33+s3+$0x0], $0xffff  }
0x131: {  	v25 =	vadd.s32 $0x2, v5;
	v34 =	vadd.s32 $0x7, v3;
	v20 =	vadd.f32 v6, v18;
	v29 =	vld.idx.msk [tilespmem:v29+s3+$0x0], $0xffff  }
0x132: {  	v35 =	vadd.s32 $0x3, v5;
	v36 =	vadd.s32 $0x8, v5;
	v16 =	vadd.f32 v28, v16;
	v28 =	vld.idx.msk [tilespmem:v14+s3+$0x0], $0xffff  }
0x133: {  	v37 =	vadd.s32 $0x4, v5;
	v38 =	vadd.s32 $0x5, v3;
	v39 =	vadd.s32 $0x8, v3;
	v40 =	vld.idx.msk [tilespmem:v26+s3+$0x0], $0xffff  }
0x134: {  	v42 =	vadd.s32 $0x7, v5;
	v26 =	vadd.s32 $0x5, v5;
	v12 =	vadd.f32 v31, v12;
	v41 =	vld.idx.msk [tilespmem:v5+s3+$0x0], $0xffff  }
0x135: {  	v43 =	vadd.s32 $0x6, v5;
	v24 =	vadd.f32 v15, v24;
	v31 =	vadd.s32 $0x9, v5;
	v44 =	vld.idx.msk [tilespmem:v3+s3+$0x0], $0xffff  }
0x136: {  	v45 =	vadd.s32 $0xA, v3;
	v46 =	vadd.s32 $0xD, v3;
	v6 =	vld.idx.msk [tilespmem:v19+s3+$0x0], $0xffff;
	v19 =	vadd.s32 $0x4, v3  }
0x137: {  	v47 =	vadd.s32 $0xB, v5;
	v14 =	vadd.s32 $0x9, v3;
	v17 =	vadd.f32 v33, v17;
	v18 =	vld.idx.msk [tilespmem:v9+s3+$0x0], $0xffff  }
0x138: {  	v33 =	vadd.s32 $0x6, v3;
	v23 =	vadd.f32 v29, v23;
	v21 =	vadd.f32 v28, v21;
	v15 =	vld.idx.msk [tilespmem:v37+s3+$0x0], $0xffff  }
0x139: {  	v30 =	vadd.f32 v11, v30;
	v12 =	vadd.f32 v1, v12;
	v28 =	vadd.s32 $0xE, v5;
	v9 =	vld.idx.msk [tilespmem:v38+s3+$0x0], $0xffff  }
0x13a: {  	v16 =	vadd.f32 v40, v16;
	v7 =	vadd.f32 v41, v7;
	v11 =	vld.idx.msk [tilespmem:v39+s3+$0x0], $0xffff  }
0x13b: {  	v27 =	vadd.f32 v4, v27;
	v29 =	vadd.s32 $0xA, v5;
	v1 =	vld.idx.msk [tilespmem:v46+s3+$0x0], $0xffff  }
0x13c: {  	v7 =	vadd.f32 v44, v7;
	v37 =	vld.idx.msk [tilespmem:v25+s3+$0x0], $0xffff  }
0x13d: {  	v4 =	vld.idx.msk [tilespmem:v33+s3+$0x0], $0xffff  }
0x13e: {  	v25 =	vld.idx.msk [tilespmem:v45+s3+$0x0], $0xffff  }
0x13f: {  	v38 =	vld.idx.msk [tilespmem:v47+s3+$0x0], $0xffff  }
0x140: {  	v39 =	vld.idx.msk [tilespmem:v29+s3+$0x0], $0xffff  }
0x141: {  	v31 =	vld.idx.msk [tilespmem:v31+s3+$0x0], $0xffff  }
.Ltmp4:
0x142: {  	v17 =	vadd.f32 v37, v17;
	v29 =	vld.idx.msk [tilespmem:v34+s3+$0x0], $0xffff;
	(pc) =	sbr.rel @p0 .LBB2_11-.Ltmp4, $4  }
0x143: {  	v33 =	vld.idx.msk [tilespmem:v42+s3+$0x0], $0xffff  }
0x144: {  	v34 =	vld.idx.msk [tilespmem:v36+s3+$0x0], $0xffff  }
0x145: {  	v37 =	vadd.s32 $0xB, v3;
	v22 =	vadd.f32 v38, v22;
	v36 =	vld.idx.msk [tilespmem:v35+s3+$0x0], $0xffff  }
0x146: {  	v38 =	vadd.s32 $0x1, v3;
	v32 =	vadd.f32 v39, v32;
	v35 =	vld.idx.msk [tilespmem:v43+s3+$0x0], $0xffff  }
0x147: {  	_ =	sdelay $0x3  }
0x148: {  	v26 =	vld.idx.msk [tilespmem:v26+s3+$0x0], $0xffff  }
0x149: {  	v2 =	vadd.s32 $0x3, v3;
	v37 =	vld.idx.msk [tilespmem:v37+s3+$0x0], $0xffff  }
0x14a: {  	v5 =	vadd.s32 $0xD, v5;
	v38 =	vld.idx.msk [tilespmem:v38+s3+$0x0], $0xffff  }
0x14b: {  	v39 =	vadd.s32 $0x2, v3;
	v28 =	vld.idx.msk [tilespmem:v28+s3+$0x0], $0xffff  }
0x14c: {  	v40 =	vadd.s32 $0xC, v3;
	v19 =	vld.idx.msk [tilespmem:v19+s3+$0x0], $0xffff  }
0x14d: {  	v3 =	vadd.s32 $0xE, v3;
	v14 =	vld.idx.msk [tilespmem:v14+s3+$0x0], $0xffff  }
0x14e: {  	v2 =	vld.idx.msk [tilespmem:v2+s3+$0x0], $0xffff  }
0x14f: {  	v8 =	vadd.f32 v33, v8;
	v5 =	vld.idx.msk [tilespmem:v5+s3+$0x0], $0xffff  }
0x150: {  	v39 =	vld.idx.msk [tilespmem:v39+s3+$0x0], $0xffff  }
0x151: {  	v8 =	vadd.f32 v29, v8;
	v57 =	vld.idx.msk [tilespmem:v40+s3+$0x0], $0xffff  }
0x152: {  	v18 =	vadd.f32 v18, v20;
	v62 =	vadd.f32 v25, v32;
	v3 =	vld.idx.msk [tilespmem:v3+s3+$0x0], $0xffff;
	[tilespmem:s7+$0xEE98] =	vst v7  }
0x153: {  	v15 =	vadd.f32 v15, v30;
	[tilespmem:s7+$0xF598] =	vst v8  }
0x154: {  	v60 =	vadd.f32 v31, v21;
	v18 =	vadd.f32 v38, v18;
	[tilespmem:s7+$0xF898] =	vst v62  }
0x155: {  	v24 =	vadd.f32 v36, v24;
	v15 =	vadd.f32 v19, v15;
	[tilespmem:s7+$0xFD98] =	vst v0  }
0x156: {  	v59 =	vadd.f32 v35, v27;
	v61 =	vadd.f32 v14, v60;
	[tilespmem:s7+$0xEF98] =	vst v18  }
0x157: {  	v58 =	vadd.f32 v26, v13;
	[tilespmem:s7+$0xF298] =	vst v15;
	v2 =	vadd.f32 v2, v24  }
0x158: {  	v4 =	vadd.f32 v4, v59;
	[tilespmem:s7+$0xF798] =	vst v61  }
0x159: {  	v7 =	vadd.f32 v9, v58;
	[tilespmem:s7+$0xF198] =	vst v2;
	v2 =	vadd.f32 v34, v10  }
0x15a: {  	v6 =	vadd.f32 v6, v23;
	[tilespmem:s7+$0xF498] =	vst v4;
	v17 =	vadd.f32 v39, v17  }
0x15b: {  	s1 =	sadd.s32 $0x1, s1;
	[tilespmem:s7+$0xF398] =	vst v7;
	v2 =	vadd.f32 v11, v2  }
0x15c: {  	p0 =	sne.s32 s1, $0x10;
	v5 =	vadd.f32 v5, v12;
	v6 =	vadd.f32 v57, v6;
	[tilespmem:s7+$0xF098] =	vst v17  }
.Ltmp5:
0x15d: {  	v63 =	vadd.f32 v28, v16;
	[tilespmem:s7+$0xF698] =	vst v2;
	v2 =	vadd.f32 v37, v22;
	(pc) =	sbr.rel @p0 .LBB2_10-.Ltmp5, $4  }
0x15e: {  	v1 =	vadd.f32 v1, v5;
	[tilespmem:s7+$0xFA98] =	vst v6  }
0x15f: {  	[tilespmem:s7+$0xF998] =	vst v2;
	v2 =	vadd.f32 v3, v63  }
0x160: {  	[tilespmem:s7+$0xFB98] =	vst v1  }
0x161: {  	s6 =	sadd.s32 $0x10, s6;
	[tilespmem:s7+$0xFC98] =	vst v2  }
0x162: {  	s1 =	simm.s32 $0x0  }
0x163: {  	[hbm4b:s15+s1] =	stream.linear.scatter [tilespmem:s31], [sflag:$0x2], $0x1000, $0x38;
	[tilespmem:$0xFE98] =	vst v63  }
0x164: {  	_ =	swait.ge [sflag:s20], $0x1000  }
0x165: {  	[sflag:s20] =	ssyncset.done $0x0  }
0x166: {  	s6 =	simm.s32 $0xBC98;
	[sflag:s20] =	ssyncadd.s32 $0xFFFFF000  }
0x167: {  	[tilespmem:s6], [sflag:$0x2] =	stream.linear.gather [hbm4b:s16+s1], $0x3200, $0x38;
	[tilespmem:$0xFE98] =	vst v63  }
0x168: {  	_ =	swait.ge [sflag:s20], $0x3200  }
0x169: {  	[sflag:s20] =	ssyncset.done $0x0  }
0x16a: {  	[sflag:s20] =	ssyncadd.s32 $0xFFFFCE00  }
.LBB2_14:
0x16b: {  	v2 =	vmov s6;
	_ =	sdelay $0x3  }
0x16c: {  	s7 =	simm.s32 $0x0  }
0x16d: {  	v1 =	vld.idx.msk [tilespmem:v2+s7+$0x0 ss:$0x1], $0xffff  }
0x16e: {  	v3 =	vld.idx.msk [tilespmem:v2+s7+$0x100 ss:$0x1], $0xffff;
	_ =	sdelay $0x3  }
0x16f: {  	v5 =	vmul.u32 $0xF, v1  }
0x170: {  	v3 =	vmul.u32 $0xF, v3;
	_ =	sdelay $0x1  }
0x171: {  	v1 =	vadd.s32 $0xC, v5  }
0x172: {  	v4 =	vadd.s32 $0x1, v5  }
0x173: {  	v7 =	vadd.s32 $0x4, v5  }
0x174: {  	v8 =	vadd.s32 $0x5, v3;
	v10 =	vld.idx.msk [tilespmem:v5+s3+$0x0], $0xffff  }
0x175: {  	v11 =	vadd.s32 $0x8, v3;
	v12 =	vld.idx.msk [tilespmem:v3+s3+$0x0], $0xffff  }
0x176: {  	v13 =	vadd.s32 $0x2, v5;
	v6 =	vld.idx.msk [tilespmem:v1+s3+$0x0], $0xffff  }
0x177: {  	v14 =	vadd.s32 $0xA, v3;
	v18 =	vld.idx.msk [tilespmem:v4+s3+$0x0], $0xffff  }
0x178: {  	v16 =	vadd.s32 $0x9, v5;
	v15 =	vld.idx.msk [tilespmem:v7+s3+$0x0], $0xffff  }
0x179: {  	v20 =	vadd.s32 $0x7, v3;
	v9 =	vld.idx.msk [tilespmem:v8+s3+$0x0], $0xffff  }
0x17a: {  	v23 =	vadd.s32 $0x7, v5;
	v11 =	vld.idx.msk [tilespmem:v11+s3+$0x0], $0xffff  }
0x17b: {  	v4 =	vadd.s32 $0xB, v5;
	v13 =	vld.idx.msk [tilespmem:v13+s3+$0x0], $0xffff  }
0x17c: {  	v7 =	vadd.s32 $0xA, v5;
	v25 =	vld.idx.msk [tilespmem:v14+s3+$0x0], $0xffff  }
0x17d: {  	v30 =	vadd.s32 $0x8, v5;
	v31 =	vld.idx.msk [tilespmem:v16+s3+$0x0], $0xffff  }
0x17e: {  	v21 =	vimm.f32 $0.0e+00;
	v27 =	vadd.s32 $0x3, v5;
	v29 =	vld.idx.msk [tilespmem:v20+s3+$0x0], $0xffff  }
0x17f: {  	v26 =	vadd.s32 $0x5, v5;
	v35 =	vadd.s32 $0x6, v5;
	v8 =	vadd.s32 $0x6, v3;
	v33 =	vld.idx.msk [tilespmem:v23+s3+$0x0], $0xffff  }
0x180: {  	v19 =	vadd.s32 $0x4, v3;
	v28 =	vadd.s32 $0xE, v5;
	v37 =	vadd.s32 $0xB, v3;
	v22 =	vld.idx.msk [tilespmem:v4+s3+$0x0], $0xffff  }
0x181: {  	v38 =	vadd.s32 $0x1, v3;
	v1 =	vadd.s32 $0xD, v3;
	v14 =	vadd.s32 $0x9, v3;
	v24 =	vld.idx.msk [tilespmem:v7+s3+$0x0], $0xffff  }
0x182: {  	v34 =	vld.idx.msk [tilespmem:v30+s3+$0x0], $0xffff;
	v23 =	vimm.f32 $0.0e+00;
	v20 =	vimm.f32 $0.0e+00;
	v30 =	vimm.f32 $0.0e+00  }
0x183: {  	v36 =	vld.idx.msk [tilespmem:v27+s3+$0x0], $0xffff;
	v27 =	vimm.f32 $0.0e+00;
	v16 =	vimm.f32 $0.0e+00;
	v7 =	vadd.f32 v10, v21  }
0x184: {  	v4 =	vld.idx.msk [tilespmem:v8+s3+$0x0], $0xffff;
	v17 =	vadd.f32 v13, v21;
	v8 =	vimm.f32 $0.0e+00;
	v10 =	vimm.f32 $0.0e+00  }
0x185: {  	v35 =	vld.idx.msk [tilespmem:v35+s3+$0x0], $0xffff;
	v13 =	vimm.f32 $0.0e+00;
	v7 =	vadd.f32 v12, v7;
	v12 =	vimm.f32 $0.0e+00  }
0x186: {  	s24 =	simm.s32 $0x800;
	s7 =	sshll.u32 s1, $0x4;
	v1 =	vld.idx.msk [tilespmem:v1+s3+$0x0], $0xffff;
	v22 =	vadd.f32 v22, v21;
	v32 =	vadd.f32 v24, v21;
	v24 =	vimm.f32 $0.0e+00  }
.LBB2_15:
0x187: {  	s8 =	sshra.s32 s24, $0x2;
	p0 =	sne.s32 s24, $0xC000;
	s24 =	sadd.s32 $0x800, s24;
	v26 =	vld.idx.msk [tilespmem:v26+s3+$0x0], $0xffff  }
0x188: {  	v21 =	vadd.f32 v31, v21;
	v31 =	vadd.s32 $0x3, v3;
	v39 =	vld.idx.msk [tilespmem:v2+s8+$0x0 ss:$0x1], $0xffff  }
0x189: {  	v41 =	vadd.s32 $0xD, v5;
	v32 =	vadd.f32 v25, v32;
	v40 =	vld.idx.msk [tilespmem:v2+s8+$0x100 ss:$0x1], $0xffff  }
0x18a: {  	v5 =	vadd.f32 v33, v8;
	v25 =	vld.idx.msk [tilespmem:v37+s3+$0x0], $0xffff  }
0x18b: {  	v23 =	vadd.f32 v6, v23;
	v33 =	vadd.s32 $0x2, v3;
	v10 =	vadd.f32 v34, v10;
	v6 =	vld.idx.msk [tilespmem:v38+s3+$0x0], $0xffff  }
0x18c: {  	v18 =	vadd.f32 v18, v20;
	v8 =	vadd.f32 v29, v5;
	v29 =	vadd.s32 $0xC, v3;
	v28 =	vld.idx.msk [tilespmem:v28+s3+$0x0], $0xffff  }
0x18d: {  	v30 =	vadd.f32 v15, v30;
	v13 =	vadd.f32 v26, v13;
	v26 =	vadd.s32 $0xE, v3;
	v15 =	vld.idx.msk [tilespmem:v31+s3+$0x0], $0xffff  }
0x18e: {  	v24 =	vadd.f32 v36, v24;
	v10 =	vadd.f32 v11, v10;
	v5 =	vmul.u32 $0xF, v39;
	v31 =	vld.idx.msk [tilespmem:v41+s3+$0x0], $0xffff  }
0x18f: {  	v27 =	vadd.f32 v35, v27;
	v3 =	vmul.u32 $0xF, v40;
	v13 =	vadd.f32 v9, v13;
	v11 =	vld.idx.msk [tilespmem:v19+s3+$0x0], $0xffff  }
0x190: {  	v9 =	vadd.s32 $0x1, v5;
	v19 =	vadd.s32 $0xC, v5;
	v22 =	vadd.f32 v25, v22;
	v33 =	vld.idx.msk [tilespmem:v33+s3+$0x0], $0xffff  }
0x191: {  	v25 =	vadd.s32 $0x2, v5;
	v34 =	vadd.s32 $0x7, v3;
	v20 =	vadd.f32 v6, v18;
	v29 =	vld.idx.msk [tilespmem:v29+s3+$0x0], $0xffff  }
0x192: {  	v35 =	vadd.s32 $0x3, v5;
	v36 =	vadd.s32 $0x8, v5;
	v16 =	vadd.f32 v28, v16;
	v28 =	vld.idx.msk [tilespmem:v14+s3+$0x0], $0xffff  }
0x193: {  	v37 =	vadd.s32 $0x4, v5;
	v38 =	vadd.s32 $0x5, v3;
	v39 =	vadd.s32 $0x8, v3;
	v40 =	vld.idx.msk [tilespmem:v26+s3+$0x0], $0xffff  }
0x194: {  	v42 =	vadd.s32 $0x7, v5;
	v26 =	vadd.s32 $0x5, v5;
	v12 =	vadd.f32 v31, v12;
	v41 =	vld.idx.msk [tilespmem:v5+s3+$0x0], $0xffff  }
0x195: {  	v43 =	vadd.s32 $0x6, v5;
	v24 =	vadd.f32 v15, v24;
	v31 =	vadd.s32 $0x9, v5;
	v44 =	vld.idx.msk [tilespmem:v3+s3+$0x0], $0xffff  }
0x196: {  	v45 =	vadd.s32 $0xA, v3;
	v46 =	vadd.s32 $0xD, v3;
	v6 =	vld.idx.msk [tilespmem:v19+s3+$0x0], $0xffff;
	v19 =	vadd.s32 $0x4, v3  }
0x197: {  	v47 =	vadd.s32 $0xB, v5;
	v14 =	vadd.s32 $0x9, v3;
	v17 =	vadd.f32 v33, v17;
	v18 =	vld.idx.msk [tilespmem:v9+s3+$0x0], $0xffff  }
0x198: {  	v33 =	vadd.s32 $0x6, v3;
	v23 =	vadd.f32 v29, v23;
	v21 =	vadd.f32 v28, v21;
	v15 =	vld.idx.msk [tilespmem:v37+s3+$0x0], $0xffff  }
0x199: {  	v30 =	vadd.f32 v11, v30;
	v12 =	vadd.f32 v1, v12;
	v28 =	vadd.s32 $0xE, v5;
	v9 =	vld.idx.msk [tilespmem:v38+s3+$0x0], $0xffff  }
0x19a: {  	v16 =	vadd.f32 v40, v16;
	v7 =	vadd.f32 v41, v7;
	v11 =	vld.idx.msk [tilespmem:v39+s3+$0x0], $0xffff  }
0x19b: {  	v27 =	vadd.f32 v4, v27;
	v29 =	vadd.s32 $0xA, v5;
	v1 =	vld.idx.msk [tilespmem:v46+s3+$0x0], $0xffff  }
0x19c: {  	v7 =	vadd.f32 v44, v7;
	v37 =	vld.idx.msk [tilespmem:v25+s3+$0x0], $0xffff  }
0x19d: {  	v4 =	vld.idx.msk [tilespmem:v33+s3+$0x0], $0xffff  }
0x19e: {  	v25 =	vld.idx.msk [tilespmem:v45+s3+$0x0], $0xffff  }
0x19f: {  	v38 =	vld.idx.msk [tilespmem:v47+s3+$0x0], $0xffff  }
0x1a0: {  	v39 =	vld.idx.msk [tilespmem:v29+s3+$0x0], $0xffff  }
0x1a1: {  	v31 =	vld.idx.msk [tilespmem:v31+s3+$0x0], $0xffff  }
.Ltmp6:
0x1a2: {  	v17 =	vadd.f32 v37, v17;
	v29 =	vld.idx.msk [tilespmem:v34+s3+$0x0], $0xffff;
	(pc) =	sbr.rel @p0 .LBB2_15-.Ltmp6, $4  }
0x1a3: {  	v33 =	vld.idx.msk [tilespmem:v42+s3+$0x0], $0xffff  }
0x1a4: {  	v34 =	vld.idx.msk [tilespmem:v36+s3+$0x0], $0xffff  }
0x1a5: {  	v37 =	vadd.s32 $0xB, v3;
	v22 =	vadd.f32 v38, v22;
	v36 =	vld.idx.msk [tilespmem:v35+s3+$0x0], $0xffff  }
0x1a6: {  	v38 =	vadd.s32 $0x1, v3;
	v32 =	vadd.f32 v39, v32;
	v35 =	vld.idx.msk [tilespmem:v43+s3+$0x0], $0xffff  }
0x1a7: {  	_ =	sdelay $0x3  }
0x1a8: {  	v26 =	vld.idx.msk [tilespmem:v26+s3+$0x0], $0xffff  }
0x1a9: {  	v2 =	vadd.s32 $0x3, v3;
	v37 =	vld.idx.msk [tilespmem:v37+s3+$0x0], $0xffff  }
0x1aa: {  	v5 =	vadd.s32 $0xD, v5;
	v38 =	vld.idx.msk [tilespmem:v38+s3+$0x0], $0xffff  }
0x1ab: {  	v39 =	vadd.s32 $0x2, v3;
	v28 =	vld.idx.msk [tilespmem:v28+s3+$0x0], $0xffff  }
0x1ac: {  	v40 =	vadd.s32 $0xC, v3;
	v19 =	vld.idx.msk [tilespmem:v19+s3+$0x0], $0xffff  }
0x1ad: {  	v3 =	vadd.s32 $0xE, v3;
	v14 =	vld.idx.msk [tilespmem:v14+s3+$0x0], $0xffff  }
0x1ae: {  	v2 =	vld.idx.msk [tilespmem:v2+s3+$0x0], $0xffff  }
0x1af: {  	v8 =	vadd.f32 v33, v8;
	v5 =	vld.idx.msk [tilespmem:v5+s3+$0x0], $0xffff  }
0x1b0: {  	v39 =	vld.idx.msk [tilespmem:v39+s3+$0x0], $0xffff  }
0x1b1: {  	v8 =	vadd.f32 v29, v8;
	v57 =	vld.idx.msk [tilespmem:v40+s3+$0x0], $0xffff  }
0x1b2: {  	v18 =	vadd.f32 v18, v20;
	v62 =	vadd.f32 v25, v32;
	v3 =	vld.idx.msk [tilespmem:v3+s3+$0x0], $0xffff;
	[tilespmem:s7+$0xEE98] =	vst v7  }
0x1b3: {  	v15 =	vadd.f32 v15, v30;
	[tilespmem:s7+$0xF598] =	vst v8  }
0x1b4: {  	v60 =	vadd.f32 v31, v21;
	v18 =	vadd.f32 v38, v18;
	[tilespmem:s7+$0xF898] =	vst v62  }
0x1b5: {  	v24 =	vadd.f32 v36, v24;
	v15 =	vadd.f32 v19, v15;
	[tilespmem:s7+$0xFD98] =	vst v0  }
0x1b6: {  	v59 =	vadd.f32 v35, v27;
	v61 =	vadd.f32 v14, v60;
	[tilespmem:s7+$0xEF98] =	vst v18  }
0x1b7: {  	v58 =	vadd.f32 v26, v13;
	[tilespmem:s7+$0xF298] =	vst v15;
	v2 =	vadd.f32 v2, v24  }
0x1b8: {  	v4 =	vadd.f32 v4, v59;
	[tilespmem:s7+$0xF798] =	vst v61  }
0x1b9: {  	v7 =	vadd.f32 v9, v58;
	[tilespmem:s7+$0xF198] =	vst v2;
	v2 =	vadd.f32 v34, v10  }
0x1ba: {  	v6 =	vadd.f32 v6, v23;
	[tilespmem:s7+$0xF498] =	vst v4;
	v17 =	vadd.f32 v39, v17  }
0x1bb: {  	s1 =	sadd.s32 $0x1, s1;
	[tilespmem:s7+$0xF398] =	vst v7;
	v2 =	vadd.f32 v11, v2  }
0x1bc: {  	p0 =	sne.s32 s1, $0x10;
	v5 =	vadd.f32 v5, v12;
	v6 =	vadd.f32 v57, v6;
	[tilespmem:s7+$0xF098] =	vst v17  }
.Ltmp7:
0x1bd: {  	v63 =	vadd.f32 v28, v16;
	[tilespmem:s7+$0xF698] =	vst v2;
	v2 =	vadd.f32 v37, v22;
	(pc) =	sbr.rel @p0 .LBB2_14-.Ltmp7, $4  }
0x1be: {  	v1 =	vadd.f32 v1, v5;
	[tilespmem:s7+$0xFA98] =	vst v6  }
0x1bf: {  	[tilespmem:s7+$0xF998] =	vst v2;
	v2 =	vadd.f32 v3, v63  }
0x1c0: {  	[tilespmem:s7+$0xFB98] =	vst v1  }
0x1c1: {  	s6 =	sadd.s32 $0x10, s6;
	[tilespmem:s7+$0xFC98] =	vst v2  }
0x1c2: {  	[hbm4b:s17+s3] =	stream.linear.scatter [tilespmem:s31], [sflag:$0x2], $0x1000, $0x38;
	[tilespmem:$0xFE98] =	vst v63  }
0x1c3: {  	_ =	swait.ge [sflag:s20], $0x1000  }
0x1c4: {  	[sflag:s20] =	ssyncset.done $0x0  }
0x1c5: {  	[sflag:s20] =	ssyncadd.s32 $0xFFFFF000  }
0x1c6: {  	_ =	swait.ge [sflag:s0], $0x2000  }
0x1c7: {  	[sflag:s0] =	ssyncset.done $0x0  }
0x1c8: {  	[sflag:s0] =	ssyncadd.s32 $0xFFFFE000  }
0x1c9: {  	_ =	swait.ge [sflag:s0], $0x2000  }
0x1ca: {  	[sflag:s0] =	ssyncset.done $0x0  }
0x1cb: {  	[sflag:s0] =	ssyncadd.s32 $0xFFFFE000  }
0x1cc: {  	_ =	swait.ge [sflag:s0], $0x2000  }
0x1cd: {  	[sflag:s0] =	ssyncset.done $0x0  }
0x1ce: {  	[sflag:s0] =	ssyncadd.s32 $0xFFFFE000  }
0x1cf: {  	s2 =	sadd.s32 $0x1, s2;
	_ =	swait.ge [sflag:s0], $0x2000  }
0x1d0: {  	p0 =	sne.s32 s2, s19;
	[sflag:s0] =	ssyncset.done $0x0  }
.Ltmp8:
0x1d1: {  	[sflag:s0] =	ssyncadd.s32 $0xFFFFE000;
	(pc) =	sbr.rel @p0 .LBB2_1-.Ltmp8, $4  }
0x1d2: {  	[hbm4b:s18+s3] =	stream.linear.scatter [tilespmem:s23], [sflag:$0x2], $0x8000, $0x38;
	[tilespmem:$0xFE98] =	vst v63  }
0x1d3: {  	_ =	swait.ge [sflag:s20], $0x8000  }
0x1d4: {  	[sflag:s20] =	ssyncset.done $0x0  }
0x1d5: {  	[sflag:s20] =	ssyncadd.s32 $0xFFFF8000  }
0x1d6: {  	_ =	sfence.sel $0x180000  }
0x1d7: {  	[bflag:$0x0] =	sbarrier.arrive $0xFFFF  }
0x1d8: {  	_ =	strace $0x90000047  }
0x1d9: {  	s0 =	stileid.u32;
	[bflag:$0x2] =	sbarrier.arrive $0xFFFF  }
0x1da: {  	p0 =	sne.s32 s0, $0x0;
	s0 =	rddreg [dreg:$0x4]  }
0x1db: {  	s0 =	sadd.s32 @!p0 $0x100000, s0  }
0x1dc: {  	[sflag:s0] =	ssyncadd.tile.s32 @!p0 $0x1;
	_ =	shalt  }
.Lfunc_end2:
_tile_overlayer_lowered:
.L_overlay_start_2:
0x1dd: {  	(tag) =	ssettag $0x2  }
0x1de: {  	s0 =	rddreg [dreg:$0x0];
	s2 =	stileid.u32  }
0x1df: {  	s1 =	rddreg [dreg:$0x1];
	p0 =	sne.s32 s2, $0x0  }
0x1e0: {  	s3 =	rddreg [dreg:$0x2];
	[bflag:$0x3] =	sbarrier.arrive $0xFFFF;
	s2 =	simm.s32 @!p0 $0x1C02  }
0x1e1: {  	[timem:s3], [sflag:s2] =	dma.local @!p0 [hbm:s0], s1  }
0x1e2: {  	s0 =	simm.s32 @!p0 $0x2  }
0x1e3: {  	_ =	swait.ge @!p0 [sflag:s0], s1  }
0x1e4: {  	s1 =	ssub.s32 @!p0 $0x0, s1;
	[sflag:s0] =	ssyncset.done @!p0 $0x0  }
0x1e5: {  	[sflag:s0] =	ssyncadd.s32 @!p0 s1  }
0x1e6: {  	[bflag:$0x3] =	sbarrier.arrive $0xFFFF  }
0x1e7: {  	_ =	shalt  }

// kernel: kernel.8.cloned.1.call-start
scs
__scs_entry_jumppad:
0x0: {  	(pc) =	sbr.rel $0x88, $3  }
0x1: {  	(tag) =	ssettag $0x0;
	lr =	simm.s32 $0x1  }
0x2: {  	[smem:$0x3F6F] =	sst lr;
	_ =	strace $0xD0000000  }
0x3: {  	_ = 	snop  }
0x4: {  	_ = 	snop  }
0x5: {  	_ = 	snop  }
0x6: {  	_ = 	snop  }
0x7: {  	_ = 	snop  }
__scs_overlays_trampoline_lowered:
0x8: {  	[smem:$0x3F7E] =	sst s0  }
0x9: {  	[smem:$0x3F7F] =	sst s1  }
0xa: {  	[smem:$0x3F80] =	sst s2  }
0xb: {  	[smem:$0x3F81] =	sst s3  }
0xc: {  	[smem:$0x3F82] =	sst s4  }
0xd: {  	[smem:$0x3F83] =	sst s5  }
0xe: {  	[smem:$0x3F84] =	sst s6  }
0xf: {  	[smem:$0x3F85] =	sst s7  }
0x10: {  	[smem:$0x3F86] =	sst s8  }
0x11: {  	[smem:$0x3F87] =	sst s9;
	s0 =	simm.s32 @!p0 $0x0  }
0x12: {  	s1 =	sld [smem:$0x3F6D];
	s0 =	simm.s32 @p0 $0x1  }
0x13: {  	[smem:$0x3F88] =	sst s0;
	s0 =	simm.s32 @!p1 $0x0  }
0x14: {  	s2 =	sld [smem:$0x3F6C];
	s0 =	simm.s32 @p1 $0x1  }
0x15: {  	[smem:$0x3F89] =	sst s0;
	s0 =	simm.s32 @!p2 $0x0  }
0x16: {  	s3 =	sld [smem:$0x3FDB];
	s0 =	simm.s32 @p2 $0x1  }
0x17: {  	s4 =	simm.s32 $0x1BF5;
	[smem:$0x3F8B] =	sst s0  }
0x18: {  	s0 =	sld [smem:$0x3F6E];
	_ =	swait.ge [sflag:s4], $0x0  }
0x19: {  	s7 =	sld [smem:$0x3F6F]  }
0x1a: {  	s8 =	sadd.s32 $0xFFFFE003, lr  }
0x1b: {  	s9 =	sadd.s32 $0xFFFFFEF7, lr;
	s5 =	simm.s32 $0xFFFFFFFF;
	p2 =	slt.u32 s8, $0xFFFFF086  }
0x1c: {  	p1 =	slt.u32 s9, $0xF7A;
	s5 =	simm.s32 @!p2 $0x0  }
0x1d: {  	s5 =	simm.s32 @p1 $0x1;
	p0 =	seq.s32 s7, s2  }
0x1e: {  	s7 =	smul.u32 @!p0 $0xF7A, s2;
	p2 =	seq.s32 @!p0 s5, $0x0  }
0x1f: {  	s9 =	smul.u32 $0xF7A, s1;
	s8 =	simm.s32 @!p0 $0x1BF5;
	p2 =	por !p2, p0  }
0x20: {  	[sflag:s8] =	ssyncset.s32 @!p0 $0xFFFFF086;
	s6 =	sadd.s32 @!p0 s3, s7;
	s7 =	simm.s32 @!p0 $0x108  }
0x21: {  	s3 =	sadd.s32 s3, s9;
	s6 =	sadd.s32 @!p0 $0x88, s6;
	s7 =	simm.s32 @p2 $0x1082  }
0x22: {  	[simem:s7], [sflag:s8] =	dma.local @!p0 [hbm:s6], $0xF7A  }
0x23: {  	s9 =	sor.u32 $0xD0000000, s2;
	s6 =	simm.s32 $0x108;
	_ =	swait.ge @!p0 [sflag:s8], $0x0  }
0x24: {  	s3 =	sadd.s32 $0x88, s3;
	s6 =	simm.s32 @!p1 $0x1082;
	[sflag:s4] =	ssyncset.s32 $0xFFFFF086  }
0x25: {  	[simem:s6], [sflag:s4] =	dma.local [hbm:s3], $0xF7A  }
0x26: {  	[smem:$0x3F6F] =	sst s1;
	(tag) =	ssettag s2;
	_ =	strace s9  }
0x27: {  	s1 =	sld [smem:$0x3F7F]  }
0x28: {  	s2 =	sld [smem:$0x3F80]  }
0x29: {  	s4 =	sld [smem:$0x3F82]  }
0x2a: {  	p0 =	seq.s32 s5, $0x0;
	s5 =	sld [smem:$0x3F83]  }
0x2b: {  	s6 =	sld [smem:$0x3F84]  }
0x2c: {  	s7 =	sld [smem:$0x3F85]  }
0x2d: {  	s3 =	simm.s32 $0x108;
	s8 =	sld [smem:$0x3F86]  }
0x2e: {  	s3 =	simm.s32 @!p0 $0x1082;
	s9 =	sld [smem:$0x3F87]  }
0x2f: {  	lr =	sadd.s32 s0, s3;
	s0 =	sld [smem:$0x3F7E]  }
0x30: {  	s3 =	sld [smem:$0x3F81]  }
0x31: {  	[smem:$0x3F8A] =	sst s10  }
0x32: {  	s10 =	sld [smem:$0x3F88];
	_ =	sdelay $0x3  }
0x33: {  	p0 =	seq.s32 s10, $0x1;
	s10 =	sld [smem:$0x3F8A];
	_ =	sdelay $0x3  }
0x34: {  	[smem:$0x3F8A] =	sst s10  }
0x35: {  	s10 =	sld [smem:$0x3F89];
	_ =	sdelay $0x3  }
0x36: {  	p1 =	seq.s32 s10, $0x1;
	s10 =	sld [smem:$0x3F8A];
	_ =	sdelay $0x3  }
0x37: {  	[smem:$0x3F8A] =	sst s10  }
0x38: {  	s10 =	sld [smem:$0x3F8B]  }
0x39: {  	_ = 	snop;
	(pc) =	sbr.ind lr, $3  }
0x3a: {  	_ = 	snop  }
0x3b: {  	_ = 	snop  }
0x3c: {  	p2 =	seq.s32 s10, $0x1;
	s10 =	sld [smem:$0x3F8A]  }
0x3d: {  	_ =	shalt  }
0x3e: {  	_ =	shalt  }
0x3f: {  	_ =	shalt  }
0x40: {  	_ =	shalt  }
0x41: {  	_ =	shalt  }
0x42: {  	_ =	shalt  }
0x43: {  	_ =	shalt  }
0x44: {  	_ =	shalt  }
0x45: {  	_ =	shalt  }
0x46: {  	_ =	shalt  }
0x47: {  	_ =	shalt  }
0x48: {  	_ =	shalt  }
0x49: {  	_ =	shalt  }
0x4a: {  	_ =	shalt  }
0x4b: {  	_ =	shalt  }
0x4c: {  	_ =	shalt  }
0x4d: {  	_ =	shalt  }
0x4e: {  	_ =	shalt  }
0x4f: {  	_ =	shalt  }
0x50: {  	_ =	shalt  }
0x51: {  	_ =	shalt  }
0x52: {  	_ =	shalt  }
0x53: {  	_ =	shalt  }
0x54: {  	_ =	shalt  }
0x55: {  	_ =	shalt  }
0x56: {  	_ =	shalt  }
0x57: {  	_ =	shalt  }
0x58: {  	_ =	shalt  }
0x59: {  	_ =	shalt  }
0x5a: {  	_ =	shalt  }
0x5b: {  	_ =	shalt  }
0x5c: {  	_ =	shalt  }
0x5d: {  	_ =	shalt  }
0x5e: {  	_ =	shalt  }
0x5f: {  	_ =	shalt  }
0x60: {  	_ =	shalt  }
0x61: {  	_ =	shalt  }
0x62: {  	_ =	shalt  }
0x63: {  	_ =	shalt  }
0x64: {  	_ =	shalt  }
0x65: {  	_ =	shalt  }
0x66: {  	_ =	shalt  }
0x67: {  	_ =	shalt  }
0x68: {  	_ =	shalt  }
0x69: {  	_ =	shalt  }
0x6a: {  	_ =	shalt  }
0x6b: {  	_ =	shalt  }
0x6c: {  	_ =	shalt  }
0x6d: {  	_ =	shalt  }
0x6e: {  	_ =	shalt  }
0x6f: {  	_ =	shalt  }
0x70: {  	_ =	shalt  }
0x71: {  	_ =	shalt  }
0x72: {  	_ =	shalt  }
0x73: {  	_ =	shalt  }
0x74: {  	_ =	shalt  }
0x75: {  	_ =	shalt  }
0x76: {  	_ =	shalt  }
0x77: {  	_ =	shalt  }
0x78: {  	_ =	shalt  }
0x79: {  	_ =	shalt  }
0x7a: {  	_ =	shalt  }
0x7b: {  	_ =	shalt  }
0x7c: {  	_ =	shalt  }
0x7d: {  	_ =	shalt  }
0x7e: {  	_ =	shalt  }
0x7f: {  	_ =	shalt  }
0x80: {  	_ =	shalt  }
0x81: {  	_ =	shalt  }
0x82: {  	_ =	shalt  }
0x83: {  	_ =	shalt  }
0x84: {  	_ =	shalt  }
0x85: {  	_ =	shalt  }
0x86: {  	_ =	shalt  }
0x87: {  	_ =	shalt  }
.Lfunc_end0:
.L_simem_size_0:
called_computation.1_lowered:
.L_overlay_start_0:
0x88: {  	s2 =	sld [smem:$0x3FD9]  }
0x89: {  	s3 =	sld [smem:$0x3FFE];
	_ =	sdelay $0x1  }
0x8a: {  	s1 =	srdreg.scid  }
0x8b: {  	s0 =	sand.u32 $0x1, s1  }
0x8c: {  	s17 =	sshll.u32 s0, $0xA;
	s2 =	sadd.s32 s3, s2  }
0x8d: {  	s2 =	sadd.s32 s2, s17  }
0x8e: {  	[smem:$0x3F96] =	sst s2  }
0x8f: {  	_ = 	snop  }
0x90: {  	(tm) =	ssettm $0x1  }
0x91: {  	s18 =	sld [smem:$0x3FFB];
	_ =	sdelay $0x3  }
0x92: {  	_ =	strace s18  }
0x93: {  	s2 =	sld [smem:$0x3FFC];
	_ =	sdelay $0x3  }
0x94: {  	_ =	strace s2  }
0x95: {  	s2 =	sld [smem:$0x3FFD];
	_ =	sdelay $0x3  }
0x96: {  	_ =	strace s2  }
0x97: {  	_ =	strace $0x8FFFFFFF  }
0x98: {  	s19 =	sld [smem:$0x3FDB];
	_ =	sdelay $0x1  }
0x99: {  	s20 =	simm.s32 $_scs_section_size  }
0x9a: {  	s4 =	simm.s32 $_size__tile_overlayer_lowered;
	s5 =	simm.s32 $_tile_overlayer_lowered  }
0x9b: {  	s6 =	simm.s32 $0x1BFF;
	s21 =	sshll.u32 s5, $0x1;
	s3 =	sadd.s32 s20, s19  }
0x9c: {  	s22 =	simm.s32 $0x0;
	s4 =	sshll.u32 s4, $0x1;
	s5 =	sadd.s32 s21, s3  }
0x9d: {  	[timem:s22], [sflag:s6] =	dma.local [hbm:s5], s4  }
0x9e: {  	_ =	swait.ge [sflag:s6], s4  }
0x9f: {  	s4 =	ssub.s32 $0x0, s4;
	[sflag:s6] =	ssyncset.done $0x0  }
0xa0: {  	[sflag:s6] =	ssyncadd.s32 s4;
	_ =	sdelay $0x1  }
0xa1: {  	s23 =	simm.s32 $0x1B8B  }
0xa2: {  	_ =	swait.ge [sflag:s23], $0x1  }
0xa3: {  	[sflag:s23] =	ssyncset.done $0x0  }
0xa4: {  	[sflag:s23] =	ssyncadd.s32 $0xFFFFFFFF  }
0xa5: {  	s4 =	sld [smem:$0x0]  }
0xa6: {  	s5 =	sand.u32 $0xFFFFFFFE, s1  }
0xa7: {  	p0 =	sne.s32 s1, s5  }
0xa8: {  	s5 =	sshll.u32 @p0 s5, $0xE  }
0xa9: {  	s5 =	sadd.s32 @p0 $0x11B8D, s5;
	s6 =	sshll.u32 @p0 s4, $0x11  }
0xaa: {  	s5 =	sor.u32 @p0 s6, s5  }
0xab: {  	[sflag:s5] =	ssyncadd.remote.s32 @p0 $0x1;
	_ =	sdelay $0x1  }
0xac: {  	s5 =	simm.s32 @p0 $0x1B8D  }
0xad: {  	_ =	swait.eq @p0 [sflag:s5], $0x1  }
0xae: {  	[sflag:s5] =	ssyncadd.s32 @p0 $0xFFFFFFFF  }
0xaf: {  	s6 =	sshll.u32 @!p0 s1, $0xE  }
0xb0: {  	s6 =	sor.u32 @!p0 $0x4000, s6;
	s5 =	simm.s32 @!p0 $0x1B8D  }
0xb1: {  	s4 =	sshll.u32 @!p0 s4, $0x11;
	s6 =	sadd.s32 @!p0 $0x11B8D, s6;
	_ =	swait.eq @!p0 [sflag:s5], $0x1  }
0xb2: {  	s4 =	sor.u32 @!p0 s4, s6;
	[sflag:s5] =	ssyncadd.s32 @!p0 $0xFFFFFFFF  }
0xb3: {  	s25 =	simm.s32 $0x1B8E;
	s24 =	sld [smem:$0x3FFE];
	[sflag:s4] =	ssyncadd.remote.s32 @!p0 $0x1  }
0xb4: {  	s26 =	simm.s32 $execute0_lowered;
	[smem:$0x3FD2] =	sst s25  }
0xb5: {  	s5 =	sshll.u32 s26, $0x1;
	_ =	strace $0x80000049;
	[dreg:$0x1] =	wrdreg $0xFFFFFFFF  }
0xb6: {  	s28 =	simm.s32 $_size_execute0_lowered;
	s3 =	sadd.s32 s3, s5;
	[dreg:$0x0] =	wrdreg $0x0  }
0xb7: {  	s5 =	sshll.u32 s28, $0x1;
	[dreg:$0x2] =	wrdreg s3  }
0xb8: {  	[dreg:$0x3] =	wrdreg s5  }
0xb9: {  	[dreg:$0x4] =	wrdreg $0xC0  }
0xba: {  	_ =	task [dreg:s22], $0x5FFFF  }
0xbb: {  	[dreg:$0x1] =	wrdreg $0xFFFFFFFF  }
0xbc: {  	[dreg:$0x0] =	wrdreg $0x60  }
0xbd: {  	[dreg:$0x2] =	wrdreg s24  }
0xbe: {  	[dreg:$0x3] =	wrdreg $0xA  }
0xbf: {  	_ =	task.clear_ibuf [dreg:s22], $0x4FFFF;
	_ =	strace $0x90000049  }
0xc0: {  	s29 =	simm.s32 $0xA;
	_ =	strace $0x8000004B  }
0xc1: {  	_ =	swait.ge [sflag:s29], $0x1  }
0xc2: {  	[sflag:s29] =	ssyncadd.s32 $0xFFFFFFFF  }
0xc3: {  	_ =	strace $0x9000004B  }
0xc4: {  	_ =	sfence  }
0xc5: {  	s30 =	sld [smem:$0x0];
	_ =	sdelay $0x2  }
0xc6: {  	s31 =	sshll.u32 s1, $0xD;
	s1 =	sshrl.u32 s1, $0x2  }
0xc7: {  	s4 =	sand.u32 $0x4000, s31;
	s1 =	sadd.s32 s1, s30  }
0xc8: {  	s0 =	sor.u32 s4, s0;
	s1 =	sshll.u32 s1, $0x11  }
0xc9: {  	s0 =	sor.u32 s1, s0  }
0xca: {  	s0 =	sadd.s32 $0x8F2B, s0  }
0xcb: {  	[sflag:s0] =	ssyncadd.remote.s32 $0x1  }
0xcc: {  	_ =	sfence.sel $0xFFFF  }
0xcd: {  	[dreg:$0x0] =	wrdreg $0xFFFFFFFF;
	(pc) =	sbr.abs _section_cstart, $3  }
0xce: {  	[dreg:$0x1] =	wrdreg $0xFFFFFFFF  }
0xcf: {  	_ =	task.clear_ibuf [dreg:s22], $0x2FFFF;
	_ =	strace $0x9FFFFFFF  }
0xd0: {  	(tm) =	ssettm $0x7FFFFFFF  }
0xd1: {  	_ =	shalt  }
tec
execute0_lowered:
.L_overlay_start_1:
0x0: {  	(tag) =	ssettag $0x1  }
0x1: {  	s5 =	rddreg [dreg:$0x0]  }
0x2: {  	s0 =	rddreg [dreg:$0x1];
	s1 =	simm.s32 $0x0  }
0x3: {  	s3 =	srdreg.scid;
	s12 =	simm.s32 $0x1B328;
	s13 =	simm.s32 $0x0  }
0x4: {  	[smem:$0x7FF] =	sst s1;
	s2 =	sadd.s32 $0xC0A00, s5;
	s9 =	sand.u32 $0x1, s3  }
.Ltmp0:
0x5: {  	s3 =	sadd.s32 $0xBD600, s5;
	s4 =	sadd.s32 $0xA4600, s5;
	(pc) =	sbr.rel .LBB2_1-.Ltmp0, $4  }
0x6: {  	s6 =	sadd.s32 $0x8B600, s5;
	s7 =	sadd.s32 $0xC3E00, s5;
	s10 =	ssub.s32 $0x2, s9  }
0x7: {  	s8 =	sadd.s32 $0xCFE00, s5;
	s5 =	stileid.u32;
	s11 =	sshrl.u32 s10, $0x1  }
0x8: {  	_ =	strace $0x8000004A;
	p0 =	seq.s32 s9, $0x1;
	s10 =	ssub.s32 s10, s11  }
0x9: {  	v0 =	vimm.f32 $0.0e+00;
	s9 =	sshll.u32 s5, $0x3;
	s11 =	simm.s32 $0x1;
	s10 =	smax.u32 s10, $0x1  }
.LBB2_14:
0xa: {  	s13 =	sadd.s32 $0x1, s13  }
0xb: {  	p1 =	sne.s32 s13, s10  }
.Ltmp1:
0xc: {  	_ = 	snop;
	(pc) =	sbr.rel @!p1 .LBB2_15-.Ltmp1, $1  }
0xd: {  	_ =	sdelay $0x3  }
.LBB2_1:
.Ltmp2:
0xe: {  	(pc) =	sbr.rel @!p0 .LBB2_2-.Ltmp2, $2  }
0xf: {  	_ =	sdelay $0x2  }
0x10: {  	s14 =	simm.s32 $0x0  }
0x11: {  	[tilespmem:s14], [sflag:$0x1] =	stream.linear.gather [hbm4b:s3+s14], $0x19A28, $0x38;
	[tilespmem:$0x1BF28] =	vst v63  }
0x12: {  	_ =	swait.ge [sflag:s11], $0x19A28  }
0x13: {  	[sflag:s11] =	ssyncset.done $0x0  }
0x14: {  	s15 =	simm.s32 $0x0;
	[sflag:s11] =	ssyncadd.s32 $0xFFFE65D8  }
.LBB2_9:
0x15: {  	s16 =	sadd.s32 s9, s15  }
0x16: {  	s17 =	smul.u32 $0x320, s16;
	_ =	sdelay $0x1  }
0x17: {  	s18 =	sadd.s32 s6, s17;
	s17 =	simm.s32 $0x19A28  }
0x18: {  	[tilespmem:s17], [sflag:$0x1] =	stream.linear.gather [hbm4b:s18+s14], $0x1900, $0x38;
	[tilespmem:$0x1BF28] =	vst v63  }
0x19: {  	_ =	swait.ge [sflag:s11], $0x1900  }
0x1a: {  	[sflag:s11] =	ssyncset.done $0x0  }
0x1b: {  	s18 =	simm.s32 $0x0;
	[sflag:s11] =	ssyncadd.s32 $0xFFFFE700  }
.LBB2_10:
0x1c: {  	v4 =	vmov s17;
	_ =	sdelay $0x3  }
0x1d: {  	s19 =	simm.s32 $0x0  }
0x1e: {  	v1 =	vld.idx.msk [tilespmem:v4+s19+$0x0 ss:$0x1], $0xffff  }
0x1f: {  	v2 =	vld.idx.msk [tilespmem:v4+s19+$0x80 ss:$0x1], $0xffff;
	_ =	sdelay $0x3  }
0x20: {  	v5 =	vmul.u32 $0x15, v1  }
0x21: {  	v3 =	vmul.u32 $0x15, v2;
	_ =	sdelay $0x1  }
0x22: {  	v1 =	vadd.s32 $0x1, v5  }
0x23: {  	v2 =	vadd.s32 $0x2, v5  }
0x24: {  	v6 =	vadd.s32 $0x13, v3  }
0x25: {  	v9 =	vadd.s32 $0x2, v3;
	v8 =	vld.idx.msk [tilespmem:v5+s1+$0x0], $0xffff  }
0x26: {  	v10 =	vadd.s32 $0xE, v3;
	v11 =	vld.idx.msk [tilespmem:v3+s1+$0x0], $0xffff  }
0x27: {  	v12 =	vadd.s32 $0xB, v5;
	v7 =	vld.idx.msk [tilespmem:v1+s1+$0x0], $0xffff  }
0x28: {  	v13 =	vadd.s32 $0xD, v5;
	v14 =	vld.idx.msk [tilespmem:v2+s1+$0x0], $0xffff  }
0x29: {  	v15 =	vadd.s32 $0xF, v3;
	v1 =	vld.idx.msk [tilespmem:v6+s1+$0x0], $0xffff  }
0x2a: {  	v16 =	vadd.s32 $0x6, v3;
	v9 =	vld.idx.msk [tilespmem:v9+s1+$0x0], $0xffff  }
0x2b: {  	v18 =	vadd.s32 $0x12, v5;
	v2 =	vld.idx.msk [tilespmem:v10+s1+$0x0], $0xffff  }
0x2c: {  	v20 =	vadd.s32 $0xC, v5;
	v17 =	vld.idx.msk [tilespmem:v12+s1+$0x0], $0xffff  }
0x2d: {  	v23 =	vadd.s32 $0x11, v3;
	v21 =	vld.idx.msk [tilespmem:v13+s1+$0x0], $0xffff  }
0x2e: {  	v24 =	vadd.s32 $0x6, v5;
	v10 =	vld.idx.msk [tilespmem:v15+s1+$0x0], $0xffff  }
0x2f: {  	v28 =	vadd.s32 $0x4, v5;
	v22 =	vld.idx.msk [tilespmem:v16+s1+$0x0], $0xffff  }
0x30: {  	v32 =	vadd.s32 $0x5, v5;
	v25 =	vld.idx.msk [tilespmem:v18+s1+$0x0], $0xffff  }
0x31: {  	v6 =	vadd.s32 $0xD, v3;
	v34 =	vld.idx.msk [tilespmem:v20+s1+$0x0], $0xffff  }
0x32: {  	v13 =	vadd.s32 $0x11, v5;
	v23 =	vld.idx.msk [tilespmem:v23+s1+$0x0], $0xffff  }
0x33: {  	v15 =	vadd.s32 $0x10, v5;
	v24 =	vld.idx.msk [tilespmem:v24+s1+$0x0], $0xffff  }
0x34: {  	v27 =	vadd.s32 $0xA, v5;
	v31 =	vadd.s32 $0x10, v3;
	v12 =	vadd.s32 $0x4, v3;
	v40 =	vld.idx.msk [tilespmem:v28+s1+$0x0], $0xffff  }
0x35: {  	v35 =	vadd.s32 $0x8, v5;
	v37 =	vadd.s32 $0xE, v5;
	v18 =	vadd.s32 $0x7, v5;
	v41 =	vld.idx.msk [tilespmem:v32+s1+$0x0], $0xffff  }
0x36: {  	v36 =	vadd.s32 $0x9, v5;
	v29 =	vadd.s32 $0xF, v5;
	v39 =	vadd.s32 $0x7, v3;
	v6 =	vld.idx.msk [tilespmem:v6+s1+$0x0], $0xffff  }
0x37: {  	v42 =	vadd.s32 $0xB, v3;
	v43 =	vadd.s32 $0xC, v3;
	v16 =	vimm.f32 $0.0e+00;
	v26 =	vld.idx.msk [tilespmem:v13+s1+$0x0], $0xffff  }
0x38: {  	v20 =	vadd.s32 $0x13, v5;
	v8 =	vadd.f32 v8, v16;
	v15 =	vld.idx.msk [tilespmem:v15+s1+$0x0], $0xffff;
	v14 =	vadd.f32 v14, v16  }
0x39: {  	v32 =	vimm.f32 $0.0e+00;
	v19 =	vld.idx.msk [tilespmem:v12+s1+$0x0], $0xffff;
	v12 =	vadd.s32 $0x3, v5;
	v5 =	vadd.f32 v21, v16  }
0x3a: {  	v28 =	vimm.f32 $0.0e+00;
	v13 =	vadd.f32 v11, v8;
	v8 =	vadd.f32 v9, v14;
	v9 =	vld.idx.msk [tilespmem:v18+s1+$0x0], $0xffff  }
0x3b: {  	v38 =	vld.idx.msk [tilespmem:v35+s1+$0x0], $0xffff;
	v21 =	vadd.f32 v24, v16;
	v35 =	vadd.f32 v17, v16;
	v24 =	vimm.f32 $0.0e+00  }
0x3c: {  	v33 =	vld.idx.msk [tilespmem:v27+s1+$0x0], $0xffff;
	v17 =	vimm.f32 $0.0e+00;
	v11 =	vadd.f32 v25, v16;
	v25 =	vimm.f32 $0.0e+00  }
0x3d: {  	v31 =	vld.idx.msk [tilespmem:v31+s1+$0x0], $0xffff;
	v18 =	vadd.s32 $0x5, v3;
	v30 =	vadd.f32 v15, v16;
	v14 =	vadd.f32 v26, v16  }
0x3e: {  	v36 =	vld.idx.msk [tilespmem:v36+s1+$0x0], $0xffff;
	v26 =	vadd.f32 v34, v16;
	v15 =	vadd.s32 $0x12, v3;
	v6 =	vadd.f32 v6, v5  }
0x3f: {  	v39 =	vld.idx.msk [tilespmem:v39+s1+$0x0], $0xffff;
	v34 =	vimm.f32 $0.0e+00;
	v5 =	vadd.f32 v23, v14;
	v27 =	vadd.f32 v9, v16  }
0x40: {  	s20 =	simm.s32 $0x400;
	s19 =	sshll.u32 s18, $0x4;
	v37 =	vld.idx.msk [tilespmem:v37+s1+$0x0], $0xffff;
	v14 =	vimm.f32 $0.0e+00;
	v9 =	vimm.f32 $0.0e+00;
	v23 =	vimm.f32 $0.0e+00  }
.LBB2_11:
0x41: {  	s21 =	sshra.s32 s20, $0x2;
	p1 =	sne.s32 s20, $0x6000;
	s20 =	sadd.s32 $0x400, s20;
	v16 =	vadd.f32 v38, v16;
	v29 =	vld.idx.msk [tilespmem:v29+s1+$0x0], $0xffff  }
0x42: {  	v44 =	vadd.s32 $0x1, v3;
	v21 =	vadd.f32 v22, v21;
	v30 =	vadd.f32 v31, v30;
	v38 =	vld.idx.msk [tilespmem:v4+s21+$0x0 ss:$0x1], $0xffff  }
0x43: {  	v24 =	vadd.f32 v36, v24;
	v25 =	vadd.f32 v33, v25;
	v22 =	vld.idx.msk [tilespmem:v4+s21+$0x80 ss:$0x1], $0xffff  }
0x44: {  	v31 =	vadd.s32 $0x8, v3;
	v14 =	vadd.f32 v40, v14;
	v33 =	vld.idx.msk [tilespmem:v42+s1+$0x0], $0xffff  }
0x45: {  	v36 =	vadd.s32 $0xA, v3;
	v32 =	vadd.f32 v41, v32;
	v40 =	vld.idx.msk [tilespmem:v43+s1+$0x0], $0xffff  }
0x46: {  	v14 =	vadd.f32 v19, v14;
	v27 =	vadd.f32 v39, v27;
	v41 =	vld.idx.msk [tilespmem:v12+s1+$0x0], $0xffff;
	v12 =	vadd.s32 $0x9, v3  }
0x47: {  	v9 =	vadd.f32 v29, v9;
	v19 =	vld.idx.msk [tilespmem:v44+s1+$0x0], $0xffff  }
0x48: {  	v23 =	vadd.f32 v37, v23;
	v29 =	vadd.s32 $0x3, v3;
	v38 =	vmul.u32 $0x15, v38;
	v20 =	vld.idx.msk [tilespmem:v20+s1+$0x0], $0xffff  }
0x49: {  	v3 =	vmul.u32 $0x15, v22;
	v22 =	vadd.f32 v7, v34;
	v9 =	vadd.f32 v10, v9;
	v31 =	vld.idx.msk [tilespmem:v31+s1+$0x0], $0xffff  }
0x4a: {  	v7 =	vadd.s32 $0x1, v38;
	v10 =	vadd.s32 $0xB, v38;
	v35 =	vadd.f32 v33, v35;
	v34 =	vld.idx.msk [tilespmem:v36+s1+$0x0], $0xffff  }
0x4b: {  	v33 =	vadd.s32 $0xE, v3;
	v36 =	vadd.s32 $0x13, v3;
	v26 =	vadd.f32 v40, v26;
	v37 =	vld.idx.msk [tilespmem:v12+s1+$0x0], $0xffff  }
0x4c: {  	v39 =	vadd.s32 $0xF, v3;
	v12 =	vadd.s32 $0x3, v38;
	v28 =	vadd.f32 v41, v28;
	v18 =	vld.idx.msk [tilespmem:v18+s1+$0x0], $0xffff  }
0x4d: {  	v40 =	vadd.s32 $0x2, v38;
	v42 =	vadd.s32 $0x10, v3;
	v41 =	vadd.s32 $0x4, v38;
	v43 =	vld.idx.msk [tilespmem:v29+s1+$0x0], $0xffff  }
0x4e: {  	v45 =	vadd.s32 $0x5, v38;
	v46 =	vadd.s32 $0x11, v3;
	v17 =	vadd.f32 v20, v17;
	v44 =	vld.idx.msk [tilespmem:v38+s1+$0x0], $0xffff  }
0x4f: {  	v47 =	vadd.s32 $0x6, v38;
	v48 =	vadd.s32 $0xC, v38;
	v20 =	vadd.s32 $0x2, v3;
	v49 =	vld.idx.msk [tilespmem:v3+s1+$0x0], $0xffff  }
0x50: {  	v50 =	vadd.s32 $0x7, v38;
	v51 =	vadd.s32 $0xE, v38;
	v16 =	vadd.f32 v31, v16;
	v7 =	vld.idx.msk [tilespmem:v7+s1+$0x0], $0xffff  }
0x51: {  	v52 =	vadd.s32 $0x8, v38;
	v53 =	vadd.s32 $0xD, v3;
	v31 =	vadd.s32 $0xD, v38;
	v54 =	vld.idx.msk [tilespmem:v15+s1+$0x0], $0xffff  }
0x52: {  	v55 =	vadd.s32 $0x9, v38;
	v29 =	vadd.s32 $0xF, v38;
	v24 =	vadd.f32 v37, v24;
	v40 =	vld.idx.msk [tilespmem:v40+s1+$0x0], $0xffff  }
0x53: {  	v56 =	vadd.s32 $0x11, v38;
	v25 =	vadd.f32 v34, v25;
	v37 =	vadd.s32 $0xA, v38;
	v36 =	vld.idx.msk [tilespmem:v36+s1+$0x0], $0xffff  }
0x54: {  	v57 =	vadd.s32 $0x12, v38;
	v13 =	vadd.f32 v44, v13;
	v44 =	vadd.s32 $0x10, v38;
	v58 =	vld.idx.msk [tilespmem:v20+s1+$0x0], $0xffff  }
0x55: {  	v32 =	vadd.f32 v18, v32;
	v20 =	vadd.s32 $0x13, v38;
	v38 =	vadd.s32 $0x6, v3;
	v33 =	vld.idx.msk [tilespmem:v33+s1+$0x0], $0xffff  }
0x56: {  	v60 =	vadd.s32 $0x4, v3;
	v18 =	vadd.s32 $0x5, v3;
	v15 =	vadd.s32 $0x12, v3;
	v59 =	vld.idx.msk [tilespmem:v10+s1+$0x0], $0xffff  }
0x57: {  	v23 =	vadd.f32 v2, v23;
	v28 =	vadd.f32 v43, v28;
	v61 =	vld.idx.msk [tilespmem:v31+s1+$0x0], $0xffff  }
0x58: {  	v11 =	vadd.f32 v54, v11;
	v31 =	vadd.f32 v40, v8;
	v10 =	vld.idx.msk [tilespmem:v39+s1+$0x0], $0xffff  }
0x59: {  	v34 =	vadd.f32 v19, v22;
	v17 =	vadd.f32 v1, v17;
	v1 =	vmov v36;
	v39 =	vld.idx.msk [tilespmem:v53+s1+$0x0], $0xffff  }
0x5a: {  	v13 =	vadd.f32 v49, v13;
	v8 =	vadd.f32 v58, v31;
	v22 =	vld.idx.msk [tilespmem:v38+s1+$0x0], $0xffff  }
0x5b: {  	v2 =	vmov v33;
	v19 =	vld.idx.msk [tilespmem:v60+s1+$0x0], $0xffff  }
0x5c: {  	v40 =	vld.idx.msk [tilespmem:v57+s1+$0x0], $0xffff  }
0x5d: {  	v36 =	vld.idx.msk [tilespmem:v56+s1+$0x0], $0xffff  }
0x5e: {  	v38 =	vld.idx.msk [tilespmem:v44+s1+$0x0], $0xffff  }
0x5f: {  	v43 =	vld.idx.msk [tilespmem:v48+s1+$0x0], $0xffff  }
0x60: {  	v44 =	vld.idx.msk [tilespmem:v46+s1+$0x0], $0xffff  }
0x61: {  	v33 =	vld.idx.msk [tilespmem:v37+s1+$0x0], $0xffff  }
0x62: {  	v31 =	vld.idx.msk [tilespmem:v42+s1+$0x0], $0xffff  }
0x63: {  	v37 =	vld.idx.msk [tilespmem:v47+s1+$0x0], $0xffff  }
0x64: {  	v42 =	vadd.s32 $0x7, v3;
	v30 =	vadd.f32 v38, v30;
	v46 =	vld.idx.msk [tilespmem:v50+s1+$0x0], $0xffff  }
0x65: {  	v6 =	vadd.f32 v61, v6;
	v5 =	vadd.f32 v36, v5;
	v38 =	vld.idx.msk [tilespmem:v52+s1+$0x0], $0xffff  }
.Ltmp3:
0x66: {  	v11 =	vadd.f32 v40, v11;
	v26 =	vadd.f32 v43, v26;
	v36 =	vld.idx.msk [tilespmem:v55+s1+$0x0], $0xffff;
	(pc) =	sbr.rel @p1 .LBB2_11-.Ltmp3, $4  }
0x67: {  	v6 =	vadd.f32 v39, v6;
	v5 =	vadd.f32 v44, v5;
	v40 =	vld.idx.msk [tilespmem:v41+s1+$0x0], $0xffff  }
0x68: {  	v41 =	vld.idx.msk [tilespmem:v45+s1+$0x0], $0xffff  }
0x69: {  	v21 =	vadd.f32 v37, v21;
	v39 =	vld.idx.msk [tilespmem:v42+s1+$0x0], $0xffff;
	v42 =	vadd.s32 $0xB, v3  }
0x6a: {  	v35 =	vadd.f32 v59, v35;
	v43 =	vadd.s32 $0xC, v3;
	v27 =	vadd.f32 v46, v27;
	v37 =	vld.idx.msk [tilespmem:v51+s1+$0x0], $0xffff  }
0x6b: {  	_ =	sdelay $0x3  }
0x6c: {  	v29 =	vld.idx.msk [tilespmem:v29+s1+$0x0], $0xffff  }
0x6d: {  	v42 =	vld.idx.msk [tilespmem:v42+s1+$0x0], $0xffff  }
0x6e: {  	v4 =	vadd.s32 $0x1, v3;
	v43 =	vld.idx.msk [tilespmem:v43+s1+$0x0], $0xffff  }
0x6f: {  	v44 =	vadd.s32 $0x8, v3;
	v12 =	vld.idx.msk [tilespmem:v12+s1+$0x0], $0xffff  }
0x70: {  	v45 =	vadd.s32 $0xA, v3;
	v20 =	vld.idx.msk [tilespmem:v20+s1+$0x0], $0xffff  }
0x71: {  	v46 =	vadd.s32 $0x3, v3;
	v18 =	vld.idx.msk [tilespmem:v18+s1+$0x0], $0xffff  }
0x72: {  	v3 =	vadd.s32 $0x9, v3;
	v50 =	vld.idx.msk [tilespmem:v15+s1+$0x0], $0xffff  }
0x73: {  	v4 =	vld.idx.msk [tilespmem:v4+s1+$0x0], $0xffff  }
0x74: {  	v44 =	vld.idx.msk [tilespmem:v44+s1+$0x0], $0xffff  }
0x75: {  	v14 =	vadd.f32 v40, v14;
	v45 =	vld.idx.msk [tilespmem:v45+s1+$0x0], $0xffff  }
0x76: {  	v46 =	vld.idx.msk [tilespmem:v46+s1+$0x0], $0xffff  }
0x77: {  	v52 =	vadd.f32 v19, v14;
	v3 =	vld.idx.msk [tilespmem:v3+s1+$0x0], $0xffff;
	[tilespmem:s19+$0x1B328] =	vst v13  }
0x78: {  	v55 =	vadd.f32 v22, v21;
	[tilespmem:s19+$0x1B428] =	vst v8  }
0x79: {  	v57 =	vadd.f32 v39, v27;
	[tilespmem:s19+$0x1B528] =	vst v52  }
0x7a: {  	[tilespmem:s19+$0x1B628] =	vst v55  }
0x7b: {  	v63 =	vadd.f32 v31, v30;
	[tilespmem:s19+$0x1B6A8] =	vst v57  }
0x7c: {  	[tilespmem:s19+$0x1B9A8] =	vst v6  }
0x7d: {  	[tilespmem:s19+$0x1BB28] =	vst v63  }
0x7e: {  	[tilespmem:s19+$0x1BBA8] =	vst v5  }
0x7f: {  	v51 =	vadd.f32 v41, v32;
	[tilespmem:s19+$0x1BD28] =	vst v0  }
0x80: {  	[tilespmem:s19+$0x1BDA8] =	vst v0  }
0x81: {  	v53 =	vadd.f32 v18, v51;
	[tilespmem:s19+$0x1BE28] =	vst v0  }
0x82: {  	v56 =	vadd.f32 v36, v24;
	v60 =	vadd.f32 v42, v35;
	[tilespmem:s19+$0x1BEA8] =	vst v0  }
0x83: {  	v7 =	vadd.f32 v7, v34;
	v61 =	vadd.f32 v43, v26;
	[tilespmem:s19+$0x1B5A8] =	vst v53  }
0x84: {  	v12 =	vadd.f32 v12, v28;
	[tilespmem:s19+$0x1B8A8] =	vst v60;
	v3 =	vadd.f32 v3, v56  }
0x85: {  	v58 =	vadd.f32 v33, v25;
	[tilespmem:s19+$0x1B928] =	vst v61;
	v4 =	vadd.f32 v4, v7  }
0x86: {  	v12 =	vadd.f32 v46, v12;
	[tilespmem:s19+$0x1B7A8] =	vst v3;
	v3 =	vadd.f32 v37, v23  }
0x87: {  	v62 =	vadd.f32 v29, v9;
	v59 =	vadd.f32 v45, v58;
	[tilespmem:s19+$0x1B3A8] =	vst v4  }
0x88: {  	v54 =	vadd.f32 v38, v16;
	s18 =	sadd.s32 $0x1, s18;
	[tilespmem:s19+$0x1B4A8] =	vst v12;
	v2 =	vadd.f32 v2, v3  }
0x89: {  	p1 =	sne.s32 s18, $0x8;
	[tilespmem:s19+$0x1B828] =	vst v59;
	v3 =	vadd.f32 v10, v62  }
.Ltmp4:
0x8a: {  	v12 =	vadd.f32 v44, v54;
	[tilespmem:s19+$0x1BA28] =	vst v2;
	v2 =	vadd.f32 v20, v17;
	(pc) =	sbr.rel @p1 .LBB2_10-.Ltmp4, $4  }
0x8b: {  	[tilespmem:s19+$0x1BAA8] =	vst v3;
	v3 =	vadd.f32 v50, v11  }
0x8c: {  	[tilespmem:s19+$0x1B728] =	vst v12;
	v1 =	vadd.f32 v1, v2  }
0x8d: {  	[tilespmem:s19+$0x1BC28] =	vst v3  }
0x8e: {  	s17 =	sadd.s32 $0x10, s17;
	[tilespmem:s19+$0x1BCA8] =	vst v1  }
0x8f: {  	s16 =	smul.u32 $0x180, s16  }
0x90: {  	s15 =	sadd.s32 $0x1, s15  }
0x91: {  	p1 =	sne.s32 s15, $0x8;
	s16 =	sadd.s32 s8, s16  }
0x92: {  	[hbm4b:s16+s1] =	stream.linear.scatter [tilespmem:s12], [sflag:$0x1], $0xC00, $0x38;
	[tilespmem:$0x1BF28] =	vst v63  }
.Ltmp5:
0x93: {  	_ = 	snop;
	(pc) =	sbr.rel @p1 .LBB2_9-.Ltmp5, $4  }
.Ltmp6:
0x94: {  	_ = 	snop;
	(pc) =	sbr.rel @!p1 .LBB2_14-.Ltmp6, $4  }
0x95: {  	_ =	swait.ge [sflag:s11], $0xC00  }
0x96: {  	[sflag:s11] =	ssyncset.done $0x0  }
0x97: {  	[sflag:s11] =	ssyncadd.s32 $0xFFFFF400  }
0x98: {  	_ = 	snop  }
.LBB2_2:
0x99: {  	[tilespmem:s14], [sflag:$0x1] =	stream.linear.gather [hbm4b:s2+s14], $0x19A28, $0x38;
	[tilespmem:$0x1BF28] =	vst v63  }
0x9a: {  	_ =	swait.ge [sflag:s11], $0x19A28  }
0x9b: {  	[sflag:s11] =	ssyncset.done $0x0  }
0x9c: {  	s15 =	simm.s32 $0x0;
	[sflag:s11] =	ssyncadd.s32 $0xFFFE65D8  }
.LBB2_3:
0x9d: {  	s16 =	sadd.s32 s9, s15  }
0x9e: {  	s17 =	smul.u32 $0x320, s16;
	_ =	sdelay $0x1  }
0x9f: {  	s18 =	sadd.s32 s4, s17;
	s17 =	simm.s32 $0x19A28  }
0xa0: {  	[tilespmem:s17], [sflag:$0x1] =	stream.linear.gather [hbm4b:s18+s14], $0x1900, $0x38;
	[tilespmem:$0x1BF28] =	vst v63  }
0xa1: {  	_ =	swait.ge [sflag:s11], $0x1900  }
0xa2: {  	[sflag:s11] =	ssyncset.done $0x0  }
0xa3: {  	s18 =	simm.s32 $0x0;
	[sflag:s11] =	ssyncadd.s32 $0xFFFFE700  }
.LBB2_4:
0xa4: {  	v4 =	vmov s17;
	_ =	sdelay $0x3  }
0xa5: {  	s19 =	simm.s32 $0x0  }
0xa6: {  	v1 =	vld.idx.msk [tilespmem:v4+s19+$0x0 ss:$0x1], $0xffff  }
0xa7: {  	v2 =	vld.idx.msk [tilespmem:v4+s19+$0x80 ss:$0x1], $0xffff;
	_ =	sdelay $0x3  }
0xa8: {  	v5 =	vmul.u32 $0x15, v1  }
0xa9: {  	v3 =	vmul.u32 $0x15, v2;
	_ =	sdelay $0x1  }
0xaa: {  	v1 =	vadd.s32 $0x1, v5  }
0xab: {  	v2 =	vadd.s32 $0x2, v5  }
0xac: {  	v6 =	vadd.s32 $0x13, v3  }
0xad: {  	v9 =	vadd.s32 $0x2, v3;
	v8 =	vld.idx.msk [tilespmem:v5+s1+$0x0], $0xffff  }
0xae: {  	v10 =	vadd.s32 $0xE, v3;
	v11 =	vld.idx.msk [tilespmem:v3+s1+$0x0], $0xffff  }
0xaf: {  	v12 =	vadd.s32 $0xB, v5;
	v7 =	vld.idx.msk [tilespmem:v1+s1+$0x0], $0xffff  }
0xb0: {  	v13 =	vadd.s32 $0xD, v5;
	v14 =	vld.idx.msk [tilespmem:v2+s1+$0x0], $0xffff  }
0xb1: {  	v15 =	vadd.s32 $0xF, v3;
	v1 =	vld.idx.msk [tilespmem:v6+s1+$0x0], $0xffff  }
0xb2: {  	v16 =	vadd.s32 $0x6, v3;
	v9 =	vld.idx.msk [tilespmem:v9+s1+$0x0], $0xffff  }
0xb3: {  	v18 =	vadd.s32 $0x12, v5;
	v2 =	vld.idx.msk [tilespmem:v10+s1+$0x0], $0xffff  }
0xb4: {  	v20 =	vadd.s32 $0xC, v5;
	v17 =	vld.idx.msk [tilespmem:v12+s1+$0x0], $0xffff  }
0xb5: {  	v23 =	vadd.s32 $0x11, v3;
	v21 =	vld.idx.msk [tilespmem:v13+s1+$0x0], $0xffff  }
0xb6: {  	v24 =	vadd.s32 $0x6, v5;
	v10 =	vld.idx.msk [tilespmem:v15+s1+$0x0], $0xffff  }
0xb7: {  	v28 =	vadd.s32 $0x4, v5;
	v22 =	vld.idx.msk [tilespmem:v16+s1+$0x0], $0xffff  }
0xb8: {  	v32 =	vadd.s32 $0x5, v5;
	v25 =	vld.idx.msk [tilespmem:v18+s1+$0x0], $0xffff  }
0xb9: {  	v6 =	vadd.s32 $0xD, v3;
	v34 =	vld.idx.msk [tilespmem:v20+s1+$0x0], $0xffff  }
0xba: {  	v13 =	vadd.s32 $0x11, v5;
	v23 =	vld.idx.msk [tilespmem:v23+s1+$0x0], $0xffff  }
0xbb: {  	v15 =	vadd.s32 $0x10, v5;
	v24 =	vld.idx.msk [tilespmem:v24+s1+$0x0], $0xffff  }
0xbc: {  	v27 =	vadd.s32 $0xA, v5;
	v31 =	vadd.s32 $0x10, v3;
	v12 =	vadd.s32 $0x4, v3;
	v40 =	vld.idx.msk [tilespmem:v28+s1+$0x0], $0xffff  }
0xbd: {  	v35 =	vadd.s32 $0x8, v5;
	v37 =	vadd.s32 $0xE, v5;
	v18 =	vadd.s32 $0x7, v5;
	v41 =	vld.idx.msk [tilespmem:v32+s1+$0x0], $0xffff  }
0xbe: {  	v36 =	vadd.s32 $0x9, v5;
	v29 =	vadd.s32 $0xF, v5;
	v39 =	vadd.s32 $0x7, v3;
	v6 =	vld.idx.msk [tilespmem:v6+s1+$0x0], $0xffff  }
0xbf: {  	v42 =	vadd.s32 $0xB, v3;
	v43 =	vadd.s32 $0xC, v3;
	v16 =	vimm.f32 $0.0e+00;
	v26 =	vld.idx.msk [tilespmem:v13+s1+$0x0], $0xffff  }
0xc0: {  	v20 =	vadd.s32 $0x13, v5;
	v8 =	vadd.f32 v8, v16;
	v15 =	vld.idx.msk [tilespmem:v15+s1+$0x0], $0xffff;
	v14 =	vadd.f32 v14, v16  }
0xc1: {  	v32 =	vimm.f32 $0.0e+00;
	v19 =	vld.idx.msk [tilespmem:v12+s1+$0x0], $0xffff;
	v12 =	vadd.s32 $0x3, v5;
	v5 =	vadd.f32 v21, v16  }
0xc2: {  	v28 =	vimm.f32 $0.0e+00;
	v13 =	vadd.f32 v11, v8;
	v8 =	vadd.f32 v9, v14;
	v9 =	vld.idx.msk [tilespmem:v18+s1+$0x0], $0xffff  }
0xc3: {  	v38 =	vld.idx.msk [tilespmem:v35+s1+$0x0], $0xffff;
	v21 =	vadd.f32 v24, v16;
	v35 =	vadd.f32 v17, v16;
	v24 =	vimm.f32 $0.0e+00  }
0xc4: {  	v33 =	vld.idx.msk [tilespmem:v27+s1+$0x0], $0xffff;
	v17 =	vimm.f32 $0.0e+00;
	v11 =	vadd.f32 v25, v16;
	v25 =	vimm.f32 $0.0e+00  }
0xc5: {  	v31 =	vld.idx.msk [tilespmem:v31+s1+$0x0], $0xffff;
	v18 =	vadd.s32 $0x5, v3;
	v30 =	vadd.f32 v15, v16;
	v14 =	vadd.f32 v26, v16  }
0xc6: {  	v36 =	vld.idx.msk [tilespmem:v36+s1+$0x0], $0xffff;
	v26 =	vadd.f32 v34, v16;
	v15 =	vadd.s32 $0x12, v3;
	v6 =	vadd.f32 v6, v5  }
0xc7: {  	v39 =	vld.idx.msk [tilespmem:v39+s1+$0x0], $0xffff;
	v34 =	vimm.f32 $0.0e+00;
	v5 =	vadd.f32 v23, v14;
	v27 =	vadd.f32 v9, v16  }
0xc8: {  	s20 =	simm.s32 $0x400;
	s19 =	sshll.u32 s18, $0x4;
	v37 =	vld.idx.msk [tilespmem:v37+s1+$0x0], $0xffff;
	v14 =	vimm.f32 $0.0e+00;
	v9 =	vimm.f32 $0.0e+00;
	v23 =	vimm.f32 $0.0e+00  }
.LBB2_5:
0xc9: {  	s21 =	sshra.s32 s20, $0x2;
	p1 =	sne.s32 s20, $0x6000;
	s20 =	sadd.s32 $0x400, s20;
	v16 =	vadd.f32 v38, v16;
	v29 =	vld.idx.msk [tilespmem:v29+s1+$0x0], $0xffff  }
0xca: {  	v44 =	vadd.s32 $0x1, v3;
	v21 =	vadd.f32 v22, v21;
	v30 =	vadd.f32 v31, v30;
	v38 =	vld.idx.msk [tilespmem:v4+s21+$0x0 ss:$0x1], $0xffff  }
0xcb: {  	v24 =	vadd.f32 v36, v24;
	v25 =	vadd.f32 v33, v25;
	v22 =	vld.idx.msk [tilespmem:v4+s21+$0x80 ss:$0x1], $0xffff  }
0xcc: {  	v31 =	vadd.s32 $0x8, v3;
	v14 =	vadd.f32 v40, v14;
	v33 =	vld.idx.msk [tilespmem:v42+s1+$0x0], $0xffff  }
0xcd: {  	v36 =	vadd.s32 $0xA, v3;
	v32 =	vadd.f32 v41, v32;
	v40 =	vld.idx.msk [tilespmem:v43+s1+$0x0], $0xffff  }
0xce: {  	v14 =	vadd.f32 v19, v14;
	v27 =	vadd.f32 v39, v27;
	v41 =	vld.idx.msk [tilespmem:v12+s1+$0x0], $0xffff;
	v12 =	vadd.s32 $0x9, v3  }
0xcf: {  	v9 =	vadd.f32 v29, v9;
	v19 =	vld.idx.msk [tilespmem:v44+s1+$0x0], $0xffff  }
0xd0: {  	v23 =	vadd.f32 v37, v23;
	v29 =	vadd.s32 $0x3, v3;
	v38 =	vmul.u32 $0x15, v38;
	v20 =	vld.idx.msk [tilespmem:v20+s1+$0x0], $0xffff  }
0xd1: {  	v3 =	vmul.u32 $0x15, v22;
	v22 =	vadd.f32 v7, v34;
	v9 =	vadd.f32 v10, v9;
	v31 =	vld.idx.msk [tilespmem:v31+s1+$0x0], $0xffff  }
0xd2: {  	v7 =	vadd.s32 $0x1, v38;
	v10 =	vadd.s32 $0xB, v38;
	v35 =	vadd.f32 v33, v35;
	v34 =	vld.idx.msk [tilespmem:v36+s1+$0x0], $0xffff  }
0xd3: {  	v33 =	vadd.s32 $0xE, v3;
	v36 =	vadd.s32 $0x13, v3;
	v26 =	vadd.f32 v40, v26;
	v37 =	vld.idx.msk [tilespmem:v12+s1+$0x0], $0xffff  }
0xd4: {  	v39 =	vadd.s32 $0xF, v3;
	v12 =	vadd.s32 $0x3, v38;
	v28 =	vadd.f32 v41, v28;
	v18 =	vld.idx.msk [tilespmem:v18+s1+$0x0], $0xffff  }
0xd5: {  	v40 =	vadd.s32 $0x2, v38;
	v42 =	vadd.s32 $0x10, v3;
	v41 =	vadd.s32 $0x4, v38;
	v43 =	vld.idx.msk [tilespmem:v29+s1+$0x0], $0xffff  }
0xd6: {  	v45 =	vadd.s32 $0x5, v38;
	v46 =	vadd.s32 $0x11, v3;
	v17 =	vadd.f32 v20, v17;
	v44 =	vld.idx.msk [tilespmem:v38+s1+$0x0], $0xffff  }
0xd7: {  	v47 =	vadd.s32 $0x6, v38;
	v48 =	vadd.s32 $0xC, v38;
	v20 =	vadd.s32 $0x2, v3;
	v49 =	vld.idx.msk [tilespmem:v3+s1+$0x0], $0xffff  }
0xd8: {  	v50 =	vadd.s32 $0x7, v38;
	v51 =	vadd.s32 $0xE, v38;
	v16 =	vadd.f32 v31, v16;
	v7 =	vld.idx.msk [tilespmem:v7+s1+$0x0], $0xffff  }
0xd9: {  	v52 =	vadd.s32 $0x8, v38;
	v53 =	vadd.s32 $0xD, v3;
	v31 =	vadd.s32 $0xD, v38;
	v54 =	vld.idx.msk [tilespmem:v15+s1+$0x0], $0xffff  }
0xda: {  	v55 =	vadd.s32 $0x9, v38;
	v29 =	vadd.s32 $0xF, v38;
	v24 =	vadd.f32 v37, v24;
	v40 =	vld.idx.msk [tilespmem:v40+s1+$0x0], $0xffff  }
0xdb: {  	v56 =	vadd.s32 $0x11, v38;
	v25 =	vadd.f32 v34, v25;
	v37 =	vadd.s32 $0xA, v38;
	v36 =	vld.idx.msk [tilespmem:v36+s1+$0x0], $0xffff  }
0xdc: {  	v57 =	vadd.s32 $0x12, v38;
	v13 =	vadd.f32 v44, v13;
	v44 =	vadd.s32 $0x10, v38;
	v58 =	vld.idx.msk [tilespmem:v20+s1+$0x0], $0xffff  }
0xdd: {  	v32 =	vadd.f32 v18, v32;
	v20 =	vadd.s32 $0x13, v38;
	v38 =	vadd.s32 $0x6, v3;
	v33 =	vld.idx.msk [tilespmem:v33+s1+$0x0], $0xffff  }
0xde: {  	v60 =	vadd.s32 $0x4, v3;
	v18 =	vadd.s32 $0x5, v3;
	v15 =	vadd.s32 $0x12, v3;
	v59 =	vld.idx.msk [tilespmem:v10+s1+$0x0], $0xffff  }
0xdf: {  	v23 =	vadd.f32 v2, v23;
	v28 =	vadd.f32 v43, v28;
	v61 =	vld.idx.msk [tilespmem:v31+s1+$0x0], $0xffff  }
0xe0: {  	v11 =	vadd.f32 v54, v11;
	v31 =	vadd.f32 v40, v8;
	v10 =	vld.idx.msk [tilespmem:v39+s1+$0x0], $0xffff  }
0xe1: {  	v34 =	vadd.f32 v19, v22;
	v17 =	vadd.f32 v1, v17;
	v1 =	vmov v36;
	v39 =	vld.idx.msk [tilespmem:v53+s1+$0x0], $0xffff  }
0xe2: {  	v13 =	vadd.f32 v49, v13;
	v8 =	vadd.f32 v58, v31;
	v22 =	vld.idx.msk [tilespmem:v38+s1+$0x0], $0xffff  }
0xe3: {  	v2 =	vmov v33;
	v19 =	vld.idx.msk [tilespmem:v60+s1+$0x0], $0xffff  }
0xe4: {  	v40 =	vld.idx.msk [tilespmem:v57+s1+$0x0], $0xffff  }
0xe5: {  	v36 =	vld.idx.msk [tilespmem:v56+s1+$0x0], $0xffff  }
0xe6: {  	v38 =	vld.idx.msk [tilespmem:v44+s1+$0x0], $0xffff  }
0xe7: {  	v43 =	vld.idx.msk [tilespmem:v48+s1+$0x0], $0xffff  }
0xe8: {  	v44 =	vld.idx.msk [tilespmem:v46+s1+$0x0], $0xffff  }
0xe9: {  	v33 =	vld.idx.msk [tilespmem:v37+s1+$0x0], $0xffff  }
0xea: {  	v31 =	vld.idx.msk [tilespmem:v42+s1+$0x0], $0xffff  }
0xeb: {  	v37 =	vld.idx.msk [tilespmem:v47+s1+$0x0], $0xffff  }
0xec: {  	v42 =	vadd.s32 $0x7, v3;
	v30 =	vadd.f32 v38, v30;
	v46 =	vld.idx.msk [tilespmem:v50+s1+$0x0], $0xffff  }
0xed: {  	v6 =	vadd.f32 v61, v6;
	v5 =	vadd.f32 v36, v5;
	v38 =	vld.idx.msk [tilespmem:v52+s1+$0x0], $0xffff  }
.Ltmp7:
0xee: {  	v11 =	vadd.f32 v40, v11;
	v26 =	vadd.f32 v43, v26;
	v36 =	vld.idx.msk [tilespmem:v55+s1+$0x0], $0xffff;
	(pc) =	sbr.rel @p1 .LBB2_5-.Ltmp7, $4  }
0xef: {  	v6 =	vadd.f32 v39, v6;
	v5 =	vadd.f32 v44, v5;
	v40 =	vld.idx.msk [tilespmem:v41+s1+$0x0], $0xffff  }
0xf0: {  	v41 =	vld.idx.msk [tilespmem:v45+s1+$0x0], $0xffff  }
0xf1: {  	v21 =	vadd.f32 v37, v21;
	v39 =	vld.idx.msk [tilespmem:v42+s1+$0x0], $0xffff;
	v42 =	vadd.s32 $0xB, v3  }
0xf2: {  	v35 =	vadd.f32 v59, v35;
	v43 =	vadd.s32 $0xC, v3;
	v27 =	vadd.f32 v46, v27;
	v37 =	vld.idx.msk [tilespmem:v51+s1+$0x0], $0xffff  }
0xf3: {  	_ =	sdelay $0x3  }
0xf4: {  	v29 =	vld.idx.msk [tilespmem:v29+s1+$0x0], $0xffff  }
0xf5: {  	v42 =	vld.idx.msk [tilespmem:v42+s1+$0x0], $0xffff  }
0xf6: {  	v4 =	vadd.s32 $0x1, v3;
	v43 =	vld.idx.msk [tilespmem:v43+s1+$0x0], $0xffff  }
0xf7: {  	v44 =	vadd.s32 $0x8, v3;
	v12 =	vld.idx.msk [tilespmem:v12+s1+$0x0], $0xffff  }
0xf8: {  	v45 =	vadd.s32 $0xA, v3;
	v20 =	vld.idx.msk [tilespmem:v20+s1+$0x0], $0xffff  }
0xf9: {  	v46 =	vadd.s32 $0x3, v3;
	v18 =	vld.idx.msk [tilespmem:v18+s1+$0x0], $0xffff  }
0xfa: {  	v3 =	vadd.s32 $0x9, v3;
	v50 =	vld.idx.msk [tilespmem:v15+s1+$0x0], $0xffff  }
0xfb: {  	v4 =	vld.idx.msk [tilespmem:v4+s1+$0x0], $0xffff  }
0xfc: {  	v44 =	vld.idx.msk [tilespmem:v44+s1+$0x0], $0xffff  }
0xfd: {  	v14 =	vadd.f32 v40, v14;
	v45 =	vld.idx.msk [tilespmem:v45+s1+$0x0], $0xffff  }
0xfe: {  	v46 =	vld.idx.msk [tilespmem:v46+s1+$0x0], $0xffff  }
0xff: {  	v52 =	vadd.f32 v19, v14;
	v3 =	vld.idx.msk [tilespmem:v3+s1+$0x0], $0xffff;
	[tilespmem:s19+$0x1B328] =	vst v13  }
0x100: {  	v55 =	vadd.f32 v22, v21;
	[tilespmem:s19+$0x1B428] =	vst v8  }
0x101: {  	v57 =	vadd.f32 v39, v27;
	[tilespmem:s19+$0x1B528] =	vst v52  }
0x102: {  	[tilespmem:s19+$0x1B628] =	vst v55  }
0x103: {  	v63 =	vadd.f32 v31, v30;
	[tilespmem:s19+$0x1B6A8] =	vst v57  }
0x104: {  	[tilespmem:s19+$0x1B9A8] =	vst v6  }
0x105: {  	[tilespmem:s19+$0x1BB28] =	vst v63  }
0x106: {  	[tilespmem:s19+$0x1BBA8] =	vst v5  }
0x107: {  	v51 =	vadd.f32 v41, v32;
	[tilespmem:s19+$0x1BD28] =	vst v0  }
0x108: {  	[tilespmem:s19+$0x1BDA8] =	vst v0  }
0x109: {  	v53 =	vadd.f32 v18, v51;
	[tilespmem:s19+$0x1BE28] =	vst v0  }
0x10a: {  	v56 =	vadd.f32 v36, v24;
	v60 =	vadd.f32 v42, v35;
	[tilespmem:s19+$0x1BEA8] =	vst v0  }
0x10b: {  	v7 =	vadd.f32 v7, v34;
	v61 =	vadd.f32 v43, v26;
	[tilespmem:s19+$0x1B5A8] =	vst v53  }
0x10c: {  	v12 =	vadd.f32 v12, v28;
	[tilespmem:s19+$0x1B8A8] =	vst v60;
	v3 =	vadd.f32 v3, v56  }
0x10d: {  	v58 =	vadd.f32 v33, v25;
	[tilespmem:s19+$0x1B928] =	vst v61;
	v4 =	vadd.f32 v4, v7  }
0x10e: {  	v12 =	vadd.f32 v46, v12;
	[tilespmem:s19+$0x1B7A8] =	vst v3;
	v3 =	vadd.f32 v37, v23  }
0x10f: {  	v62 =	vadd.f32 v29, v9;
	v59 =	vadd.f32 v45, v58;
	[tilespmem:s19+$0x1B3A8] =	vst v4  }
0x110: {  	v54 =	vadd.f32 v38, v16;
	s18 =	sadd.s32 $0x1, s18;
	[tilespmem:s19+$0x1B4A8] =	vst v12;
	v2 =	vadd.f32 v2, v3  }
0x111: {  	p1 =	sne.s32 s18, $0x8;
	[tilespmem:s19+$0x1B828] =	vst v59;
	v3 =	vadd.f32 v10, v62  }
.Ltmp8:
0x112: {  	v12 =	vadd.f32 v44, v54;
	[tilespmem:s19+$0x1BA28] =	vst v2;
	v2 =	vadd.f32 v20, v17;
	(pc) =	sbr.rel @p1 .LBB2_4-.Ltmp8, $4  }
0x113: {  	[tilespmem:s19+$0x1BAA8] =	vst v3;
	v3 =	vadd.f32 v50, v11  }
0x114: {  	[tilespmem:s19+$0x1B728] =	vst v12;
	v1 =	vadd.f32 v1, v2  }
0x115: {  	[tilespmem:s19+$0x1BC28] =	vst v3  }
0x116: {  	s17 =	sadd.s32 $0x10, s17;
	[tilespmem:s19+$0x1BCA8] =	vst v1  }
0x117: {  	s16 =	smul.u32 $0x180, s16  }
0x118: {  	s15 =	sadd.s32 $0x1, s15  }
0x119: {  	p1 =	seq.s32 s15, $0x8;
	s16 =	sadd.s32 s7, s16  }
0x11a: {  	[hbm4b:s16+s1] =	stream.linear.scatter [tilespmem:s12], [sflag:$0x1], $0xC00, $0x38;
	[tilespmem:$0x1BF28] =	vst v63  }
.Ltmp9:
0x11b: {  	_ = 	snop;
	(pc) =	sbr.rel @!p1 .LBB2_3-.Ltmp9, $4  }
.Ltmp10:
0x11c: {  	_ = 	snop;
	(pc) =	sbr.rel @p1 .LBB2_14-.Ltmp10, $4  }
0x11d: {  	_ =	swait.ge [sflag:s11], $0xC00  }
0x11e: {  	[sflag:s11] =	ssyncset.done $0x0  }
0x11f: {  	[sflag:s11] =	ssyncadd.s32 $0xFFFFF400  }
0x120: {  	_ = 	snop  }
.LBB2_15:
0x121: {  	_ =	sfence.sel $0x180000  }
0x122: {  	[bflag:$0x0] =	sbarrier.arrive $0xFFFF  }
0x123: {  	p0 =	sne.s32 s5, $0x0;
	_ =	strace $0x9000004A  }
0x124: {  	s0 =	sadd.s32 @!p0 $0x100000, s0;
	[bflag:$0x2] =	sbarrier.arrive $0xFFFF  }
0x125: {  	[sflag:s0] =	ssyncadd.tile.s32 @!p0 $0x1;
	_ =	shalt  }
.Lfunc_end2:
_tile_overlayer_lowered:
.L_overlay_start_2:
0x126: {  	(tag) =	ssettag $0x2  }
0x127: {  	s0 =	rddreg [dreg:$0x0];
	s2 =	stileid.u32  }
0x128: {  	s1 =	rddreg [dreg:$0x1];
	p0 =	sne.s32 s2, $0x0  }
0x129: {  	s3 =	rddreg [dreg:$0x2];
	[bflag:$0x3] =	sbarrier.arrive $0xFFFF;
	s2 =	simm.s32 @!p0 $0x1C01  }
0x12a: {  	[timem:s3], [sflag:s2] =	dma.local @!p0 [hbm:s0], s1  }
0x12b: {  	s0 =	simm.s32 @!p0 $0x1  }
0x12c: {  	_ =	swait.ge @!p0 [sflag:s0], s1  }
0x12d: {  	s1 =	ssub.s32 @!p0 $0x0, s1;
	[sflag:s0] =	ssyncset.done @!p0 $0x0  }
0x12e: {  	[sflag:s0] =	ssyncadd.s32 @!p0 s1  }
0x12f: {  	[bflag:$0x3] =	sbarrier.arrive $0xFFFF  }
0x130: {  	_ =	shalt  }

</sc_bundles>
